<compile_context>
chip_gen: v7x
topology: tpu7x:2x2x1
jax: 0.10.2.dev20260603
libtpu: 0.0.44.dev20260713+nightly
codegen_flags: <defaults>
</compile_context>

<pallas_src>
import functools

import jax
import jax.numpy as jnp
from jax import lax
from jax.experimental import pallas as pl
from jax.experimental.pallas import tpu as pltpu
from jax.experimental.pallas import tpu_sc as plsc

N = 10000
E = 320000
DH = 128
NC = 2
NS = 16
CHUNK = 128
NCHUNK = 157
EPAD = NS * NCHUNK * CHUNK
ACC_ROWS = 10240
ROWS_PER_TILE = ACC_ROWS // NS

_mesh = plsc.VectorSubcoreMesh(
    core_axis_name="c", subcore_axis_name="s", num_cores=NC, num_subcores=NS)

f32 = jnp.float32


def _fill_buf(buf, rows, cols, value):
    vec = jnp.full((16,), value, dtype=f32)

    def body(r, _):
        for k in range(cols // 16):
            buf[r, pl.ds(k * 16, 16)] = vec
        return 0

    lax.fori_loop(0, rows, body, 0)


def _deg_body(dst_hbm, p0_hbm, p1_hbm, dst_v, buf, acc_sh, sem):
    cid = lax.axis_index("c")
    sid = lax.axis_index("s")

    pltpu.sync_copy(dst_hbm.at[sid], dst_v)

    _fill_buf(buf, CHUNK, DH, 0.0)
    for k in range(ROWS_PER_TILE // CHUNK):
        pltpu.sync_copy(buf, acc_sh.at[pl.ds(sid * ROWS_PER_TILE + k * CHUNK, CHUNK)])
    plsc.subcore_barrier()

    _fill_buf(buf, CHUNK, DH, 1.0)
    lo = cid * PH0
    hi = PH0 + cid * (NCHUNK - PH0)

    def group(gi, _):
        base = lo + gi * 8
        for t in range(8):
            j = base + t

            @pl.when(j < hi)
            def _():
                pltpu.async_copy(buf, acc_sh.at[dst_v.at[j]], sem, add=True)

        for t in range(8):
            j = base + t

            @pl.when(j < hi)
            def _():
                pltpu.make_async_copy(buf, acc_sh.at[dst_v.at[j]], sem).wait()

        return 0

    lax.fori_loop(0, (PH0 + 7) // 8, group, 0)
    plsc.subcore_barrier()

    my_rows = pl.ds(sid * ROWS_PER_TILE, ROWS_PER_TILE)

    @pl.when(cid == 0)
    def _():
        pltpu.sync_copy(acc_sh.at[my_rows], p0_hbm.at[my_rows])

    @pl.when(cid == 1)
    def _():
        pltpu.sync_copy(acc_sh.at[my_rows], p1_hbm.at[my_rows])


_deg_kernel = functools.partial(
    pl.kernel,
    out_type=[jax.ShapeDtypeStruct((ACC_ROWS, DH), f32)] * 2,
    mesh=_mesh,
    scratch_types=[
        pltpu.VMEM((NCHUNK, CHUNK), jnp.int32),
        pltpu.VMEM((CHUNK, DH), f32),
        pltpu.VMEM_SHARED((ACC_ROWS, DH), f32),
        pltpu.SemaphoreType.DMA,
    ],
)(_deg_body)


PH0 = 80


def _agg_half(g_hbm, o_hbm, pk_v, sidx, didx, buf, acc_sh, sem, sid):
    def body(j, _):
        for k in range(CHUNK // 16):
            p = pk_v[j, pl.ds(k * 16, 16)]
            sidx[0, pl.ds(k * 16, 16)] = jnp.bitwise_and(p, 0x3FFF)
            didx[0, pl.ds(k * 16, 16)] = lax.shift_right_logical(p, 14)
        pltpu.async_copy(g_hbm.at[sidx.at[0]], buf, sem).wait()
        pltpu.sync_copy(buf, acc_sh.at[didx.at[0]], add=True)
        return 0

    lax.fori_loop(0, NCHUNK, body, 0)
    plsc.subcore_barrier()
    my_rows = pl.ds(sid * ROWS_PER_TILE, ROWS_PER_TILE)
    pltpu.sync_copy(acc_sh.at[my_rows], o_hbm.at[my_rows])


def _agg_body(g0_hbm, g1_hbm, pk_hbm, o0_hbm, o1_hbm,
              pk_v, sidx, didx, buf, acc_sh, sem):
    cid = lax.axis_index("c")
    sid = lax.axis_index("s")

    pltpu.sync_copy(pk_hbm.at[sid], pk_v)

    _fill_buf(buf, CHUNK, DH, 0.0)
    for k in range(ROWS_PER_TILE // CHUNK):
        pltpu.sync_copy(buf, acc_sh.at[pl.ds(sid * ROWS_PER_TILE + k * CHUNK, CHUNK)])
    plsc.subcore_barrier()

    @pl.when(cid == 0)
    def _():
        _agg_half(g0_hbm, o0_hbm, pk_v, sidx, didx, buf, acc_sh, sem, sid)

    @pl.when(cid == 1)
    def _():
        _agg_half(g1_hbm, o1_hbm, pk_v, sidx, didx, buf, acc_sh, sem, sid)


_agg_kernel = functools.partial(
    pl.kernel,
    out_type=[jax.ShapeDtypeStruct((ACC_ROWS, DH), f32)] * 2,
    mesh=_mesh,
    scratch_types=[
        pltpu.VMEM((NCHUNK, CHUNK), jnp.int32),
        pltpu.VMEM((1, CHUNK), jnp.int32),
        pltpu.VMEM((1, CHUNK), jnp.int32),
        pltpu.VMEM((CHUNK, DH), f32),
        pltpu.VMEM_SHARED((ACC_ROWS, DH), f32),
        pltpu.SemaphoreType.DMA,
    ],
)(_agg_body)


RB = 2000
NRB = N // RB


def _dis(p0_ref, p1_ref):
    deg = p0_ref[:, 0:1] + p1_ref[:, 0:1] + 1.0
    return lax.rsqrt(deg)


def _dot(a, b):
    return jnp.dot(a, b, precision=lax.Precision.HIGHEST,
                   preferred_element_type=f32)


def _tc_in_body(x_ref, w_ref, p0_ref, p1_ref, g0_ref, g1_ref):
    dis = _dis(p0_ref, p1_ref)
    z = _dot(x_ref[...], w_ref[...])
    g0_ref[...] = dis * z[:, 0:DH]
    g1_ref[...] = dis * z[:, DH:2 * DH]


def _tc_mid_body(s0_ref, s1_ref, g0_ref, g1_ref, p0_ref, p1_ref, b_ref, w_ref,
                 o0_ref, o1_ref):
    dis = _dis(p0_ref, p1_ref)
    h0 = jnp.maximum(dis * (s0_ref[...] + g0_ref[...]) + b_ref[0:1, 0:DH], 0.0)
    h1 = jnp.maximum(dis * (s1_ref[...] + g1_ref[...]) + b_ref[0:1, DH:2 * DH], 0.0)
    z = _dot(jnp.concatenate([h0, h1], axis=1), w_ref[...])
    o0_ref[...] = dis * z[:, 0:DH]
    o1_ref[...] = dis * z[:, DH:2 * DH]


def _tc_out_body(s0_ref, s1_ref, g0_ref, g1_ref, p0_ref, p1_ref, b_ref, w_ref,
                 bout_ref, o_ref):
    dis = _dis(p0_ref, p1_ref)
    h0 = dis * (s0_ref[...] + g0_ref[...]) + b_ref[0:1, 0:DH]
    h1 = dis * (s1_ref[...] + g1_ref[...]) + b_ref[0:1, DH:2 * DH]
    o_ref[...] = _dot(jnp.concatenate([h0, h1], axis=1), w_ref[...]) + bout_ref[0:1, :]


def _row_blk(cols):
    return pl.BlockSpec((RB, cols), lambda i: (i, 0))


def _full_blk(r, c):
    return pl.BlockSpec((r, c), lambda i: (0, 0))


_tc_in = pl.pallas_call(
    _tc_in_body,
    grid=(NRB,),
    in_specs=[_row_blk(DH), _full_blk(DH, 2 * DH), _row_blk(DH), _row_blk(DH)],
    out_specs=[_row_blk(DH), _row_blk(DH)],
    out_shape=[jax.ShapeDtypeStruct((N, DH), f32)] * 2,
)

_tc_mid = pl.pallas_call(
    _tc_mid_body,
    grid=(NRB,),
    in_specs=[_row_blk(DH), _row_blk(DH), _row_blk(DH), _row_blk(DH),
              _row_blk(DH), _row_blk(DH), _full_blk(1, 2 * DH),
              _full_blk(2 * DH, 2 * DH)],
    out_specs=[_row_blk(DH), _row_blk(DH)],
    out_shape=[jax.ShapeDtypeStruct((N, DH), f32)] * 2,
)

_tc_out = pl.pallas_call(
    _tc_out_body,
    grid=(NRB,),
    in_specs=[_row_blk(DH), _row_blk(DH), _row_blk(DH), _row_blk(DH),
              _row_blk(DH), _row_blk(DH), _full_blk(1, 2 * DH),
              _full_blk(2 * DH, 2 * DH), _full_blk(1, 2 * DH)],
    out_specs=pl.BlockSpec((RB, 2 * DH), lambda i: (i, 0)),
    out_shape=jax.ShapeDtypeStruct((N, 2 * DH), f32),
)


def kernel(x, edge_index, W1, b1, W2, b2, W3, b3, Wout, bout):
    src = edge_index[0].astype(jnp.int32)
    dst = edge_index[1].astype(jnp.int32)
    pad = EPAD - E
    src_p = jnp.concatenate([src, jnp.zeros((pad,), jnp.int32)])
    dst_p = jnp.concatenate([dst, jnp.full((pad,), N, jnp.int32)])
    dst_t = dst_p.reshape(NS, NCHUNK, CHUNK)
    pk_t = (jnp.left_shift(dst_p, 14) | src_p).reshape(NS, NCHUNK, CHUNK)

    p0, p1 = _deg_kernel(dst_t)

    b1r = b1.reshape(1, 2 * DH)
    b2r = b2.reshape(1, 2 * DH)
    b3r = b3.reshape(1, 2 * DH)
    boutr = bout.reshape(1, 2 * DH)

    g0, g1 = _tc_in(x, W1, p0, p1)
    s0, s1 = _agg_kernel(g0, g1, pk_t)
    g0, g1 = _tc_mid(s0, s1, g0, g1, p0, p1, b1r, W2)
    s0, s1 = _agg_kernel(g0, g1, pk_t)
    g0, g1 = _tc_mid(s0, s1, g0, g1, p0, p1, b2r, W3)
    s0, s1 = _agg_kernel(g0, g1, pk_t)
    return _tc_out(s0, s1, g0, g1, p0, p1, b3r, Wout, boutr)

# --- scband reference (transcript-rebuilt; emitter-appended) ---
"""Pipeline reference for scband-multi-omics-gnn-59768764891875 (READ-ONLY COPY).

The authoritative reference and input builder live on the scoring server;
editing this copy changes nothing except your own understanding.
"""

import jax, jax.numpy as jnp
import numpy as np

N_NODES = 10000

def _gcn_conv(x, src, dst, W, b, n):
    h = x @ W
    loop = jnp.arange(n, dtype=src.dtype)
    src2 = jnp.concatenate([src, loop])
    dst2 = jnp.concatenate([dst, loop])
    deg = jnp.zeros((n,), dtype=h.dtype).at[dst2].add(1.0)
    dis = jnp.where(deg > 0, deg ** -0.5, 0.0)
    norm = dis[src2] * dis[dst2]
    msg = h[src2] * norm[:, None]
    out = jnp.zeros((n, W.shape[1]), dtype=h.dtype).at[dst2].add(msg)
    return out + b

def setup_inputs(seed: int = 0) -> dict:
    key = jax.random.key(seed)
    ks = jax.random.split(key, 12)
    x = jax.random.normal(ks[0], (N_NODES, 128), dtype=jnp.float32)
    edge_index = jax.random.randint(ks[1], (2, 320000), 0, N_NODES, dtype=jnp.int64)
    def glorot(k, fan_in, fan_out):
        s = (6.0 / (fan_in + fan_out)) ** 0.5
        return jax.random.uniform(k, (fan_in, fan_out), dtype=jnp.float32, minval=-s, maxval=s)
    W1 = glorot(ks[2], 128, 256); b1 = jnp.zeros((256,), jnp.float32)
    W2 = glorot(ks[3], 256, 256); b2 = jnp.zeros((256,), jnp.float32)
    W3 = glorot(ks[4], 256, 256); b3 = jnp.zeros((256,), jnp.float32)
    Wout = glorot(ks[5], 256, 256); bout = jnp.zeros((256,), jnp.float32)
    return {"x": x, "edge_index": edge_index, "W1": W1, "b1": b1, "W2": W2, "b2": b2, "W3": W3, "b3": b3, "Wout": Wout, "bout": bout}

def reference(x, edge_index, W1, b1, W2, b2, W3, b3, Wout, bout):
    n = x.shape[0]
    src, dst = edge_index[0], edge_index[1]
    h = _gcn_conv(x, src, dst, W1, b1, n)
    h = jax.nn.relu(h)
    h = _gcn_conv(h, src, dst, W2, b2, n)
    h = jax.nn.relu(h)
    h = _gcn_conv(h, src, dst, W3, b3, n)
    out = h @ Wout + bout
    return out

if __name__ == "__main__":
    import jax
    _d = setup_inputs()
    print(jax.jit(kernel)(*tuple(_d.values())))

</pallas_src>

<mosaic_0001>
#map = affine_map<(d0, d1) -> (0, 0)>
#map1 = affine_map<(d0, d1) -> (0, 0, 0)>
module attributes {stable_mosaic.version = 14 : i64} {
  func.func @_agg_body(%arg0: i32, %arg1: i32, %arg2: memref<10000x128xf32, #tpu.memory_space<hbm>>, %arg3: memref<10000x128xf32, #tpu.memory_space<hbm>>, %arg4: memref<16x157x128xi32, #tpu.memory_space<hbm>>, %arg5: memref<10240x128xf32, #tpu.memory_space<hbm>>, %arg6: memref<10240x128xf32, #tpu.memory_space<hbm>>, %arg7: memref<157x128xi32, #tpu.memory_space<vmem>>, %arg8: memref<1x128xi32, #tpu.memory_space<vmem>>, %arg9: memref<1x128xi32, #tpu.memory_space<vmem>>, %arg10: memref<128x128xf32, #tpu.memory_space<vmem>>, %arg11: memref<10240x128xf32, #tpu.memory_space<vmem_shared>>, %arg12: memref<!tpu.dma_semaphore, #tpu.memory_space<semaphore_mem>>) attributes {dimension_semantics = [#tpu.dimension_semantics<core_parallel>, #tpu.dimension_semantics<subcore_parallel>], iteration_bounds = array<i64: 2, 16>, scalar_prefetch = 0 : i64, scratch_operands = 6 : i64, tpu.core_type = #tpu.core_type<sc_vector_subcore>, window_params = [{transform_indices = #map}, {transform_indices = #map}, {transform_indices = #map1}, {transform_indices = #map}, {transform_indices = #map}]} {
    "tpu.region"() ({
      %run_scoped3A = tpu.sem_alloc : memref<!tpu.dma_semaphore, #tpu.memory_space<semaphore_mem>>
      %dma_start3A = arith.constant 0 : i32
      %dma_start3A_32 = arith.constant 0 : i32
      %dma_start3A_33 = tpu.memref_slice %arg4[%arg1, %dma_start3A, %dma_start3A_32] : memref<16x157x128xi32, #tpu.memory_space<hbm>> -> memref<1x157x128xi32, #tpu.memory_space<hbm>>
      %dma_start3A_34 = tpu.memref_squeeze %dma_start3A_33 : memref<1x157x128xi32, #tpu.memory_space<hbm>> -> memref<157x128xi32, #tpu.memory_space<hbm>>
      %dma_start3A_35 = arith.constant 0 : i32
      %dma_start3A_36 = arith.constant 0 : i32
      %dma_start3A_37 = tpu.memref_slice %arg4[%arg1, %dma_start3A_35, %dma_start3A_36] : memref<16x157x128xi32, #tpu.memory_space<hbm>> -> memref<1x157x128xi32, #tpu.memory_space<hbm>>
      %dma_start3A_38 = tpu.memref_squeeze %dma_start3A_37 : memref<1x157x128xi32, #tpu.memory_space<hbm>> -> memref<157x128xi32, #tpu.memory_space<hbm>>
      tpu.enqueue_dma source(%dma_start3A_38 : memref<157x128xi32, #tpu.memory_space<hbm>>) target(%arg7 : memref<157x128xi32, #tpu.memory_space<vmem>>) target_semaphore(%run_scoped3A : memref<!tpu.dma_semaphore, #tpu.memory_space<semaphore_mem>>)
      %dma_wait3A = arith.constant 0 : i32
      %dma_wait3A_39 = arith.constant 0 : i32
      %dma_wait3A_40 = tpu.memref_slice %arg4[%arg1, %dma_wait3A, %dma_wait3A_39] : memref<16x157x128xi32, #tpu.memory_space<hbm>> -> memref<1x157x128xi32, #tpu.memory_space<hbm>>
      %dma_wait3A_41 = tpu.memref_squeeze %dma_wait3A_40 : memref<1x157x128xi32, #tpu.memory_space<hbm>> -> memref<157x128xi32, #tpu.memory_space<hbm>>
      %dma_wait3A_42 = arith.constant 0 : i32
      %dma_wait3A_43 = arith.constant 0 : i32
      %dma_wait3A_44 = tpu.memref_slice %arg4[%arg1, %dma_wait3A_42, %dma_wait3A_43] : memref<16x157x128xi32, #tpu.memory_space<hbm>> -> memref<1x157x128xi32, #tpu.memory_space<hbm>>
      %dma_wait3A_45 = tpu.memref_squeeze %dma_wait3A_44 : memref<1x157x128xi32, #tpu.memory_space<hbm>> -> memref<157x128xi32, #tpu.memory_space<hbm>>
      tpu.wait_dma2 semaphore(%run_scoped3A : memref<!tpu.dma_semaphore, #tpu.memory_space<semaphore_mem>>) src(%dma_wait3A_45 : memref<157x128xi32, #tpu.memory_space<hbm>>) dst(%arg7 : memref<157x128xi32, #tpu.memory_space<vmem>>)
      tpu.yield
    }) : () -> ()
    %broadcast_in_dim3A = arith.constant 0.000000e+00 : f32
    %broadcast_in_dim3A_0 = vector.broadcast %broadcast_in_dim3A : f32 to vector<16xf32>
    %scan3A = arith.constant 0 : i32
    %scan3A_1 = arith.constant 0 : i32
    %scan3A_2 = arith.constant 128 : i32
    %scan3A_3 = arith.addi %scan3A_1, %scan3A_2 : i32
    %scan3A_4 = arith.constant 1 : i32
    %scan3A_5 = scf.for %scan3A_32 = %scan3A_1 to %scan3A_3 step %scan3A_4 iter_args(%scan3A_33 = %scan3A) -> (i32)  : i32 {
      %swap3A = arith.index_cast %scan3A_32 : i32 to index
      %swap3A_34 = arith.constant 0 : index
      %swap3A_35 = tpu.vector_load %arg10[%swap3A, %swap3A_34] {strides = array<i32>} : memref<128x128xf32, #tpu.memory_space<vmem>>, vector<1x16xf32>,
      %swap3A_36 = vector.shape_cast %swap3A_35 : vector<1x16xf32> to vector<16xf32>
      %swap3A_37 = vector.shape_cast %broadcast_in_dim3A_0 : vector<16xf32> to vector<1x16xf32>
      tpu.vector_store %arg10[%swap3A, %swap3A_34], %swap3A_37 {strides = array<i32>} : memref<128x128xf32, #tpu.memory_space<vmem>>, vector<1x16xf32>,
      %swap3A_38 = arith.index_cast %scan3A_32 : i32 to index
      %swap3A_39 = arith.constant 16 : index
      %swap3A_40 = tpu.vector_load %arg10[%swap3A_38, %swap3A_39] {strides = array<i32>} : memref<128x128xf32, #tpu.memory_space<vmem>>, vector<1x16xf32>,
      %swap3A_41 = vector.shape_cast %swap3A_40 : vector<1x16xf32> to vector<16xf32>
      %swap3A_42 = vector.shape_cast %broadcast_in_dim3A_0 : vector<16xf32> to vector<1x16xf32>
      tpu.vector_store %arg10[%swap3A_38, %swap3A_39], %swap3A_42 {strides = array<i32>} : memref<128x128xf32, #tpu.memory_space<vmem>>, vector<1x16xf32>,
      %swap3A_43 = arith.index_cast %scan3A_32 : i32 to index
      %swap3A_44 = arith.constant 32 : index
      %swap3A_45 = tpu.vector_load %arg10[%swap3A_43, %swap3A_44] {strides = array<i32>} : memref<128x128xf32, #tpu.memory_space<vmem>>, vector<1x16xf32>,
      %swap3A_46 = vector.shape_cast %swap3A_45 : vector<1x16xf32> to vector<16xf32>
      %swap3A_47 = vector.shape_cast %broadcast_in_dim3A_0 : vector<16xf32> to vector<1x16xf32>
      tpu.vector_store %arg10[%swap3A_43, %swap3A_44], %swap3A_47 {strides = array<i32>} : memref<128x128xf32, #tpu.memory_space<vmem>>, vector<1x16xf32>,
      %swap3A_48 = arith.index_cast %scan3A_32 : i32 to index
      %swap3A_49 = arith.constant 48 : index
      %swap3A_50 = tpu.vector_load %arg10[%swap3A_48, %swap3A_49] {strides = array<i32>} : memref<128x128xf32, #tpu.memory_space<vmem>>, vector<1x16xf32>,
      %swap3A_51 = vector.shape_cast %swap3A_50 : vector<1x16xf32> to vector<16xf32>
      %swap3A_52 = vector.shape_cast %broadcast_in_dim3A_0 : vector<16xf32> to vector<1x16xf32>
      tpu.vector_store %arg10[%swap3A_48, %swap3A_49], %swap3A_52 {strides = array<i32>} : memref<128x128xf32, #tpu.memory_space<vmem>>, vector<1x16xf32>,
      %swap3A_53 = arith.index_cast %scan3A_32 : i32 to index
      %swap3A_54 = arith.constant 64 : index
      %swap3A_55 = tpu.vector_load %arg10[%swap3A_53, %swap3A_54] {strides = array<i32>} : memref<128x128xf32, #tpu.memory_space<vmem>>, vector<1x16xf32>,
      %swap3A_56 = vector.shape_cast %swap3A_55 : vector<1x16xf32> to vector<16xf32>
      %swap3A_57 = vector.shape_cast %broadcast_in_dim3A_0 : vector<16xf32> to vector<1x16xf32>
      tpu.vector_store %arg10[%swap3A_53, %swap3A_54], %swap3A_57 {strides = array<i32>} : memref<128x128xf32, #tpu.memory_space<vmem>>, vector<1x16xf32>,
      %swap3A_58 = arith.index_cast %scan3A_32 : i32 to index
      %swap3A_59 = arith.constant 80 : index
      %swap3A_60 = tpu.vector_load %arg10[%swap3A_58, %swap3A_59] {strides = array<i32>} : memref<128x128xf32, #tpu.memory_space<vmem>>, vector<1x16xf32>,
      %swap3A_61 = vector.shape_cast %swap3A_60 : vector<1x16xf32> to vector<16xf32>
      %swap3A_62 = vector.shape_cast %broadcast_in_dim3A_0 : vector<16xf32> to vector<1x16xf32>
      tpu.vector_store %arg10[%swap3A_58, %swap3A_59], %swap3A_62 {strides = array<i32>} : memref<128x128xf32, #tpu.memory_space<vmem>>, vector<1x16xf32>,
      %swap3A_63 = arith.index_cast %scan3A_32 : i32 to index
      %swap3A_64 = arith.constant 96 : index
      %swap3A_65 = tpu.vector_load %arg10[%swap3A_63, %swap3A_64] {strides = array<i32>} : memref<128x128xf32, #tpu.memory_space<vmem>>, vector<1x16xf32>,
      %swap3A_66 = vector.shape_cast %swap3A_65 : vector<1x16xf32> to vector<16xf32>
      %swap3A_67 = vector.shape_cast %broadcast_in_dim3A_0 : vector<16xf32> to vector<1x16xf32>
      tpu.vector_store %arg10[%swap3A_63, %swap3A_64], %swap3A_67 {strides = array<i32>} : memref<128x128xf32, #tpu.memory_space<vmem>>, vector<1x16xf32>,
      %swap3A_68 = arith.index_cast %scan3A_32 : i32 to index
      %swap3A_69 = arith.constant 112 : index
      %swap3A_70 = tpu.vector_load %arg10[%swap3A_68, %swap3A_69] {strides = array<i32>} : memref<128x128xf32, #tpu.memory_space<vmem>>, vector<1x16xf32>,
      %swap3A_71 = vector.shape_cast %swap3A_70 : vector<1x16xf32> to vector<16xf32>
      %swap3A_72 = vector.shape_cast %broadcast_in_dim3A_0 : vector<16xf32> to vector<1x16xf32>
      tpu.vector_store %arg10[%swap3A_68, %swap3A_69], %swap3A_72 {strides = array<i32>} : memref<128x128xf32, #tpu.memory_space<vmem>>, vector<1x16xf32>,
      %scan3A_73 = arith.constant 0 : i32
      scf.yield %scan3A_73 : i32
    }
    %scan3A_6 = arith.constant 128 : i32
    %mul3A = arith.constant 640 : i32
    %mul3A_7 = arith.muli %arg1, %mul3A : i32
    %add3A = arith.constant 0 : i32
    %add3A_8 = arith.addi %mul3A_7, %add3A : i32
    "tpu.region"() ({
      %run_scoped3A = tpu.sem_alloc : memref<!tpu.dma_semaphore, #tpu.memory_space<semaphore_mem>>
      %dma_start3A = arith.constant 0 : i32
      %dma_start3A_32 = tpu.memref_slice %arg11[%add3A_8, %dma_start3A] : memref<10240x128xf32, #tpu.memory_space<vmem_shared>> -> memref<128x128xf32, #tpu.memory_space<vmem_shared>>
      %dma_start3A_33 = arith.constant 0 : i32
      %dma_start3A_34 = tpu.memref_slice %arg11[%add3A_8, %dma_start3A_33] : memref<10240x128xf32, #tpu.memory_space<vmem_shared>> -> memref<128x128xf32, #tpu.memory_space<vmem_shared>>
      tpu.enqueue_dma source(%arg10 : memref<128x128xf32, #tpu.memory_space<vmem>>) target(%dma_start3A_34 : memref<128x128xf32, #tpu.memory_space<vmem_shared>>) target_semaphore(%run_scoped3A : memref<!tpu.dma_semaphore, #tpu.memory_space<semaphore_mem>>)
      %dma_wait3A = arith.constant 0 : i32
      %dma_wait3A_35 = tpu.memref_slice %arg11[%add3A_8, %dma_wait3A] : memref<10240x128xf32, #tpu.memory_space<vmem_shared>> -> memref<128x128xf32, #tpu.memory_space<vmem_shared>>
      %dma_wait3A_36 = arith.constant 0 : i32
      %dma_wait3A_37 = tpu.memref_slice %arg11[%add3A_8, %dma_wait3A_36] : memref<10240x128xf32, #tpu.memory_space<vmem_shared>> -> memref<128x128xf32, #tpu.memory_space<vmem_shared>>
      tpu.wait_dma2 semaphore(%run_scoped3A : memref<!tpu.dma_semaphore, #tpu.memory_space<semaphore_mem>>) src(%arg10 : memref<128x128xf32, #tpu.memory_space<vmem>>) dst(%dma_wait3A_37 : memref<128x128xf32, #tpu.memory_space<vmem_shared>>)
      tpu.yield
    }) : () -> ()
    %mul3A_9 = arith.constant 640 : i32
    %mul3A_10 = arith.muli %arg1, %mul3A_9 : i32
    %add3A_11 = arith.constant 128 : i32
    %add3A_12 = arith.addi %mul3A_10, %add3A_11 : i32
    "tpu.region"() ({
      %run_scoped3A = tpu.sem_alloc : memref<!tpu.dma_semaphore, #tpu.memory_space<semaphore_mem>>
      %dma_start3A = arith.constant 0 : i32
      %dma_start3A_32 = tpu.memref_slice %arg11[%add3A_12, %dma_start3A] : memref<10240x128xf32, #tpu.memory_space<vmem_shared>> -> memref<128x128xf32, #tpu.memory_space<vmem_shared>>
      %dma_start3A_33 = arith.constant 0 : i32
      %dma_start3A_34 = tpu.memref_slice %arg11[%add3A_12, %dma_start3A_33] : memref<10240x128xf32, #tpu.memory_space<vmem_shared>> -> memref<128x128xf32, #tpu.memory_space<vmem_shared>>
      tpu.enqueue_dma source(%arg10 : memref<128x128xf32, #tpu.memory_space<vmem>>) target(%dma_start3A_34 : memref<128x128xf32, #tpu.memory_space<vmem_shared>>) target_semaphore(%run_scoped3A : memref<!tpu.dma_semaphore, #tpu.memory_space<semaphore_mem>>)
      %dma_wait3A = arith.constant 0 : i32
      %dma_wait3A_35 = tpu.memref_slice %arg11[%add3A_12, %dma_wait3A] : memref<10240x128xf32, #tpu.memory_space<vmem_shared>> -> memref<128x128xf32, #tpu.memory_space<vmem_shared>>
      %dma_wait3A_36 = arith.constant 0 : i32
      %dma_wait3A_37 = tpu.memref_slice %arg11[%add3A_12, %dma_wait3A_36] : memref<10240x128xf32, #tpu.memory_space<vmem_shared>> -> memref<128x128xf32, #tpu.memory_space<vmem_shared>>
      tpu.wait_dma2 semaphore(%run_scoped3A : memref<!tpu.dma_semaphore, #tpu.memory_space<semaphore_mem>>) src(%arg10 : memref<128x128xf32, #tpu.memory_space<vmem>>) dst(%dma_wait3A_37 : memref<128x128xf32, #tpu.memory_space<vmem_shared>>)
      tpu.yield
    }) : () -> ()
    %mul3A_13 = arith.constant 640 : i32
    %mul3A_14 = arith.muli %arg1, %mul3A_13 : i32
    %add3A_15 = arith.constant 256 : i32
    %add3A_16 = arith.addi %mul3A_14, %add3A_15 : i32
    "tpu.region"() ({
      %run_scoped3A = tpu.sem_alloc : memref<!tpu.dma_semaphore, #tpu.memory_space<semaphore_mem>>
      %dma_start3A = arith.constant 0 : i32
      %dma_start3A_32 = tpu.memref_slice %arg11[%add3A_16, %dma_start3A] : memref<10240x128xf32, #tpu.memory_space<vmem_shared>> -> memref<128x128xf32, #tpu.memory_space<vmem_shared>>
      %dma_start3A_33 = arith.constant 0 : i32
      %dma_start3A_34 = tpu.memref_slice %arg11[%add3A_16, %dma_start3A_33] : memref<10240x128xf32, #tpu.memory_space<vmem_shared>> -> memref<128x128xf32, #tpu.memory_space<vmem_shared>>
      tpu.enqueue_dma source(%arg10 : memref<128x128xf32, #tpu.memory_space<vmem>>) target(%dma_start3A_34 : memref<128x128xf32, #tpu.memory_space<vmem_shared>>) target_semaphore(%run_scoped3A : memref<!tpu.dma_semaphore, #tpu.memory_space<semaphore_mem>>)
      %dma_wait3A = arith.constant 0 : i32
      %dma_wait3A_35 = tpu.memref_slice %arg11[%add3A_16, %dma_wait3A] : memref<10240x128xf32, #tpu.memory_space<vmem_shared>> -> memref<128x128xf32, #tpu.memory_space<vmem_shared>>
      %dma_wait3A_36 = arith.constant 0 : i32
      %dma_wait3A_37 = tpu.memref_slice %arg11[%add3A_16, %dma_wait3A_36] : memref<10240x128xf32, #tpu.memory_space<vmem_shared>> -> memref<128x128xf32, #tpu.memory_space<vmem_shared>>
      tpu.wait_dma2 semaphore(%run_scoped3A : memref<!tpu.dma_semaphore, #tpu.memory_space<semaphore_mem>>) src(%arg10 : memref<128x128xf32, #tpu.memory_space<vmem>>) dst(%dma_wait3A_37 : memref<128x128xf32, #tpu.memory_space<vmem_shared>>)
      tpu.yield
    }) : () -> ()
    %mul3A_17 = arith.constant 640 : i32
    %mul3A_18 = arith.muli %arg1, %mul3A_17 : i32
    %add3A_19 = arith.constant 384 : i32
    %add3A_20 = arith.addi %mul3A_18, %add3A_19 : i32
    "tpu.region"() ({
      %run_scoped3A = tpu.sem_alloc : memref<!tpu.dma_semaphore, #tpu.memory_space<semaphore_mem>>
      %dma_start3A = arith.constant 0 : i32
      %dma_start3A_32 = tpu.memref_slice %arg11[%add3A_20, %dma_start3A] : memref<10240x128xf32, #tpu.memory_space<vmem_shared>> -> memref<128x128xf32, #tpu.memory_space<vmem_shared>>
      %dma_start3A_33 = arith.constant 0 : i32
      %dma_start3A_34 = tpu.memref_slice %arg11[%add3A_20, %dma_start3A_33] : memref<10240x128xf32, #tpu.memory_space<vmem_shared>> -> memref<128x128xf32, #tpu.memory_space<vmem_shared>>
      tpu.enqueue_dma source(%arg10 : memref<128x128xf32, #tpu.memory_space<vmem>>) target(%dma_start3A_34 : memref<128x128xf32, #tpu.memory_space<vmem_shared>>) target_semaphore(%run_scoped3A : memref<!tpu.dma_semaphore, #tpu.memory_space<semaphore_mem>>)
      %dma_wait3A = arith.constant 0 : i32
      %dma_wait3A_35 = tpu.memref_slice %arg11[%add3A_20, %dma_wait3A] : memref<10240x128xf32, #tpu.memory_space<vmem_shared>> -> memref<128x128xf32, #tpu.memory_space<vmem_shared>>
      %dma_wait3A_36 = arith.constant 0 : i32
      %dma_wait3A_37 = tpu.memref_slice %arg11[%add3A_20, %dma_wait3A_36] : memref<10240x128xf32, #tpu.memory_space<vmem_shared>> -> memref<128x128xf32, #tpu.memory_space<vmem_shared>>
      tpu.wait_dma2 semaphore(%run_scoped3A : memref<!tpu.dma_semaphore, #tpu.memory_space<semaphore_mem>>) src(%arg10 : memref<128x128xf32, #tpu.memory_space<vmem>>) dst(%dma_wait3A_37 : memref<128x128xf32, #tpu.memory_space<vmem_shared>>)
      tpu.yield
    }) : () -> ()
    %mul3A_21 = arith.constant 640 : i32
    %mul3A_22 = arith.muli %arg1, %mul3A_21 : i32
    %add3A_23 = arith.constant 512 : i32
    %add3A_24 = arith.addi %mul3A_22, %add3A_23 : i32
    "tpu.region"() ({
      %run_scoped3A = tpu.sem_alloc : memref<!tpu.dma_semaphore, #tpu.memory_space<semaphore_mem>>
      %dma_start3A = arith.constant 0 : i32
      %dma_start3A_32 = tpu.memref_slice %arg11[%add3A_24, %dma_start3A] : memref<10240x128xf32, #tpu.memory_space<vmem_shared>> -> memref<128x128xf32, #tpu.memory_space<vmem_shared>>
      %dma_start3A_33 = arith.constant 0 : i32
      %dma_start3A_34 = tpu.memref_slice %arg11[%add3A_24, %dma_start3A_33] : memref<10240x128xf32, #tpu.memory_space<vmem_shared>> -> memref<128x128xf32, #tpu.memory_space<vmem_shared>>
      tpu.enqueue_dma source(%arg10 : memref<128x128xf32, #tpu.memory_space<vmem>>) target(%dma_start3A_34 : memref<128x128xf32, #tpu.memory_space<vmem_shared>>) target_semaphore(%run_scoped3A : memref<!tpu.dma_semaphore, #tpu.memory_space<semaphore_mem>>)
      %dma_wait3A = arith.constant 0 : i32
      %dma_wait3A_35 = tpu.memref_slice %arg11[%add3A_24, %dma_wait3A] : memref<10240x128xf32, #tpu.memory_space<vmem_shared>> -> memref<128x128xf32, #tpu.memory_space<vmem_shared>>
      %dma_wait3A_36 = arith.constant 0 : i32
      %dma_wait3A_37 = tpu.memref_slice %arg11[%add3A_24, %dma_wait3A_36] : memref<10240x128xf32, #tpu.memory_space<vmem_shared>> -> memref<128x128xf32, #tpu.memory_space<vmem_shared>>
      tpu.wait_dma2 semaphore(%run_scoped3A : memref<!tpu.dma_semaphore, #tpu.memory_space<semaphore_mem>>) src(%arg10 : memref<128x128xf32, #tpu.memory_space<vmem>>) dst(%dma_wait3A_37 : memref<128x128xf32, #tpu.memory_space<vmem_shared>>)
      tpu.yield
    }) : () -> ()
    %barrier3A = arith.constant 0 : index
    tpu.barrier barrier_id(%barrier3A)
    %eq3A = arith.constant 0 : i32
    %eq3A_25 = arith.cmpi eq, %arg0, %eq3A : i32
    %convert_element_type3A = arith.extui %eq3A_25 : i1 to i32
    %cond3A = arith.constant 0 : i32
    %cond3A_26 = arith.cmpi ne, %convert_element_type3A, %cond3A : i32
    scf.if %cond3A_26 {
      %scan3A_32 = arith.constant 0 : i32
      %scan3A_33 = arith.constant 0 : i32
      %scan3A_34 = arith.constant 157 : i32
      %scan3A_35 = arith.addi %scan3A_33, %scan3A_34 : i32
      %scan3A_36 = arith.constant 1 : i32
      %scan3A_37 = scf.for %scan3A_42 = %scan3A_33 to %scan3A_35 step %scan3A_36 iter_args(%scan3A_43 = %scan3A_32) -> (i32)  : i32 {
        %get3A = arith.index_cast %scan3A_42 : i32 to index
        %get3A_44 = arith.constant 0 : index
        %get3A_45 = tpu.vector_load %arg7[%get3A, %get3A_44] {strides = array<i32>} : memref<157x128xi32, #tpu.memory_space<vmem>>, vector<1x16xi32>,
        %get3A_46 = vector.shape_cast %get3A_45 : vector<1x16xi32> to vector<16xi32>
        %and3A = arith.constant 16383 : i32
        %and3A_47 = vector.broadcast %and3A : i32 to vector<16xi32>
        %and3A_48 = arith.andi %get3A_46, %and3A_47 : vector<16xi32>
        %swap3A = arith.constant 0 : i32
        %swap3A_49 = arith.index_cast %swap3A : i32 to index
        %swap3A_50 = arith.constant 0 : index
        %swap3A_51 = tpu.vector_load %arg8[%swap3A_49, %swap3A_50] {strides = array<i32>} : memref<1x128xi32, #tpu.memory_space<vmem>>, vector<1x16xi32>,
        %swap3A_52 = vector.shape_cast %swap3A_51 : vector<1x16xi32> to vector<16xi32>
        %swap3A_53 = vector.shape_cast %and3A_48 : vector<16xi32> to vector<1x16xi32>
        tpu.vector_store %arg8[%swap3A_49, %swap3A_50], %swap3A_53 {strides = array<i32>} : memref<1x128xi32, #tpu.memory_space<vmem>>, vector<1x16xi32>,
        %shift_right_logical3A = arith.constant 14 : i32
        %shift_right_logical3A_54 = vector.broadcast %shift_right_logical3A : i32 to vector<16xi32>
        %shift_right_logical3A_55 = arith.shrui %get3A_46, %shift_right_logical3A_54 : vector<16xi32>
        %swap3A_56 = arith.constant 0 : i32
        %swap3A_57 = arith.index_cast %swap3A_56 : i32 to index
        %swap3A_58 = arith.constant 0 : index
        %swap3A_59 = tpu.vector_load %arg9[%swap3A_57, %swap3A_58] {strides = array<i32>} : memref<1x128xi32, #tpu.memory_space<vmem>>, vector<1x16xi32>,
        %swap3A_60 = vector.shape_cast %swap3A_59 : vector<1x16xi32> to vector<16xi32>
        %swap3A_61 = vector.shape_cast %shift_right_logical3A_55 : vector<16xi32> to vector<1x16xi32>
        tpu.vector_store %arg9[%swap3A_57, %swap3A_58], %swap3A_61 {strides = array<i32>} : memref<1x128xi32, #tpu.memory_space<vmem>>, vector<1x16xi32>,
        %get3A_62 = arith.index_cast %scan3A_42 : i32 to index
        %get3A_63 = arith.constant 16 : index
        %get3A_64 = tpu.vector_load %arg7[%get3A_62, %get3A_63] {strides = array<i32>} : memref<157x128xi32, #tpu.memory_space<vmem>>, vector<1x16xi32>,
        %get3A_65 = vector.shape_cast %get3A_64 : vector<1x16xi32> to vector<16xi32>
        %and3A_66 = arith.constant 16383 : i32
        %and3A_67 = vector.broadcast %and3A_66 : i32 to vector<16xi32>
        %and3A_68 = arith.andi %get3A_65, %and3A_67 : vector<16xi32>
        %swap3A_69 = arith.constant 0 : i32
        %swap3A_70 = arith.index_cast %swap3A_69 : i32 to index
        %swap3A_71 = arith.constant 16 : index
        %swap3A_72 = tpu.vector_load %arg8[%swap3A_70, %swap3A_71] {strides = array<i32>} : memref<1x128xi32, #tpu.memory_space<vmem>>, vector<1x16xi32>,
        %swap3A_73 = vector.shape_cast %swap3A_72 : vector<1x16xi32> to vector<16xi32>
        %swap3A_74 = vector.shape_cast %and3A_68 : vector<16xi32> to vector<1x16xi32>
        tpu.vector_store %arg8[%swap3A_70, %swap3A_71], %swap3A_74 {strides = array<i32>} : memref<1x128xi32, #tpu.memory_space<vmem>>, vector<1x16xi32>,
        %shift_right_logical3A_75 = arith.constant 14 : i32
        %shift_right_logical3A_76 = vector.broadcast %shift_right_logical3A_75 : i32 to vector<16xi32>
        %shift_right_logical3A_77 = arith.shrui %get3A_65, %shift_right_logical3A_76 : vector<16xi32>
        %swap3A_78 = arith.constant 0 : i32
        %swap3A_79 = arith.index_cast %swap3A_78 : i32 to index
        %swap3A_80 = arith.constant 16 : index
        %swap3A_81 = tpu.vector_load %arg9[%swap3A_79, %swap3A_80] {strides = array<i32>} : memref<1x128xi32, #tpu.memory_space<vmem>>, vector<1x16xi32>,
        %swap3A_82 = vector.shape_cast %swap3A_81 : vector<1x16xi32> to vector<16xi32>
        %swap3A_83 = vector.shape_cast %shift_right_logical3A_77 : vector<16xi32> to vector<1x16xi32>
        tpu.vector_store %arg9[%swap3A_79, %swap3A_80], %swap3A_83 {strides = array<i32>} : memref<1x128xi32, #tpu.memory_space<vmem>>, vector<1x16xi32>,
        %get3A_84 = arith.index_cast %scan3A_42 : i32 to index
        %get3A_85 = arith.constant 32 : index
        %get3A_86 = tpu.vector_load %arg7[%get3A_84, %get3A_85] {strides = array<i32>} : memref<157x128xi32, #tpu.memory_space<vmem>>, vector<1x16xi32>,
        %get3A_87 = vector.shape_cast %get3A_86 : vector<1x16xi32> to vector<16xi32>
        %and3A_88 = arith.constant 16383 : i32
        %and3A_89 = vector.broadcast %and3A_88 : i32 to vector<16xi32>
        %and3A_90 = arith.andi %get3A_87, %and3A_89 : vector<16xi32>
        %swap3A_91 = arith.constant 0 : i32
        %swap3A_92 = arith.index_cast %swap3A_91 : i32 to index
        %swap3A_93 = arith.constant 32 : index
        %swap3A_94 = tpu.vector_load %arg8[%swap3A_92, %swap3A_93] {strides = array<i32>} : memref<1x128xi32, #tpu.memory_space<vmem>>, vector<1x16xi32>,
        %swap3A_95 = vector.shape_cast %swap3A_94 : vector<1x16xi32> to vector<16xi32>
        %swap3A_96 = vector.shape_cast %and3A_90 : vector<16xi32> to vector<1x16xi32>
        tpu.vector_store %arg8[%swap3A_92, %swap3A_93], %swap3A_96 {strides = array<i32>} : memref<1x128xi32, #tpu.memory_space<vmem>>, vector<1x16xi32>,
        %shift_right_logical3A_97 = arith.constant 14 : i32
        %shift_right_logical3A_98 = vector.broadcast %shift_right_logical3A_97 : i32 to vector<16xi32>
        %shift_right_logical3A_99 = arith.shrui %get3A_87, %shift_right_logical3A_98 : vector<16xi32>
        %swap3A_100 = arith.constant 0 : i32
        %swap3A_101 = arith.index_cast %swap3A_100 : i32 to index
        %swap3A_102 = arith.constant 32 : index
        %swap3A_103 = tpu.vector_load %arg9[%swap3A_101, %swap3A_102] {strides = array<i32>} : memref<1x128xi32, #tpu.memory_space<vmem>>, vector<1x16xi32>,
        %swap3A_104 = vector.shape_cast %swap3A_103 : vector<1x16xi32> to vector<16xi32>
        %swap3A_105 = vector.shape_cast %shift_right_logical3A_99 : vector<16xi32> to vector<1x16xi32>
        tpu.vector_store %arg9[%swap3A_101, %swap3A_102], %swap3A_105 {strides = array<i32>} : memref<1x128xi32, #tpu.memory_space<vmem>>, vector<1x16xi32>,
        %get3A_106 = arith.index_cast %scan3A_42 : i32 to index
        %get3A_107 = arith.constant 48 : index
        %get3A_108 = tpu.vector_load %arg7[%get3A_106, %get3A_107] {strides = array<i32>} : memref<157x128xi32, #tpu.memory_space<vmem>>, vector<1x16xi32>,
        %get3A_109 = vector.shape_cast %get3A_108 : vector<1x16xi32> to vector<16xi32>
        %and3A_110 = arith.constant 16383 : i32
        %and3A_111 = vector.broadcast %and3A_110 : i32 to vector<16xi32>
        %and3A_112 = arith.andi %get3A_109, %and3A_111 : vector<16xi32>
        %swap3A_113 = arith.constant 0 : i32
        %swap3A_114 = arith.index_cast %swap3A_113 : i32 to index
        %swap3A_115 = arith.constant 48 : index
        %swap3A_116 = tpu.vector_load %arg8[%swap3A_114, %swap3A_115] {strides = array<i32>} : memref<1x128xi32, #tpu.memory_space<vmem>>, vector<1x16xi32>,
        %swap3A_117 = vector.shape_cast %swap3A_116 : vector<1x16xi32> to vector<16xi32>
        %swap3A_118 = vector.shape_cast %and3A_112 : vector<16xi32> to vector<1x16xi32>
        tpu.vector_store %arg8[%swap3A_114, %swap3A_115], %swap3A_118 {strides = array<i32>} : memref<1x128xi32, #tpu.memory_space<vmem>>, vector<1x16xi32>,
        %shift_right_logical3A_119 = arith.constant 14 : i32
        %shift_right_logical3A_120 = vector.broadcast %shift_right_logical3A_119 : i32 to vector<16xi32>
        %shift_right_logical3A_121 = arith.shrui %get3A_109, %shift_right_logical3A_120 : vector<16xi32>
        %swap3A_122 = arith.constant 0 : i32
        %swap3A_123 = arith.index_cast %swap3A_122 : i32 to index
        %swap3A_124 = arith.constant 48 : index
        %swap3A_125 = tpu.vector_load %arg9[%swap3A_123, %swap3A_124] {strides = array<i32>} : memref<1x128xi32, #tpu.memory_space<vmem>>, vector<1x16xi32>,
        %swap3A_126 = vector.shape_cast %swap3A_125 : vector<1x16xi32> to vector<16xi32>
        %swap3A_127 = vector.shape_cast %shift_right_logical3A_121 : vector<16xi32> to vector<1x16xi32>
        tpu.vector_store %arg9[%swap3A_123, %swap3A_124], %swap3A_127 {strides = array<i32>} : memref<1x128xi32, #tpu.memory_space<vmem>>, vector<1x16xi32>,
        %get3A_128 = arith.index_cast %scan3A_42 : i32 to index
        %get3A_129 = arith.constant 64 : index
        %get3A_130 = tpu.vector_load %arg7[%get3A_128, %get3A_129] {strides = array<i32>} : memref<157x128xi32, #tpu.memory_space<vmem>>, vector<1x16xi32>,
        %get3A_131 = vector.shape_cast %get3A_130 : vector<1x16xi32> to vector<16xi32>
        %and3A_132 = arith.constant 16383 : i32
        %and3A_133 = vector.broadcast %and3A_132 : i32 to vector<16xi32>
        %and3A_134 = arith.andi %get3A_131, %and3A_133 : vector<16xi32>
        %swap3A_135 = arith.constant 0 : i32
        %swap3A_136 = arith.index_cast %swap3A_135 : i32 to index
        %swap3A_137 = arith.constant 64 : index
        %swap3A_138 = tpu.vector_load %arg8[%swap3A_136, %swap3A_137] {strides = array<i32>} : memref<1x128xi32, #tpu.memory_space<vmem>>, vector<1x16xi32>,
        %swap3A_139 = vector.shape_cast %swap3A_138 : vector<1x16xi32> to vector<16xi32>
        %swap3A_140 = vector.shape_cast %and3A_134 : vector<16xi32> to vector<1x16xi32>
        tpu.vector_store %arg8[%swap3A_136, %swap3A_137], %swap3A_140 {strides = array<i32>} : memref<1x128xi32, #tpu.memory_space<vmem>>, vector<1x16xi32>,
        %shift_right_logical3A_141 = arith.constant 14 : i32
        %shift_right_logical3A_142 = vector.broadcast %shift_right_logical3A_141 : i32 to vector<16xi32>
        %shift_right_logical3A_143 = arith.shrui %get3A_131, %shift_right_logical3A_142 : vector<16xi32>
        %swap3A_144 = arith.constant 0 : i32
        %swap3A_145 = arith.index_cast %swap3A_144 : i32 to index
        %swap3A_146 = arith.constant 64 : index
        %swap3A_147 = tpu.vector_load %arg9[%swap3A_145, %swap3A_146] {strides = array<i32>} : memref<1x128xi32, #tpu.memory_space<vmem>>, vector<1x16xi32>,
        %swap3A_148 = vector.shape_cast %swap3A_147 : vector<1x16xi32> to vector<16xi32>
        %swap3A_149 = vector.shape_cast %shift_right_logical3A_143 : vector<16xi32> to vector<1x16xi32>
        tpu.vector_store %arg9[%swap3A_145, %swap3A_146], %swap3A_149 {strides = array<i32>} : memref<1x128xi32, #tpu.memory_space<vmem>>, vector<1x16xi32>,
        %get3A_150 = arith.index_cast %scan3A_42 : i32 to index
        %get3A_151 = arith.constant 80 : index
        %get3A_152 = tpu.vector_load %arg7[%get3A_150, %get3A_151] {strides = array<i32>} : memref<157x128xi32, #tpu.memory_space<vmem>>, vector<1x16xi32>,
        %get3A_153 = vector.shape_cast %get3A_152 : vector<1x16xi32> to vector<16xi32>
        %and3A_154 = arith.constant 16383 : i32
        %and3A_155 = vector.broadcast %and3A_154 : i32 to vector<16xi32>
        %and3A_156 = arith.andi %get3A_153, %and3A_155 : vector<16xi32>
        %swap3A_157 = arith.constant 0 : i32
        %swap3A_158 = arith.index_cast %swap3A_157 : i32 to index
        %swap3A_159 = arith.constant 80 : index
        %swap3A_160 = tpu.vector_load %arg8[%swap3A_158, %swap3A_159] {strides = array<i32>} : memref<1x128xi32, #tpu.memory_space<vmem>>, vector<1x16xi32>,
        %swap3A_161 = vector.shape_cast %swap3A_160 : vector<1x16xi32> to vector<16xi32>
        %swap3A_162 = vector.shape_cast %and3A_156 : vector<16xi32> to vector<1x16xi32>
        tpu.vector_store %arg8[%swap3A_158, %swap3A_159], %swap3A_162 {strides = array<i32>} : memref<1x128xi32, #tpu.memory_space<vmem>>, vector<1x16xi32>,
        %shift_right_logical3A_163 = arith.constant 14 : i32
        %shift_right_logical3A_164 = vector.broadcast %shift_right_logical3A_163 : i32 to vector<16xi32>
        %shift_right_logical3A_165 = arith.shrui %get3A_153, %shift_right_logical3A_164 : vector<16xi32>
        %swap3A_166 = arith.constant 0 : i32
        %swap3A_167 = arith.index_cast %swap3A_166 : i32 to index
        %swap3A_168 = arith.constant 80 : index
        %swap3A_169 = tpu.vector_load %arg9[%swap3A_167, %swap3A_168] {strides = array<i32>} : memref<1x128xi32, #tpu.memory_space<vmem>>, vector<1x16xi32>,
        %swap3A_170 = vector.shape_cast %swap3A_169 : vector<1x16xi32> to vector<16xi32>
        %swap3A_171 = vector.shape_cast %shift_right_logical3A_165 : vector<16xi32> to vector<1x16xi32>
        tpu.vector_store %arg9[%swap3A_167, %swap3A_168], %swap3A_171 {strides = array<i32>} : memref<1x128xi32, #tpu.memory_space<vmem>>, vector<1x16xi32>,
        %get3A_172 = arith.index_cast %scan3A_42 : i32 to index
        %get3A_173 = arith.constant 96 : index
        %get3A_174 = tpu.vector_load %arg7[%get3A_172, %get3A_173] {strides = array<i32>} : memref<157x128xi32, #tpu.memory_space<vmem>>, vector<1x16xi32>,
        %get3A_175 = vector.shape_cast %get3A_174 : vector<1x16xi32> to vector<16xi32>
        %and3A_176 = arith.constant 16383 : i32
        %and3A_177 = vector.broadcast %and3A_176 : i32 to vector<16xi32>
        %and3A_178 = arith.andi %get3A_175, %and3A_177 : vector<16xi32>
        %swap3A_179 = arith.constant 0 : i32
        %swap3A_180 = arith.index_cast %swap3A_179 : i32 to index
        %swap3A_181 = arith.constant 96 : index
        %swap3A_182 = tpu.vector_load %arg8[%swap3A_180, %swap3A_181] {strides = array<i32>} : memref<1x128xi32, #tpu.memory_space<vmem>>, vector<1x16xi32>,
        %swap3A_183 = vector.shape_cast %swap3A_182 : vector<1x16xi32> to vector<16xi32>
        %swap3A_184 = vector.shape_cast %and3A_178 : vector<16xi32> to vector<1x16xi32>
        tpu.vector_store %arg8[%swap3A_180, %swap3A_181], %swap3A_184 {strides = array<i32>} : memref<1x128xi32, #tpu.memory_space<vmem>>, vector<1x16xi32>,
        %shift_right_logical3A_185 = arith.constant 14 : i32
        %shift_right_logical3A_186 = vector.broadcast %shift_right_logical3A_185 : i32 to vector<16xi32>
        %shift_right_logical3A_187 = arith.shrui %get3A_175, %shift_right_logical3A_186 : vector<16xi32>
        %swap3A_188 = arith.constant 0 : i32
        %swap3A_189 = arith.index_cast %swap3A_188 : i32 to index
        %swap3A_190 = arith.constant 96 : index
        %swap3A_191 = tpu.vector_load %arg9[%swap3A_189, %swap3A_190] {strides = array<i32>} : memref<1x128xi32, #tpu.memory_space<vmem>>, vector<1x16xi32>,
        %swap3A_192 = vector.shape_cast %swap3A_191 : vector<1x16xi32> to vector<16xi32>
        %swap3A_193 = vector.shape_cast %shift_right_logical3A_187 : vector<16xi32> to vector<1x16xi32>
        tpu.vector_store %arg9[%swap3A_189, %swap3A_190], %swap3A_193 {strides = array<i32>} : memref<1x128xi32, #tpu.memory_space<vmem>>, vector<1x16xi32>,
        %get3A_194 = arith.index_cast %scan3A_42 : i32 to index
        %get3A_195 = arith.constant 112 : index
        %get3A_196 = tpu.vector_load %arg7[%get3A_194, %get3A_195] {strides = array<i32>} : memref<157x128xi32, #tpu.memory_space<vmem>>, vector<1x16xi32>,
        %get3A_197 = vector.shape_cast %get3A_196 : vector<1x16xi32> to vector<16xi32>
        %and3A_198 = arith.constant 16383 : i32
        %and3A_199 = vector.broadcast %and3A_198 : i32 to vector<16xi32>
        %and3A_200 = arith.andi %get3A_197, %and3A_199 : vector<16xi32>
        %swap3A_201 = arith.constant 0 : i32
        %swap3A_202 = arith.index_cast %swap3A_201 : i32 to index
        %swap3A_203 = arith.constant 112 : index
        %swap3A_204 = tpu.vector_load %arg8[%swap3A_202, %swap3A_203] {strides = array<i32>} : memref<1x128xi32, #tpu.memory_space<vmem>>, vector<1x16xi32>,
        %swap3A_205 = vector.shape_cast %swap3A_204 : vector<1x16xi32> to vector<16xi32>
        %swap3A_206 = vector.shape_cast %and3A_200 : vector<16xi32> to vector<1x16xi32>
        tpu.vector_store %arg8[%swap3A_202, %swap3A_203], %swap3A_206 {strides = array<i32>} : memref<1x128xi32, #tpu.memory_space<vmem>>, vector<1x16xi32>,
        %shift_right_logical3A_207 = arith.constant 14 : i32
        %shift_right_logical3A_208 = vector.broadcast %shift_right_logical3A_207 : i32 to vector<16xi32>
        %shift_right_logical3A_209 = arith.shrui %get3A_197, %shift_right_logical3A_208 : vector<16xi32>
        %swap3A_210 = arith.constant 0 : i32
        %swap3A_211 = arith.index_cast %swap3A_210 : i32 to index
        %swap3A_212 = arith.constant 112 : index
        %swap3A_213 = tpu.vector_load %arg9[%swap3A_211, %swap3A_212] {strides = array<i32>} : memref<1x128xi32, #tpu.memory_space<vmem>>, vector<1x16xi32>,
        %swap3A_214 = vector.shape_cast %swap3A_213 : vector<1x16xi32> to vector<16xi32>
        %swap3A_215 = vector.shape_cast %shift_right_logical3A_209 : vector<16xi32> to vector<1x16xi32>
        tpu.vector_store %arg9[%swap3A_211, %swap3A_212], %swap3A_215 {strides = array<i32>} : memref<1x128xi32, #tpu.memory_space<vmem>>, vector<1x16xi32>,
        %dma_start3A = arith.constant 0 : i32
        %dma_start3A_216 = arith.constant 0 : i32
        %dma_start3A_217 = tpu.memref_slice %arg8[%dma_start3A, %dma_start3A_216] : memref<1x128xi32, #tpu.memory_space<vmem>> -> memref<1x128xi32, #tpu.memory_space<vmem>>
        %dma_start3A_218 = tpu.memref_squeeze %dma_start3A_217 : memref<1x128xi32, #tpu.memory_space<vmem>> -> memref<128xi32, #tpu.memory_space<vmem>>
        %dma_start3A_219 = arith.constant 0 : i32
        %dma_start3A_220 = arith.constant 0 : i32
        %dma_start3A_221 = tpu.memref_slice %arg2[%dma_start3A_219, %dma_start3A_220] : memref<10000x128xf32, #tpu.memory_space<hbm>> -> memref<10000x128xf32, #tpu.memory_space<hbm>>
        tpu.enqueue_indirect_dma source(%dma_start3A_221 : memref<10000x128xf32, #tpu.memory_space<hbm>>) target(%arg10 : memref<128x128xf32, #tpu.memory_space<vmem>>) offsets(%dma_start3A_218 : memref<128xi32, #tpu.memory_space<vmem>>) semaphore(%arg12 : memref<!tpu.dma_semaphore, #tpu.memory_space<semaphore_mem>>)
        %dma_wait3A = arith.constant 0 : i32
        %dma_wait3A_222 = arith.constant 0 : i32
        %dma_wait3A_223 = tpu.memref_slice %arg8[%dma_wait3A, %dma_wait3A_222] : memref<1x128xi32, #tpu.memory_space<vmem>> -> memref<1x128xi32, #tpu.memory_space<vmem>>
        %dma_wait3A_224 = tpu.memref_squeeze %dma_wait3A_223 : memref<1x128xi32, #tpu.memory_space<vmem>> -> memref<128xi32, #tpu.memory_space<vmem>>
        %dma_wait3A_225 = arith.constant 0 : i32
        %dma_wait3A_226 = arith.constant 0 : i32
        %dma_wait3A_227 = tpu.memref_slice %arg2[%dma_wait3A_225, %dma_wait3A_226] : memref<10000x128xf32, #tpu.memory_space<hbm>> -> memref<10000x128xf32, #tpu.memory_space<hbm>>
        tpu.wait_indirect_dma semaphore(%arg12 : memref<!tpu.dma_semaphore, #tpu.memory_space<semaphore_mem>>) src(%dma_wait3A_227 : memref<10000x128xf32, #tpu.memory_space<hbm>>) dst(%arg10 : memref<128x128xf32, #tpu.memory_space<vmem>>)
        %run_scoped3A = arith.constant 0 : i32
        "tpu.region"() ({
          %run_scoped3A_229 = tpu.sem_alloc : memref<!tpu.dma_semaphore, #tpu.memory_space<semaphore_mem>>
          %dma_start3A_230 = arith.constant 0 : i32
          %dma_start3A_231 = tpu.memref_slice %arg9[%run_scoped3A, %dma_start3A_230] : memref<1x128xi32, #tpu.memory_space<vmem>> -> memref<1x128xi32, #tpu.memory_space<vmem>>
          %dma_start3A_232 = tpu.memref_squeeze %dma_start3A_231 : memref<1x128xi32, #tpu.memory_space<vmem>> -> memref<128xi32, #tpu.memory_space<vmem>>
          %dma_start3A_233 = arith.constant 0 : i32
          %dma_start3A_234 = arith.constant 0 : i32
          %dma_start3A_235 = tpu.memref_slice %arg11[%dma_start3A_233, %dma_start3A_234] : memref<10240x128xf32, #tpu.memory_space<vmem_shared>> -> memref<10240x128xf32, #tpu.memory_space<vmem_shared>>
          tpu.enqueue_indirect_dma source(%arg10 : memref<128x128xf32, #tpu.memory_space<vmem>>) target(%dma_start3A_235 : memref<10240x128xf32, #tpu.memory_space<vmem_shared>>) offsets(%dma_start3A_232 : memref<128xi32, #tpu.memory_space<vmem>>) semaphore(%run_scoped3A_229 : memref<!tpu.dma_semaphore, #tpu.memory_space<semaphore_mem>>) {add = true}
          %dma_wait3A_236 = arith.constant 0 : i32
          %dma_wait3A_237 = tpu.memref_slice %arg9[%run_scoped3A, %dma_wait3A_236] : memref<1x128xi32, #tpu.memory_space<vmem>> -> memref<1x128xi32, #tpu.memory_space<vmem>>
          %dma_wait3A_238 = tpu.memref_squeeze %dma_wait3A_237 : memref<1x128xi32, #tpu.memory_space<vmem>> -> memref<128xi32, #tpu.memory_space<vmem>>
          %dma_wait3A_239 = arith.constant 0 : i32
          %dma_wait3A_240 = arith.constant 0 : i32
          %dma_wait3A_241 = tpu.memref_slice %arg11[%dma_wait3A_239, %dma_wait3A_240] : memref<10240x128xf32, #tpu.memory_space<vmem_shared>> -> memref<10240x128xf32, #tpu.memory_space<vmem_shared>>
          tpu.wait_indirect_dma semaphore(%run_scoped3A_229 : memref<!tpu.dma_semaphore, #tpu.memory_space<semaphore_mem>>) src(%arg10 : memref<128x128xf32, #tpu.memory_space<vmem>>) dst(%dma_wait3A_241 : memref<10240x128xf32, #tpu.memory_space<vmem_shared>>)
          tpu.yield
        }) : () -> ()
        %scan3A_228 = arith.constant 0 : i32
        scf.yield %scan3A_228 : i32
      }
      %scan3A_38 = arith.constant 157 : i32
      %barrier3A_39 = arith.constant 0 : index
      tpu.barrier barrier_id(%barrier3A_39)
      %mul3A_40 = arith.constant 640 : i32
      %mul3A_41 = arith.muli %arg1, %mul3A_40 : i32
      "tpu.region"() ({
        %run_scoped3A = tpu.sem_alloc : memref<!tpu.dma_semaphore, #tpu.memory_space<semaphore_mem>>
        %dma_start3A = arith.constant 0 : i32
        %dma_start3A_42 = tpu.memref_slice %arg5[%mul3A_41, %dma_start3A] : memref<10240x128xf32, #tpu.memory_space<hbm>> -> memref<640x128xf32, #tpu.memory_space<hbm>>
        %dma_start3A_43 = arith.constant 0 : i32
        %dma_start3A_44 = tpu.memref_slice %arg11[%mul3A_41, %dma_start3A_43] : memref<10240x128xf32, #tpu.memory_space<vmem_shared>> -> memref<640x128xf32, #tpu.memory_space<vmem_shared>>
        tpu.enqueue_dma source(%dma_start3A_44 : memref<640x128xf32, #tpu.memory_space<vmem_shared>>) target(%dma_start3A_42 : memref<640x128xf32, #tpu.memory_space<hbm>>) target_semaphore(%run_scoped3A : memref<!tpu.dma_semaphore, #tpu.memory_space<semaphore_mem>>)
        %dma_wait3A = arith.constant 0 : i32
        %dma_wait3A_45 = tpu.memref_slice %arg5[%mul3A_41, %dma_wait3A] : memref<10240x128xf32, #tpu.memory_space<hbm>> -> memref<640x128xf32, #tpu.memory_space<hbm>>
        %dma_wait3A_46 = arith.constant 0 : i32
        %dma_wait3A_47 = tpu.memref_slice %arg11[%mul3A_41, %dma_wait3A_46] : memref<10240x128xf32, #tpu.memory_space<vmem_shared>> -> memref<640x128xf32, #tpu.memory_space<vmem_shared>>
        tpu.wait_dma2 semaphore(%run_scoped3A : memref<!tpu.dma_semaphore, #tpu.memory_space<semaphore_mem>>) src(%dma_wait3A_47 : memref<640x128xf32, #tpu.memory_space<vmem_shared>>) dst(%dma_wait3A_45 : memref<640x128xf32, #tpu.memory_space<hbm>>)
        tpu.yield
      }) : () -> ()
    } else {
    }
    %eq3A_27 = arith.constant 1 : i32
    %eq3A_28 = arith.cmpi eq, %arg0, %eq3A_27 : i32
    %convert_element_type3A_29 = arith.extui %eq3A_28 : i1 to i32
    %cond3A_30 = arith.constant 0 : i32
    %cond3A_31 = arith.cmpi ne, %convert_element_type3A_29, %cond3A_30 : i32
    scf.if %cond3A_31 {
      %scan3A_32 = arith.constant 0 : i32
      %scan3A_33 = arith.constant 0 : i32
      %scan3A_34 = arith.constant 157 : i32
      %scan3A_35 = arith.addi %scan3A_33, %scan3A_34 : i32
      %scan3A_36 = arith.constant 1 : i32
      %scan3A_37 = scf.for %scan3A_42 = %scan3A_33 to %scan3A_35 step %scan3A_36 iter_args(%scan3A_43 = %scan3A_32) -> (i32)  : i32 {
        %get3A = arith.index_cast %scan3A_42 : i32 to index
        %get3A_44 = arith.constant 0 : index
        %get3A_45 = tpu.vector_load %arg7[%get3A, %get3A_44] {strides = array<i32>} : memref<157x128xi32, #tpu.memory_space<vmem>>, vector<1x16xi32>,
        %get3A_46 = vector.shape_cast %get3A_45 : vector<1x16xi32> to vector<16xi32>
        %and3A = arith.constant 16383 : i32
        %and3A_47 = vector.broadcast %and3A : i32 to vector<16xi32>
        %and3A_48 = arith.andi %get3A_46, %and3A_47 : vector<16xi32>
        %swap3A = arith.constant 0 : i32
        %swap3A_49 = arith.index_cast %swap3A : i32 to index
        %swap3A_50 = arith.constant 0 : index
        %swap3A_51 = tpu.vector_load %arg8[%swap3A_49, %swap3A_50] {strides = array<i32>} : memref<1x128xi32, #tpu.memory_space<vmem>>, vector<1x16xi32>,
        %swap3A_52 = vector.shape_cast %swap3A_51 : vector<1x16xi32> to vector<16xi32>
        %swap3A_53 = vector.shape_cast %and3A_48 : vector<16xi32> to vector<1x16xi32>
        tpu.vector_store %arg8[%swap3A_49, %swap3A_50], %swap3A_53 {strides = array<i32>} : memref<1x128xi32, #tpu.memory_space<vmem>>, vector<1x16xi32>,
        %shift_right_logical3A = arith.constant 14 : i32
        %shift_right_logical3A_54 = vector.broadcast %shift_right_logical3A : i32 to vector<16xi32>
        %shift_right_logical3A_55 = arith.shrui %get3A_46, %shift_right_logical3A_54 : vector<16xi32>
        %swap3A_56 = arith.constant 0 : i32
        %swap3A_57 = arith.index_cast %swap3A_56 : i32 to index
        %swap3A_58 = arith.constant 0 : index
        %swap3A_59 = tpu.vector_load %arg9[%swap3A_57, %swap3A_58] {strides = array<i32>} : memref<1x128xi32, #tpu.memory_space<vmem>>, vector<1x16xi32>,
        %swap3A_60 = vector.shape_cast %swap3A_59 : vector<1x16xi32> to vector<16xi32>
        %swap3A_61 = vector.shape_cast %shift_right_logical3A_55 : vector<16xi32> to vector<1x16xi32>
        tpu.vector_store %arg9[%swap3A_57, %swap3A_58], %swap3A_61 {strides = array<i32>} : memref<1x128xi32, #tpu.memory_space<vmem>>, vector<1x16xi32>,
        %get3A_62 = arith.index_cast %scan3A_42 : i32 to index
        %get3A_63 = arith.constant 16 : index
        %get3A_64 = tpu.vector_load %arg7[%get3A_62, %get3A_63] {strides = array<i32>} : memref<157x128xi32, #tpu.memory_space<vmem>>, vector<1x16xi32>,
        %get3A_65 = vector.shape_cast %get3A_64 : vector<1x16xi32> to vector<16xi32>
        %and3A_66 = arith.constant 16383 : i32
        %and3A_67 = vector.broadcast %and3A_66 : i32 to vector<16xi32>
        %and3A_68 = arith.andi %get3A_65, %and3A_67 : vector<16xi32>
        %swap3A_69 = arith.constant 0 : i32
        %swap3A_70 = arith.index_cast %swap3A_69 : i32 to index
        %swap3A_71 = arith.constant 16 : index
        %swap3A_72 = tpu.vector_load %arg8[%swap3A_70, %swap3A_71] {strides = array<i32>} : memref<1x128xi32, #tpu.memory_space<vmem>>, vector<1x16xi32>,
        %swap3A_73 = vector.shape_cast %swap3A_72 : vector<1x16xi32> to vector<16xi32>
        %swap3A_74 = vector.shape_cast %and3A_68 : vector<16xi32> to vector<1x16xi32>
        tpu.vector_store %arg8[%swap3A_70, %swap3A_71], %swap3A_74 {strides = array<i32>} : memref<1x128xi32, #tpu.memory_space<vmem>>, vector<1x16xi32>,
        %shift_right_logical3A_75 = arith.constant 14 : i32
        %shift_right_logical3A_76 = vector.broadcast %shift_right_logical3A_75 : i32 to vector<16xi32>
        %shift_right_logical3A_77 = arith.shrui %get3A_65, %shift_right_logical3A_76 : vector<16xi32>
        %swap3A_78 = arith.constant 0 : i32
        %swap3A_79 = arith.index_cast %swap3A_78 : i32 to index
        %swap3A_80 = arith.constant 16 : index
        %swap3A_81 = tpu.vector_load %arg9[%swap3A_79, %swap3A_80] {strides = array<i32>} : memref<1x128xi32, #tpu.memory_space<vmem>>, vector<1x16xi32>,
        %swap3A_82 = vector.shape_cast %swap3A_81 : vector<1x16xi32> to vector<16xi32>
        %swap3A_83 = vector.shape_cast %shift_right_logical3A_77 : vector<16xi32> to vector<1x16xi32>
        tpu.vector_store %arg9[%swap3A_79, %swap3A_80], %swap3A_83 {strides = array<i32>} : memref<1x128xi32, #tpu.memory_space<vmem>>, vector<1x16xi32>,
        %get3A_84 = arith.index_cast %scan3A_42 : i32 to index
        %get3A_85 = arith.constant 32 : index
        %get3A_86 = tpu.vector_load %arg7[%get3A_84, %get3A_85] {strides = array<i32>} : memref<157x128xi32, #tpu.memory_space<vmem>>, vector<1x16xi32>,
        %get3A_87 = vector.shape_cast %get3A_86 : vector<1x16xi32> to vector<16xi32>
        %and3A_88 = arith.constant 16383 : i32
        %and3A_89 = vector.broadcast %and3A_88 : i32 to vector<16xi32>
        %and3A_90 = arith.andi %get3A_87, %and3A_89 : vector<16xi32>
        %swap3A_91 = arith.constant 0 : i32
        %swap3A_92 = arith.index_cast %swap3A_91 : i32 to index
        %swap3A_93 = arith.constant 32 : index
        %swap3A_94 = tpu.vector_load %arg8[%swap3A_92, %swap3A_93] {strides = array<i32>} : memref<1x128xi32, #tpu.memory_space<vmem>>, vector<1x16xi32>,
        %swap3A_95 = vector.shape_cast %swap3A_94 : vector<1x16xi32> to vector<16xi32>
        %swap3A_96 = vector.shape_cast %and3A_90 : vector<16xi32> to vector<1x16xi32>
        tpu.vector_store %arg8[%swap3A_92, %swap3A_93], %swap3A_96 {strides = array<i32>} : memref<1x128xi32, #tpu.memory_space<vmem>>, vector<1x16xi32>,
        %shift_right_logical3A_97 = arith.constant 14 : i32
        %shift_right_logical3A_98 = vector.broadcast %shift_right_logical3A_97 : i32 to vector<16xi32>
        %shift_right_logical3A_99 = arith.shrui %get3A_87, %shift_right_logical3A_98 : vector<16xi32>
        %swap3A_100 = arith.constant 0 : i32
        %swap3A_101 = arith.index_cast %swap3A_100 : i32 to index
        %swap3A_102 = arith.constant 32 : index
        %swap3A_103 = tpu.vector_load %arg9[%swap3A_101, %swap3A_102] {strides = array<i32>} : memref<1x128xi32, #tpu.memory_space<vmem>>, vector<1x16xi32>,
        %swap3A_104 = vector.shape_cast %swap3A_103 : vector<1x16xi32> to vector<16xi32>
        %swap3A_105 = vector.shape_cast %shift_right_logical3A_99 : vector<16xi32> to vector<1x16xi32>
        tpu.vector_store %arg9[%swap3A_101, %swap3A_102], %swap3A_105 {strides = array<i32>} : memref<1x128xi32, #tpu.memory_space<vmem>>, vector<1x16xi32>,
        %get3A_106 = arith.index_cast %scan3A_42 : i32 to index
        %get3A_107 = arith.constant 48 : index
        %get3A_108 = tpu.vector_load %arg7[%get3A_106, %get3A_107] {strides = array<i32>} : memref<157x128xi32, #tpu.memory_space<vmem>>, vector<1x16xi32>,
        %get3A_109 = vector.shape_cast %get3A_108 : vector<1x16xi32> to vector<16xi32>
        %and3A_110 = arith.constant 16383 : i32
        %and3A_111 = vector.broadcast %and3A_110 : i32 to vector<16xi32>
        %and3A_112 = arith.andi %get3A_109, %and3A_111 : vector<16xi32>
        %swap3A_113 = arith.constant 0 : i32
        %swap3A_114 = arith.index_cast %swap3A_113 : i32 to index
        %swap3A_115 = arith.constant 48 : index
        %swap3A_116 = tpu.vector_load %arg8[%swap3A_114, %swap3A_115] {strides = array<i32>} : memref<1x128xi32, #tpu.memory_space<vmem>>, vector<1x16xi32>,
        %swap3A_117 = vector.shape_cast %swap3A_116 : vector<1x16xi32> to vector<16xi32>
        %swap3A_118 = vector.shape_cast %and3A_112 : vector<16xi32> to vector<1x16xi32>
        tpu.vector_store %arg8[%swap3A_114, %swap3A_115], %swap3A_118 {strides = array<i32>} : memref<1x128xi32, #tpu.memory_space<vmem>>, vector<1x16xi32>,
        %shift_right_logical3A_119 = arith.constant 14 : i32
        %shift_right_logical3A_120 = vector.broadcast %shift_right_logical3A_119 : i32 to vector<16xi32>
        %shift_right_logical3A_121 = arith.shrui %get3A_109, %shift_right_logical3A_120 : vector<16xi32>
        %swap3A_122 = arith.constant 0 : i32
        %swap3A_123 = arith.index_cast %swap3A_122 : i32 to index
        %swap3A_124 = arith.constant 48 : index
        %swap3A_125 = tpu.vector_load %arg9[%swap3A_123, %swap3A_124] {strides = array<i32>} : memref<1x128xi32, #tpu.memory_space<vmem>>, vector<1x16xi32>,
        %swap3A_126 = vector.shape_cast %swap3A_125 : vector<1x16xi32> to vector<16xi32>
        %swap3A_127 = vector.shape_cast %shift_right_logical3A_121 : vector<16xi32> to vector<1x16xi32>
        tpu.vector_store %arg9[%swap3A_123, %swap3A_124], %swap3A_127 {strides = array<i32>} : memref<1x128xi32, #tpu.memory_space<vmem>>, vector<1x16xi32>,
        %get3A_128 = arith.index_cast %scan3A_42 : i32 to index
        %get3A_129 = arith.constant 64 : index
        %get3A_130 = tpu.vector_load %arg7[%get3A_128, %get3A_129] {strides = array<i32>} : memref<157x128xi32, #tpu.memory_space<vmem>>, vector<1x16xi32>,
        %get3A_131 = vector.shape_cast %get3A_130 : vector<1x16xi32> to vector<16xi32>
        %and3A_132 = arith.constant 16383 : i32
        %and3A_133 = vector.broadcast %and3A_132 : i32 to vector<16xi32>
        %and3A_134 = arith.andi %get3A_131, %and3A_133 : vector<16xi32>
        %swap3A_135 = arith.constant 0 : i32
        %swap3A_136 = arith.index_cast %swap3A_135 : i32 to index
        %swap3A_137 = arith.constant 64 : index
        %swap3A_138 = tpu.vector_load %arg8[%swap3A_136, %swap3A_137] {strides = array<i32>} : memref<1x128xi32, #tpu.memory_space<vmem>>, vector<1x16xi32>,
        %swap3A_139 = vector.shape_cast %swap3A_138 : vector<1x16xi32> to vector<16xi32>
        %swap3A_140 = vector.shape_cast %and3A_134 : vector<16xi32> to vector<1x16xi32>
        tpu.vector_store %arg8[%swap3A_136, %swap3A_137], %swap3A_140 {strides = array<i32>} : memref<1x128xi32, #tpu.memory_space<vmem>>, vector<1x16xi32>,
        %shift_right_logical3A_141 = arith.constant 14 : i32
        %shift_right_logical3A_142 = vector.broadcast %shift_right_logical3A_141 : i32 to vector<16xi32>
        %shift_right_logical3A_143 = arith.shrui %get3A_131, %shift_right_logical3A_142 : vector<16xi32>
        %swap3A_144 = arith.constant 0 : i32
        %swap3A_145 = arith.index_cast %swap3A_144 : i32 to index
        %swap3A_146 = arith.constant 64 : index
        %swap3A_147 = tpu.vector_load %arg9[%swap3A_145, %swap3A_146] {strides = array<i32>} : memref<1x128xi32, #tpu.memory_space<vmem>>, vector<1x16xi32>,
        %swap3A_148 = vector.shape_cast %swap3A_147 : vector<1x16xi32> to vector<16xi32>
        %swap3A_149 = vector.shape_cast %shift_right_logical3A_143 : vector<16xi32> to vector<1x16xi32>
        tpu.vector_store %arg9[%swap3A_145, %swap3A_146], %swap3A_149 {strides = array<i32>} : memref<1x128xi32, #tpu.memory_space<vmem>>, vector<1x16xi32>,
        %get3A_150 = arith.index_cast %scan3A_42 : i32 to index
        %get3A_151 = arith.constant 80 : index
        %get3A_152 = tpu.vector_load %arg7[%get3A_150, %get3A_151] {strides = array<i32>} : memref<157x128xi32, #tpu.memory_space<vmem>>, vector<1x16xi32>,
        %get3A_153 = vector.shape_cast %get3A_152 : vector<1x16xi32> to vector<16xi32>
        %and3A_154 = arith.constant 16383 : i32
        %and3A_155 = vector.broadcast %and3A_154 : i32 to vector<16xi32>
        %and3A_156 = arith.andi %get3A_153, %and3A_155 : vector<16xi32>
        %swap3A_157 = arith.constant 0 : i32
        %swap3A_158 = arith.index_cast %swap3A_157 : i32 to index
        %swap3A_159 = arith.constant 80 : index
        %swap3A_160 = tpu.vector_load %arg8[%swap3A_158, %swap3A_159] {strides = array<i32>} : memref<1x128xi32, #tpu.memory_space<vmem>>, vector<1x16xi32>,
        %swap3A_161 = vector.shape_cast %swap3A_160 : vector<1x16xi32> to vector<16xi32>
        %swap3A_162 = vector.shape_cast %and3A_156 : vector<16xi32> to vector<1x16xi32>
        tpu.vector_store %arg8[%swap3A_158, %swap3A_159], %swap3A_162 {strides = array<i32>} : memref<1x128xi32, #tpu.memory_space<vmem>>, vector<1x16xi32>,
        %shift_right_logical3A_163 = arith.constant 14 : i32
        %shift_right_logical3A_164 = vector.broadcast %shift_right_logical3A_163 : i32 to vector<16xi32>
        %shift_right_logical3A_165 = arith.shrui %get3A_153, %shift_right_logical3A_164 : vector<16xi32>
        %swap3A_166 = arith.constant 0 : i32
        %swap3A_167 = arith.index_cast %swap3A_166 : i32 to index
        %swap3A_168 = arith.constant 80 : index
        %swap3A_169 = tpu.vector_load %arg9[%swap3A_167, %swap3A_168] {strides = array<i32>} : memref<1x128xi32, #tpu.memory_space<vmem>>, vector<1x16xi32>,
        %swap3A_170 = vector.shape_cast %swap3A_169 : vector<1x16xi32> to vector<16xi32>
        %swap3A_171 = vector.shape_cast %shift_right_logical3A_165 : vector<16xi32> to vector<1x16xi32>
        tpu.vector_store %arg9[%swap3A_167, %swap3A_168], %swap3A_171 {strides = array<i32>} : memref<1x128xi32, #tpu.memory_space<vmem>>, vector<1x16xi32>,
        %get3A_172 = arith.index_cast %scan3A_42 : i32 to index
        %get3A_173 = arith.constant 96 : index
        %get3A_174 = tpu.vector_load %arg7[%get3A_172, %get3A_173] {strides = array<i32>} : memref<157x128xi32, #tpu.memory_space<vmem>>, vector<1x16xi32>,
        %get3A_175 = vector.shape_cast %get3A_174 : vector<1x16xi32> to vector<16xi32>
        %and3A_176 = arith.constant 16383 : i32
        %and3A_177 = vector.broadcast %and3A_176 : i32 to vector<16xi32>
        %and3A_178 = arith.andi %get3A_175, %and3A_177 : vector<16xi32>
        %swap3A_179 = arith.constant 0 : i32
        %swap3A_180 = arith.index_cast %swap3A_179 : i32 to index
        %swap3A_181 = arith.constant 96 : index
        %swap3A_182 = tpu.vector_load %arg8[%swap3A_180, %swap3A_181] {strides = array<i32>} : memref<1x128xi32, #tpu.memory_space<vmem>>, vector<1x16xi32>,
        %swap3A_183 = vector.shape_cast %swap3A_182 : vector<1x16xi32> to vector<16xi32>
        %swap3A_184 = vector.shape_cast %and3A_178 : vector<16xi32> to vector<1x16xi32>
        tpu.vector_store %arg8[%swap3A_180, %swap3A_181], %swap3A_184 {strides = array<i32>} : memref<1x128xi32, #tpu.memory_space<vmem>>, vector<1x16xi32>,
        %shift_right_logical3A_185 = arith.constant 14 : i32
        %shift_right_logical3A_186 = vector.broadcast %shift_right_logical3A_185 : i32 to vector<16xi32>
        %shift_right_logical3A_187 = arith.shrui %get3A_175, %shift_right_logical3A_186 : vector<16xi32>
        %swap3A_188 = arith.constant 0 : i32
        %swap3A_189 = arith.index_cast %swap3A_188 : i32 to index
        %swap3A_190 = arith.constant 96 : index
        %swap3A_191 = tpu.vector_load %arg9[%swap3A_189, %swap3A_190] {strides = array<i32>} : memref<1x128xi32, #tpu.memory_space<vmem>>, vector<1x16xi32>,
        %swap3A_192 = vector.shape_cast %swap3A_191 : vector<1x16xi32> to vector<16xi32>
        %swap3A_193 = vector.shape_cast %shift_right_logical3A_187 : vector<16xi32> to vector<1x16xi32>
        tpu.vector_store %arg9[%swap3A_189, %swap3A_190], %swap3A_193 {strides = array<i32>} : memref<1x128xi32, #tpu.memory_space<vmem>>, vector<1x16xi32>,
        %get3A_194 = arith.index_cast %scan3A_42 : i32 to index
        %get3A_195 = arith.constant 112 : index
        %get3A_196 = tpu.vector_load %arg7[%get3A_194, %get3A_195] {strides = array<i32>} : memref<157x128xi32, #tpu.memory_space<vmem>>, vector<1x16xi32>,
        %get3A_197 = vector.shape_cast %get3A_196 : vector<1x16xi32> to vector<16xi32>
        %and3A_198 = arith.constant 16383 : i32
        %and3A_199 = vector.broadcast %and3A_198 : i32 to vector<16xi32>
        %and3A_200 = arith.andi %get3A_197, %and3A_199 : vector<16xi32>
        %swap3A_201 = arith.constant 0 : i32
        %swap3A_202 = arith.index_cast %swap3A_201 : i32 to index
        %swap3A_203 = arith.constant 112 : index
        %swap3A_204 = tpu.vector_load %arg8[%swap3A_202, %swap3A_203] {strides = array<i32>} : memref<1x128xi32, #tpu.memory_space<vmem>>, vector<1x16xi32>,
        %swap3A_205 = vector.shape_cast %swap3A_204 : vector<1x16xi32> to vector<16xi32>
        %swap3A_206 = vector.shape_cast %and3A_200 : vector<16xi32> to vector<1x16xi32>
        tpu.vector_store %arg8[%swap3A_202, %swap3A_203], %swap3A_206 {strides = array<i32>} : memref<1x128xi32, #tpu.memory_space<vmem>>, vector<1x16xi32>,
        %shift_right_logical3A_207 = arith.constant 14 : i32
        %shift_right_logical3A_208 = vector.broadcast %shift_right_logical3A_207 : i32 to vector<16xi32>
        %shift_right_logical3A_209 = arith.shrui %get3A_197, %shift_right_logical3A_208 : vector<16xi32>
        %swap3A_210 = arith.constant 0 : i32
        %swap3A_211 = arith.index_cast %swap3A_210 : i32 to index
        %swap3A_212 = arith.constant 112 : index
        %swap3A_213 = tpu.vector_load %arg9[%swap3A_211, %swap3A_212] {strides = array<i32>} : memref<1x128xi32, #tpu.memory_space<vmem>>, vector<1x16xi32>,
        %swap3A_214 = vector.shape_cast %swap3A_213 : vector<1x16xi32> to vector<16xi32>
        %swap3A_215 = vector.shape_cast %shift_right_logical3A_209 : vector<16xi32> to vector<1x16xi32>
        tpu.vector_store %arg9[%swap3A_211, %swap3A_212], %swap3A_215 {strides = array<i32>} : memref<1x128xi32, #tpu.memory_space<vmem>>, vector<1x16xi32>,
        %dma_start3A = arith.constant 0 : i32
        %dma_start3A_216 = arith.constant 0 : i32
        %dma_start3A_217 = tpu.memref_slice %arg8[%dma_start3A, %dma_start3A_216] : memref<1x128xi32, #tpu.memory_space<vmem>> -> memref<1x128xi32, #tpu.memory_space<vmem>>
        %dma_start3A_218 = tpu.memref_squeeze %dma_start3A_217 : memref<1x128xi32, #tpu.memory_space<vmem>> -> memref<128xi32, #tpu.memory_space<vmem>>
        %dma_start3A_219 = arith.constant 0 : i32
        %dma_start3A_220 = arith.constant 0 : i32
        %dma_start3A_221 = tpu.memref_slice %arg3[%dma_start3A_219, %dma_start3A_220] : memref<10000x128xf32, #tpu.memory_space<hbm>> -> memref<10000x128xf32, #tpu.memory_space<hbm>>
        tpu.enqueue_indirect_dma source(%dma_start3A_221 : memref<10000x128xf32, #tpu.memory_space<hbm>>) target(%arg10 : memref<128x128xf32, #tpu.memory_space<vmem>>) offsets(%dma_start3A_218 : memref<128xi32, #tpu.memory_space<vmem>>) semaphore(%arg12 : memref<!tpu.dma_semaphore, #tpu.memory_space<semaphore_mem>>)
        %dma_wait3A = arith.constant 0 : i32
        %dma_wait3A_222 = arith.constant 0 : i32
        %dma_wait3A_223 = tpu.memref_slice %arg8[%dma_wait3A, %dma_wait3A_222] : memref<1x128xi32, #tpu.memory_space<vmem>> -> memref<1x128xi32, #tpu.memory_space<vmem>>
        %dma_wait3A_224 = tpu.memref_squeeze %dma_wait3A_223 : memref<1x128xi32, #tpu.memory_space<vmem>> -> memref<128xi32, #tpu.memory_space<vmem>>
        %dma_wait3A_225 = arith.constant 0 : i32
        %dma_wait3A_226 = arith.constant 0 : i32
        %dma_wait3A_227 = tpu.memref_slice %arg3[%dma_wait3A_225, %dma_wait3A_226] : memref<10000x128xf32, #tpu.memory_space<hbm>> -> memref<10000x128xf32, #tpu.memory_space<hbm>>
        tpu.wait_indirect_dma semaphore(%arg12 : memref<!tpu.dma_semaphore, #tpu.memory_space<semaphore_mem>>) src(%dma_wait3A_227 : memref<10000x128xf32, #tpu.memory_space<hbm>>) dst(%arg10 : memref<128x128xf32, #tpu.memory_space<vmem>>)
        %run_scoped3A = arith.constant 0 : i32
        "tpu.region"() ({
          %run_scoped3A_229 = tpu.sem_alloc : memref<!tpu.dma_semaphore, #tpu.memory_space<semaphore_mem>>
          %dma_start3A_230 = arith.constant 0 : i32
          %dma_start3A_231 = tpu.memref_slice %arg9[%run_scoped3A, %dma_start3A_230] : memref<1x128xi32, #tpu.memory_space<vmem>> -> memref<1x128xi32, #tpu.memory_space<vmem>>
          %dma_start3A_232 = tpu.memref_squeeze %dma_start3A_231 : memref<1x128xi32, #tpu.memory_space<vmem>> -> memref<128xi32, #tpu.memory_space<vmem>>
          %dma_start3A_233 = arith.constant 0 : i32
          %dma_start3A_234 = arith.constant 0 : i32
          %dma_start3A_235 = tpu.memref_slice %arg11[%dma_start3A_233, %dma_start3A_234] : memref<10240x128xf32, #tpu.memory_space<vmem_shared>> -> memref<10240x128xf32, #tpu.memory_space<vmem_shared>>
          tpu.enqueue_indirect_dma source(%arg10 : memref<128x128xf32, #tpu.memory_space<vmem>>) target(%dma_start3A_235 : memref<10240x128xf32, #tpu.memory_space<vmem_shared>>) offsets(%dma_start3A_232 : memref<128xi32, #tpu.memory_space<vmem>>) semaphore(%run_scoped3A_229 : memref<!tpu.dma_semaphore, #tpu.memory_space<semaphore_mem>>) {add = true}
          %dma_wait3A_236 = arith.constant 0 : i32
          %dma_wait3A_237 = tpu.memref_slice %arg9[%run_scoped3A, %dma_wait3A_236] : memref<1x128xi32, #tpu.memory_space<vmem>> -> memref<1x128xi32, #tpu.memory_space<vmem>>
          %dma_wait3A_238 = tpu.memref_squeeze %dma_wait3A_237 : memref<1x128xi32, #tpu.memory_space<vmem>> -> memref<128xi32, #tpu.memory_space<vmem>>
          %dma_wait3A_239 = arith.constant 0 : i32
          %dma_wait3A_240 = arith.constant 0 : i32
          %dma_wait3A_241 = tpu.memref_slice %arg11[%dma_wait3A_239, %dma_wait3A_240] : memref<10240x128xf32, #tpu.memory_space<vmem_shared>> -> memref<10240x128xf32, #tpu.memory_space<vmem_shared>>
          tpu.wait_indirect_dma semaphore(%run_scoped3A_229 : memref<!tpu.dma_semaphore, #tpu.memory_space<semaphore_mem>>) src(%arg10 : memref<128x128xf32, #tpu.memory_space<vmem>>) dst(%dma_wait3A_241 : memref<10240x128xf32, #tpu.memory_space<vmem_shared>>)
          tpu.yield
        }) : () -> ()
        %scan3A_228 = arith.constant 0 : i32
        scf.yield %scan3A_228 : i32
      }
      %scan3A_38 = arith.constant 157 : i32
      %barrier3A_39 = arith.constant 0 : index
      tpu.barrier barrier_id(%barrier3A_39)
      %mul3A_40 = arith.constant 640 : i32
      %mul3A_41 = arith.muli %arg1, %mul3A_40 : i32
      "tpu.region"() ({
        %run_scoped3A = tpu.sem_alloc : memref<!tpu.dma_semaphore, #tpu.memory_space<semaphore_mem>>
        %dma_start3A = arith.constant 0 : i32
        %dma_start3A_42 = tpu.memref_slice %arg6[%mul3A_41, %dma_start3A] : memref<10240x128xf32, #tpu.memory_space<hbm>> -> memref<640x128xf32, #tpu.memory_space<hbm>>
        %dma_start3A_43 = arith.constant 0 : i32
        %dma_start3A_44 = tpu.memref_slice %arg11[%mul3A_41, %dma_start3A_43] : memref<10240x128xf32, #tpu.memory_space<vmem_shared>> -> memref<640x128xf32, #tpu.memory_space<vmem_shared>>
        tpu.enqueue_dma source(%dma_start3A_44 : memref<640x128xf32, #tpu.memory_space<vmem_shared>>) target(%dma_start3A_42 : memref<640x128xf32, #tpu.memory_space<hbm>>) target_semaphore(%run_scoped3A : memref<!tpu.dma_semaphore, #tpu.memory_space<semaphore_mem>>)
        %dma_wait3A = arith.constant 0 : i32
        %dma_wait3A_45 = tpu.memref_slice %arg6[%mul3A_41, %dma_wait3A] : memref<10240x128xf32, #tpu.memory_space<hbm>> -> memref<640x128xf32, #tpu.memory_space<hbm>>
        %dma_wait3A_46 = arith.constant 0 : i32
        %dma_wait3A_47 = tpu.memref_slice %arg11[%mul3A_41, %dma_wait3A_46] : memref<10240x128xf32, #tpu.memory_space<vmem_shared>> -> memref<640x128xf32, #tpu.memory_space<vmem_shared>>
        tpu.wait_dma2 semaphore(%run_scoped3A : memref<!tpu.dma_semaphore, #tpu.memory_space<semaphore_mem>>) src(%dma_wait3A_47 : memref<640x128xf32, #tpu.memory_space<vmem_shared>>) dst(%dma_wait3A_45 : memref<640x128xf32, #tpu.memory_space<hbm>>)
        tpu.yield
      }) : () -> ()
    } else {
    }
    return
  }
}

#map = affine_map<(d0, d1) -> (0, 0)>
#map1 = affine_map<(d0, d1) -> (0, 0, 0)>
module attributes {stable_mosaic.version = 14 : i64} {
  func.func @_agg_body(%arg0: i32, %arg1: i32, %arg2: memref<10000x128xf32, #tpu.memory_space<hbm>>, %arg3: memref<10000x128xf32, #tpu.memory_space<hbm>>, %arg4: memref<16x157x128xi32, #tpu.memory_space<hbm>>, %arg5: memref<10240x128xf32, #tpu.memory_space<hbm>>, %arg6: memref<10240x128xf32, #tpu.memory_space<hbm>>, %arg7: memref<157x128xi32, #tpu.memory_space<vmem>>, %arg8: memref<1x128xi32, #tpu.memory_space<vmem>>, %arg9: memref<1x128xi32, #tpu.memory_space<vmem>>, %arg10: memref<128x128xf32, #tpu.memory_space<vmem>>, %arg11: memref<10240x128xf32, #tpu.memory_space<vmem_shared>>, %arg12: memref<!tpu.dma_semaphore, #tpu.memory_space<semaphore_mem>>) attributes {dimension_semantics = [#tpu.dimension_semantics<core_parallel>, #tpu.dimension_semantics<subcore_parallel>], iteration_bounds = array<i64: 2, 16>, scalar_prefetch = 0 : i64, scratch_operands = 6 : i64, tpu.core_type = #tpu.core_type<sc_vector_subcore>, window_params = [{transform_indices = #map}, {transform_indices = #map}, {transform_indices = #map1}, {transform_indices = #map}, {transform_indices = #map}]} {
    "tpu.region"() ({
      %run_scoped3A = tpu.sem_alloc : memref<!tpu.dma_semaphore, #tpu.memory_space<semaphore_mem>>
      %dma_start3A = arith.constant 0 : i32
      %dma_start3A_32 = arith.constant 0 : i32
      %dma_start3A_33 = tpu.memref_slice %arg4[%arg1, %dma_start3A, %dma_start3A_32] : memref<16x157x128xi32, #tpu.memory_space<hbm>> -> memref<1x157x128xi32, #tpu.memory_space<hbm>>
      %dma_start3A_34 = tpu.memref_squeeze %dma_start3A_33 : memref<1x157x128xi32, #tpu.memory_space<hbm>> -> memref<157x128xi32, #tpu.memory_space<hbm>>
      %dma_start3A_35 = arith.constant 0 : i32
      %dma_start3A_36 = arith.constant 0 : i32
      %dma_start3A_37 = tpu.memref_slice %arg4[%arg1, %dma_start3A_35, %dma_start3A_36] : memref<16x157x128xi32, #tpu.memory_space<hbm>> -> memref<1x157x128xi32, #tpu.memory_space<hbm>>
      %dma_start3A_38 = tpu.memref_squeeze %dma_start3A_37 : memref<1x157x128xi32, #tpu.memory_space<hbm>> -> memref<157x128xi32, #tpu.memory_space<hbm>>
      tpu.enqueue_dma source(%dma_start3A_38 : memref<157x128xi32, #tpu.memory_space<hbm>>) target(%arg7 : memref<157x128xi32, #tpu.memory_space<vmem>>) target_semaphore(%run_scoped3A : memref<!tpu.dma_semaphore, #tpu.memory_space<semaphore_mem>>)
      %dma_wait3A = arith.constant 0 : i32
      %dma_wait3A_39 = arith.constant 0 : i32
      %dma_wait3A_40 = tpu.memref_slice %arg4[%arg1, %dma_wait3A, %dma_wait3A_39] : memref<16x157x128xi32, #tpu.memory_space<hbm>> -> memref<1x157x128xi32, #tpu.memory_space<hbm>>
      %dma_wait3A_41 = tpu.memref_squeeze %dma_wait3A_40 : memref<1x157x128xi32, #tpu.memory_space<hbm>> -> memref<157x128xi32, #tpu.memory_space<hbm>>
      %dma_wait3A_42 = arith.constant 0 : i32
      %dma_wait3A_43 = arith.constant 0 : i32
      %dma_wait3A_44 = tpu.memref_slice %arg4[%arg1, %dma_wait3A_42, %dma_wait3A_43] : memref<16x157x128xi32, #tpu.memory_space<hbm>> -> memref<1x157x128xi32, #tpu.memory_space<hbm>>
      %dma_wait3A_45 = tpu.memref_squeeze %dma_wait3A_44 : memref<1x157x128xi32, #tpu.memory_space<hbm>> -> memref<157x128xi32, #tpu.memory_space<hbm>>
      tpu.wait_dma2 semaphore(%run_scoped3A : memref<!tpu.dma_semaphore, #tpu.memory_space<semaphore_mem>>) src(%dma_wait3A_45 : memref<157x128xi32, #tpu.memory_space<hbm>>) dst(%arg7 : memref<157x128xi32, #tpu.memory_space<vmem>>)
      tpu.yield
    }) : () -> ()
    %broadcast_in_dim3A = arith.constant 0.000000e+00 : f32
    %broadcast_in_dim3A_0 = vector.broadcast %broadcast_in_dim3A : f32 to vector<16xf32>
    %scan3A = arith.constant 0 : i32
    %scan3A_1 = arith.constant 0 : i32
    %scan3A_2 = arith.constant 128 : i32
    %scan3A_3 = arith.addi %scan3A_1, %scan3A_2 : i32
    %scan3A_4 = arith.constant 1 : i32
    %scan3A_5 = scf.for %scan3A_32 = %scan3A_1 to %scan3A_3 step %scan3A_4 iter_args(%scan3A_33 = %scan3A) -> (i32)  : i32 {
      %swap3A = arith.index_cast %scan3A_32 : i32 to index
      %swap3A_34 = arith.constant 0 : index
      %swap3A_35 = tpu.vector_load %arg10[%swap3A, %swap3A_34] {strides = array<i32>} : memref<128x128xf32, #tpu.memory_space<vmem>>, vector<1x16xf32>,
      %swap3A_36 = vector.shape_cast %swap3A_35 : vector<1x16xf32> to vector<16xf32>
      %swap3A_37 = vector.shape_cast %broadcast_in_dim3A_0 : vector<16xf32> to vector<1x16xf32>
      tpu.vector_store %arg10[%swap3A, %swap3A_34], %swap3A_37 {strides = array<i32>} : memref<128x128xf32, #tpu.memory_space<vmem>>, vector<1x16xf32>,
      %swap3A_38 = arith.index_cast %scan3A_32 : i32 to index
      %swap3A_39 = arith.constant 16 : index
      %swap3A_40 = tpu.vector_load %arg10[%swap3A_38, %swap3A_39] {strides = array<i32>} : memref<128x128xf32, #tpu.memory_space<vmem>>, vector<1x16xf32>,
      %swap3A_41 = vector.shape_cast %swap3A_40 : vector<1x16xf32> to vector<16xf32>
      %swap3A_42 = vector.shape_cast %broadcast_in_dim3A_0 : vector<16xf32> to vector<1x16xf32>
      tpu.vector_store %arg10[%swap3A_38, %swap3A_39], %swap3A_42 {strides = array<i32>} : memref<128x128xf32, #tpu.memory_space<vmem>>, vector<1x16xf32>,
      %swap3A_43 = arith.index_cast %scan3A_32 : i32 to index
      %swap3A_44 = arith.constant 32 : index
      %swap3A_45 = tpu.vector_load %arg10[%swap3A_43, %swap3A_44] {strides = array<i32>} : memref<128x128xf32, #tpu.memory_space<vmem>>, vector<1x16xf32>,
      %swap3A_46 = vector.shape_cast %swap3A_45 : vector<1x16xf32> to vector<16xf32>
      %swap3A_47 = vector.shape_cast %broadcast_in_dim3A_0 : vector<16xf32> to vector<1x16xf32>
      tpu.vector_store %arg10[%swap3A_43, %swap3A_44], %swap3A_47 {strides = array<i32>} : memref<128x128xf32, #tpu.memory_space<vmem>>, vector<1x16xf32>,
      %swap3A_48 = arith.index_cast %scan3A_32 : i32 to index
      %swap3A_49 = arith.constant 48 : index
      %swap3A_50 = tpu.vector_load %arg10[%swap3A_48, %swap3A_49] {strides = array<i32>} : memref<128x128xf32, #tpu.memory_space<vmem>>, vector<1x16xf32>,
      %swap3A_51 = vector.shape_cast %swap3A_50 : vector<1x16xf32> to vector<16xf32>
      %swap3A_52 = vector.shape_cast %broadcast_in_dim3A_0 : vector<16xf32> to vector<1x16xf32>
      tpu.vector_store %arg10[%swap3A_48, %swap3A_49], %swap3A_52 {strides = array<i32>} : memref<128x128xf32, #tpu.memory_space<vmem>>, vector<1x16xf32>,
      %swap3A_53 = arith.index_cast %scan3A_32 : i32 to index
      %swap3A_54 = arith.constant 64 : index
      %swap3A_55 = tpu.vector_load %arg10[%swap3A_53, %swap3A_54] {strides = array<i32>} : memref<128x128xf32, #tpu.memory_space<vmem>>, vector<1x16xf32>,
      %swap3A_56 = vector.shape_cast %swap3A_55 : vector<1x16xf32> to vector<16xf32>
      %swap3A_57 = vector.shape_cast %broadcast_in_dim3A_0 : vector<16xf32> to vector<1x16xf32>
      tpu.vector_store %arg10[%swap3A_53, %swap3A_54], %swap3A_57 {strides = array<i32>} : memref<128x128xf32, #tpu.memory_space<vmem>>, vector<1x16xf32>,
      %swap3A_58 = arith.index_cast %scan3A_32 : i32 to index
      %swap3A_59 = arith.constant 80 : index
      %swap3A_60 = tpu.vector_load %arg10[%swap3A_58, %swap3A_59] {strides = array<i32>} : memref<128x128xf32, #tpu.memory_space<vmem>>, vector<1x16xf32>,
      %swap3A_61 = vector.shape_cast %swap3A_60 : vector<1x16xf32> to vector<16xf32>
      %swap3A_62 = vector.shape_cast %broadcast_in_dim3A_0 : vector<16xf32> to vector<1x16xf32>
      tpu.vector_store %arg10[%swap3A_58, %swap3A_59], %swap3A_62 {strides = array<i32>} : memref<128x128xf32, #tpu.memory_space<vmem>>, vector<1x16xf32>,
      %swap3A_63 = arith.index_cast %scan3A_32 : i32 to index
      %swap3A_64 = arith.constant 96 : index
      %swap3A_65 = tpu.vector_load %arg10[%swap3A_63, %swap3A_64] {strides = array<i32>} : memref<128x128xf32, #tpu.memory_space<vmem>>, vector<1x16xf32>,
      %swap3A_66 = vector.shape_cast %swap3A_65 : vector<1x16xf32> to vector<16xf32>
      %swap3A_67 = vector.shape_cast %broadcast_in_dim3A_0 : vector<16xf32> to vector<1x16xf32>
      tpu.vector_store %arg10[%swap3A_63, %swap3A_64], %swap3A_67 {strides = array<i32>} : memref<128x128xf32, #tpu.memory_space<vmem>>, vector<1x16xf32>,
      %swap3A_68 = arith.index_cast %scan3A_32 : i32 to index
      %swap3A_69 = arith.constant 112 : index
      %swap3A_70 = tpu.vector_load %arg10[%swap3A_68, %swap3A_69] {strides = array<i32>} : memref<128x128xf32, #tpu.memory_space<vmem>>, vector<1x16xf32>,
      %swap3A_71 = vector.shape_cast %swap3A_70 : vector<1x16xf32> to vector<16xf32>
      %swap3A_72 = vector.shape_cast %broadcast_in_dim3A_0 : vector<16xf32> to vector<1x16xf32>
      tpu.vector_store %arg10[%swap3A_68, %swap3A_69], %swap3A_72 {strides = array<i32>} : memref<128x128xf32, #tpu.memory_space<vmem>>, vector<1x16xf32>,
      %scan3A_73 = arith.constant 0 : i32
      scf.yield %scan3A_73 : i32
    }
    %scan3A_6 = arith.constant 128 : i32
    %mul3A = arith.constant 640 : i32
    %mul3A_7 = arith.muli %arg1, %mul3A : i32
    %add3A = arith.constant 0 : i32
    %add3A_8 = arith.addi %mul3A_7, %add3A : i32
    "tpu.region"() ({
      %run_scoped3A = tpu.sem_alloc : memref<!tpu.dma_semaphore, #tpu.memory_space<semaphore_mem>>
      %dma_start3A = arith.constant 0 : i32
      %dma_start3A_32 = tpu.memref_slice %arg11[%add3A_8, %dma_start3A] : memref<10240x128xf32, #tpu.memory_space<vmem_shared>> -> memref<128x128xf32, #tpu.memory_space<vmem_shared>>
      %dma_start3A_33 = arith.constant 0 : i32
      %dma_start3A_34 = tpu.memref_slice %arg11[%add3A_8, %dma_start3A_33] : memref<10240x128xf32, #tpu.memory_space<vmem_shared>> -> memref<128x128xf32, #tpu.memory_space<vmem_shared>>
      tpu.enqueue_dma source(%arg10 : memref<128x128xf32, #tpu.memory_space<vmem>>) target(%dma_start3A_34 : memref<128x128xf32, #tpu.memory_space<vmem_shared>>) target_semaphore(%run_scoped3A : memref<!tpu.dma_semaphore, #tpu.memory_space<semaphore_mem>>)
      %dma_wait3A = arith.constant 0 : i32
      %dma_wait3A_35 = tpu.memref_slice %arg11[%add3A_8, %dma_wait3A] : memref<10240x128xf32, #tpu.memory_space<vmem_shared>> -> memref<128x128xf32, #tpu.memory_space<vmem_shared>>
      %dma_wait3A_36 = arith.constant 0 : i32
      %dma_wait3A_37 = tpu.memref_slice %arg11[%add3A_8, %dma_wait3A_36] : memref<10240x128xf32, #tpu.memory_space<vmem_shared>> -> memref<128x128xf32, #tpu.memory_space<vmem_shared>>
      tpu.wait_dma2 semaphore(%run_scoped3A : memref<!tpu.dma_semaphore, #tpu.memory_space<semaphore_mem>>) src(%arg10 : memref<128x128xf32, #tpu.memory_space<vmem>>) dst(%dma_wait3A_37 : memref<128x128xf32, #tpu.memory_space<vmem_shared>>)
      tpu.yield
    }) : () -> ()
    %mul3A_9 = arith.constant 640 : i32
    %mul3A_10 = arith.muli %arg1, %mul3A_9 : i32
    %add3A_11 = arith.constant 128 : i32
    %add3A_12 = arith.addi %mul3A_10, %add3A_11 : i32
    "tpu.region"() ({
      %run_scoped3A = tpu.sem_alloc : memref<!tpu.dma_semaphore, #tpu.memory_space<semaphore_mem>>
      %dma_start3A = arith.constant 0 : i32
      %dma_start3A_32 = tpu.memref_slice %arg11[%add3A_12, %dma_start3A] : memref<10240x128xf32, #tpu.memory_space<vmem_shared>> -> memref<128x128xf32, #tpu.memory_space<vmem_shared>>
      %dma_start3A_33 = arith.constant 0 : i32
      %dma_start3A_34 = tpu.memref_slice %arg11[%add3A_12, %dma_start3A_33] : memref<10240x128xf32, #tpu.memory_space<vmem_shared>> -> memref<128x128xf32, #tpu.memory_space<vmem_shared>>
      tpu.enqueue_dma source(%arg10 : memref<128x128xf32, #tpu.memory_space<vmem>>) target(%dma_start3A_34 : memref<128x128xf32, #tpu.memory_space<vmem_shared>>) target_semaphore(%run_scoped3A : memref<!tpu.dma_semaphore, #tpu.memory_space<semaphore_mem>>)
      %dma_wait3A = arith.constant 0 : i32
      %dma_wait3A_35 = tpu.memref_slice %arg11[%add3A_12, %dma_wait3A] : memref<10240x128xf32, #tpu.memory_space<vmem_shared>> -> memref<128x128xf32, #tpu.memory_space<vmem_shared>>
      %dma_wait3A_36 = arith.constant 0 : i32
      %dma_wait3A_37 = tpu.memref_slice %arg11[%add3A_12, %dma_wait3A_36] : memref<10240x128xf32, #tpu.memory_space<vmem_shared>> -> memref<128x128xf32, #tpu.memory_space<vmem_shared>>
      tpu.wait_dma2 semaphore(%run_scoped3A : memref<!tpu.dma_semaphore, #tpu.memory_space<semaphore_mem>>) src(%arg10 : memref<128x128xf32, #tpu.memory_space<vmem>>) dst(%dma_wait3A_37 : memref<128x128xf32, #tpu.memory_space<vmem_shared>>)
      tpu.yield
    }) : () -> ()
    %mul3A_13 = arith.constant 640 : i32
    %mul3A_14 = arith.muli %arg1, %mul3A_13 : i32
    %add3A_15 = arith.constant 256 : i32
    %add3A_16 = arith.addi %mul3A_14, %add3A_15 : i32
    "tpu.region"() ({
      %run_scoped3A = tpu.sem_alloc : memref<!tpu.dma_semaphore, #tpu.memory_space<semaphore_mem>>
      %dma_start3A = arith.constant 0 : i32
      %dma_start3A_32 = tpu.memref_slice %arg11[%add3A_16, %dma_start3A] : memref<10240x128xf32, #tpu.memory_space<vmem_shared>> -> memref<128x128xf32, #tpu.memory_space<vmem_shared>>
      %dma_start3A_33 = arith.constant 0 : i32
      %dma_start3A_34 = tpu.memref_slice %arg11[%add3A_16, %dma_start3A_33] : memref<10240x128xf32, #tpu.memory_space<vmem_shared>> -> memref<128x128xf32, #tpu.memory_space<vmem_shared>>
      tpu.enqueue_dma source(%arg10 : memref<128x128xf32, #tpu.memory_space<vmem>>) target(%dma_start3A_34 : memref<128x128xf32, #tpu.memory_space<vmem_shared>>) target_semaphore(%run_scoped3A : memref<!tpu.dma_semaphore, #tpu.memory_space<semaphore_mem>>)
      %dma_wait3A = arith.constant 0 : i32
      %dma_wait3A_35 = tpu.memref_slice %arg11[%add3A_16, %dma_wait3A] : memref<10240x128xf32, #tpu.memory_space<vmem_shared>> -> memref<128x128xf32, #tpu.memory_space<vmem_shared>>
      %dma_wait3A_36 = arith.constant 0 : i32
      %dma_wait3A_37 = tpu.memref_slice %arg11[%add3A_16, %dma_wait3A_36] : memref<10240x128xf32, #tpu.memory_space<vmem_shared>> -> memref<128x128xf32, #tpu.memory_space<vmem_shared>>
      tpu.wait_dma2 semaphore(%run_scoped3A : memref<!tpu.dma_semaphore, #tpu.memory_space<semaphore_mem>>) src(%arg10 : memref<128x128xf32, #tpu.memory_space<vmem>>) dst(%dma_wait3A_37 : memref<128x128xf32, #tpu.memory_space<vmem_shared>>)
      tpu.yield
    }) : () -> ()
    %mul3A_17 = arith.constant 640 : i32
    %mul3A_18 = arith.muli %arg1, %mul3A_17 : i32
    %add3A_19 = arith.constant 384 : i32
    %add3A_20 = arith.addi %mul3A_18, %add3A_19 : i32
    "tpu.region"() ({
      %run_scoped3A = tpu.sem_alloc : memref<!tpu.dma_semaphore, #tpu.memory_space<semaphore_mem>>
      %dma_start3A = arith.constant 0 : i32
      %dma_start3A_32 = tpu.memref_slice %arg11[%add3A_20, %dma_start3A] : memref<10240x128xf32, #tpu.memory_space<vmem_shared>> -> memref<128x128xf32, #tpu.memory_space<vmem_shared>>
      %dma_start3A_33 = arith.constant 0 : i32
      %dma_start3A_34 = tpu.memref_slice %arg11[%add3A_20, %dma_start3A_33] : memref<10240x128xf32, #tpu.memory_space<vmem_shared>> -> memref<128x128xf32, #tpu.memory_space<vmem_shared>>
      tpu.enqueue_dma source(%arg10 : memref<128x128xf32, #tpu.memory_space<vmem>>) target(%dma_start3A_34 : memref<128x128xf32, #tpu.memory_space<vmem_shared>>) target_semaphore(%run_scoped3A : memref<!tpu.dma_semaphore, #tpu.memory_space<semaphore_mem>>)
      %dma_wait3A = arith.constant 0 : i32
      %dma_wait3A_35 = tpu.memref_slice %arg11[%add3A_20, %dma_wait3A] : memref<10240x128xf32, #tpu.memory_space<vmem_shared>> -> memref<128x128xf32, #tpu.memory_space<vmem_shared>>
      %dma_wait3A_36 = arith.constant 0 : i32
      %dma_wait3A_37 = tpu.memref_slice %arg11[%add3A_20, %dma_wait3A_36] : memref<10240x128xf32, #tpu.memory_space<vmem_shared>> -> memref<128x128xf32, #tpu.memory_space<vmem_shared>>
      tpu.wait_dma2 semaphore(%run_scoped3A : memref<!tpu.dma_semaphore, #tpu.memory_space<semaphore_mem>>) src(%arg10 : memref<128x128xf32, #tpu.memory_space<vmem>>) dst(%dma_wait3A_37 : memref<128x128xf32, #tpu.memory_space<vmem_shared>>)
      tpu.yield
    }) : () -> ()
    %mul3A_21 = arith.constant 640 : i32
    %mul3A_22 = arith.muli %arg1, %mul3A_21 : i32
    %add3A_23 = arith.constant 512 : i32
    %add3A_24 = arith.addi %mul3A_22, %add3A_23 : i32
    "tpu.region"() ({
      %run_scoped3A = tpu.sem_alloc : memref<!tpu.dma_semaphore, #tpu.memory_space<semaphore_mem>>
      %dma_start3A = arith.constant 0 : i32
      %dma_start3A_32 = tpu.memref_slice %arg11[%add3A_24, %dma_start3A] : memref<10240x128xf32, #tpu.memory_space<vmem_shared>> -> memref<128x128xf32, #tpu.memory_space<vmem_shared>>
      %dma_start3A_33 = arith.constant 0 : i32
      %dma_start3A_34 = tpu.memref_slice %arg11[%add3A_24, %dma_start3A_33] : memref<10240x128xf32, #tpu.memory_space<vmem_shared>> -> memref<128x128xf32, #tpu.memory_space<vmem_shared>>
      tpu.enqueue_dma source(%arg10 : memref<128x128xf32, #tpu.memory_space<vmem>>) target(%dma_start3A_34 : memref<128x128xf32, #tpu.memory_space<vmem_shared>>) target_semaphore(%run_scoped3A : memref<!tpu.dma_semaphore, #tpu.memory_space<semaphore_mem>>)
      %dma_wait3A = arith.constant 0 : i32
      %dma_wait3A_35 = tpu.memref_slice %arg11[%add3A_24, %dma_wait3A] : memref<10240x128xf32, #tpu.memory_space<vmem_shared>> -> memref<128x128xf32, #tpu.memory_space<vmem_shared>>
      %dma_wait3A_36 = arith.constant 0 : i32
      %dma_wait3A_37 = tpu.memref_slice %arg11[%add3A_24, %dma_wait3A_36] : memref<10240x128xf32, #tpu.memory_space<vmem_shared>> -> memref<128x128xf32, #tpu.memory_space<vmem_shared>>
      tpu.wait_dma2 semaphore(%run_scoped3A : memref<!tpu.dma_semaphore, #tpu.memory_space<semaphore_mem>>) src(%arg10 : memref<128x128xf32, #tpu.memory_space<vmem>>) dst(%dma_wait3A_37 : memref<128x128xf32, #tpu.memory_space<vmem_shared>>)
      tpu.yield
    }) : () -> ()
    %barrier3A = arith.constant 0 : index
    tpu.barrier barrier_id(%barrier3A)
    %eq3A = arith.constant 0 : i32
    %eq3A_25 = arith.cmpi eq, %arg0, %eq3A : i32
    %convert_element_type3A = arith.extui %eq3A_25 : i1 to i32
    %cond3A = arith.constant 0 : i32
    %cond3A_26 = arith.cmpi ne, %convert_element_type3A, %cond3A : i32
    scf.if %cond3A_26 {
      %scan3A_32 = arith.constant 0 : i32
      %scan3A_33 = arith.constant 0 : i32
      %scan3A_34 = arith.constant 157 : i32
      %scan3A_35 = arith.addi %scan3A_33, %scan3A_34 : i32
      %scan3A_36 = arith.constant 1 : i32
      %scan3A_37 = scf.for %scan3A_42 = %scan3A_33 to %scan3A_35 step %scan3A_36 iter_args(%scan3A_43 = %scan3A_32) -> (i32)  : i32 {
        %get3A = arith.index_cast %scan3A_42 : i32 to index
        %get3A_44 = arith.constant 0 : index
        %get3A_45 = tpu.vector_load %arg7[%get3A, %get3A_44] {strides = array<i32>} : memref<157x128xi32, #tpu.memory_space<vmem>>, vector<1x16xi32>,
        %get3A_46 = vector.shape_cast %get3A_45 : vector<1x16xi32> to vector<16xi32>
        %and3A = arith.constant 16383 : i32
        %and3A_47 = vector.broadcast %and3A : i32 to vector<16xi32>
        %and3A_48 = arith.andi %get3A_46, %and3A_47 : vector<16xi32>
        %swap3A = arith.constant 0 : i32
        %swap3A_49 = arith.index_cast %swap3A : i32 to index
        %swap3A_50 = arith.constant 0 : index
        %swap3A_51 = tpu.vector_load %arg8[%swap3A_49, %swap3A_50] {strides = array<i32>} : memref<1x128xi32, #tpu.memory_space<vmem>>, vector<1x16xi32>,
        %swap3A_52 = vector.shape_cast %swap3A_51 : vector<1x16xi32> to vector<16xi32>
        %swap3A_53 = vector.shape_cast %and3A_48 : vector<16xi32> to vector<1x16xi32>
        tpu.vector_store %arg8[%swap3A_49, %swap3A_50], %swap3A_53 {strides = array<i32>} : memref<1x128xi32, #tpu.memory_space<vmem>>, vector<1x16xi32>,
        %shift_right_logical3A = arith.constant 14 : i32
        %shift_right_logical3A_54 = vector.broadcast %shift_right_logical3A : i32 to vector<16xi32>
        %shift_right_logical3A_55 = arith.shrui %get3A_46, %shift_right_logical3A_54 : vector<16xi32>
        %swap3A_56 = arith.constant 0 : i32
        %swap3A_57 = arith.index_cast %swap3A_56 : i32 to index
        %swap3A_58 = arith.constant 0 : index
        %swap3A_59 = tpu.vector_load %arg9[%swap3A_57, %swap3A_58] {strides = array<i32>} : memref<1x128xi32, #tpu.memory_space<vmem>>, vector<1x16xi32>,
        %swap3A_60 = vector.shape_cast %swap3A_59 : vector<1x16xi32> to vector<16xi32>
        %swap3A_61 = vector.shape_cast %shift_right_logical3A_55 : vector<16xi32> to vector<1x16xi32>
        tpu.vector_store %arg9[%swap3A_57, %swap3A_58], %swap3A_61 {strides = array<i32>} : memref<1x128xi32, #tpu.memory_space<vmem>>, vector<1x16xi32>,
        %get3A_62 = arith.index_cast %scan3A_42 : i32 to index
        %get3A_63 = arith.constant 16 : index
        %get3A_64 = tpu.vector_load %arg7[%get3A_62, %get3A_63] {strides = array<i32>} : memref<157x128xi32, #tpu.memory_space<vmem>>, vector<1x16xi32>,
        %get3A_65 = vector.shape_cast %get3A_64 : vector<1x16xi32> to vector<16xi32>
        %and3A_66 = arith.constant 16383 : i32
        %and3A_67 = vector.broadcast %and3A_66 : i32 to vector<16xi32>
        %and3A_68 = arith.andi %get3A_65, %and3A_67 : vector<16xi32>
        %swap3A_69 = arith.constant 0 : i32
        %swap3A_70 = arith.index_cast %swap3A_69 : i32 to index
        %swap3A_71 = arith.constant 16 : index
        %swap3A_72 = tpu.vector_load %arg8[%swap3A_70, %swap3A_71] {strides = array<i32>} : memref<1x128xi32, #tpu.memory_space<vmem>>, vector<1x16xi32>,
        %swap3A_73 = vector.shape_cast %swap3A_72 : vector<1x16xi32> to vector<16xi32>
        %swap3A_74 = vector.shape_cast %and3A_68 : vector<16xi32> to vector<1x16xi32>
        tpu.vector_store %arg8[%swap3A_70, %swap3A_71], %swap3A_74 {strides = array<i32>} : memref<1x128xi32, #tpu.memory_space<vmem>>, vector<1x16xi32>,
        %shift_right_logical3A_75 = arith.constant 14 : i32
        %shift_right_logical3A_76 = vector.broadcast %shift_right_logical3A_75 : i32 to vector<16xi32>
        %shift_right_logical3A_77 = arith.shrui %get3A_65, %shift_right_logical3A_76 : vector<16xi32>
        %swap3A_78 = arith.constant 0 : i32
        %swap3A_79 = arith.index_cast %swap3A_78 : i32 to index
        %swap3A_80 = arith.constant 16 : index
        %swap3A_81 = tpu.vector_load %arg9[%swap3A_79, %swap3A_80] {strides = array<i32>} : memref<1x128xi32, #tpu.memory_space<vmem>>, vector<1x16xi32>,
        %swap3A_82 = vector.shape_cast %swap3A_81 : vector<1x16xi32> to vector<16xi32>
        %swap3A_83 = vector.shape_cast %shift_right_logical3A_77 : vector<16xi32> to vector<1x16xi32>
        tpu.vector_store %arg9[%swap3A_79, %swap3A_80], %swap3A_83 {strides = array<i32>} : memref<1x128xi32, #tpu.memory_space<vmem>>, vector<1x16xi32>,
        %get3A_84 = arith.index_cast %scan3A_42 : i32 to index
        %get3A_85 = arith.constant 32 : index
        %get3A_86 = tpu.vector_load %arg7[%get3A_84, %get3A_85] {strides = array<i32>} : memref<157x128xi32, #tpu.memory_space<vmem>>, vector<1x16xi32>,
        %get3A_87 = vector.shape_cast %get3A_86 : vector<1x16xi32> to vector<16xi32>
        %and3A_88 = arith.constant 16383 : i32
        %and3A_89 = vector.broadcast %and3A_88 : i32 to vector<16xi32>
        %and3A_90 = arith.andi %get3A_87, %and3A_89 : vector<16xi32>
        %swap3A_91 = arith.constant 0 : i32
        %swap3A_92 = arith.index_cast %swap3A_91 : i32 to index
        %swap3A_93 = arith.constant 32 : index
        %swap3A_94 = tpu.vector_load %arg8[%swap3A_92, %swap3A_93] {strides = array<i32>} : memref<1x128xi32, #tpu.memory_space<vmem>>, vector<1x16xi32>,
        %swap3A_95 = vector.shape_cast %swap3A_94 : vector<1x16xi32> to vector<16xi32>
        %swap3A_96 = vector.shape_cast %and3A_90 : vector<16xi32> to vector<1x16xi32>
        tpu.vector_store %arg8[%swap3A_92, %swap3A_93], %swap3A_96 {strides = array<i32>} : memref<1x128xi32, #tpu.memory_space<vmem>>, vector<1x16xi32>,
        %shift_right_logical3A_97 = arith.constant 14 : i32
        %shift_right_logical3A_98 = vector.broadcast %shift_right_logical3A_97 : i32 to vector<16xi32>
        %shift_right_logical3A_99 = arith.shrui %get3A_87, %shift_right_logical3A_98 : vector<16xi32>
        %swap3A_100 = arith.constant 0 : i32
        %swap3A_101 = arith.index_cast %swap3A_100 : i32 to index
        %swap3A_102 = arith.constant 32 : index
        %swap3A_103 = tpu.vector_load %arg9[%swap3A_101, %swap3A_102] {strides = array<i32>} : memref<1x128xi32, #tpu.memory_space<vmem>>, vector<1x16xi32>,
        %swap3A_104 = vector.shape_cast %swap3A_103 : vector<1x16xi32> to vector<16xi32>
        %swap3A_105 = vector.shape_cast %shift_right_logical3A_99 : vector<16xi32> to vector<1x16xi32>
        tpu.vector_store %arg9[%swap3A_101, %swap3A_102], %swap3A_105 {strides = array<i32>} : memref<1x128xi32, #tpu.memory_space<vmem>>, vector<1x16xi32>,
        %get3A_106 = arith.index_cast %scan3A_42 : i32 to index
        %get3A_107 = arith.constant 48 : index
        %get3A_108 = tpu.vector_load %arg7[%get3A_106, %get3A_107] {strides = array<i32>} : memref<157x128xi32, #tpu.memory_space<vmem>>, vector<1x16xi32>,
        %get3A_109 = vector.shape_cast %get3A_108 : vector<1x16xi32> to vector<16xi32>
        %and3A_110 = arith.constant 16383 : i32
        %and3A_111 = vector.broadcast %and3A_110 : i32 to vector<16xi32>
        %and3A_112 = arith.andi %get3A_109, %and3A_111 : vector<16xi32>
        %swap3A_113 = arith.constant 0 : i32
        %swap3A_114 = arith.index_cast %swap3A_113 : i32 to index
        %swap3A_115 = arith.constant 48 : index
        %swap3A_116 = tpu.vector_load %arg8[%swap3A_114, %swap3A_115] {strides = array<i32>} : memref<1x128xi32, #tpu.memory_space<vmem>>, vector<1x16xi32>,
        %swap3A_117 = vector.shape_cast %swap3A_116 : vector<1x16xi32> to vector<16xi32>
        %swap3A_118 = vector.shape_cast %and3A_112 : vector<16xi32> to vector<1x16xi32>
        tpu.vector_store %arg8[%swap3A_114, %swap3A_115], %swap3A_118 {strides = array<i32>} : memref<1x128xi32, #tpu.memory_space<vmem>>, vector<1x16xi32>,
        %shift_right_logical3A_119 = arith.constant 14 : i32
        %shift_right_logical3A_120 = vector.broadcast %shift_right_logical3A_119 : i32 to vector<16xi32>
        %shift_right_logical3A_121 = arith.shrui %get3A_109, %shift_right_logical3A_120 : vector<16xi32>
        %swap3A_122 = arith.constant 0 : i32
        %swap3A_123 = arith.index_cast %swap3A_122 : i32 to index
        %swap3A_124 = arith.constant 48 : index
        %swap3A_125 = tpu.vector_load %arg9[%swap3A_123, %swap3A_124] {strides = array<i32>} : memref<1x128xi32, #tpu.memory_space<vmem>>, vector<1x16xi32>,
        %swap3A_126 = vector.shape_cast %swap3A_125 : vector<1x16xi32> to vector<16xi32>
        %swap3A_127 = vector.shape_cast %shift_right_logical3A_121 : vector<16xi32> to vector<1x16xi32>
        tpu.vector_store %arg9[%swap3A_123, %swap3A_124], %swap3A_127 {strides = array<i32>} : memref<1x128xi32, #tpu.memory_space<vmem>>, vector<1x16xi32>,
        %get3A_128 = arith.index_cast %scan3A_42 : i32 to index
        %get3A_129 = arith.constant 64 : index
        %get3A_130 = tpu.vector_load %arg7[%get3A_128, %get3A_129] {strides = array<i32>} : memref<157x128xi32, #tpu.memory_space<vmem>>, vector<1x16xi32>,
        %get3A_131 = vector.shape_cast %get3A_130 : vector<1x16xi32> to vector<16xi32>
        %and3A_132 = arith.constant 16383 : i32
        %and3A_133 = vector.broadcast %and3A_132 : i32 to vector<16xi32>
        %and3A_134 = arith.andi %get3A_131, %and3A_133 : vector<16xi32>
        %swap3A_135 = arith.constant 0 : i32
        %swap3A_136 = arith.index_cast %swap3A_135 : i32 to index
        %swap3A_137 = arith.constant 64 : index
        %swap3A_138 = tpu.vector_load %arg8[%swap3A_136, %swap3A_137] {strides = array<i32>} : memref<1x128xi32, #tpu.memory_space<vmem>>, vector<1x16xi32>,
        %swap3A_139 = vector.shape_cast %swap3A_138 : vector<1x16xi32> to vector<16xi32>
        %swap3A_140 = vector.shape_cast %and3A_134 : vector<16xi32> to vector<1x16xi32>
        tpu.vector_store %arg8[%swap3A_136, %swap3A_137], %swap3A_140 {strides = array<i32>} : memref<1x128xi32, #tpu.memory_space<vmem>>, vector<1x16xi32>,
        %shift_right_logical3A_141 = arith.constant 14 : i32
        %shift_right_logical3A_142 = vector.broadcast %shift_right_logical3A_141 : i32 to vector<16xi32>
        %shift_right_logical3A_143 = arith.shrui %get3A_131, %shift_right_logical3A_142 : vector<16xi32>
        %swap3A_144 = arith.constant 0 : i32
        %swap3A_145 = arith.index_cast %swap3A_144 : i32 to index
        %swap3A_146 = arith.constant 64 : index
        %swap3A_147 = tpu.vector_load %arg9[%swap3A_145, %swap3A_146] {strides = array<i32>} : memref<1x128xi32, #tpu.memory_space<vmem>>, vector<1x16xi32>,
        %swap3A_148 = vector.shape_cast %swap3A_147 : vector<1x16xi32> to vector<16xi32>
        %swap3A_149 = vector.shape_cast %shift_right_logical3A_143 : vector<16xi32> to vector<1x16xi32>
        tpu.vector_store %arg9[%swap3A_145, %swap3A_146], %swap3A_149 {strides = array<i32>} : memref<1x128xi32, #tpu.memory_space<vmem>>, vector<1x16xi32>,
        %get3A_150 = arith.index_cast %scan3A_42 : i32 to index
        %get3A_151 = arith.constant 80 : index
        %get3A_152 = tpu.vector_load %arg7[%get3A_150, %get3A_151] {strides = array<i32>} : memref<157x128xi32, #tpu.memory_space<vmem>>, vector<1x16xi32>,
        %get3A_153 = vector.shape_cast %get3A_152 : vector<1x16xi32> to vector<16xi32>
        %and3A_154 = arith.constant 16383 : i32
        %and3A_155 = vector.broadcast %and3A_154 : i32 to vector<16xi32>
        %and3A_156 = arith.andi %get3A_153, %and3A_155 : vector<16xi32>
        %swap3A_157 = arith.constant 0 : i32
        %swap3A_158 = arith.index_cast %swap3A_157 : i32 to index
        %swap3A_159 = arith.constant 80 : index
        %swap3A_160 = tpu.vector_load %arg8[%swap3A_158, %swap3A_159] {strides = array<i32>} : memref<1x128xi32, #tpu.memory_space<vmem>>, vector<1x16xi32>,
        %swap3A_161 = vector.shape_cast %swap3A_160 : vector<1x16xi32> to vector<16xi32>
        %swap3A_162 = vector.shape_cast %and3A_156 : vector<16xi32> to vector<1x16xi32>
        tpu.vector_store %arg8[%swap3A_158, %swap3A_159], %swap3A_162 {strides = array<i32>} : memref<1x128xi32, #tpu.memory_space<vmem>>, vector<1x16xi32>,
        %shift_right_logical3A_163 = arith.constant 14 : i32
        %shift_right_logical3A_164 = vector.broadcast %shift_right_logical3A_163 : i32 to vector<16xi32>
        %shift_right_logical3A_165 = arith.shrui %get3A_153, %shift_right_logical3A_164 : vector<16xi32>
        %swap3A_166 = arith.constant 0 : i32
        %swap3A_167 = arith.index_cast %swap3A_166 : i32 to index
        %swap3A_168 = arith.constant 80 : index
        %swap3A_169 = tpu.vector_load %arg9[%swap3A_167, %swap3A_168] {strides = array<i32>} : memref<1x128xi32, #tpu.memory_space<vmem>>, vector<1x16xi32>,
        %swap3A_170 = vector.shape_cast %swap3A_169 : vector<1x16xi32> to vector<16xi32>
        %swap3A_171 = vector.shape_cast %shift_right_logical3A_165 : vector<16xi32> to vector<1x16xi32>
        tpu.vector_store %arg9[%swap3A_167, %swap3A_168], %swap3A_171 {strides = array<i32>} : memref<1x128xi32, #tpu.memory_space<vmem>>, vector<1x16xi32>,
        %get3A_172 = arith.index_cast %scan3A_42 : i32 to index
        %get3A_173 = arith.constant 96 : index
        %get3A_174 = tpu.vector_load %arg7[%get3A_172, %get3A_173] {strides = array<i32>} : memref<157x128xi32, #tpu.memory_space<vmem>>, vector<1x16xi32>,
        %get3A_175 = vector.shape_cast %get3A_174 : vector<1x16xi32> to vector<16xi32>
        %and3A_176 = arith.constant 16383 : i32
        %and3A_177 = vector.broadcast %and3A_176 : i32 to vector<16xi32>
        %and3A_178 = arith.andi %get3A_175, %and3A_177 : vector<16xi32>
        %swap3A_179 = arith.constant 0 : i32
        %swap3A_180 = arith.index_cast %swap3A_179 : i32 to index
        %swap3A_181 = arith.constant 96 : index
        %swap3A_182 = tpu.vector_load %arg8[%swap3A_180, %swap3A_181] {strides = array<i32>} : memref<1x128xi32, #tpu.memory_space<vmem>>, vector<1x16xi32>,
        %swap3A_183 = vector.shape_cast %swap3A_182 : vector<1x16xi32> to vector<16xi32>
        %swap3A_184 = vector.shape_cast %and3A_178 : vector<16xi32> to vector<1x16xi32>
        tpu.vector_store %arg8[%swap3A_180, %swap3A_181], %swap3A_184 {strides = array<i32>} : memref<1x128xi32, #tpu.memory_space<vmem>>, vector<1x16xi32>,
        %shift_right_logical3A_185 = arith.constant 14 : i32
        %shift_right_logical3A_186 = vector.broadcast %shift_right_logical3A_185 : i32 to vector<16xi32>
        %shift_right_logical3A_187 = arith.shrui %get3A_175, %shift_right_logical3A_186 : vector<16xi32>
        %swap3A_188 = arith.constant 0 : i32
        %swap3A_189 = arith.index_cast %swap3A_188 : i32 to index
        %swap3A_190 = arith.constant 96 : index
        %swap3A_191 = tpu.vector_load %arg9[%swap3A_189, %swap3A_190] {strides = array<i32>} : memref<1x128xi32, #tpu.memory_space<vmem>>, vector<1x16xi32>,
        %swap3A_192 = vector.shape_cast %swap3A_191 : vector<1x16xi32> to vector<16xi32>
        %swap3A_193 = vector.shape_cast %shift_right_logical3A_187 : vector<16xi32> to vector<1x16xi32>
        tpu.vector_store %arg9[%swap3A_189, %swap3A_190], %swap3A_193 {strides = array<i32>} : memref<1x128xi32, #tpu.memory_space<vmem>>, vector<1x16xi32>,
        %get3A_194 = arith.index_cast %scan3A_42 : i32 to index
        %get3A_195 = arith.constant 112 : index
        %get3A_196 = tpu.vector_load %arg7[%get3A_194, %get3A_195] {strides = array<i32>} : memref<157x128xi32, #tpu.memory_space<vmem>>, vector<1x16xi32>,
        %get3A_197 = vector.shape_cast %get3A_196 : vector<1x16xi32> to vector<16xi32>
        %and3A_198 = arith.constant 16383 : i32
        %and3A_199 = vector.broadcast %and3A_198 : i32 to vector<16xi32>
        %and3A_200 = arith.andi %get3A_197, %and3A_199 : vector<16xi32>
        %swap3A_201 = arith.constant 0 : i32
        %swap3A_202 = arith.index_cast %swap3A_201 : i32 to index
        %swap3A_203 = arith.constant 112 : index
        %swap3A_204 = tpu.vector_load %arg8[%swap3A_202, %swap3A_203] {strides = array<i32>} : memref<1x128xi32, #tpu.memory_space<vmem>>, vector<1x16xi32>,
        %swap3A_205 = vector.shape_cast %swap3A_204 : vector<1x16xi32> to vector<16xi32>
        %swap3A_206 = vector.shape_cast %and3A_200 : vector<16xi32> to vector<1x16xi32>
        tpu.vector_store %arg8[%swap3A_202, %swap3A_203], %swap3A_206 {strides = array<i32>} : memref<1x128xi32, #tpu.memory_space<vmem>>, vector<1x16xi32>,
        %shift_right_logical3A_207 = arith.constant 14 : i32
        %shift_right_logical3A_208 = vector.broadcast %shift_right_logical3A_207 : i32 to vector<16xi32>
        %shift_right_logical3A_209 = arith.shrui %get3A_197, %shift_right_logical3A_208 : vector<16xi32>
        %swap3A_210 = arith.constant 0 : i32
        %swap3A_211 = arith.index_cast %swap3A_210 : i32 to index
        %swap3A_212 = arith.constant 112 : index
        %swap3A_213 = tpu.vector_load %arg9[%swap3A_211, %swap3A_212] {strides = array<i32>} : memref<1x128xi32, #tpu.memory_space<vmem>>, vector<1x16xi32>,
        %swap3A_214 = vector.shape_cast %swap3A_213 : vector<1x16xi32> to vector<16xi32>
        %swap3A_215 = vector.shape_cast %shift_right_logical3A_209 : vector<16xi32> to vector<1x16xi32>
        tpu.vector_store %arg9[%swap3A_211, %swap3A_212], %swap3A_215 {strides = array<i32>} : memref<1x128xi32, #tpu.memory_space<vmem>>, vector<1x16xi32>,
        %dma_start3A = arith.constant 0 : i32
        %dma_start3A_216 = arith.constant 0 : i32
        %dma_start3A_217 = tpu.memref_slice %arg8[%dma_start3A, %dma_start3A_216] : memref<1x128xi32, #tpu.memory_space<vmem>> -> memref<1x128xi32, #tpu.memory_space<vmem>>
        %dma_start3A_218 = tpu.memref_squeeze %dma_start3A_217 : memref<1x128xi32, #tpu.memory_space<vmem>> -> memref<128xi32, #tpu.memory_space<vmem>>
        %dma_start3A_219 = arith.constant 0 : i32
        %dma_start3A_220 = arith.constant 0 : i32
        %dma_start3A_221 = tpu.memref_slice %arg2[%dma_start3A_219, %dma_start3A_220] : memref<10000x128xf32, #tpu.memory_space<hbm>> -> memref<10000x128xf32, #tpu.memory_space<hbm>>
        tpu.enqueue_indirect_dma source(%dma_start3A_221 : memref<10000x128xf32, #tpu.memory_space<hbm>>) target(%arg10 : memref<128x128xf32, #tpu.memory_space<vmem>>) offsets(%dma_start3A_218 : memref<128xi32, #tpu.memory_space<vmem>>) semaphore(%arg12 : memref<!tpu.dma_semaphore, #tpu.memory_space<semaphore_mem>>)
        %dma_wait3A = arith.constant 0 : i32
        %dma_wait3A_222 = arith.constant 0 : i32
        %dma_wait3A_223 = tpu.memref_slice %arg8[%dma_wait3A, %dma_wait3A_222] : memref<1x128xi32, #tpu.memory_space<vmem>> -> memref<1x128xi32, #tpu.memory_space<vmem>>
        %dma_wait3A_224 = tpu.memref_squeeze %dma_wait3A_223 : memref<1x128xi32, #tpu.memory_space<vmem>> -> memref<128xi32, #tpu.memory_space<vmem>>
        %dma_wait3A_225 = arith.constant 0 : i32
        %dma_wait3A_226 = arith.constant 0 : i32
        %dma_wait3A_227 = tpu.memref_slice %arg2[%dma_wait3A_225, %dma_wait3A_226] : memref<10000x128xf32, #tpu.memory_space<hbm>> -> memref<10000x128xf32, #tpu.memory_space<hbm>>
        tpu.wait_indirect_dma semaphore(%arg12 : memref<!tpu.dma_semaphore, #tpu.memory_space<semaphore_mem>>) src(%dma_wait3A_227 : memref<10000x128xf32, #tpu.memory_space<hbm>>) dst(%arg10 : memref<128x128xf32, #tpu.memory_space<vmem>>)
        %run_scoped3A = arith.constant 0 : i32
        "tpu.region"() ({
          %run_scoped3A_229 = tpu.sem_alloc : memref<!tpu.dma_semaphore, #tpu.memory_space<semaphore_mem>>
          %dma_start3A_230 = arith.constant 0 : i32
          %dma_start3A_231 = tpu.memref_slice %arg9[%run_scoped3A, %dma_start3A_230] : memref<1x128xi32, #tpu.memory_space<vmem>> -> memref<1x128xi32, #tpu.memory_space<vmem>>
          %dma_start3A_232 = tpu.memref_squeeze %dma_start3A_231 : memref<1x128xi32, #tpu.memory_space<vmem>> -> memref<128xi32, #tpu.memory_space<vmem>>
          %dma_start3A_233 = arith.constant 0 : i32
          %dma_start3A_234 = arith.constant 0 : i32
          %dma_start3A_235 = tpu.memref_slice %arg11[%dma_start3A_233, %dma_start3A_234] : memref<10240x128xf32, #tpu.memory_space<vmem_shared>> -> memref<10240x128xf32, #tpu.memory_space<vmem_shared>>
          tpu.enqueue_indirect_dma source(%arg10 : memref<128x128xf32, #tpu.memory_space<vmem>>) target(%dma_start3A_235 : memref<10240x128xf32, #tpu.memory_space<vmem_shared>>) offsets(%dma_start3A_232 : memref<128xi32, #tpu.memory_space<vmem>>) semaphore(%run_scoped3A_229 : memref<!tpu.dma_semaphore, #tpu.memory_space<semaphore_mem>>) {add = true}
          %dma_wait3A_236 = arith.constant 0 : i32
          %dma_wait3A_237 = tpu.memref_slice %arg9[%run_scoped3A, %dma_wait3A_236] : memref<1x128xi32, #tpu.memory_space<vmem>> -> memref<1x128xi32, #tpu.memory_space<vmem>>
          %dma_wait3A_238 = tpu.memref_squeeze %dma_wait3A_237 : memref<1x128xi32, #tpu.memory_space<vmem>> -> memref<128xi32, #tpu.memory_space<vmem>>
          %dma_wait3A_239 = arith.constant 0 : i32
          %dma_wait3A_240 = arith.constant 0 : i32
          %dma_wait3A_241 = tpu.memref_slice %arg11[%dma_wait3A_239, %dma_wait3A_240] : memref<10240x128xf32, #tpu.memory_space<vmem_shared>> -> memref<10240x128xf32, #tpu.memory_space<vmem_shared>>
          tpu.wait_indirect_dma semaphore(%run_scoped3A_229 : memref<!tpu.dma_semaphore, #tpu.memory_space<semaphore_mem>>) src(%arg10 : memref<128x128xf32, #tpu.memory_space<vmem>>) dst(%dma_wait3A_241 : memref<10240x128xf32, #tpu.memory_space<vmem_shared>>)
          tpu.yield
        }) : () -> ()
        %scan3A_228 = arith.constant 0 : i32
        scf.yield %scan3A_228 : i32
      }
      %scan3A_38 = arith.constant 157 : i32
      %barrier3A_39 = arith.constant 0 : index
      tpu.barrier barrier_id(%barrier3A_39)
      %mul3A_40 = arith.constant 640 : i32
      %mul3A_41 = arith.muli %arg1, %mul3A_40 : i32
      "tpu.region"() ({
        %run_scoped3A = tpu.sem_alloc : memref<!tpu.dma_semaphore, #tpu.memory_space<semaphore_mem>>
        %dma_start3A = arith.constant 0 : i32
        %dma_start3A_42 = tpu.memref_slice %arg5[%mul3A_41, %dma_start3A] : memref<10240x128xf32, #tpu.memory_space<hbm>> -> memref<640x128xf32, #tpu.memory_space<hbm>>
        %dma_start3A_43 = arith.constant 0 : i32
        %dma_start3A_44 = tpu.memref_slice %arg11[%mul3A_41, %dma_start3A_43] : memref<10240x128xf32, #tpu.memory_space<vmem_shared>> -> memref<640x128xf32, #tpu.memory_space<vmem_shared>>
        tpu.enqueue_dma source(%dma_start3A_44 : memref<640x128xf32, #tpu.memory_space<vmem_shared>>) target(%dma_start3A_42 : memref<640x128xf32, #tpu.memory_space<hbm>>) target_semaphore(%run_scoped3A : memref<!tpu.dma_semaphore, #tpu.memory_space<semaphore_mem>>)
        %dma_wait3A = arith.constant 0 : i32
        %dma_wait3A_45 = tpu.memref_slice %arg5[%mul3A_41, %dma_wait3A] : memref<10240x128xf32, #tpu.memory_space<hbm>> -> memref<640x128xf32, #tpu.memory_space<hbm>>
        %dma_wait3A_46 = arith.constant 0 : i32
        %dma_wait3A_47 = tpu.memref_slice %arg11[%mul3A_41, %dma_wait3A_46] : memref<10240x128xf32, #tpu.memory_space<vmem_shared>> -> memref<640x128xf32, #tpu.memory_space<vmem_shared>>
        tpu.wait_dma2 semaphore(%run_scoped3A : memref<!tpu.dma_semaphore, #tpu.memory_space<semaphore_mem>>) src(%dma_wait3A_47 : memref<640x128xf32, #tpu.memory_space<vmem_shared>>) dst(%dma_wait3A_45 : memref<640x128xf32, #tpu.memory_space<hbm>>)
        tpu.yield
      }) : () -> ()
    } else {
    }
    %eq3A_27 = arith.constant 1 : i32
    %eq3A_28 = arith.cmpi eq, %arg0, %eq3A_27 : i32
    %convert_element_type3A_29 = arith.extui %eq3A_28 : i1 to i32
    %cond3A_30 = arith.constant 0 : i32
    %cond3A_31 = arith.cmpi ne, %convert_element_type3A_29, %cond3A_30 : i32
    scf.if %cond3A_31 {
      %scan3A_32 = arith.constant 0 : i32
      %scan3A_33 = arith.constant 0 : i32
      %scan3A_34 = arith.constant 157 : i32
      %scan3A_35 = arith.addi %scan3A_33, %scan3A_34 : i32
      %scan3A_36 = arith.constant 1 : i32
      %scan3A_37 = scf.for %scan3A_42 = %scan3A_33 to %scan3A_35 step %scan3A_36 iter_args(%scan3A_43 = %scan3A_32) -> (i32)  : i32 {
        %get3A = arith.index_cast %scan3A_42 : i32 to index
        %get3A_44 = arith.constant 0 : index
        %get3A_45 = tpu.vector_load %arg7[%get3A, %get3A_44] {strides = array<i32>} : memref<157x128xi32, #tpu.memory_space<vmem>>, vector<1x16xi32>,
        %get3A_46 = vector.shape_cast %get3A_45 : vector<1x16xi32> to vector<16xi32>
        %and3A = arith.constant 16383 : i32
        %and3A_47 = vector.broadcast %and3A : i32 to vector<16xi32>
        %and3A_48 = arith.andi %get3A_46, %and3A_47 : vector<16xi32>
        %swap3A = arith.constant 0 : i32
        %swap3A_49 = arith.index_cast %swap3A : i32 to index
        %swap3A_50 = arith.constant 0 : index
        %swap3A_51 = tpu.vector_load %arg8[%swap3A_49, %swap3A_50] {strides = array<i32>} : memref<1x128xi32, #tpu.memory_space<vmem>>, vector<1x16xi32>,
        %swap3A_52 = vector.shape_cast %swap3A_51 : vector<1x16xi32> to vector<16xi32>
        %swap3A_53 = vector.shape_cast %and3A_48 : vector<16xi32> to vector<1x16xi32>
        tpu.vector_store %arg8[%swap3A_49, %swap3A_50], %swap3A_53 {strides = array<i32>} : memref<1x128xi32, #tpu.memory_space<vmem>>, vector<1x16xi32>,
        %shift_right_logical3A = arith.constant 14 : i32
        %shift_right_logical3A_54 = vector.broadcast %shift_right_logical3A : i32 to vector<16xi32>
        %shift_right_logical3A_55 = arith.shrui %get3A_46, %shift_right_logical3A_54 : vector<16xi32>
        %swap3A_56 = arith.constant 0 : i32
        %swap3A_57 = arith.index_cast %swap3A_56 : i32 to index
        %swap3A_58 = arith.constant 0 : index
        %swap3A_59 = tpu.vector_load %arg9[%swap3A_57, %swap3A_58] {strides = array<i32>} : memref<1x128xi32, #tpu.memory_space<vmem>>, vector<1x16xi32>,
        %swap3A_60 = vector.shape_cast %swap3A_59 : vector<1x16xi32> to vector<16xi32>
        %swap3A_61 = vector.shape_cast %shift_right_logical3A_55 : vector<16xi32> to vector<1x16xi32>
        tpu.vector_store %arg9[%swap3A_57, %swap3A_58], %swap3A_61 {strides = array<i32>} : memref<1x128xi32, #tpu.memory_space<vmem>>, vector<1x16xi32>,
        %get3A_62 = arith.index_cast %scan3A_42 : i32 to index
        %get3A_63 = arith.constant 16 : index
        %get3A_64 = tpu.vector_load %arg7[%get3A_62, %get3A_63] {strides = array<i32>} : memref<157x128xi32, #tpu.memory_space<vmem>>, vector<1x16xi32>,
        %get3A_65 = vector.shape_cast %get3A_64 : vector<1x16xi32> to vector<16xi32>
        %and3A_66 = arith.constant 16383 : i32
        %and3A_67 = vector.broadcast %and3A_66 : i32 to vector<16xi32>
        %and3A_68 = arith.andi %get3A_65, %and3A_67 : vector<16xi32>
        %swap3A_69 = arith.constant 0 : i32
        %swap3A_70 = arith.index_cast %swap3A_69 : i32 to index
        %swap3A_71 = arith.constant 16 : index
        %swap3A_72 = tpu.vector_load %arg8[%swap3A_70, %swap3A_71] {strides = array<i32>} : memref<1x128xi32, #tpu.memory_space<vmem>>, vector<1x16xi32>,
        %swap3A_73 = vector.shape_cast %swap3A_72 : vector<1x16xi32> to vector<16xi32>
        %swap3A_74 = vector.shape_cast %and3A_68 : vector<16xi32> to vector<1x16xi32>
        tpu.vector_store %arg8[%swap3A_70, %swap3A_71], %swap3A_74 {strides = array<i32>} : memref<1x128xi32, #tpu.memory_space<vmem>>, vector<1x16xi32>,
        %shift_right_logical3A_75 = arith.constant 14 : i32
        %shift_right_logical3A_76 = vector.broadcast %shift_right_logical3A_75 : i32 to vector<16xi32>
        %shift_right_logical3A_77 = arith.shrui %get3A_65, %shift_right_logical3A_76 : vector<16xi32>
        %swap3A_78 = arith.constant 0 : i32
        %swap3A_79 = arith.index_cast %swap3A_78 : i32 to index
        %swap3A_80 = arith.constant 16 : index
        %swap3A_81 = tpu.vector_load %arg9[%swap3A_79, %swap3A_80] {strides = array<i32>} : memref<1x128xi32, #tpu.memory_space<vmem>>, vector<1x16xi32>,
        %swap3A_82 = vector.shape_cast %swap3A_81 : vector<1x16xi32> to vector<16xi32>
        %swap3A_83 = vector.shape_cast %shift_right_logical3A_77 : vector<16xi32> to vector<1x16xi32>
        tpu.vector_store %arg9[%swap3A_79, %swap3A_80], %swap3A_83 {strides = array<i32>} : memref<1x128xi32, #tpu.memory_space<vmem>>, vector<1x16xi32>,
        %get3A_84 = arith.index_cast %scan3A_42 : i32 to index
        %get3A_85 = arith.constant 32 : index
        %get3A_86 = tpu.vector_load %arg7[%get3A_84, %get3A_85] {strides = array<i32>} : memref<157x128xi32, #tpu.memory_space<vmem>>, vector<1x16xi32>,
        %get3A_87 = vector.shape_cast %get3A_86 : vector<1x16xi32> to vector<16xi32>
        %and3A_88 = arith.constant 16383 : i32
        %and3A_89 = vector.broadcast %and3A_88 : i32 to vector<16xi32>
        %and3A_90 = arith.andi %get3A_87, %and3A_89 : vector<16xi32>
        %swap3A_91 = arith.constant 0 : i32
        %swap3A_92 = arith.index_cast %swap3A_91 : i32 to index
        %swap3A_93 = arith.constant 32 : index
        %swap3A_94 = tpu.vector_load %arg8[%swap3A_92, %swap3A_93] {strides = array<i32>} : memref<1x128xi32, #tpu.memory_space<vmem>>, vector<1x16xi32>,
        %swap3A_95 = vector.shape_cast %swap3A_94 : vector<1x16xi32> to vector<16xi32>
        %swap3A_96 = vector.shape_cast %and3A_90 : vector<16xi32> to vector<1x16xi32>
        tpu.vector_store %arg8[%swap3A_92, %swap3A_93], %swap3A_96 {strides = array<i32>} : memref<1x128xi32, #tpu.memory_space<vmem>>, vector<1x16xi32>,
        %shift_right_logical3A_97 = arith.constant 14 : i32
        %shift_right_logical3A_98 = vector.broadcast %shift_right_logical3A_97 : i32 to vector<16xi32>
        %shift_right_logical3A_99 = arith.shrui %get3A_87, %shift_right_logical3A_98 : vector<16xi32>
        %swap3A_100 = arith.constant 0 : i32
        %swap3A_101 = arith.index_cast %swap3A_100 : i32 to index
        %swap3A_102 = arith.constant 32 : index
        %swap3A_103 = tpu.vector_load %arg9[%swap3A_101, %swap3A_102] {strides = array<i32>} : memref<1x128xi32, #tpu.memory_space<vmem>>, vector<1x16xi32>,
        %swap3A_104 = vector.shape_cast %swap3A_103 : vector<1x16xi32> to vector<16xi32>
        %swap3A_105 = vector.shape_cast %shift_right_logical3A_99 : vector<16xi32> to vector<1x16xi32>
        tpu.vector_store %arg9[%swap3A_101, %swap3A_102], %swap3A_105 {strides = array<i32>} : memref<1x128xi32, #tpu.memory_space<vmem>>, vector<1x16xi32>,
        %get3A_106 = arith.index_cast %scan3A_42 : i32 to index
        %get3A_107 = arith.constant 48 : index
        %get3A_108 = tpu.vector_load %arg7[%get3A_106, %get3A_107] {strides = array<i32>} : memref<157x128xi32, #tpu.memory_space<vmem>>, vector<1x16xi32>,
        %get3A_109 = vector.shape_cast %get3A_108 : vector<1x16xi32> to vector<16xi32>
        %and3A_110 = arith.constant 16383 : i32
        %and3A_111 = vector.broadcast %and3A_110 : i32 to vector<16xi32>
        %and3A_112 = arith.andi %get3A_109, %and3A_111 : vector<16xi32>
        %swap3A_113 = arith.constant 0 : i32
        %swap3A_114 = arith.index_cast %swap3A_113 : i32 to index
        %swap3A_115 = arith.constant 48 : index
        %swap3A_116 = tpu.vector_load %arg8[%swap3A_114, %swap3A_115] {strides = array<i32>} : memref<1x128xi32, #tpu.memory_space<vmem>>, vector<1x16xi32>,
        %swap3A_117 = vector.shape_cast %swap3A_116 : vector<1x16xi32> to vector<16xi32>
        %swap3A_118 = vector.shape_cast %and3A_112 : vector<16xi32> to vector<1x16xi32>
        tpu.vector_store %arg8[%swap3A_114, %swap3A_115], %swap3A_118 {strides = array<i32>} : memref<1x128xi32, #tpu.memory_space<vmem>>, vector<1x16xi32>,
        %shift_right_logical3A_119 = arith.constant 14 : i32
        %shift_right_logical3A_120 = vector.broadcast %shift_right_logical3A_119 : i32 to vector<16xi32>
        %shift_right_logical3A_121 = arith.shrui %get3A_109, %shift_right_logical3A_120 : vector<16xi32>
        %swap3A_122 = arith.constant 0 : i32
        %swap3A_123 = arith.index_cast %swap3A_122 : i32 to index
        %swap3A_124 = arith.constant 48 : index
        %swap3A_125 = tpu.vector_load %arg9[%swap3A_123, %swap3A_124] {strides = array<i32>} : memref<1x128xi32, #tpu.memory_space<vmem>>, vector<1x16xi32>,
        %swap3A_126 = vector.shape_cast %swap3A_125 : vector<1x16xi32> to vector<16xi32>
        %swap3A_127 = vector.shape_cast %shift_right_logical3A_121 : vector<16xi32> to vector<1x16xi32>
        tpu.vector_store %arg9[%swap3A_123, %swap3A_124], %swap3A_127 {strides = array<i32>} : memref<1x128xi32, #tpu.memory_space<vmem>>, vector<1x16xi32>,
        %get3A_128 = arith.index_cast %scan3A_42 : i32 to index
        %get3A_129 = arith.constant 64 : index
        %get3A_130 = tpu.vector_load %arg7[%get3A_128, %get3A_129] {strides = array<i32>} : memref<157x128xi32, #tpu.memory_space<vmem>>, vector<1x16xi32>,
        %get3A_131 = vector.shape_cast %get3A_130 : vector<1x16xi32> to vector<16xi32>
        %and3A_132 = arith.constant 16383 : i32
        %and3A_133 = vector.broadcast %and3A_132 : i32 to vector<16xi32>
        %and3A_134 = arith.andi %get3A_131, %and3A_133 : vector<16xi32>
        %swap3A_135 = arith.constant 0 : i32
        %swap3A_136 = arith.index_cast %swap3A_135 : i32 to index
        %swap3A_137 = arith.constant 64 : index
        %swap3A_138 = tpu.vector_load %arg8[%swap3A_136, %swap3A_137] {strides = array<i32>} : memref<1x128xi32, #tpu.memory_space<vmem>>, vector<1x16xi32>,
        %swap3A_139 = vector.shape_cast %swap3A_138 : vector<1x16xi32> to vector<16xi32>
        %swap3A_140 = vector.shape_cast %and3A_134 : vector<16xi32> to vector<1x16xi32>
        tpu.vector_store %arg8[%swap3A_136, %swap3A_137], %swap3A_140 {strides = array<i32>} : memref<1x128xi32, #tpu.memory_space<vmem>>, vector<1x16xi32>,
        %shift_right_logical3A_141 = arith.constant 14 : i32
        %shift_right_logical3A_142 = vector.broadcast %shift_right_logical3A_141 : i32 to vector<16xi32>
        %shift_right_logical3A_143 = arith.shrui %get3A_131, %shift_right_logical3A_142 : vector<16xi32>
        %swap3A_144 = arith.constant 0 : i32
        %swap3A_145 = arith.index_cast %swap3A_144 : i32 to index
        %swap3A_146 = arith.constant 64 : index
        %swap3A_147 = tpu.vector_load %arg9[%swap3A_145, %swap3A_146] {strides = array<i32>} : memref<1x128xi32, #tpu.memory_space<vmem>>, vector<1x16xi32>,
        %swap3A_148 = vector.shape_cast %swap3A_147 : vector<1x16xi32> to vector<16xi32>
        %swap3A_149 = vector.shape_cast %shift_right_logical3A_143 : vector<16xi32> to vector<1x16xi32>
        tpu.vector_store %arg9[%swap3A_145, %swap3A_146], %swap3A_149 {strides = array<i32>} : memref<1x128xi32, #tpu.memory_space<vmem>>, vector<1x16xi32>,
        %get3A_150 = arith.index_cast %scan3A_42 : i32 to index
        %get3A_151 = arith.constant 80 : index
        %get3A_152 = tpu.vector_load %arg7[%get3A_150, %get3A_151] {strides = array<i32>} : memref<157x128xi32, #tpu.memory_space<vmem>>, vector<1x16xi32>,
        %get3A_153 = vector.shape_cast %get3A_152 : vector<1x16xi32> to vector<16xi32>
        %and3A_154 = arith.constant 16383 : i32
        %and3A_155 = vector.broadcast %and3A_154 : i32 to vector<16xi32>
        %and3A_156 = arith.andi %get3A_153, %and3A_155 : vector<16xi32>
        %swap3A_157 = arith.constant 0 : i32
        %swap3A_158 = arith.index_cast %swap3A_157 : i32 to index
        %swap3A_159 = arith.constant 80 : index
        %swap3A_160 = tpu.vector_load %arg8[%swap3A_158, %swap3A_159] {strides = array<i32>} : memref<1x128xi32, #tpu.memory_space<vmem>>, vector<1x16xi32>,
        %swap3A_161 = vector.shape_cast %swap3A_160 : vector<1x16xi32> to vector<16xi32>
        %swap3A_162 = vector.shape_cast %and3A_156 : vector<16xi32> to vector<1x16xi32>
        tpu.vector_store %arg8[%swap3A_158, %swap3A_159], %swap3A_162 {strides = array<i32>} : memref<1x128xi32, #tpu.memory_space<vmem>>, vector<1x16xi32>,
        %shift_right_logical3A_163 = arith.constant 14 : i32
        %shift_right_logical3A_164 = vector.broadcast %shift_right_logical3A_163 : i32 to vector<16xi32>
        %shift_right_logical3A_165 = arith.shrui %get3A_153, %shift_right_logical3A_164 : vector<16xi32>
        %swap3A_166 = arith.constant 0 : i32
        %swap3A_167 = arith.index_cast %swap3A_166 : i32 to index
        %swap3A_168 = arith.constant 80 : index
        %swap3A_169 = tpu.vector_load %arg9[%swap3A_167, %swap3A_168] {strides = array<i32>} : memref<1x128xi32, #tpu.memory_space<vmem>>, vector<1x16xi32>,
        %swap3A_170 = vector.shape_cast %swap3A_169 : vector<1x16xi32> to vector<16xi32>
        %swap3A_171 = vector.shape_cast %shift_right_logical3A_165 : vector<16xi32> to vector<1x16xi32>
        tpu.vector_store %arg9[%swap3A_167, %swap3A_168], %swap3A_171 {strides = array<i32>} : memref<1x128xi32, #tpu.memory_space<vmem>>, vector<1x16xi32>,
        %get3A_172 = arith.index_cast %scan3A_42 : i32 to index
        %get3A_173 = arith.constant 96 : index
        %get3A_174 = tpu.vector_load %arg7[%get3A_172, %get3A_173] {strides = array<i32>} : memref<157x128xi32, #tpu.memory_space<vmem>>, vector<1x16xi32>,
        %get3A_175 = vector.shape_cast %get3A_174 : vector<1x16xi32> to vector<16xi32>
        %and3A_176 = arith.constant 16383 : i32
        %and3A_177 = vector.broadcast %and3A_176 : i32 to vector<16xi32>
        %and3A_178 = arith.andi %get3A_175, %and3A_177 : vector<16xi32>
        %swap3A_179 = arith.constant 0 : i32
        %swap3A_180 = arith.index_cast %swap3A_179 : i32 to index
        %swap3A_181 = arith.constant 96 : index
        %swap3A_182 = tpu.vector_load %arg8[%swap3A_180, %swap3A_181] {strides = array<i32>} : memref<1x128xi32, #tpu.memory_space<vmem>>, vector<1x16xi32>,
        %swap3A_183 = vector.shape_cast %swap3A_182 : vector<1x16xi32> to vector<16xi32>
        %swap3A_184 = vector.shape_cast %and3A_178 : vector<16xi32> to vector<1x16xi32>
        tpu.vector_store %arg8[%swap3A_180, %swap3A_181], %swap3A_184 {strides = array<i32>} : memref<1x128xi32, #tpu.memory_space<vmem>>, vector<1x16xi32>,
        %shift_right_logical3A_185 = arith.constant 14 : i32
        %shift_right_logical3A_186 = vector.broadcast %shift_right_logical3A_185 : i32 to vector<16xi32>
        %shift_right_logical3A_187 = arith.shrui %get3A_175, %shift_right_logical3A_186 : vector<16xi32>
        %swap3A_188 = arith.constant 0 : i32
        %swap3A_189 = arith.index_cast %swap3A_188 : i32 to index
        %swap3A_190 = arith.constant 96 : index
        %swap3A_191 = tpu.vector_load %arg9[%swap3A_189, %swap3A_190] {strides = array<i32>} : memref<1x128xi32, #tpu.memory_space<vmem>>, vector<1x16xi32>,
        %swap3A_192 = vector.shape_cast %swap3A_191 : vector<1x16xi32> to vector<16xi32>
        %swap3A_193 = vector.shape_cast %shift_right_logical3A_187 : vector<16xi32> to vector<1x16xi32>
        tpu.vector_store %arg9[%swap3A_189, %swap3A_190], %swap3A_193 {strides = array<i32>} : memref<1x128xi32, #tpu.memory_space<vmem>>, vector<1x16xi32>,
        %get3A_194 = arith.index_cast %scan3A_42 : i32 to index
        %get3A_195 = arith.constant 112 : index
        %get3A_196 = tpu.vector_load %arg7[%get3A_194, %get3A_195] {strides = array<i32>} : memref<157x128xi32, #tpu.memory_space<vmem>>, vector<1x16xi32>,
        %get3A_197 = vector.shape_cast %get3A_196 : vector<1x16xi32> to vector<16xi32>
        %and3A_198 = arith.constant 16383 : i32
        %and3A_199 = vector.broadcast %and3A_198 : i32 to vector<16xi32>
        %and3A_200 = arith.andi %get3A_197, %and3A_199 : vector<16xi32>
        %swap3A_201 = arith.constant 0 : i32
        %swap3A_202 = arith.index_cast %swap3A_201 : i32 to index
        %swap3A_203 = arith.constant 112 : index
        %swap3A_204 = tpu.vector_load %arg8[%swap3A_202, %swap3A_203] {strides = array<i32>} : memref<1x128xi32, #tpu.memory_space<vmem>>, vector<1x16xi32>,
        %swap3A_205 = vector.shape_cast %swap3A_204 : vector<1x16xi32> to vector<16xi32>
        %swap3A_206 = vector.shape_cast %and3A_200 : vector<16xi32> to vector<1x16xi32>
        tpu.vector_store %arg8[%swap3A_202, %swap3A_203], %swap3A_206 {strides = array<i32>} : memref<1x128xi32, #tpu.memory_space<vmem>>, vector<1x16xi32>,
        %shift_right_logical3A_207 = arith.constant 14 : i32
        %shift_right_logical3A_208 = vector.broadcast %shift_right_logical3A_207 : i32 to vector<16xi32>
        %shift_right_logical3A_209 = arith.shrui %get3A_197, %shift_right_logical3A_208 : vector<16xi32>
        %swap3A_210 = arith.constant 0 : i32
        %swap3A_211 = arith.index_cast %swap3A_210 : i32 to index
        %swap3A_212 = arith.constant 112 : index
        %swap3A_213 = tpu.vector_load %arg9[%swap3A_211, %swap3A_212] {strides = array<i32>} : memref<1x128xi32, #tpu.memory_space<vmem>>, vector<1x16xi32>,
        %swap3A_214 = vector.shape_cast %swap3A_213 : vector<1x16xi32> to vector<16xi32>
        %swap3A_215 = vector.shape_cast %shift_right_logical3A_209 : vector<16xi32> to vector<1x16xi32>
        tpu.vector_store %arg9[%swap3A_211, %swap3A_212], %swap3A_215 {strides = array<i32>} : memref<1x128xi32, #tpu.memory_space<vmem>>, vector<1x16xi32>,
        %dma_start3A = arith.constant 0 : i32
        %dma_start3A_216 = arith.constant 0 : i32
        %dma_start3A_217 = tpu.memref_slice %arg8[%dma_start3A, %dma_start3A_216] : memref<1x128xi32, #tpu.memory_space<vmem>> -> memref<1x128xi32, #tpu.memory_space<vmem>>
        %dma_start3A_218 = tpu.memref_squeeze %dma_start3A_217 : memref<1x128xi32, #tpu.memory_space<vmem>> -> memref<128xi32, #tpu.memory_space<vmem>>
        %dma_start3A_219 = arith.constant 0 : i32
        %dma_start3A_220 = arith.constant 0 : i32
        %dma_start3A_221 = tpu.memref_slice %arg3[%dma_start3A_219, %dma_start3A_220] : memref<10000x128xf32, #tpu.memory_space<hbm>> -> memref<10000x128xf32, #tpu.memory_space<hbm>>
        tpu.enqueue_indirect_dma source(%dma_start3A_221 : memref<10000x128xf32, #tpu.memory_space<hbm>>) target(%arg10 : memref<128x128xf32, #tpu.memory_space<vmem>>) offsets(%dma_start3A_218 : memref<128xi32, #tpu.memory_space<vmem>>) semaphore(%arg12 : memref<!tpu.dma_semaphore, #tpu.memory_space<semaphore_mem>>)
        %dma_wait3A = arith.constant 0 : i32
        %dma_wait3A_222 = arith.constant 0 : i32
        %dma_wait3A_223 = tpu.memref_slice %arg8[%dma_wait3A, %dma_wait3A_222] : memref<1x128xi32, #tpu.memory_space<vmem>> -> memref<1x128xi32, #tpu.memory_space<vmem>>
        %dma_wait3A_224 = tpu.memref_squeeze %dma_wait3A_223 : memref<1x128xi32, #tpu.memory_space<vmem>> -> memref<128xi32, #tpu.memory_space<vmem>>
        %dma_wait3A_225 = arith.constant 0 : i32
        %dma_wait3A_226 = arith.constant 0 : i32
        %dma_wait3A_227 = tpu.memref_slice %arg3[%dma_wait3A_225, %dma_wait3A_226] : memref<10000x128xf32, #tpu.memory_space<hbm>> -> memref<10000x128xf32, #tpu.memory_space<hbm>>
        tpu.wait_indirect_dma semaphore(%arg12 : memref<!tpu.dma_semaphore, #tpu.memory_space<semaphore_mem>>) src(%dma_wait3A_227 : memref<10000x128xf32, #tpu.memory_space<hbm>>) dst(%arg10 : memref<128x128xf32, #tpu.memory_space<vmem>>)
        %run_scoped3A = arith.constant 0 : i32
        "tpu.region"() ({
          %run_scoped3A_229 = tpu.sem_alloc : memref<!tpu.dma_semaphore, #tpu.memory_space<semaphore_mem>>
          %dma_start3A_230 = arith.constant 0 : i32
          %dma_start3A_231 = tpu.memref_slice %arg9[%run_scoped3A, %dma_start3A_230] : memref<1x128xi32, #tpu.memory_space<vmem>> -> memref<1x128xi32, #tpu.memory_space<vmem>>
          %dma_start3A_232 = tpu.memref_squeeze %dma_start3A_231 : memref<1x128xi32, #tpu.memory_space<vmem>> -> memref<128xi32, #tpu.memory_space<vmem>>
          %dma_start3A_233 = arith.constant 0 : i32
          %dma_start3A_234 = arith.constant 0 : i32
          %dma_start3A_235 = tpu.memref_slice %arg11[%dma_start3A_233, %dma_start3A_234] : memref<10240x128xf32, #tpu.memory_space<vmem_shared>> -> memref<10240x128xf32, #tpu.memory_space<vmem_shared>>
          tpu.enqueue_indirect_dma source(%arg10 : memref<128x128xf32, #tpu.memory_space<vmem>>) target(%dma_start3A_235 : memref<10240x128xf32, #tpu.memory_space<vmem_shared>>) offsets(%dma_start3A_232 : memref<128xi32, #tpu.memory_space<vmem>>) semaphore(%run_scoped3A_229 : memref<!tpu.dma_semaphore, #tpu.memory_space<semaphore_mem>>) {add = true}
          %dma_wait3A_236 = arith.constant 0 : i32
          %dma_wait3A_237 = tpu.memref_slice %arg9[%run_scoped3A, %dma_wait3A_236] : memref<1x128xi32, #tpu.memory_space<vmem>> -> memref<1x128xi32, #tpu.memory_space<vmem>>
          %dma_wait3A_238 = tpu.memref_squeeze %dma_wait3A_237 : memref<1x128xi32, #tpu.memory_space<vmem>> -> memref<128xi32, #tpu.memory_space<vmem>>
          %dma_wait3A_239 = arith.constant 0 : i32
          %dma_wait3A_240 = arith.constant 0 : i32
          %dma_wait3A_241 = tpu.memref_slice %arg11[%dma_wait3A_239, %dma_wait3A_240] : memref<10240x128xf32, #tpu.memory_space<vmem_shared>> -> memref<10240x128xf32, #tpu.memory_space<vmem_shared>>
          tpu.wait_indirect_dma semaphore(%run_scoped3A_229 : memref<!tpu.dma_semaphore, #tpu.memory_space<semaphore_mem>>) src(%arg10 : memref<128x128xf32, #tpu.memory_space<vmem>>) dst(%dma_wait3A_241 : memref<10240x128xf32, #tpu.memory_space<vmem_shared>>)
          tpu.yield
        }) : () -> ()
        %scan3A_228 = arith.constant 0 : i32
        scf.yield %scan3A_228 : i32
      }
      %scan3A_38 = arith.constant 157 : i32
      %barrier3A_39 = arith.constant 0 : index
      tpu.barrier barrier_id(%barrier3A_39)
      %mul3A_40 = arith.constant 640 : i32
      %mul3A_41 = arith.muli %arg1, %mul3A_40 : i32
      "tpu.region"() ({
        %run_scoped3A = tpu.sem_alloc : memref<!tpu.dma_semaphore, #tpu.memory_space<semaphore_mem>>
        %dma_start3A = arith.constant 0 : i32
        %dma_start3A_42 = tpu.memref_slice %arg6[%mul3A_41, %dma_start3A] : memref<10240x128xf32, #tpu.memory_space<hbm>> -> memref<640x128xf32, #tpu.memory_space<hbm>>
        %dma_start3A_43 = arith.constant 0 : i32
        %dma_start3A_44 = tpu.memref_slice %arg11[%mul3A_41, %dma_start3A_43] : memref<10240x128xf32, #tpu.memory_space<vmem_shared>> -> memref<640x128xf32, #tpu.memory_space<vmem_shared>>
        tpu.enqueue_dma source(%dma_start3A_44 : memref<640x128xf32, #tpu.memory_space<vmem_shared>>) target(%dma_start3A_42 : memref<640x128xf32, #tpu.memory_space<hbm>>) target_semaphore(%run_scoped3A : memref<!tpu.dma_semaphore, #tpu.memory_space<semaphore_mem>>)
        %dma_wait3A = arith.constant 0 : i32
        %dma_wait3A_45 = tpu.memref_slice %arg6[%mul3A_41, %dma_wait3A] : memref<10240x128xf32, #tpu.memory_space<hbm>> -> memref<640x128xf32, #tpu.memory_space<hbm>>
        %dma_wait3A_46 = arith.constant 0 : i32
        %dma_wait3A_47 = tpu.memref_slice %arg11[%mul3A_41, %dma_wait3A_46] : memref<10240x128xf32, #tpu.memory_space<vmem_shared>> -> memref<640x128xf32, #tpu.memory_space<vmem_shared>>
        tpu.wait_dma2 semaphore(%run_scoped3A : memref<!tpu.dma_semaphore, #tpu.memory_space<semaphore_mem>>) src(%dma_wait3A_47 : memref<640x128xf32, #tpu.memory_space<vmem_shared>>) dst(%dma_wait3A_45 : memref<640x128xf32, #tpu.memory_space<hbm>>)
        tpu.yield
      }) : () -> ()
    } else {
    }
    return
  }
}

#map = affine_map<(d0, d1) -> (0, 0)>
#map1 = affine_map<(d0, d1) -> (0, 0, 0)>
module attributes {stable_mosaic.version = 14 : i64} {
  func.func @_agg_body(%arg0: i32, %arg1: i32, %arg2: memref<10000x128xf32, #tpu.memory_space<hbm>>, %arg3: memref<10000x128xf32, #tpu.memory_space<hbm>>, %arg4: memref<16x157x128xi32, #tpu.memory_space<hbm>>, %arg5: memref<10240x128xf32, #tpu.memory_space<hbm>>, %arg6: memref<10240x128xf32, #tpu.memory_space<hbm>>, %arg7: memref<157x128xi32, #tpu.memory_space<vmem>>, %arg8: memref<1x128xi32, #tpu.memory_space<vmem>>, %arg9: memref<1x128xi32, #tpu.memory_space<vmem>>, %arg10: memref<128x128xf32, #tpu.memory_space<vmem>>, %arg11: memref<10240x128xf32, #tpu.memory_space<vmem_shared>>, %arg12: memref<!tpu.dma_semaphore, #tpu.memory_space<semaphore_mem>>) attributes {dimension_semantics = [#tpu.dimension_semantics<core_parallel>, #tpu.dimension_semantics<subcore_parallel>], iteration_bounds = array<i64: 2, 16>, scalar_prefetch = 0 : i64, scratch_operands = 6 : i64, tpu.core_type = #tpu.core_type<sc_vector_subcore>, window_params = [{transform_indices = #map}, {transform_indices = #map}, {transform_indices = #map1}, {transform_indices = #map}, {transform_indices = #map}]} {
    "tpu.region"() ({
      %run_scoped3A = tpu.sem_alloc : memref<!tpu.dma_semaphore, #tpu.memory_space<semaphore_mem>>
      %dma_start3A = arith.constant 0 : i32
      %dma_start3A_32 = arith.constant 0 : i32
      %dma_start3A_33 = tpu.memref_slice %arg4[%arg1, %dma_start3A, %dma_start3A_32] : memref<16x157x128xi32, #tpu.memory_space<hbm>> -> memref<1x157x128xi32, #tpu.memory_space<hbm>>
      %dma_start3A_34 = tpu.memref_squeeze %dma_start3A_33 : memref<1x157x128xi32, #tpu.memory_space<hbm>> -> memref<157x128xi32, #tpu.memory_space<hbm>>
      %dma_start3A_35 = arith.constant 0 : i32
      %dma_start3A_36 = arith.constant 0 : i32
      %dma_start3A_37 = tpu.memref_slice %arg4[%arg1, %dma_start3A_35, %dma_start3A_36] : memref<16x157x128xi32, #tpu.memory_space<hbm>> -> memref<1x157x128xi32, #tpu.memory_space<hbm>>
      %dma_start3A_38 = tpu.memref_squeeze %dma_start3A_37 : memref<1x157x128xi32, #tpu.memory_space<hbm>> -> memref<157x128xi32, #tpu.memory_space<hbm>>
      tpu.enqueue_dma source(%dma_start3A_38 : memref<157x128xi32, #tpu.memory_space<hbm>>) target(%arg7 : memref<157x128xi32, #tpu.memory_space<vmem>>) target_semaphore(%run_scoped3A : memref<!tpu.dma_semaphore, #tpu.memory_space<semaphore_mem>>)
      %dma_wait3A = arith.constant 0 : i32
      %dma_wait3A_39 = arith.constant 0 : i32
      %dma_wait3A_40 = tpu.memref_slice %arg4[%arg1, %dma_wait3A, %dma_wait3A_39] : memref<16x157x128xi32, #tpu.memory_space<hbm>> -> memref<1x157x128xi32, #tpu.memory_space<hbm>>
      %dma_wait3A_41 = tpu.memref_squeeze %dma_wait3A_40 : memref<1x157x128xi32, #tpu.memory_space<hbm>> -> memref<157x128xi32, #tpu.memory_space<hbm>>
      %dma_wait3A_42 = arith.constant 0 : i32
      %dma_wait3A_43 = arith.constant 0 : i32
      %dma_wait3A_44 = tpu.memref_slice %arg4[%arg1, %dma_wait3A_42, %dma_wait3A_43] : memref<16x157x128xi32, #tpu.memory_space<hbm>> -> memref<1x157x128xi32, #tpu.memory_space<hbm>>
      %dma_wait3A_45 = tpu.memref_squeeze %dma_wait3A_44 : memref<1x157x128xi32, #tpu.memory_space<hbm>> -> memref<157x128xi32, #tpu.memory_space<hbm>>
      tpu.wait_dma2 semaphore(%run_scoped3A : memref<!tpu.dma_semaphore, #tpu.memory_space<semaphore_mem>>) src(%dma_wait3A_45 : memref<157x128xi32, #tpu.memory_space<hbm>>) dst(%arg7 : memref<157x128xi32, #tpu.memory_space<vmem>>)
      tpu.yield
    }) : () -> ()
    %broadcast_in_dim3A = arith.constant 0.000000e+00 : f32
    %broadcast_in_dim3A_0 = vector.broadcast %broadcast_in_dim3A : f32 to vector<16xf32>
    %scan3A = arith.constant 0 : i32
    %scan3A_1 = arith.constant 0 : i32
    %scan3A_2 = arith.constant 128 : i32
    %scan3A_3 = arith.addi %scan3A_1, %scan3A_2 : i32
    %scan3A_4 = arith.constant 1 : i32
    %scan3A_5 = scf.for %scan3A_32 = %scan3A_1 to %scan3A_3 step %scan3A_4 iter_args(%scan3A_33 = %scan3A) -> (i32)  : i32 {
      %swap3A = arith.index_cast %scan3A_32 : i32 to index
      %swap3A_34 = arith.constant 0 : index
      %swap3A_35 = tpu.vector_load %arg10[%swap3A, %swap3A_34] {strides = array<i32>} : memref<128x128xf32, #tpu.memory_space<vmem>>, vector<1x16xf32>,
      %swap3A_36 = vector.shape_cast %swap3A_35 : vector<1x16xf32> to vector<16xf32>
      %swap3A_37 = vector.shape_cast %broadcast_in_dim3A_0 : vector<16xf32> to vector<1x16xf32>
      tpu.vector_store %arg10[%swap3A, %swap3A_34], %swap3A_37 {strides = array<i32>} : memref<128x128xf32, #tpu.memory_space<vmem>>, vector<1x16xf32>,
      %swap3A_38 = arith.index_cast %scan3A_32 : i32 to index
      %swap3A_39 = arith.constant 16 : index
      %swap3A_40 = tpu.vector_load %arg10[%swap3A_38, %swap3A_39] {strides = array<i32>} : memref<128x128xf32, #tpu.memory_space<vmem>>, vector<1x16xf32>,
      %swap3A_41 = vector.shape_cast %swap3A_40 : vector<1x16xf32> to vector<16xf32>
      %swap3A_42 = vector.shape_cast %broadcast_in_dim3A_0 : vector<16xf32> to vector<1x16xf32>
      tpu.vector_store %arg10[%swap3A_38, %swap3A_39], %swap3A_42 {strides = array<i32>} : memref<128x128xf32, #tpu.memory_space<vmem>>, vector<1x16xf32>,
      %swap3A_43 = arith.index_cast %scan3A_32 : i32 to index
      %swap3A_44 = arith.constant 32 : index
      %swap3A_45 = tpu.vector_load %arg10[%swap3A_43, %swap3A_44] {strides = array<i32>} : memref<128x128xf32, #tpu.memory_space<vmem>>, vector<1x16xf32>,
      %swap3A_46 = vector.shape_cast %swap3A_45 : vector<1x16xf32> to vector<16xf32>
      %swap3A_47 = vector.shape_cast %broadcast_in_dim3A_0 : vector<16xf32> to vector<1x16xf32>
      tpu.vector_store %arg10[%swap3A_43, %swap3A_44], %swap3A_47 {strides = array<i32>} : memref<128x128xf32, #tpu.memory_space<vmem>>, vector<1x16xf32>,
      %swap3A_48 = arith.index_cast %scan3A_32 : i32 to index
      %swap3A_49 = arith.constant 48 : index
      %swap3A_50 = tpu.vector_load %arg10[%swap3A_48, %swap3A_49] {strides = array<i32>} : memref<128x128xf32, #tpu.memory_space<vmem>>, vector<1x16xf32>,
      %swap3A_51 = vector.shape_cast %swap3A_50 : vector<1x16xf32> to vector<16xf32>
      %swap3A_52 = vector.shape_cast %broadcast_in_dim3A_0 : vector<16xf32> to vector<1x16xf32>
      tpu.vector_store %arg10[%swap3A_48, %swap3A_49], %swap3A_52 {strides = array<i32>} : memref<128x128xf32, #tpu.memory_space<vmem>>, vector<1x16xf32>,
      %swap3A_53 = arith.index_cast %scan3A_32 : i32 to index
      %swap3A_54 = arith.constant 64 : index
      %swap3A_55 = tpu.vector_load %arg10[%swap3A_53, %swap3A_54] {strides = array<i32>} : memref<128x128xf32, #tpu.memory_space<vmem>>, vector<1x16xf32>,
      %swap3A_56 = vector.shape_cast %swap3A_55 : vector<1x16xf32> to vector<16xf32>
      %swap3A_57 = vector.shape_cast %broadcast_in_dim3A_0 : vector<16xf32> to vector<1x16xf32>
      tpu.vector_store %arg10[%swap3A_53, %swap3A_54], %swap3A_57 {strides = array<i32>} : memref<128x128xf32, #tpu.memory_space<vmem>>, vector<1x16xf32>,
      %swap3A_58 = arith.index_cast %scan3A_32 : i32 to index
      %swap3A_59 = arith.constant 80 : index
      %swap3A_60 = tpu.vector_load %arg10[%swap3A_58, %swap3A_59] {strides = array<i32>} : memref<128x128xf32, #tpu.memory_space<vmem>>, vector<1x16xf32>,
      %swap3A_61 = vector.shape_cast %swap3A_60 : vector<1x16xf32> to vector<16xf32>
      %swap3A_62 = vector.shape_cast %broadcast_in_dim3A_0 : vector<16xf32> to vector<1x16xf32>
      tpu.vector_store %arg10[%swap3A_58, %swap3A_59], %swap3A_62 {strides = array<i32>} : memref<128x128xf32, #tpu.memory_space<vmem>>, vector<1x16xf32>,
      %swap3A_63 = arith.index_cast %scan3A_32 : i32 to index
      %swap3A_64 = arith.constant 96 : index
      %swap3A_65 = tpu.vector_load %arg10[%swap3A_63, %swap3A_64] {strides = array<i32>} : memref<128x128xf32, #tpu.memory_space<vmem>>, vector<1x16xf32>,
      %swap3A_66 = vector.shape_cast %swap3A_65 : vector<1x16xf32> to vector<16xf32>
      %swap3A_67 = vector.shape_cast %broadcast_in_dim3A_0 : vector<16xf32> to vector<1x16xf32>
      tpu.vector_store %arg10[%swap3A_63, %swap3A_64], %swap3A_67 {strides = array<i32>} : memref<128x128xf32, #tpu.memory_space<vmem>>, vector<1x16xf32>,
      %swap3A_68 = arith.index_cast %scan3A_32 : i32 to index
      %swap3A_69 = arith.constant 112 : index
      %swap3A_70 = tpu.vector_load %arg10[%swap3A_68, %swap3A_69] {strides = array<i32>} : memref<128x128xf32, #tpu.memory_space<vmem>>, vector<1x16xf32>,
      %swap3A_71 = vector.shape_cast %swap3A_70 : vector<1x16xf32> to vector<16xf32>
      %swap3A_72 = vector.shape_cast %broadcast_in_dim3A_0 : vector<16xf32> to vector<1x16xf32>
      tpu.vector_store %arg10[%swap3A_68, %swap3A_69], %swap3A_72 {strides = array<i32>} : memref<128x128xf32, #tpu.memory_space<vmem>>, vector<1x16xf32>,
      %scan3A_73 = arith.constant 0 : i32
      scf.yield %scan3A_73 : i32
    }
    %scan3A_6 = arith.constant 128 : i32
    %mul3A = arith.constant 640 : i32
    %mul3A_7 = arith.muli %arg1, %mul3A : i32
    %add3A = arith.constant 0 : i32
    %add3A_8 = arith.addi %mul3A_7, %add3A : i32
    "tpu.region"() ({
      %run_scoped3A = tpu.sem_alloc : memref<!tpu.dma_semaphore, #tpu.memory_space<semaphore_mem>>
      %dma_start3A = arith.constant 0 : i32
      %dma_start3A_32 = tpu.memref_slice %arg11[%add3A_8, %dma_start3A] : memref<10240x128xf32, #tpu.memory_space<vmem_shared>> -> memref<128x128xf32, #tpu.memory_space<vmem_shared>>
      %dma_start3A_33 = arith.constant 0 : i32
      %dma_start3A_34 = tpu.memref_slice %arg11[%add3A_8, %dma_start3A_33] : memref<10240x128xf32, #tpu.memory_space<vmem_shared>> -> memref<128x128xf32, #tpu.memory_space<vmem_shared>>
      tpu.enqueue_dma source(%arg10 : memref<128x128xf32, #tpu.memory_space<vmem>>) target(%dma_start3A_34 : memref<128x128xf32, #tpu.memory_space<vmem_shared>>) target_semaphore(%run_scoped3A : memref<!tpu.dma_semaphore, #tpu.memory_space<semaphore_mem>>)
      %dma_wait3A = arith.constant 0 : i32
      %dma_wait3A_35 = tpu.memref_slice %arg11[%add3A_8, %dma_wait3A] : memref<10240x128xf32, #tpu.memory_space<vmem_shared>> -> memref<128x128xf32, #tpu.memory_space<vmem_shared>>
      %dma_wait3A_36 = arith.constant 0 : i32
      %dma_wait3A_37 = tpu.memref_slice %arg11[%add3A_8, %dma_wait3A_36] : memref<10240x128xf32, #tpu.memory_space<vmem_shared>> -> memref<128x128xf32, #tpu.memory_space<vmem_shared>>
      tpu.wait_dma2 semaphore(%run_scoped3A : memref<!tpu.dma_semaphore, #tpu.memory_space<semaphore_mem>>) src(%arg10 : memref<128x128xf32, #tpu.memory_space<vmem>>) dst(%dma_wait3A_37 : memref<128x128xf32, #tpu.memory_space<vmem_shared>>)
      tpu.yield
    }) : () -> ()
    %mul3A_9 = arith.constant 640 : i32
    %mul3A_10 = arith.muli %arg1, %mul3A_9 : i32
    %add3A_11 = arith.constant 128 : i32
    %add3A_12 = arith.addi %mul3A_10, %add3A_11 : i32
    "tpu.region"() ({
      %run_scoped3A = tpu.sem_alloc : memref<!tpu.dma_semaphore, #tpu.memory_space<semaphore_mem>>
      %dma_start3A = arith.constant 0 : i32
      %dma_start3A_32 = tpu.memref_slice %arg11[%add3A_12, %dma_start3A] : memref<10240x128xf32, #tpu.memory_space<vmem_shared>> -> memref<128x128xf32, #tpu.memory_space<vmem_shared>>
      %dma_start3A_33 = arith.constant 0 : i32
      %dma_start3A_34 = tpu.memref_slice %arg11[%add3A_12, %dma_start3A_33] : memref<10240x128xf32, #tpu.memory_space<vmem_shared>> -> memref<128x128xf32, #tpu.memory_space<vmem_shared>>
      tpu.enqueue_dma source(%arg10 : memref<128x128xf32, #tpu.memory_space<vmem>>) target(%dma_start3A_34 : memref<128x128xf32, #tpu.memory_space<vmem_shared>>) target_semaphore(%run_scoped3A : memref<!tpu.dma_semaphore, #tpu.memory_space<semaphore_mem>>)
      %dma_wait3A = arith.constant 0 : i32
      %dma_wait3A_35 = tpu.memref_slice %arg11[%add3A_12, %dma_wait3A] : memref<10240x128xf32, #tpu.memory_space<vmem_shared>> -> memref<128x128xf32, #tpu.memory_space<vmem_shared>>
      %dma_wait3A_36 = arith.constant 0 : i32
      %dma_wait3A_37 = tpu.memref_slice %arg11[%add3A_12, %dma_wait3A_36] : memref<10240x128xf32, #tpu.memory_space<vmem_shared>> -> memref<128x128xf32, #tpu.memory_space<vmem_shared>>
      tpu.wait_dma2 semaphore(%run_scoped3A : memref<!tpu.dma_semaphore, #tpu.memory_space<semaphore_mem>>) src(%arg10 : memref<128x128xf32, #tpu.memory_space<vmem>>) dst(%dma_wait3A_37 : memref<128x128xf32, #tpu.memory_space<vmem_shared>>)
      tpu.yield
    }) : () -> ()
    %mul3A_13 = arith.constant 640 : i32
    %mul3A_14 = arith.muli %arg1, %mul3A_13 : i32
    %add3A_15 = arith.constant 256 : i32
    %add3A_16 = arith.addi %mul3A_14, %add3A_15 : i32
    "tpu.region"() ({
      %run_scoped3A = tpu.sem_alloc : memref<!tpu.dma_semaphore, #tpu.memory_space<semaphore_mem>>
      %dma_start3A = arith.constant 0 : i32
      %dma_start3A_32 = tpu.memref_slice %arg11[%add3A_16, %dma_start3A] : memref<10240x128xf32, #tpu.memory_space<vmem_shared>> -> memref<128x128xf32, #tpu.memory_space<vmem_shared>>
      %dma_start3A_33 = arith.constant 0 : i32
      %dma_start3A_34 = tpu.memref_slice %arg11[%add3A_16, %dma_start3A_33] : memref<10240x128xf32, #tpu.memory_space<vmem_shared>> -> memref<128x128xf32, #tpu.memory_space<vmem_shared>>
      tpu.enqueue_dma source(%arg10 : memref<128x128xf32, #tpu.memory_space<vmem>>) target(%dma_start3A_34 : memref<128x128xf32, #tpu.memory_space<vmem_shared>>) target_semaphore(%run_scoped3A : memref<!tpu.dma_semaphore, #tpu.memory_space<semaphore_mem>>)
      %dma_wait3A = arith.constant 0 : i32
      %dma_wait3A_35 = tpu.memref_slice %arg11[%add3A_16, %dma_wait3A] : memref<10240x128xf32, #tpu.memory_space<vmem_shared>> -> memref<128x128xf32, #tpu.memory_space<vmem_shared>>
      %dma_wait3A_36 = arith.constant 0 : i32
      %dma_wait3A_37 = tpu.memref_slice %arg11[%add3A_16, %dma_wait3A_36] : memref<10240x128xf32, #tpu.memory_space<vmem_shared>> -> memref<128x128xf32, #tpu.memory_space<vmem_shared>>
      tpu.wait_dma2 semaphore(%run_scoped3A : memref<!tpu.dma_semaphore, #tpu.memory_space<semaphore_mem>>) src(%arg10 : memref<128x128xf32, #tpu.memory_space<vmem>>) dst(%dma_wait3A_37 : memref<128x128xf32, #tpu.memory_space<vmem_shared>>)
      tpu.yield
    }) : () -> ()
    %mul3A_17 = arith.constant 640 : i32
    %mul3A_18 = arith.muli %arg1, %mul3A_17 : i32
    %add3A_19 = arith.constant 384 : i32
    %add3A_20 = arith.addi %mul3A_18, %add3A_19 : i32
    "tpu.region"() ({
      %run_scoped3A = tpu.sem_alloc : memref<!tpu.dma_semaphore, #tpu.memory_space<semaphore_mem>>
      %dma_start3A = arith.constant 0 : i32
      %dma_start3A_32 = tpu.memref_slice %arg11[%add3A_20, %dma_start3A] : memref<10240x128xf32, #tpu.memory_space<vmem_shared>> -> memref<128x128xf32, #tpu.memory_space<vmem_shared>>
      %dma_start3A_33 = arith.constant 0 : i32
      %dma_start3A_34 = tpu.memref_slice %arg11[%add3A_20, %dma_start3A_33] : memref<10240x128xf32, #tpu.memory_space<vmem_shared>> -> memref<128x128xf32, #tpu.memory_space<vmem_shared>>
      tpu.enqueue_dma source(%arg10 : memref<128x128xf32, #tpu.memory_space<vmem>>) target(%dma_start3A_34 : memref<128x128xf32, #tpu.memory_space<vmem_shared>>) target_semaphore(%run_scoped3A : memref<!tpu.dma_semaphore, #tpu.memory_space<semaphore_mem>>)
      %dma_wait3A = arith.constant 0 : i32
      %dma_wait3A_35 = tpu.memref_slice %arg11[%add3A_20, %dma_wait3A] : memref<10240x128xf32, #tpu.memory_space<vmem_shared>> -> memref<128x128xf32, #tpu.memory_space<vmem_shared>>
      %dma_wait3A_36 = arith.constant 0 : i32
      %dma_wait3A_37 = tpu.memref_slice %arg11[%add3A_20, %dma_wait3A_36] : memref<10240x128xf32, #tpu.memory_space<vmem_shared>> -> memref<128x128xf32, #tpu.memory_space<vmem_shared>>
      tpu.wait_dma2 semaphore(%run_scoped3A : memref<!tpu.dma_semaphore, #tpu.memory_space<semaphore_mem>>) src(%arg10 : memref<128x128xf32, #tpu.memory_space<vmem>>) dst(%dma_wait3A_37 : memref<128x128xf32, #tpu.memory_space<vmem_shared>>)
      tpu.yield
    }) : () -> ()
    %mul3A_21 = arith.constant 640 : i32
    %mul3A_22 = arith.muli %arg1, %mul3A_21 : i32
    %add3A_23 = arith.constant 512 : i32
    %add3A_24 = arith.addi %mul3A_22, %add3A_23 : i32
    "tpu.region"() ({
      %run_scoped3A = tpu.sem_alloc : memref<!tpu.dma_semaphore, #tpu.memory_space<semaphore_mem>>
      %dma_start3A = arith.constant 0 : i32
      %dma_start3A_32 = tpu.memref_slice %arg11[%add3A_24, %dma_start3A] : memref<10240x128xf32, #tpu.memory_space<vmem_shared>> -> memref<128x128xf32, #tpu.memory_space<vmem_shared>>
      %dma_start3A_33 = arith.constant 0 : i32
      %dma_start3A_34 = tpu.memref_slice %arg11[%add3A_24, %dma_start3A_33] : memref<10240x128xf32, #tpu.memory_space<vmem_shared>> -> memref<128x128xf32, #tpu.memory_space<vmem_shared>>
      tpu.enqueue_dma source(%arg10 : memref<128x128xf32, #tpu.memory_space<vmem>>) target(%dma_start3A_34 : memref<128x128xf32, #tpu.memory_space<vmem_shared>>) target_semaphore(%run_scoped3A : memref<!tpu.dma_semaphore, #tpu.memory_space<semaphore_mem>>)
      %dma_wait3A = arith.constant 0 : i32
      %dma_wait3A_35 = tpu.memref_slice %arg11[%add3A_24, %dma_wait3A] : memref<10240x128xf32, #tpu.memory_space<vmem_shared>> -> memref<128x128xf32, #tpu.memory_space<vmem_shared>>
      %dma_wait3A_36 = arith.constant 0 : i32
      %dma_wait3A_37 = tpu.memref_slice %arg11[%add3A_24, %dma_wait3A_36] : memref<10240x128xf32, #tpu.memory_space<vmem_shared>> -> memref<128x128xf32, #tpu.memory_space<vmem_shared>>
      tpu.wait_dma2 semaphore(%run_scoped3A : memref<!tpu.dma_semaphore, #tpu.memory_space<semaphore_mem>>) src(%arg10 : memref<128x128xf32, #tpu.memory_space<vmem>>) dst(%dma_wait3A_37 : memref<128x128xf32, #tpu.memory_space<vmem_shared>>)
      tpu.yield
    }) : () -> ()
    %barrier3A = arith.constant 0 : index
    tpu.barrier barrier_id(%barrier3A)
    %eq3A = arith.constant 0 : i32
    %eq3A_25 = arith.cmpi eq, %arg0, %eq3A : i32
    %convert_element_type3A = arith.extui %eq3A_25 : i1 to i32
    %cond3A = arith.constant 0 : i32
    %cond3A_26 = arith.cmpi ne, %convert_element_type3A, %cond3A : i32
    scf.if %cond3A_26 {
      %scan3A_32 = arith.constant 0 : i32
      %scan3A_33 = arith.constant 0 : i32
      %scan3A_34 = arith.constant 157 : i32
      %scan3A_35 = arith.addi %scan3A_33, %scan3A_34 : i32
      %scan3A_36 = arith.constant 1 : i32
      %scan3A_37 = scf.for %scan3A_42 = %scan3A_33 to %scan3A_35 step %scan3A_36 iter_args(%scan3A_43 = %scan3A_32) -> (i32)  : i32 {
        %get3A = arith.index_cast %scan3A_42 : i32 to index
        %get3A_44 = arith.constant 0 : index
        %get3A_45 = tpu.vector_load %arg7[%get3A, %get3A_44] {strides = array<i32>} : memref<157x128xi32, #tpu.memory_space<vmem>>, vector<1x16xi32>,
        %get3A_46 = vector.shape_cast %get3A_45 : vector<1x16xi32> to vector<16xi32>
        %and3A = arith.constant 16383 : i32
        %and3A_47 = vector.broadcast %and3A : i32 to vector<16xi32>
        %and3A_48 = arith.andi %get3A_46, %and3A_47 : vector<16xi32>
        %swap3A = arith.constant 0 : i32
        %swap3A_49 = arith.index_cast %swap3A : i32 to index
        %swap3A_50 = arith.constant 0 : index
        %swap3A_51 = tpu.vector_load %arg8[%swap3A_49, %swap3A_50] {strides = array<i32>} : memref<1x128xi32, #tpu.memory_space<vmem>>, vector<1x16xi32>,
        %swap3A_52 = vector.shape_cast %swap3A_51 : vector<1x16xi32> to vector<16xi32>
        %swap3A_53 = vector.shape_cast %and3A_48 : vector<16xi32> to vector<1x16xi32>
        tpu.vector_store %arg8[%swap3A_49, %swap3A_50], %swap3A_53 {strides = array<i32>} : memref<1x128xi32, #tpu.memory_space<vmem>>, vector<1x16xi32>,
        %shift_right_logical3A = arith.constant 14 : i32
        %shift_right_logical3A_54 = vector.broadcast %shift_right_logical3A : i32 to vector<16xi32>
        %shift_right_logical3A_55 = arith.shrui %get3A_46, %shift_right_logical3A_54 : vector<16xi32>
        %swap3A_56 = arith.constant 0 : i32
        %swap3A_57 = arith.index_cast %swap3A_56 : i32 to index
        %swap3A_58 = arith.constant 0 : index
        %swap3A_59 = tpu.vector_load %arg9[%swap3A_57, %swap3A_58] {strides = array<i32>} : memref<1x128xi32, #tpu.memory_space<vmem>>, vector<1x16xi32>,
        %swap3A_60 = vector.shape_cast %swap3A_59 : vector<1x16xi32> to vector<16xi32>
        %swap3A_61 = vector.shape_cast %shift_right_logical3A_55 : vector<16xi32> to vector<1x16xi32>
        tpu.vector_store %arg9[%swap3A_57, %swap3A_58], %swap3A_61 {strides = array<i32>} : memref<1x128xi32, #tpu.memory_space<vmem>>, vector<1x16xi32>,
        %get3A_62 = arith.index_cast %scan3A_42 : i32 to index
        %get3A_63 = arith.constant 16 : index
        %get3A_64 = tpu.vector_load %arg7[%get3A_62, %get3A_63] {strides = array<i32>} : memref<157x128xi32, #tpu.memory_space<vmem>>, vector<1x16xi32>,
        %get3A_65 = vector.shape_cast %get3A_64 : vector<1x16xi32> to vector<16xi32>
        %and3A_66 = arith.constant 16383 : i32
        %and3A_67 = vector.broadcast %and3A_66 : i32 to vector<16xi32>
        %and3A_68 = arith.andi %get3A_65, %and3A_67 : vector<16xi32>
        %swap3A_69 = arith.constant 0 : i32
        %swap3A_70 = arith.index_cast %swap3A_69 : i32 to index
        %swap3A_71 = arith.constant 16 : index
        %swap3A_72 = tpu.vector_load %arg8[%swap3A_70, %swap3A_71] {strides = array<i32>} : memref<1x128xi32, #tpu.memory_space<vmem>>, vector<1x16xi32>,
        %swap3A_73 = vector.shape_cast %swap3A_72 : vector<1x16xi32> to vector<16xi32>
        %swap3A_74 = vector.shape_cast %and3A_68 : vector<16xi32> to vector<1x16xi32>
        tpu.vector_store %arg8[%swap3A_70, %swap3A_71], %swap3A_74 {strides = array<i32>} : memref<1x128xi32, #tpu.memory_space<vmem>>, vector<1x16xi32>,
        %shift_right_logical3A_75 = arith.constant 14 : i32
        %shift_right_logical3A_76 = vector.broadcast %shift_right_logical3A_75 : i32 to vector<16xi32>
        %shift_right_logical3A_77 = arith.shrui %get3A_65, %shift_right_logical3A_76 : vector<16xi32>
        %swap3A_78 = arith.constant 0 : i32
        %swap3A_79 = arith.index_cast %swap3A_78 : i32 to index
        %swap3A_80 = arith.constant 16 : index
        %swap3A_81 = tpu.vector_load %arg9[%swap3A_79, %swap3A_80] {strides = array<i32>} : memref<1x128xi32, #tpu.memory_space<vmem>>, vector<1x16xi32>,
        %swap3A_82 = vector.shape_cast %swap3A_81 : vector<1x16xi32> to vector<16xi32>
        %swap3A_83 = vector.shape_cast %shift_right_logical3A_77 : vector<16xi32> to vector<1x16xi32>
        tpu.vector_store %arg9[%swap3A_79, %swap3A_80], %swap3A_83 {strides = array<i32>} : memref<1x128xi32, #tpu.memory_space<vmem>>, vector<1x16xi32>,
        %get3A_84 = arith.index_cast %scan3A_42 : i32 to index
        %get3A_85 = arith.constant 32 : index
        %get3A_86 = tpu.vector_load %arg7[%get3A_84, %get3A_85] {strides = array<i32>} : memref<157x128xi32, #tpu.memory_space<vmem>>, vector<1x16xi32>,
        %get3A_87 = vector.shape_cast %get3A_86 : vector<1x16xi32> to vector<16xi32>
        %and3A_88 = arith.constant 16383 : i32
        %and3A_89 = vector.broadcast %and3A_88 : i32 to vector<16xi32>
        %and3A_90 = arith.andi %get3A_87, %and3A_89 : vector<16xi32>
        %swap3A_91 = arith.constant 0 : i32
        %swap3A_92 = arith.index_cast %swap3A_91 : i32 to index
        %swap3A_93 = arith.constant 32 : index
        %swap3A_94 = tpu.vector_load %arg8[%swap3A_92, %swap3A_93] {strides = array<i32>} : memref<1x128xi32, #tpu.memory_space<vmem>>, vector<1x16xi32>,
        %swap3A_95 = vector.shape_cast %swap3A_94 : vector<1x16xi32> to vector<16xi32>
        %swap3A_96 = vector.shape_cast %and3A_90 : vector<16xi32> to vector<1x16xi32>
        tpu.vector_store %arg8[%swap3A_92, %swap3A_93], %swap3A_96 {strides = array<i32>} : memref<1x128xi32, #tpu.memory_space<vmem>>, vector<1x16xi32>,
        %shift_right_logical3A_97 = arith.constant 14 : i32
        %shift_right_logical3A_98 = vector.broadcast %shift_right_logical3A_97 : i32 to vector<16xi32>
        %shift_right_logical3A_99 = arith.shrui %get3A_87, %shift_right_logical3A_98 : vector<16xi32>
        %swap3A_100 = arith.constant 0 : i32
        %swap3A_101 = arith.index_cast %swap3A_100 : i32 to index
        %swap3A_102 = arith.constant 32 : index
        %swap3A_103 = tpu.vector_load %arg9[%swap3A_101, %swap3A_102] {strides = array<i32>} : memref<1x128xi32, #tpu.memory_space<vmem>>, vector<1x16xi32>,
        %swap3A_104 = vector.shape_cast %swap3A_103 : vector<1x16xi32> to vector<16xi32>
        %swap3A_105 = vector.shape_cast %shift_right_logical3A_99 : vector<16xi32> to vector<1x16xi32>
        tpu.vector_store %arg9[%swap3A_101, %swap3A_102], %swap3A_105 {strides = array<i32>} : memref<1x128xi32, #tpu.memory_space<vmem>>, vector<1x16xi32>,
        %get3A_106 = arith.index_cast %scan3A_42 : i32 to index
        %get3A_107 = arith.constant 48 : index
        %get3A_108 = tpu.vector_load %arg7[%get3A_106, %get3A_107] {strides = array<i32>} : memref<157x128xi32, #tpu.memory_space<vmem>>, vector<1x16xi32>,
        %get3A_109 = vector.shape_cast %get3A_108 : vector<1x16xi32> to vector<16xi32>
        %and3A_110 = arith.constant 16383 : i32
        %and3A_111 = vector.broadcast %and3A_110 : i32 to vector<16xi32>
        %and3A_112 = arith.andi %get3A_109, %and3A_111 : vector<16xi32>
        %swap3A_113 = arith.constant 0 : i32
        %swap3A_114 = arith.index_cast %swap3A_113 : i32 to index
        %swap3A_115 = arith.constant 48 : index
        %swap3A_116 = tpu.vector_load %arg8[%swap3A_114, %swap3A_115] {strides = array<i32>} : memref<1x128xi32, #tpu.memory_space<vmem>>, vector<1x16xi32>,
        %swap3A_117 = vector.shape_cast %swap3A_116 : vector<1x16xi32> to vector<16xi32>
        %swap3A_118 = vector.shape_cast %and3A_112 : vector<16xi32> to vector<1x16xi32>
        tpu.vector_store %arg8[%swap3A_114, %swap3A_115], %swap3A_118 {strides = array<i32>} : memref<1x128xi32, #tpu.memory_space<vmem>>, vector<1x16xi32>,
        %shift_right_logical3A_119 = arith.constant 14 : i32
        %shift_right_logical3A_120 = vector.broadcast %shift_right_logical3A_119 : i32 to vector<16xi32>
        %shift_right_logical3A_121 = arith.shrui %get3A_109, %shift_right_logical3A_120 : vector<16xi32>
        %swap3A_122 = arith.constant 0 : i32
        %swap3A_123 = arith.index_cast %swap3A_122 : i32 to index
        %swap3A_124 = arith.constant 48 : index
        %swap3A_125 = tpu.vector_load %arg9[%swap3A_123, %swap3A_124] {strides = array<i32>} : memref<1x128xi32, #tpu.memory_space<vmem>>, vector<1x16xi32>,
        %swap3A_126 = vector.shape_cast %swap3A_125 : vector<1x16xi32> to vector<16xi32>
        %swap3A_127 = vector.shape_cast %shift_right_logical3A_121 : vector<16xi32> to vector<1x16xi32>
        tpu.vector_store %arg9[%swap3A_123, %swap3A_124], %swap3A_127 {strides = array<i32>} : memref<1x128xi32, #tpu.memory_space<vmem>>, vector<1x16xi32>,
        %get3A_128 = arith.index_cast %scan3A_42 : i32 to index
        %get3A_129 = arith.constant 64 : index
        %get3A_130 = tpu.vector_load %arg7[%get3A_128, %get3A_129] {strides = array<i32>} : memref<157x128xi32, #tpu.memory_space<vmem>>, vector<1x16xi32>,
        %get3A_131 = vector.shape_cast %get3A_130 : vector<1x16xi32> to vector<16xi32>
        %and3A_132 = arith.constant 16383 : i32
        %and3A_133 = vector.broadcast %and3A_132 : i32 to vector<16xi32>
        %and3A_134 = arith.andi %get3A_131, %and3A_133 : vector<16xi32>
        %swap3A_135 = arith.constant 0 : i32
        %swap3A_136 = arith.index_cast %swap3A_135 : i32 to index
        %swap3A_137 = arith.constant 64 : index
        %swap3A_138 = tpu.vector_load %arg8[%swap3A_136, %swap3A_137] {strides = array<i32>} : memref<1x128xi32, #tpu.memory_space<vmem>>, vector<1x16xi32>,
        %swap3A_139 = vector.shape_cast %swap3A_138 : vector<1x16xi32> to vector<16xi32>
        %swap3A_140 = vector.shape_cast %and3A_134 : vector<16xi32> to vector<1x16xi32>
        tpu.vector_store %arg8[%swap3A_136, %swap3A_137], %swap3A_140 {strides = array<i32>} : memref<1x128xi32, #tpu.memory_space<vmem>>, vector<1x16xi32>,
        %shift_right_logical3A_141 = arith.constant 14 : i32
        %shift_right_logical3A_142 = vector.broadcast %shift_right_logical3A_141 : i32 to vector<16xi32>
        %shift_right_logical3A_143 = arith.shrui %get3A_131, %shift_right_logical3A_142 : vector<16xi32>
        %swap3A_144 = arith.constant 0 : i32
        %swap3A_145 = arith.index_cast %swap3A_144 : i32 to index
        %swap3A_146 = arith.constant 64 : index
        %swap3A_147 = tpu.vector_load %arg9[%swap3A_145, %swap3A_146] {strides = array<i32>} : memref<1x128xi32, #tpu.memory_space<vmem>>, vector<1x16xi32>,
        %swap3A_148 = vector.shape_cast %swap3A_147 : vector<1x16xi32> to vector<16xi32>
        %swap3A_149 = vector.shape_cast %shift_right_logical3A_143 : vector<16xi32> to vector<1x16xi32>
        tpu.vector_store %arg9[%swap3A_145, %swap3A_146], %swap3A_149 {strides = array<i32>} : memref<1x128xi32, #tpu.memory_space<vmem>>, vector<1x16xi32>,
        %get3A_150 = arith.index_cast %scan3A_42 : i32 to index
        %get3A_151 = arith.constant 80 : index
        %get3A_152 = tpu.vector_load %arg7[%get3A_150, %get3A_151] {strides = array<i32>} : memref<157x128xi32, #tpu.memory_space<vmem>>, vector<1x16xi32>,
        %get3A_153 = vector.shape_cast %get3A_152 : vector<1x16xi32> to vector<16xi32>
        %and3A_154 = arith.constant 16383 : i32
        %and3A_155 = vector.broadcast %and3A_154 : i32 to vector<16xi32>
        %and3A_156 = arith.andi %get3A_153, %and3A_155 : vector<16xi32>
        %swap3A_157 = arith.constant 0 : i32
        %swap3A_158 = arith.index_cast %swap3A_157 : i32 to index
        %swap3A_159 = arith.constant 80 : index
        %swap3A_160 = tpu.vector_load %arg8[%swap3A_158, %swap3A_159] {strides = array<i32>} : memref<1x128xi32, #tpu.memory_space<vmem>>, vector<1x16xi32>,
        %swap3A_161 = vector.shape_cast %swap3A_160 : vector<1x16xi32> to vector<16xi32>
        %swap3A_162 = vector.shape_cast %and3A_156 : vector<16xi32> to vector<1x16xi32>
        tpu.vector_store %arg8[%swap3A_158, %swap3A_159], %swap3A_162 {strides = array<i32>} : memref<1x128xi32, #tpu.memory_space<vmem>>, vector<1x16xi32>,
        %shift_right_logical3A_163 = arith.constant 14 : i32
        %shift_right_logical3A_164 = vector.broadcast %shift_right_logical3A_163 : i32 to vector<16xi32>
        %shift_right_logical3A_165 = arith.shrui %get3A_153, %shift_right_logical3A_164 : vector<16xi32>
        %swap3A_166 = arith.constant 0 : i32
        %swap3A_167 = arith.index_cast %swap3A_166 : i32 to index
        %swap3A_168 = arith.constant 80 : index
        %swap3A_169 = tpu.vector_load %arg9[%swap3A_167, %swap3A_168] {strides = array<i32>} : memref<1x128xi32, #tpu.memory_space<vmem>>, vector<1x16xi32>,
        %swap3A_170 = vector.shape_cast %swap3A_169 : vector<1x16xi32> to vector<16xi32>
        %swap3A_171 = vector.shape_cast %shift_right_logical3A_165 : vector<16xi32> to vector<1x16xi32>
        tpu.vector_store %arg9[%swap3A_167, %swap3A_168], %swap3A_171 {strides = array<i32>} : memref<1x128xi32, #tpu.memory_space<vmem>>, vector<1x16xi32>,
        %get3A_172 = arith.index_cast %scan3A_42 : i32 to index
        %get3A_173 = arith.constant 96 : index
        %get3A_174 = tpu.vector_load %arg7[%get3A_172, %get3A_173] {strides = array<i32>} : memref<157x128xi32, #tpu.memory_space<vmem>>, vector<1x16xi32>,
        %get3A_175 = vector.shape_cast %get3A_174 : vector<1x16xi32> to vector<16xi32>
        %and3A_176 = arith.constant 16383 : i32
        %and3A_177 = vector.broadcast %and3A_176 : i32 to vector<16xi32>
        %and3A_178 = arith.andi %get3A_175, %and3A_177 : vector<16xi32>
        %swap3A_179 = arith.constant 0 : i32
        %swap3A_180 = arith.index_cast %swap3A_179 : i32 to index
        %swap3A_181 = arith.constant 96 : index
        %swap3A_182 = tpu.vector_load %arg8[%swap3A_180, %swap3A_181] {strides = array<i32>} : memref<1x128xi32, #tpu.memory_space<vmem>>, vector<1x16xi32>,
        %swap3A_183 = vector.shape_cast %swap3A_182 : vector<1x16xi32> to vector<16xi32>
        %swap3A_184 = vector.shape_cast %and3A_178 : vector<16xi32> to vector<1x16xi32>
        tpu.vector_store %arg8[%swap3A_180, %swap3A_181], %swap3A_184 {strides = array<i32>} : memref<1x128xi32, #tpu.memory_space<vmem>>, vector<1x16xi32>,
        %shift_right_logical3A_185 = arith.constant 14 : i32
        %shift_right_logical3A_186 = vector.broadcast %shift_right_logical3A_185 : i32 to vector<16xi32>
        %shift_right_logical3A_187 = arith.shrui %get3A_175, %shift_right_logical3A_186 : vector<16xi32>
        %swap3A_188 = arith.constant 0 : i32
        %swap3A_189 = arith.index_cast %swap3A_188 : i32 to index
        %swap3A_190 = arith.constant 96 : index
        %swap3A_191 = tpu.vector_load %arg9[%swap3A_189, %swap3A_190] {strides = array<i32>} : memref<1x128xi32, #tpu.memory_space<vmem>>, vector<1x16xi32>,
        %swap3A_192 = vector.shape_cast %swap3A_191 : vector<1x16xi32> to vector<16xi32>
        %swap3A_193 = vector.shape_cast %shift_right_logical3A_187 : vector<16xi32> to vector<1x16xi32>
        tpu.vector_store %arg9[%swap3A_189, %swap3A_190], %swap3A_193 {strides = array<i32>} : memref<1x128xi32, #tpu.memory_space<vmem>>, vector<1x16xi32>,
        %get3A_194 = arith.index_cast %scan3A_42 : i32 to index
        %get3A_195 = arith.constant 112 : index
        %get3A_196 = tpu.vector_load %arg7[%get3A_194, %get3A_195] {strides = array<i32>} : memref<157x128xi32, #tpu.memory_space<vmem>>, vector<1x16xi32>,
        %get3A_197 = vector.shape_cast %get3A_196 : vector<1x16xi32> to vector<16xi32>
        %and3A_198 = arith.constant 16383 : i32
        %and3A_199 = vector.broadcast %and3A_198 : i32 to vector<16xi32>
        %and3A_200 = arith.andi %get3A_197, %and3A_199 : vector<16xi32>
        %swap3A_201 = arith.constant 0 : i32
        %swap3A_202 = arith.index_cast %swap3A_201 : i32 to index
        %swap3A_203 = arith.constant 112 : index
        %swap3A_204 = tpu.vector_load %arg8[%swap3A_202, %swap3A_203] {strides = array<i32>} : memref<1x128xi32, #tpu.memory_space<vmem>>, vector<1x16xi32>,
        %swap3A_205 = vector.shape_cast %swap3A_204 : vector<1x16xi32> to vector<16xi32>
        %swap3A_206 = vector.shape_cast %and3A_200 : vector<16xi32> to vector<1x16xi32>
        tpu.vector_store %arg8[%swap3A_202, %swap3A_203], %swap3A_206 {strides = array<i32>} : memref<1x128xi32, #tpu.memory_space<vmem>>, vector<1x16xi32>,
        %shift_right_logical3A_207 = arith.constant 14 : i32
        %shift_right_logical3A_208 = vector.broadcast %shift_right_logical3A_207 : i32 to vector<16xi32>
        %shift_right_logical3A_209 = arith.shrui %get3A_197, %shift_right_logical3A_208 : vector<16xi32>
        %swap3A_210 = arith.constant 0 : i32
        %swap3A_211 = arith.index_cast %swap3A_210 : i32 to index
        %swap3A_212 = arith.constant 112 : index
        %swap3A_213 = tpu.vector_load %arg9[%swap3A_211, %swap3A_212] {strides = array<i32>} : memref<1x128xi32, #tpu.memory_space<vmem>>, vector<1x16xi32>,
        %swap3A_214 = vector.shape_cast %swap3A_213 : vector<1x16xi32> to vector<16xi32>
        %swap3A_215 = vector.shape_cast %shift_right_logical3A_209 : vector<16xi32> to vector<1x16xi32>
        tpu.vector_store %arg9[%swap3A_211, %swap3A_212], %swap3A_215 {strides = array<i32>} : memref<1x128xi32, #tpu.memory_space<vmem>>, vector<1x16xi32>,
        %dma_start3A = arith.constant 0 : i32
        %dma_start3A_216 = arith.constant 0 : i32
        %dma_start3A_217 = tpu.memref_slice %arg8[%dma_start3A, %dma_start3A_216] : memref<1x128xi32, #tpu.memory_space<vmem>> -> memref<1x128xi32, #tpu.memory_space<vmem>>
        %dma_start3A_218 = tpu.memref_squeeze %dma_start3A_217 : memref<1x128xi32, #tpu.memory_space<vmem>> -> memref<128xi32, #tpu.memory_space<vmem>>
        %dma_start3A_219 = arith.constant 0 : i32
        %dma_start3A_220 = arith.constant 0 : i32
        %dma_start3A_221 = tpu.memref_slice %arg2[%dma_start3A_219, %dma_start3A_220] : memref<10000x128xf32, #tpu.memory_space<hbm>> -> memref<10000x128xf32, #tpu.memory_space<hbm>>
        tpu.enqueue_indirect_dma source(%dma_start3A_221 : memref<10000x128xf32, #tpu.memory_space<hbm>>) target(%arg10 : memref<128x128xf32, #tpu.memory_space<vmem>>) offsets(%dma_start3A_218 : memref<128xi32, #tpu.memory_space<vmem>>) semaphore(%arg12 : memref<!tpu.dma_semaphore, #tpu.memory_space<semaphore_mem>>)
        %dma_wait3A = arith.constant 0 : i32
        %dma_wait3A_222 = arith.constant 0 : i32
        %dma_wait3A_223 = tpu.memref_slice %arg8[%dma_wait3A, %dma_wait3A_222] : memref<1x128xi32, #tpu.memory_space<vmem>> -> memref<1x128xi32, #tpu.memory_space<vmem>>
        %dma_wait3A_224 = tpu.memref_squeeze %dma_wait3A_223 : memref<1x128xi32, #tpu.memory_space<vmem>> -> memref<128xi32, #tpu.memory_space<vmem>>
        %dma_wait3A_225 = arith.constant 0 : i32
        %dma_wait3A_226 = arith.constant 0 : i32
        %dma_wait3A_227 = tpu.memref_slice %arg2[%dma_wait3A_225, %dma_wait3A_226] : memref<10000x128xf32, #tpu.memory_space<hbm>> -> memref<10000x128xf32, #tpu.memory_space<hbm>>
        tpu.wait_indirect_dma semaphore(%arg12 : memref<!tpu.dma_semaphore, #tpu.memory_space<semaphore_mem>>) src(%dma_wait3A_227 : memref<10000x128xf32, #tpu.memory_space<hbm>>) dst(%arg10 : memref<128x128xf32, #tpu.memory_space<vmem>>)
        %run_scoped3A = arith.constant 0 : i32
        "tpu.region"() ({
          %run_scoped3A_229 = tpu.sem_alloc : memref<!tpu.dma_semaphore, #tpu.memory_space<semaphore_mem>>
          %dma_start3A_230 = arith.constant 0 : i32
          %dma_start3A_231 = tpu.memref_slice %arg9[%run_scoped3A, %dma_start3A_230] : memref<1x128xi32, #tpu.memory_space<vmem>> -> memref<1x128xi32, #tpu.memory_space<vmem>>
          %dma_start3A_232 = tpu.memref_squeeze %dma_start3A_231 : memref<1x128xi32, #tpu.memory_space<vmem>> -> memref<128xi32, #tpu.memory_space<vmem>>
          %dma_start3A_233 = arith.constant 0 : i32
          %dma_start3A_234 = arith.constant 0 : i32
          %dma_start3A_235 = tpu.memref_slice %arg11[%dma_start3A_233, %dma_start3A_234] : memref<10240x128xf32, #tpu.memory_space<vmem_shared>> -> memref<10240x128xf32, #tpu.memory_space<vmem_shared>>
          tpu.enqueue_indirect_dma source(%arg10 : memref<128x128xf32, #tpu.memory_space<vmem>>) target(%dma_start3A_235 : memref<10240x128xf32, #tpu.memory_space<vmem_shared>>) offsets(%dma_start3A_232 : memref<128xi32, #tpu.memory_space<vmem>>) semaphore(%run_scoped3A_229 : memref<!tpu.dma_semaphore, #tpu.memory_space<semaphore_mem>>) {add = true}
          %dma_wait3A_236 = arith.constant 0 : i32
          %dma_wait3A_237 = tpu.memref_slice %arg9[%run_scoped3A, %dma_wait3A_236] : memref<1x128xi32, #tpu.memory_space<vmem>> -> memref<1x128xi32, #tpu.memory_space<vmem>>
          %dma_wait3A_238 = tpu.memref_squeeze %dma_wait3A_237 : memref<1x128xi32, #tpu.memory_space<vmem>> -> memref<128xi32, #tpu.memory_space<vmem>>
          %dma_wait3A_239 = arith.constant 0 : i32
          %dma_wait3A_240 = arith.constant 0 : i32
          %dma_wait3A_241 = tpu.memref_slice %arg11[%dma_wait3A_239, %dma_wait3A_240] : memref<10240x128xf32, #tpu.memory_space<vmem_shared>> -> memref<10240x128xf32, #tpu.memory_space<vmem_shared>>
          tpu.wait_indirect_dma semaphore(%run_scoped3A_229 : memref<!tpu.dma_semaphore, #tpu.memory_space<semaphore_mem>>) src(%arg10 : memref<128x128xf32, #tpu.memory_space<vmem>>) dst(%dma_wait3A_241 : memref<10240x128xf32, #tpu.memory_space<vmem_shared>>)
          tpu.yield
        }) : () -> ()
        %scan3A_228 = arith.constant 0 : i32
        scf.yield %scan3A_228 : i32
      }
      %scan3A_38 = arith.constant 157 : i32
      %barrier3A_39 = arith.constant 0 : index
      tpu.barrier barrier_id(%barrier3A_39)
      %mul3A_40 = arith.constant 640 : i32
      %mul3A_41 = arith.muli %arg1, %mul3A_40 : i32
      "tpu.region"() ({
        %run_scoped3A = tpu.sem_alloc : memref<!tpu.dma_semaphore, #tpu.memory_space<semaphore_mem>>
        %dma_start3A = arith.constant 0 : i32
        %dma_start3A_42 = tpu.memref_slice %arg5[%mul3A_41, %dma_start3A] : memref<10240x128xf32, #tpu.memory_space<hbm>> -> memref<640x128xf32, #tpu.memory_space<hbm>>
        %dma_start3A_43 = arith.constant 0 : i32
        %dma_start3A_44 = tpu.memref_slice %arg11[%mul3A_41, %dma_start3A_43] : memref<10240x128xf32, #tpu.memory_space<vmem_shared>> -> memref<640x128xf32, #tpu.memory_space<vmem_shared>>
        tpu.enqueue_dma source(%dma_start3A_44 : memref<640x128xf32, #tpu.memory_space<vmem_shared>>) target(%dma_start3A_42 : memref<640x128xf32, #tpu.memory_space<hbm>>) target_semaphore(%run_scoped3A : memref<!tpu.dma_semaphore, #tpu.memory_space<semaphore_mem>>)
        %dma_wait3A = arith.constant 0 : i32
        %dma_wait3A_45 = tpu.memref_slice %arg5[%mul3A_41, %dma_wait3A] : memref<10240x128xf32, #tpu.memory_space<hbm>> -> memref<640x128xf32, #tpu.memory_space<hbm>>
        %dma_wait3A_46 = arith.constant 0 : i32
        %dma_wait3A_47 = tpu.memref_slice %arg11[%mul3A_41, %dma_wait3A_46] : memref<10240x128xf32, #tpu.memory_space<vmem_shared>> -> memref<640x128xf32, #tpu.memory_space<vmem_shared>>
        tpu.wait_dma2 semaphore(%run_scoped3A : memref<!tpu.dma_semaphore, #tpu.memory_space<semaphore_mem>>) src(%dma_wait3A_47 : memref<640x128xf32, #tpu.memory_space<vmem_shared>>) dst(%dma_wait3A_45 : memref<640x128xf32, #tpu.memory_space<hbm>>)
        tpu.yield
      }) : () -> ()
    } else {
    }
    %eq3A_27 = arith.constant 1 : i32
    %eq3A_28 = arith.cmpi eq, %arg0, %eq3A_27 : i32
    %convert_element_type3A_29 = arith.extui %eq3A_28 : i1 to i32
    %cond3A_30 = arith.constant 0 : i32
    %cond3A_31 = arith.cmpi ne, %convert_element_type3A_29, %cond3A_30 : i32
    scf.if %cond3A_31 {
      %scan3A_32 = arith.constant 0 : i32
      %scan3A_33 = arith.constant 0 : i32
      %scan3A_34 = arith.constant 157 : i32
      %scan3A_35 = arith.addi %scan3A_33, %scan3A_34 : i32
      %scan3A_36 = arith.constant 1 : i32
      %scan3A_37 = scf.for %scan3A_42 = %scan3A_33 to %scan3A_35 step %scan3A_36 iter_args(%scan3A_43 = %scan3A_32) -> (i32)  : i32 {
        %get3A = arith.index_cast %scan3A_42 : i32 to index
        %get3A_44 = arith.constant 0 : index
        %get3A_45 = tpu.vector_load %arg7[%get3A, %get3A_44] {strides = array<i32>} : memref<157x128xi32, #tpu.memory_space<vmem>>, vector<1x16xi32>,
        %get3A_46 = vector.shape_cast %get3A_45 : vector<1x16xi32> to vector<16xi32>
        %and3A = arith.constant 16383 : i32
        %and3A_47 = vector.broadcast %and3A : i32 to vector<16xi32>
        %and3A_48 = arith.andi %get3A_46, %and3A_47 : vector<16xi32>
        %swap3A = arith.constant 0 : i32
        %swap3A_49 = arith.index_cast %swap3A : i32 to index
        %swap3A_50 = arith.constant 0 : index
        %swap3A_51 = tpu.vector_load %arg8[%swap3A_49, %swap3A_50] {strides = array<i32>} : memref<1x128xi32, #tpu.memory_space<vmem>>, vector<1x16xi32>,
        %swap3A_52 = vector.shape_cast %swap3A_51 : vector<1x16xi32> to vector<16xi32>
        %swap3A_53 = vector.shape_cast %and3A_48 : vector<16xi32> to vector<1x16xi32>
        tpu.vector_store %arg8[%swap3A_49, %swap3A_50], %swap3A_53 {strides = array<i32>} : memref<1x128xi32, #tpu.memory_space<vmem>>, vector<1x16xi32>,
        %shift_right_logical3A = arith.constant 14 : i32
        %shift_right_logical3A_54 = vector.broadcast %shift_right_logical3A : i32 to vector<16xi32>
        %shift_right_logical3A_55 = arith.shrui %get3A_46, %shift_right_logical3A_54 : vector<16xi32>
        %swap3A_56 = arith.constant 0 : i32
        %swap3A_57 = arith.index_cast %swap3A_56 : i32 to index
        %swap3A_58 = arith.constant 0 : index
        %swap3A_59 = tpu.vector_load %arg9[%swap3A_57, %swap3A_58] {strides = array<i32>} : memref<1x128xi32, #tpu.memory_space<vmem>>, vector<1x16xi32>,
        %swap3A_60 = vector.shape_cast %swap3A_59 : vector<1x16xi32> to vector<16xi32>
        %swap3A_61 = vector.shape_cast %shift_right_logical3A_55 : vector<16xi32> to vector<1x16xi32>
        tpu.vector_store %arg9[%swap3A_57, %swap3A_58], %swap3A_61 {strides = array<i32>} : memref<1x128xi32, #tpu.memory_space<vmem>>, vector<1x16xi32>,
        %get3A_62 = arith.index_cast %scan3A_42 : i32 to index
        %get3A_63 = arith.constant 16 : index
        %get3A_64 = tpu.vector_load %arg7[%get3A_62, %get3A_63] {strides = array<i32>} : memref<157x128xi32, #tpu.memory_space<vmem>>, vector<1x16xi32>,
        %get3A_65 = vector.shape_cast %get3A_64 : vector<1x16xi32> to vector<16xi32>
        %and3A_66 = arith.constant 16383 : i32
        %and3A_67 = vector.broadcast %and3A_66 : i32 to vector<16xi32>
        %and3A_68 = arith.andi %get3A_65, %and3A_67 : vector<16xi32>
        %swap3A_69 = arith.constant 0 : i32
        %swap3A_70 = arith.index_cast %swap3A_69 : i32 to index
        %swap3A_71 = arith.constant 16 : index
        %swap3A_72 = tpu.vector_load %arg8[%swap3A_70, %swap3A_71] {strides = array<i32>} : memref<1x128xi32, #tpu.memory_space<vmem>>, vector<1x16xi32>,
        %swap3A_73 = vector.shape_cast %swap3A_72 : vector<1x16xi32> to vector<16xi32>
        %swap3A_74 = vector.shape_cast %and3A_68 : vector<16xi32> to vector<1x16xi32>
        tpu.vector_store %arg8[%swap3A_70, %swap3A_71], %swap3A_74 {strides = array<i32>} : memref<1x128xi32, #tpu.memory_space<vmem>>, vector<1x16xi32>,
        %shift_right_logical3A_75 = arith.constant 14 : i32
        %shift_right_logical3A_76 = vector.broadcast %shift_right_logical3A_75 : i32 to vector<16xi32>
        %shift_right_logical3A_77 = arith.shrui %get3A_65, %shift_right_logical3A_76 : vector<16xi32>
        %swap3A_78 = arith.constant 0 : i32
        %swap3A_79 = arith.index_cast %swap3A_78 : i32 to index
        %swap3A_80 = arith.constant 16 : index
        %swap3A_81 = tpu.vector_load %arg9[%swap3A_79, %swap3A_80] {strides = array<i32>} : memref<1x128xi32, #tpu.memory_space<vmem>>, vector<1x16xi32>,
        %swap3A_82 = vector.shape_cast %swap3A_81 : vector<1x16xi32> to vector<16xi32>
        %swap3A_83 = vector.shape_cast %shift_right_logical3A_77 : vector<16xi32> to vector<1x16xi32>
        tpu.vector_store %arg9[%swap3A_79, %swap3A_80], %swap3A_83 {strides = array<i32>} : memref<1x128xi32, #tpu.memory_space<vmem>>, vector<1x16xi32>,
        %get3A_84 = arith.index_cast %scan3A_42 : i32 to index
        %get3A_85 = arith.constant 32 : index
        %get3A_86 = tpu.vector_load %arg7[%get3A_84, %get3A_85] {strides = array<i32>} : memref<157x128xi32, #tpu.memory_space<vmem>>, vector<1x16xi32>,
        %get3A_87 = vector.shape_cast %get3A_86 : vector<1x16xi32> to vector<16xi32>
        %and3A_88 = arith.constant 16383 : i32
        %and3A_89 = vector.broadcast %and3A_88 : i32 to vector<16xi32>
        %and3A_90 = arith.andi %get3A_87, %and3A_89 : vector<16xi32>
        %swap3A_91 = arith.constant 0 : i32
        %swap3A_92 = arith.index_cast %swap3A_91 : i32 to index
        %swap3A_93 = arith.constant 32 : index
        %swap3A_94 = tpu.vector_load %arg8[%swap3A_92, %swap3A_93] {strides = array<i32>} : memref<1x128xi32, #tpu.memory_space<vmem>>, vector<1x16xi32>,
        %swap3A_95 = vector.shape_cast %swap3A_94 : vector<1x16xi32> to vector<16xi32>
        %swap3A_96 = vector.shape_cast %and3A_90 : vector<16xi32> to vector<1x16xi32>
        tpu.vector_store %arg8[%swap3A_92, %swap3A_93], %swap3A_96 {strides = array<i32>} : memref<1x128xi32, #tpu.memory_space<vmem>>, vector<1x16xi32>,
        %shift_right_logical3A_97 = arith.constant 14 : i32
        %shift_right_logical3A_98 = vector.broadcast %shift_right_logical3A_97 : i32 to vector<16xi32>
        %shift_right_logical3A_99 = arith.shrui %get3A_87, %shift_right_logical3A_98 : vector<16xi32>
        %swap3A_100 = arith.constant 0 : i32
        %swap3A_101 = arith.index_cast %swap3A_100 : i32 to index
        %swap3A_102 = arith.constant 32 : index
        %swap3A_103 = tpu.vector_load %arg9[%swap3A_101, %swap3A_102] {strides = array<i32>} : memref<1x128xi32, #tpu.memory_space<vmem>>, vector<1x16xi32>,
        %swap3A_104 = vector.shape_cast %swap3A_103 : vector<1x16xi32> to vector<16xi32>
        %swap3A_105 = vector.shape_cast %shift_right_logical3A_99 : vector<16xi32> to vector<1x16xi32>
        tpu.vector_store %arg9[%swap3A_101, %swap3A_102], %swap3A_105 {strides = array<i32>} : memref<1x128xi32, #tpu.memory_space<vmem>>, vector<1x16xi32>,
        %get3A_106 = arith.index_cast %scan3A_42 : i32 to index
        %get3A_107 = arith.constant 48 : index
        %get3A_108 = tpu.vector_load %arg7[%get3A_106, %get3A_107] {strides = array<i32>} : memref<157x128xi32, #tpu.memory_space<vmem>>, vector<1x16xi32>,
        %get3A_109 = vector.shape_cast %get3A_108 : vector<1x16xi32> to vector<16xi32>
        %and3A_110 = arith.constant 16383 : i32
        %and3A_111 = vector.broadcast %and3A_110 : i32 to vector<16xi32>
        %and3A_112 = arith.andi %get3A_109, %and3A_111 : vector<16xi32>
        %swap3A_113 = arith.constant 0 : i32
        %swap3A_114 = arith.index_cast %swap3A_113 : i32 to index
        %swap3A_115 = arith.constant 48 : index
        %swap3A_116 = tpu.vector_load %arg8[%swap3A_114, %swap3A_115] {strides = array<i32>} : memref<1x128xi32, #tpu.memory_space<vmem>>, vector<1x16xi32>,
        %swap3A_117 = vector.shape_cast %swap3A_116 : vector<1x16xi32> to vector<16xi32>
        %swap3A_118 = vector.shape_cast %and3A_112 : vector<16xi32> to vector<1x16xi32>
        tpu.vector_store %arg8[%swap3A_114, %swap3A_115], %swap3A_118 {strides = array<i32>} : memref<1x128xi32, #tpu.memory_space<vmem>>, vector<1x16xi32>,
        %shift_right_logical3A_119 = arith.constant 14 : i32
        %shift_right_logical3A_120 = vector.broadcast %shift_right_logical3A_119 : i32 to vector<16xi32>
        %shift_right_logical3A_121 = arith.shrui %get3A_109, %shift_right_logical3A_120 : vector<16xi32>
        %swap3A_122 = arith.constant 0 : i32
        %swap3A_123 = arith.index_cast %swap3A_122 : i32 to index
        %swap3A_124 = arith.constant 48 : index
        %swap3A_125 = tpu.vector_load %arg9[%swap3A_123, %swap3A_124] {strides = array<i32>} : memref<1x128xi32, #tpu.memory_space<vmem>>, vector<1x16xi32>,
        %swap3A_126 = vector.shape_cast %swap3A_125 : vector<1x16xi32> to vector<16xi32>
        %swap3A_127 = vector.shape_cast %shift_right_logical3A_121 : vector<16xi32> to vector<1x16xi32>
        tpu.vector_store %arg9[%swap3A_123, %swap3A_124], %swap3A_127 {strides = array<i32>} : memref<1x128xi32, #tpu.memory_space<vmem>>, vector<1x16xi32>,
        %get3A_128 = arith.index_cast %scan3A_42 : i32 to index
        %get3A_129 = arith.constant 64 : index
        %get3A_130 = tpu.vector_load %arg7[%get3A_128, %get3A_129] {strides = array<i32>} : memref<157x128xi32, #tpu.memory_space<vmem>>, vector<1x16xi32>,
        %get3A_131 = vector.shape_cast %get3A_130 : vector<1x16xi32> to vector<16xi32>
        %and3A_132 = arith.constant 16383 : i32
        %and3A_133 = vector.broadcast %and3A_132 : i32 to vector<16xi32>
        %and3A_134 = arith.andi %get3A_131, %and3A_133 : vector<16xi32>
        %swap3A_135 = arith.constant 0 : i32
        %swap3A_136 = arith.index_cast %swap3A_135 : i32 to index
        %swap3A_137 = arith.constant 64 : index
        %swap3A_138 = tpu.vector_load %arg8[%swap3A_136, %swap3A_137] {strides = array<i32>} : memref<1x128xi32, #tpu.memory_space<vmem>>, vector<1x16xi32>,
        %swap3A_139 = vector.shape_cast %swap3A_138 : vector<1x16xi32> to vector<16xi32>
        %swap3A_140 = vector.shape_cast %and3A_134 : vector<16xi32> to vector<1x16xi32>
        tpu.vector_store %arg8[%swap3A_136, %swap3A_137], %swap3A_140 {strides = array<i32>} : memref<1x128xi32, #tpu.memory_space<vmem>>, vector<1x16xi32>,
        %shift_right_logical3A_141 = arith.constant 14 : i32
        %shift_right_logical3A_142 = vector.broadcast %shift_right_logical3A_141 : i32 to vector<16xi32>
        %shift_right_logical3A_143 = arith.shrui %get3A_131, %shift_right_logical3A_142 : vector<16xi32>
        %swap3A_144 = arith.constant 0 : i32
        %swap3A_145 = arith.index_cast %swap3A_144 : i32 to index
        %swap3A_146 = arith.constant 64 : index
        %swap3A_147 = tpu.vector_load %arg9[%swap3A_145, %swap3A_146] {strides = array<i32>} : memref<1x128xi32, #tpu.memory_space<vmem>>, vector<1x16xi32>,
        %swap3A_148 = vector.shape_cast %swap3A_147 : vector<1x16xi32> to vector<16xi32>
        %swap3A_149 = vector.shape_cast %shift_right_logical3A_143 : vector<16xi32> to vector<1x16xi32>
        tpu.vector_store %arg9[%swap3A_145, %swap3A_146], %swap3A_149 {strides = array<i32>} : memref<1x128xi32, #tpu.memory_space<vmem>>, vector<1x16xi32>,
        %get3A_150 = arith.index_cast %scan3A_42 : i32 to index
        %get3A_151 = arith.constant 80 : index
        %get3A_152 = tpu.vector_load %arg7[%get3A_150, %get3A_151] {strides = array<i32>} : memref<157x128xi32, #tpu.memory_space<vmem>>, vector<1x16xi32>,
        %get3A_153 = vector.shape_cast %get3A_152 : vector<1x16xi32> to vector<16xi32>
        %and3A_154 = arith.constant 16383 : i32
        %and3A_155 = vector.broadcast %and3A_154 : i32 to vector<16xi32>
        %and3A_156 = arith.andi %get3A_153, %and3A_155 : vector<16xi32>
        %swap3A_157 = arith.constant 0 : i32
        %swap3A_158 = arith.index_cast %swap3A_157 : i32 to index
        %swap3A_159 = arith.constant 80 : index
        %swap3A_160 = tpu.vector_load %arg8[%swap3A_158, %swap3A_159] {strides = array<i32>} : memref<1x128xi32, #tpu.memory_space<vmem>>, vector<1x16xi32>,
        %swap3A_161 = vector.shape_cast %swap3A_160 : vector<1x16xi32> to vector<16xi32>
        %swap3A_162 = vector.shape_cast %and3A_156 : vector<16xi32> to vector<1x16xi32>
        tpu.vector_store %arg8[%swap3A_158, %swap3A_159], %swap3A_162 {strides = array<i32>} : memref<1x128xi32, #tpu.memory_space<vmem>>, vector<1x16xi32>,
        %shift_right_logical3A_163 = arith.constant 14 : i32
        %shift_right_logical3A_164 = vector.broadcast %shift_right_logical3A_163 : i32 to vector<16xi32>
        %shift_right_logical3A_165 = arith.shrui %get3A_153, %shift_right_logical3A_164 : vector<16xi32>
        %swap3A_166 = arith.constant 0 : i32
        %swap3A_167 = arith.index_cast %swap3A_166 : i32 to index
        %swap3A_168 = arith.constant 80 : index
        %swap3A_169 = tpu.vector_load %arg9[%swap3A_167, %swap3A_168] {strides = array<i32>} : memref<1x128xi32, #tpu.memory_space<vmem>>, vector<1x16xi32>,
        %swap3A_170 = vector.shape_cast %swap3A_169 : vector<1x16xi32> to vector<16xi32>
        %swap3A_171 = vector.shape_cast %shift_right_logical3A_165 : vector<16xi32> to vector<1x16xi32>
        tpu.vector_store %arg9[%swap3A_167, %swap3A_168], %swap3A_171 {strides = array<i32>} : memref<1x128xi32, #tpu.memory_space<vmem>>, vector<1x16xi32>,
        %get3A_172 = arith.index_cast %scan3A_42 : i32 to index
        %get3A_173 = arith.constant 96 : index
        %get3A_174 = tpu.vector_load %arg7[%get3A_172, %get3A_173] {strides = array<i32>} : memref<157x128xi32, #tpu.memory_space<vmem>>, vector<1x16xi32>,
        %get3A_175 = vector.shape_cast %get3A_174 : vector<1x16xi32> to vector<16xi32>
        %and3A_176 = arith.constant 16383 : i32
        %and3A_177 = vector.broadcast %and3A_176 : i32 to vector<16xi32>
        %and3A_178 = arith.andi %get3A_175, %and3A_177 : vector<16xi32>
        %swap3A_179 = arith.constant 0 : i32
        %swap3A_180 = arith.index_cast %swap3A_179 : i32 to index
        %swap3A_181 = arith.constant 96 : index
        %swap3A_182 = tpu.vector_load %arg8[%swap3A_180, %swap3A_181] {strides = array<i32>} : memref<1x128xi32, #tpu.memory_space<vmem>>, vector<1x16xi32>,
        %swap3A_183 = vector.shape_cast %swap3A_182 : vector<1x16xi32> to vector<16xi32>
        %swap3A_184 = vector.shape_cast %and3A_178 : vector<16xi32> to vector<1x16xi32>
        tpu.vector_store %arg8[%swap3A_180, %swap3A_181], %swap3A_184 {strides = array<i32>} : memref<1x128xi32, #tpu.memory_space<vmem>>, vector<1x16xi32>,
        %shift_right_logical3A_185 = arith.constant 14 : i32
        %shift_right_logical3A_186 = vector.broadcast %shift_right_logical3A_185 : i32 to vector<16xi32>
        %shift_right_logical3A_187 = arith.shrui %get3A_175, %shift_right_logical3A_186 : vector<16xi32>
        %swap3A_188 = arith.constant 0 : i32
        %swap3A_189 = arith.index_cast %swap3A_188 : i32 to index
        %swap3A_190 = arith.constant 96 : index
        %swap3A_191 = tpu.vector_load %arg9[%swap3A_189, %swap3A_190] {strides = array<i32>} : memref<1x128xi32, #tpu.memory_space<vmem>>, vector<1x16xi32>,
        %swap3A_192 = vector.shape_cast %swap3A_191 : vector<1x16xi32> to vector<16xi32>
        %swap3A_193 = vector.shape_cast %shift_right_logical3A_187 : vector<16xi32> to vector<1x16xi32>
        tpu.vector_store %arg9[%swap3A_189, %swap3A_190], %swap3A_193 {strides = array<i32>} : memref<1x128xi32, #tpu.memory_space<vmem>>, vector<1x16xi32>,
        %get3A_194 = arith.index_cast %scan3A_42 : i32 to index
        %get3A_195 = arith.constant 112 : index
        %get3A_196 = tpu.vector_load %arg7[%get3A_194, %get3A_195] {strides = array<i32>} : memref<157x128xi32, #tpu.memory_space<vmem>>, vector<1x16xi32>,
        %get3A_197 = vector.shape_cast %get3A_196 : vector<1x16xi32> to vector<16xi32>
        %and3A_198 = arith.constant 16383 : i32
        %and3A_199 = vector.broadcast %and3A_198 : i32 to vector<16xi32>
        %and3A_200 = arith.andi %get3A_197, %and3A_199 : vector<16xi32>
        %swap3A_201 = arith.constant 0 : i32
        %swap3A_202 = arith.index_cast %swap3A_201 : i32 to index
        %swap3A_203 = arith.constant 112 : index
        %swap3A_204 = tpu.vector_load %arg8[%swap3A_202, %swap3A_203] {strides = array<i32>} : memref<1x128xi32, #tpu.memory_space<vmem>>, vector<1x16xi32>,
        %swap3A_205 = vector.shape_cast %swap3A_204 : vector<1x16xi32> to vector<16xi32>
        %swap3A_206 = vector.shape_cast %and3A_200 : vector<16xi32> to vector<1x16xi32>
        tpu.vector_store %arg8[%swap3A_202, %swap3A_203], %swap3A_206 {strides = array<i32>} : memref<1x128xi32, #tpu.memory_space<vmem>>, vector<1x16xi32>,
        %shift_right_logical3A_207 = arith.constant 14 : i32
        %shift_right_logical3A_208 = vector.broadcast %shift_right_logical3A_207 : i32 to vector<16xi32>
        %shift_right_logical3A_209 = arith.shrui %get3A_197, %shift_right_logical3A_208 : vector<16xi32>
        %swap3A_210 = arith.constant 0 : i32
        %swap3A_211 = arith.index_cast %swap3A_210 : i32 to index
        %swap3A_212 = arith.constant 112 : index
        %swap3A_213 = tpu.vector_load %arg9[%swap3A_211, %swap3A_212] {strides = array<i32>} : memref<1x128xi32, #tpu.memory_space<vmem>>, vector<1x16xi32>,
        %swap3A_214 = vector.shape_cast %swap3A_213 : vector<1x16xi32> to vector<16xi32>
        %swap3A_215 = vector.shape_cast %shift_right_logical3A_209 : vector<16xi32> to vector<1x16xi32>
        tpu.vector_store %arg9[%swap3A_211, %swap3A_212], %swap3A_215 {strides = array<i32>} : memref<1x128xi32, #tpu.memory_space<vmem>>, vector<1x16xi32>,
        %dma_start3A = arith.constant 0 : i32
        %dma_start3A_216 = arith.constant 0 : i32
        %dma_start3A_217 = tpu.memref_slice %arg8[%dma_start3A, %dma_start3A_216] : memref<1x128xi32, #tpu.memory_space<vmem>> -> memref<1x128xi32, #tpu.memory_space<vmem>>
        %dma_start3A_218 = tpu.memref_squeeze %dma_start3A_217 : memref<1x128xi32, #tpu.memory_space<vmem>> -> memref<128xi32, #tpu.memory_space<vmem>>
        %dma_start3A_219 = arith.constant 0 : i32
        %dma_start3A_220 = arith.constant 0 : i32
        %dma_start3A_221 = tpu.memref_slice %arg3[%dma_start3A_219, %dma_start3A_220] : memref<10000x128xf32, #tpu.memory_space<hbm>> -> memref<10000x128xf32, #tpu.memory_space<hbm>>
        tpu.enqueue_indirect_dma source(%dma_start3A_221 : memref<10000x128xf32, #tpu.memory_space<hbm>>) target(%arg10 : memref<128x128xf32, #tpu.memory_space<vmem>>) offsets(%dma_start3A_218 : memref<128xi32, #tpu.memory_space<vmem>>) semaphore(%arg12 : memref<!tpu.dma_semaphore, #tpu.memory_space<semaphore_mem>>)
        %dma_wait3A = arith.constant 0 : i32
        %dma_wait3A_222 = arith.constant 0 : i32
        %dma_wait3A_223 = tpu.memref_slice %arg8[%dma_wait3A, %dma_wait3A_222] : memref<1x128xi32, #tpu.memory_space<vmem>> -> memref<1x128xi32, #tpu.memory_space<vmem>>
        %dma_wait3A_224 = tpu.memref_squeeze %dma_wait3A_223 : memref<1x128xi32, #tpu.memory_space<vmem>> -> memref<128xi32, #tpu.memory_space<vmem>>
        %dma_wait3A_225 = arith.constant 0 : i32
        %dma_wait3A_226 = arith.constant 0 : i32
        %dma_wait3A_227 = tpu.memref_slice %arg3[%dma_wait3A_225, %dma_wait3A_226] : memref<10000x128xf32, #tpu.memory_space<hbm>> -> memref<10000x128xf32, #tpu.memory_space<hbm>>
        tpu.wait_indirect_dma semaphore(%arg12 : memref<!tpu.dma_semaphore, #tpu.memory_space<semaphore_mem>>) src(%dma_wait3A_227 : memref<10000x128xf32, #tpu.memory_space<hbm>>) dst(%arg10 : memref<128x128xf32, #tpu.memory_space<vmem>>)
        %run_scoped3A = arith.constant 0 : i32
        "tpu.region"() ({
          %run_scoped3A_229 = tpu.sem_alloc : memref<!tpu.dma_semaphore, #tpu.memory_space<semaphore_mem>>
          %dma_start3A_230 = arith.constant 0 : i32
          %dma_start3A_231 = tpu.memref_slice %arg9[%run_scoped3A, %dma_start3A_230] : memref<1x128xi32, #tpu.memory_space<vmem>> -> memref<1x128xi32, #tpu.memory_space<vmem>>
          %dma_start3A_232 = tpu.memref_squeeze %dma_start3A_231 : memref<1x128xi32, #tpu.memory_space<vmem>> -> memref<128xi32, #tpu.memory_space<vmem>>
          %dma_start3A_233 = arith.constant 0 : i32
          %dma_start3A_234 = arith.constant 0 : i32
          %dma_start3A_235 = tpu.memref_slice %arg11[%dma_start3A_233, %dma_start3A_234] : memref<10240x128xf32, #tpu.memory_space<vmem_shared>> -> memref<10240x128xf32, #tpu.memory_space<vmem_shared>>
          tpu.enqueue_indirect_dma source(%arg10 : memref<128x128xf32, #tpu.memory_space<vmem>>) target(%dma_start3A_235 : memref<10240x128xf32, #tpu.memory_space<vmem_shared>>) offsets(%dma_start3A_232 : memref<128xi32, #tpu.memory_space<vmem>>) semaphore(%run_scoped3A_229 : memref<!tpu.dma_semaphore, #tpu.memory_space<semaphore_mem>>) {add = true}
          %dma_wait3A_236 = arith.constant 0 : i32
          %dma_wait3A_237 = tpu.memref_slice %arg9[%run_scoped3A, %dma_wait3A_236] : memref<1x128xi32, #tpu.memory_space<vmem>> -> memref<1x128xi32, #tpu.memory_space<vmem>>
          %dma_wait3A_238 = tpu.memref_squeeze %dma_wait3A_237 : memref<1x128xi32, #tpu.memory_space<vmem>> -> memref<128xi32, #tpu.memory_space<vmem>>
          %dma_wait3A_239 = arith.constant 0 : i32
          %dma_wait3A_240 = arith.constant 0 : i32
          %dma_wait3A_241 = tpu.memref_slice %arg11[%dma_wait3A_239, %dma_wait3A_240] : memref<10240x128xf32, #tpu.memory_space<vmem_shared>> -> memref<10240x128xf32, #tpu.memory_space<vmem_shared>>
          tpu.wait_indirect_dma semaphore(%run_scoped3A_229 : memref<!tpu.dma_semaphore, #tpu.memory_space<semaphore_mem>>) src(%arg10 : memref<128x128xf32, #tpu.memory_space<vmem>>) dst(%dma_wait3A_241 : memref<10240x128xf32, #tpu.memory_space<vmem_shared>>)
          tpu.yield
        }) : () -> ()
        %scan3A_228 = arith.constant 0 : i32
        scf.yield %scan3A_228 : i32
      }
      %scan3A_38 = arith.constant 157 : i32
      %barrier3A_39 = arith.constant 0 : index
      tpu.barrier barrier_id(%barrier3A_39)
      %mul3A_40 = arith.constant 640 : i32
      %mul3A_41 = arith.muli %arg1, %mul3A_40 : i32
      "tpu.region"() ({
        %run_scoped3A = tpu.sem_alloc : memref<!tpu.dma_semaphore, #tpu.memory_space<semaphore_mem>>
        %dma_start3A = arith.constant 0 : i32
        %dma_start3A_42 = tpu.memref_slice %arg6[%mul3A_41, %dma_start3A] : memref<10240x128xf32, #tpu.memory_space<hbm>> -> memref<640x128xf32, #tpu.memory_space<hbm>>
        %dma_start3A_43 = arith.constant 0 : i32
        %dma_start3A_44 = tpu.memref_slice %arg11[%mul3A_41, %dma_start3A_43] : memref<10240x128xf32, #tpu.memory_space<vmem_shared>> -> memref<640x128xf32, #tpu.memory_space<vmem_shared>>
        tpu.enqueue_dma source(%dma_start3A_44 : memref<640x128xf32, #tpu.memory_space<vmem_shared>>) target(%dma_start3A_42 : memref<640x128xf32, #tpu.memory_space<hbm>>) target_semaphore(%run_scoped3A : memref<!tpu.dma_semaphore, #tpu.memory_space<semaphore_mem>>)
        %dma_wait3A = arith.constant 0 : i32
        %dma_wait3A_45 = tpu.memref_slice %arg6[%mul3A_41, %dma_wait3A] : memref<10240x128xf32, #tpu.memory_space<hbm>> -> memref<640x128xf32, #tpu.memory_space<hbm>>
        %dma_wait3A_46 = arith.constant 0 : i32
        %dma_wait3A_47 = tpu.memref_slice %arg11[%mul3A_41, %dma_wait3A_46] : memref<10240x128xf32, #tpu.memory_space<vmem_shared>> -> memref<640x128xf32, #tpu.memory_space<vmem_shared>>
        tpu.wait_dma2 semaphore(%run_scoped3A : memref<!tpu.dma_semaphore, #tpu.memory_space<semaphore_mem>>) src(%dma_wait3A_47 : memref<640x128xf32, #tpu.memory_space<vmem_shared>>) dst(%dma_wait3A_45 : memref<640x128xf32, #tpu.memory_space<hbm>>)
        tpu.yield
      }) : () -> ()
    } else {
    }
    return
  }
}

#map = affine_map<(d0, d1) -> (0, 0, 0)>
#map1 = affine_map<(d0, d1) -> (0, 0)>
module attributes {stable_mosaic.version = 14 : i64} {
  func.func @_deg_body(%arg0: i32, %arg1: i32, %arg2: memref<16x157x128xi32, #tpu.memory_space<hbm>>, %arg3: memref<10240x128xf32, #tpu.memory_space<hbm>>, %arg4: memref<10240x128xf32, #tpu.memory_space<hbm>>, %arg5: memref<157x128xi32, #tpu.memory_space<vmem>>, %arg6: memref<128x128xf32, #tpu.memory_space<vmem>>, %arg7: memref<10240x128xf32, #tpu.memory_space<vmem_shared>>, %arg8: memref<!tpu.dma_semaphore, #tpu.memory_space<semaphore_mem>>) attributes {dimension_semantics = [#tpu.dimension_semantics<core_parallel>, #tpu.dimension_semantics<subcore_parallel>], iteration_bounds = array<i64: 2, 16>, scalar_prefetch = 0 : i64, scratch_operands = 4 : i64, tpu.core_type = #tpu.core_type<sc_vector_subcore>, window_params = [{transform_indices = #map}, {transform_indices = #map1}, {transform_indices = #map1}]} {
    "tpu.region"() ({
      %run_scoped3A = tpu.sem_alloc : memref<!tpu.dma_semaphore, #tpu.memory_space<semaphore_mem>>
      %dma_start3A = arith.constant 0 : i32
      %dma_start3A_57 = arith.constant 0 : i32
      %dma_start3A_58 = tpu.memref_slice %arg2[%arg1, %dma_start3A, %dma_start3A_57] : memref<16x157x128xi32, #tpu.memory_space<hbm>> -> memref<1x157x128xi32, #tpu.memory_space<hbm>>
      %dma_start3A_59 = tpu.memref_squeeze %dma_start3A_58 : memref<1x157x128xi32, #tpu.memory_space<hbm>> -> memref<157x128xi32, #tpu.memory_space<hbm>>
      %dma_start3A_60 = arith.constant 0 : i32
      %dma_start3A_61 = arith.constant 0 : i32
      %dma_start3A_62 = tpu.memref_slice %arg2[%arg1, %dma_start3A_60, %dma_start3A_61] : memref<16x157x128xi32, #tpu.memory_space<hbm>> -> memref<1x157x128xi32, #tpu.memory_space<hbm>>
      %dma_start3A_63 = tpu.memref_squeeze %dma_start3A_62 : memref<1x157x128xi32, #tpu.memory_space<hbm>> -> memref<157x128xi32, #tpu.memory_space<hbm>>
      tpu.enqueue_dma source(%dma_start3A_63 : memref<157x128xi32, #tpu.memory_space<hbm>>) target(%arg5 : memref<157x128xi32, #tpu.memory_space<vmem>>) target_semaphore(%run_scoped3A : memref<!tpu.dma_semaphore, #tpu.memory_space<semaphore_mem>>)
      %dma_wait3A = arith.constant 0 : i32
      %dma_wait3A_64 = arith.constant 0 : i32
      %dma_wait3A_65 = tpu.memref_slice %arg2[%arg1, %dma_wait3A, %dma_wait3A_64] : memref<16x157x128xi32, #tpu.memory_space<hbm>> -> memref<1x157x128xi32, #tpu.memory_space<hbm>>
      %dma_wait3A_66 = tpu.memref_squeeze %dma_wait3A_65 : memref<1x157x128xi32, #tpu.memory_space<hbm>> -> memref<157x128xi32, #tpu.memory_space<hbm>>
      %dma_wait3A_67 = arith.constant 0 : i32
      %dma_wait3A_68 = arith.constant 0 : i32
      %dma_wait3A_69 = tpu.memref_slice %arg2[%arg1, %dma_wait3A_67, %dma_wait3A_68] : memref<16x157x128xi32, #tpu.memory_space<hbm>> -> memref<1x157x128xi32, #tpu.memory_space<hbm>>
      %dma_wait3A_70 = tpu.memref_squeeze %dma_wait3A_69 : memref<1x157x128xi32, #tpu.memory_space<hbm>> -> memref<157x128xi32, #tpu.memory_space<hbm>>
      tpu.wait_dma2 semaphore(%run_scoped3A : memref<!tpu.dma_semaphore, #tpu.memory_space<semaphore_mem>>) src(%dma_wait3A_70 : memref<157x128xi32, #tpu.memory_space<hbm>>) dst(%arg5 : memref<157x128xi32, #tpu.memory_space<vmem>>)
      tpu.yield
    }) : () -> ()
    %broadcast_in_dim3A = arith.constant 0.000000e+00 : f32
    %broadcast_in_dim3A_0 = vector.broadcast %broadcast_in_dim3A : f32 to vector<16xf32>
    %scan3A = arith.constant 0 : i32
    %scan3A_1 = arith.constant 0 : i32
    %scan3A_2 = arith.constant 128 : i32
    %scan3A_3 = arith.addi %scan3A_1, %scan3A_2 : i32
    %scan3A_4 = arith.constant 1 : i32
    %scan3A_5 = scf.for %scan3A_57 = %scan3A_1 to %scan3A_3 step %scan3A_4 iter_args(%scan3A_58 = %scan3A) -> (i32)  : i32 {
      %swap3A = arith.index_cast %scan3A_57 : i32 to index
      %swap3A_59 = arith.constant 0 : index
      %swap3A_60 = tpu.vector_load %arg6[%swap3A, %swap3A_59] {strides = array<i32>} : memref<128x128xf32, #tpu.memory_space<vmem>>, vector<1x16xf32>,
      %swap3A_61 = vector.shape_cast %swap3A_60 : vector<1x16xf32> to vector<16xf32>
      %swap3A_62 = vector.shape_cast %broadcast_in_dim3A_0 : vector<16xf32> to vector<1x16xf32>
      tpu.vector_store %arg6[%swap3A, %swap3A_59], %swap3A_62 {strides = array<i32>} : memref<128x128xf32, #tpu.memory_space<vmem>>, vector<1x16xf32>,
      %swap3A_63 = arith.index_cast %scan3A_57 : i32 to index
      %swap3A_64 = arith.constant 16 : index
      %swap3A_65 = tpu.vector_load %arg6[%swap3A_63, %swap3A_64] {strides = array<i32>} : memref<128x128xf32, #tpu.memory_space<vmem>>, vector<1x16xf32>,
      %swap3A_66 = vector.shape_cast %swap3A_65 : vector<1x16xf32> to vector<16xf32>
      %swap3A_67 = vector.shape_cast %broadcast_in_dim3A_0 : vector<16xf32> to vector<1x16xf32>
      tpu.vector_store %arg6[%swap3A_63, %swap3A_64], %swap3A_67 {strides = array<i32>} : memref<128x128xf32, #tpu.memory_space<vmem>>, vector<1x16xf32>,
      %swap3A_68 = arith.index_cast %scan3A_57 : i32 to index
      %swap3A_69 = arith.constant 32 : index
      %swap3A_70 = tpu.vector_load %arg6[%swap3A_68, %swap3A_69] {strides = array<i32>} : memref<128x128xf32, #tpu.memory_space<vmem>>, vector<1x16xf32>,
      %swap3A_71 = vector.shape_cast %swap3A_70 : vector<1x16xf32> to vector<16xf32>
      %swap3A_72 = vector.shape_cast %broadcast_in_dim3A_0 : vector<16xf32> to vector<1x16xf32>
      tpu.vector_store %arg6[%swap3A_68, %swap3A_69], %swap3A_72 {strides = array<i32>} : memref<128x128xf32, #tpu.memory_space<vmem>>, vector<1x16xf32>,
      %swap3A_73 = arith.index_cast %scan3A_57 : i32 to index
      %swap3A_74 = arith.constant 48 : index
      %swap3A_75 = tpu.vector_load %arg6[%swap3A_73, %swap3A_74] {strides = array<i32>} : memref<128x128xf32, #tpu.memory_space<vmem>>, vector<1x16xf32>,
      %swap3A_76 = vector.shape_cast %swap3A_75 : vector<1x16xf32> to vector<16xf32>
      %swap3A_77 = vector.shape_cast %broadcast_in_dim3A_0 : vector<16xf32> to vector<1x16xf32>
      tpu.vector_store %arg6[%swap3A_73, %swap3A_74], %swap3A_77 {strides = array<i32>} : memref<128x128xf32, #tpu.memory_space<vmem>>, vector<1x16xf32>,
      %swap3A_78 = arith.index_cast %scan3A_57 : i32 to index
      %swap3A_79 = arith.constant 64 : index
      %swap3A_80 = tpu.vector_load %arg6[%swap3A_78, %swap3A_79] {strides = array<i32>} : memref<128x128xf32, #tpu.memory_space<vmem>>, vector<1x16xf32>,
      %swap3A_81 = vector.shape_cast %swap3A_80 : vector<1x16xf32> to vector<16xf32>
      %swap3A_82 = vector.shape_cast %broadcast_in_dim3A_0 : vector<16xf32> to vector<1x16xf32>
      tpu.vector_store %arg6[%swap3A_78, %swap3A_79], %swap3A_82 {strides = array<i32>} : memref<128x128xf32, #tpu.memory_space<vmem>>, vector<1x16xf32>,
      %swap3A_83 = arith.index_cast %scan3A_57 : i32 to index
      %swap3A_84 = arith.constant 80 : index
      %swap3A_85 = tpu.vector_load %arg6[%swap3A_83, %swap3A_84] {strides = array<i32>} : memref<128x128xf32, #tpu.memory_space<vmem>>, vector<1x16xf32>,
      %swap3A_86 = vector.shape_cast %swap3A_85 : vector<1x16xf32> to vector<16xf32>
      %swap3A_87 = vector.shape_cast %broadcast_in_dim3A_0 : vector<16xf32> to vector<1x16xf32>
      tpu.vector_store %arg6[%swap3A_83, %swap3A_84], %swap3A_87 {strides = array<i32>} : memref<128x128xf32, #tpu.memory_space<vmem>>, vector<1x16xf32>,
      %swap3A_88 = arith.index_cast %scan3A_57 : i32 to index
      %swap3A_89 = arith.constant 96 : index
      %swap3A_90 = tpu.vector_load %arg6[%swap3A_88, %swap3A_89] {strides = array<i32>} : memref<128x128xf32, #tpu.memory_space<vmem>>, vector<1x16xf32>,
      %swap3A_91 = vector.shape_cast %swap3A_90 : vector<1x16xf32> to vector<16xf32>
      %swap3A_92 = vector.shape_cast %broadcast_in_dim3A_0 : vector<16xf32> to vector<1x16xf32>
      tpu.vector_store %arg6[%swap3A_88, %swap3A_89], %swap3A_92 {strides = array<i32>} : memref<128x128xf32, #tpu.memory_space<vmem>>, vector<1x16xf32>,
      %swap3A_93 = arith.index_cast %scan3A_57 : i32 to index
      %swap3A_94 = arith.constant 112 : index
      %swap3A_95 = tpu.vector_load %arg6[%swap3A_93, %swap3A_94] {strides = array<i32>} : memref<128x128xf32, #tpu.memory_space<vmem>>, vector<1x16xf32>,
      %swap3A_96 = vector.shape_cast %swap3A_95 : vector<1x16xf32> to vector<16xf32>
      %swap3A_97 = vector.shape_cast %broadcast_in_dim3A_0 : vector<16xf32> to vector<1x16xf32>
      tpu.vector_store %arg6[%swap3A_93, %swap3A_94], %swap3A_97 {strides = array<i32>} : memref<128x128xf32, #tpu.memory_space<vmem>>, vector<1x16xf32>,
      %scan3A_98 = arith.constant 0 : i32
      scf.yield %scan3A_98 : i32
    }
    %scan3A_6 = arith.constant 128 : i32
    %mul3A = arith.constant 640 : i32
    %mul3A_7 = arith.muli %arg1, %mul3A : i32
    %add3A = arith.constant 0 : i32
    %add3A_8 = arith.addi %mul3A_7, %add3A : i32
    "tpu.region"() ({
      %run_scoped3A = tpu.sem_alloc : memref<!tpu.dma_semaphore, #tpu.memory_space<semaphore_mem>>
      %dma_start3A = arith.constant 0 : i32
      %dma_start3A_57 = tpu.memref_slice %arg7[%add3A_8, %dma_start3A] : memref<10240x128xf32, #tpu.memory_space<vmem_shared>> -> memref<128x128xf32, #tpu.memory_space<vmem_shared>>
      %dma_start3A_58 = arith.constant 0 : i32
      %dma_start3A_59 = tpu.memref_slice %arg7[%add3A_8, %dma_start3A_58] : memref<10240x128xf32, #tpu.memory_space<vmem_shared>> -> memref<128x128xf32, #tpu.memory_space<vmem_shared>>
      tpu.enqueue_dma source(%arg6 : memref<128x128xf32, #tpu.memory_space<vmem>>) target(%dma_start3A_59 : memref<128x128xf32, #tpu.memory_space<vmem_shared>>) target_semaphore(%run_scoped3A : memref<!tpu.dma_semaphore, #tpu.memory_space<semaphore_mem>>)
      %dma_wait3A = arith.constant 0 : i32
      %dma_wait3A_60 = tpu.memref_slice %arg7[%add3A_8, %dma_wait3A] : memref<10240x128xf32, #tpu.memory_space<vmem_shared>> -> memref<128x128xf32, #tpu.memory_space<vmem_shared>>
      %dma_wait3A_61 = arith.constant 0 : i32
      %dma_wait3A_62 = tpu.memref_slice %arg7[%add3A_8, %dma_wait3A_61] : memref<10240x128xf32, #tpu.memory_space<vmem_shared>> -> memref<128x128xf32, #tpu.memory_space<vmem_shared>>
      tpu.wait_dma2 semaphore(%run_scoped3A : memref<!tpu.dma_semaphore, #tpu.memory_space<semaphore_mem>>) src(%arg6 : memref<128x128xf32, #tpu.memory_space<vmem>>) dst(%dma_wait3A_62 : memref<128x128xf32, #tpu.memory_space<vmem_shared>>)
      tpu.yield
    }) : () -> ()
    %mul3A_9 = arith.constant 640 : i32
    %mul3A_10 = arith.muli %arg1, %mul3A_9 : i32
    %add3A_11 = arith.constant 128 : i32
    %add3A_12 = arith.addi %mul3A_10, %add3A_11 : i32
    "tpu.region"() ({
      %run_scoped3A = tpu.sem_alloc : memref<!tpu.dma_semaphore, #tpu.memory_space<semaphore_mem>>
      %dma_start3A = arith.constant 0 : i32
      %dma_start3A_57 = tpu.memref_slice %arg7[%add3A_12, %dma_start3A] : memref<10240x128xf32, #tpu.memory_space<vmem_shared>> -> memref<128x128xf32, #tpu.memory_space<vmem_shared>>
      %dma_start3A_58 = arith.constant 0 : i32
      %dma_start3A_59 = tpu.memref_slice %arg7[%add3A_12, %dma_start3A_58] : memref<10240x128xf32, #tpu.memory_space<vmem_shared>> -> memref<128x128xf32, #tpu.memory_space<vmem_shared>>
      tpu.enqueue_dma source(%arg6 : memref<128x128xf32, #tpu.memory_space<vmem>>) target(%dma_start3A_59 : memref<128x128xf32, #tpu.memory_space<vmem_shared>>) target_semaphore(%run_scoped3A : memref<!tpu.dma_semaphore, #tpu.memory_space<semaphore_mem>>)
      %dma_wait3A = arith.constant 0 : i32
      %dma_wait3A_60 = tpu.memref_slice %arg7[%add3A_12, %dma_wait3A] : memref<10240x128xf32, #tpu.memory_space<vmem_shared>> -> memref<128x128xf32, #tpu.memory_space<vmem_shared>>
      %dma_wait3A_61 = arith.constant 0 : i32
      %dma_wait3A_62 = tpu.memref_slice %arg7[%add3A_12, %dma_wait3A_61] : memref<10240x128xf32, #tpu.memory_space<vmem_shared>> -> memref<128x128xf32, #tpu.memory_space<vmem_shared>>
      tpu.wait_dma2 semaphore(%run_scoped3A : memref<!tpu.dma_semaphore, #tpu.memory_space<semaphore_mem>>) src(%arg6 : memref<128x128xf32, #tpu.memory_space<vmem>>) dst(%dma_wait3A_62 : memref<128x128xf32, #tpu.memory_space<vmem_shared>>)
      tpu.yield
    }) : () -> ()
    %mul3A_13 = arith.constant 640 : i32
    %mul3A_14 = arith.muli %arg1, %mul3A_13 : i32
    %add3A_15 = arith.constant 256 : i32
    %add3A_16 = arith.addi %mul3A_14, %add3A_15 : i32
    "tpu.region"() ({
      %run_scoped3A = tpu.sem_alloc : memref<!tpu.dma_semaphore, #tpu.memory_space<semaphore_mem>>
      %dma_start3A = arith.constant 0 : i32
      %dma_start3A_57 = tpu.memref_slice %arg7[%add3A_16, %dma_start3A] : memref<10240x128xf32, #tpu.memory_space<vmem_shared>> -> memref<128x128xf32, #tpu.memory_space<vmem_shared>>
      %dma_start3A_58 = arith.constant 0 : i32
      %dma_start3A_59 = tpu.memref_slice %arg7[%add3A_16, %dma_start3A_58] : memref<10240x128xf32, #tpu.memory_space<vmem_shared>> -> memref<128x128xf32, #tpu.memory_space<vmem_shared>>
      tpu.enqueue_dma source(%arg6 : memref<128x128xf32, #tpu.memory_space<vmem>>) target(%dma_start3A_59 : memref<128x128xf32, #tpu.memory_space<vmem_shared>>) target_semaphore(%run_scoped3A : memref<!tpu.dma_semaphore, #tpu.memory_space<semaphore_mem>>)
      %dma_wait3A = arith.constant 0 : i32
      %dma_wait3A_60 = tpu.memref_slice %arg7[%add3A_16, %dma_wait3A] : memref<10240x128xf32, #tpu.memory_space<vmem_shared>> -> memref<128x128xf32, #tpu.memory_space<vmem_shared>>
      %dma_wait3A_61 = arith.constant 0 : i32
      %dma_wait3A_62 = tpu.memref_slice %arg7[%add3A_16, %dma_wait3A_61] : memref<10240x128xf32, #tpu.memory_space<vmem_shared>> -> memref<128x128xf32, #tpu.memory_space<vmem_shared>>
      tpu.wait_dma2 semaphore(%run_scoped3A : memref<!tpu.dma_semaphore, #tpu.memory_space<semaphore_mem>>) src(%arg6 : memref<128x128xf32, #tpu.memory_space<vmem>>) dst(%dma_wait3A_62 : memref<128x128xf32, #tpu.memory_space<vmem_shared>>)
      tpu.yield
    }) : () -> ()
    %mul3A_17 = arith.constant 640 : i32
    %mul3A_18 = arith.muli %arg1, %mul3A_17 : i32
    %add3A_19 = arith.constant 384 : i32
    %add3A_20 = arith.addi %mul3A_18, %add3A_19 : i32
    "tpu.region"() ({
      %run_scoped3A = tpu.sem_alloc : memref<!tpu.dma_semaphore, #tpu.memory_space<semaphore_mem>>
      %dma_start3A = arith.constant 0 : i32
      %dma_start3A_57 = tpu.memref_slice %arg7[%add3A_20, %dma_start3A] : memref<10240x128xf32, #tpu.memory_space<vmem_shared>> -> memref<128x128xf32, #tpu.memory_space<vmem_shared>>
      %dma_start3A_58 = arith.constant 0 : i32
      %dma_start3A_59 = tpu.memref_slice %arg7[%add3A_20, %dma_start3A_58] : memref<10240x128xf32, #tpu.memory_space<vmem_shared>> -> memref<128x128xf32, #tpu.memory_space<vmem_shared>>
      tpu.enqueue_dma source(%arg6 : memref<128x128xf32, #tpu.memory_space<vmem>>) target(%dma_start3A_59 : memref<128x128xf32, #tpu.memory_space<vmem_shared>>) target_semaphore(%run_scoped3A : memref<!tpu.dma_semaphore, #tpu.memory_space<semaphore_mem>>)
      %dma_wait3A = arith.constant 0 : i32
      %dma_wait3A_60 = tpu.memref_slice %arg7[%add3A_20, %dma_wait3A] : memref<10240x128xf32, #tpu.memory_space<vmem_shared>> -> memref<128x128xf32, #tpu.memory_space<vmem_shared>>
      %dma_wait3A_61 = arith.constant 0 : i32
      %dma_wait3A_62 = tpu.memref_slice %arg7[%add3A_20, %dma_wait3A_61] : memref<10240x128xf32, #tpu.memory_space<vmem_shared>> -> memref<128x128xf32, #tpu.memory_space<vmem_shared>>
      tpu.wait_dma2 semaphore(%run_scoped3A : memref<!tpu.dma_semaphore, #tpu.memory_space<semaphore_mem>>) src(%arg6 : memref<128x128xf32, #tpu.memory_space<vmem>>) dst(%dma_wait3A_62 : memref<128x128xf32, #tpu.memory_space<vmem_shared>>)
      tpu.yield
    }) : () -> ()
    %mul3A_21 = arith.constant 640 : i32
    %mul3A_22 = arith.muli %arg1, %mul3A_21 : i32
    %add3A_23 = arith.constant 512 : i32
    %add3A_24 = arith.addi %mul3A_22, %add3A_23 : i32
    "tpu.region"() ({
      %run_scoped3A = tpu.sem_alloc : memref<!tpu.dma_semaphore, #tpu.memory_space<semaphore_mem>>
      %dma_start3A = arith.constant 0 : i32
      %dma_start3A_57 = tpu.memref_slice %arg7[%add3A_24, %dma_start3A] : memref<10240x128xf32, #tpu.memory_space<vmem_shared>> -> memref<128x128xf32, #tpu.memory_space<vmem_shared>>
      %dma_start3A_58 = arith.constant 0 : i32
      %dma_start3A_59 = tpu.memref_slice %arg7[%add3A_24, %dma_start3A_58] : memref<10240x128xf32, #tpu.memory_space<vmem_shared>> -> memref<128x128xf32, #tpu.memory_space<vmem_shared>>
      tpu.enqueue_dma source(%arg6 : memref<128x128xf32, #tpu.memory_space<vmem>>) target(%dma_start3A_59 : memref<128x128xf32, #tpu.memory_space<vmem_shared>>) target_semaphore(%run_scoped3A : memref<!tpu.dma_semaphore, #tpu.memory_space<semaphore_mem>>)
      %dma_wait3A = arith.constant 0 : i32
      %dma_wait3A_60 = tpu.memref_slice %arg7[%add3A_24, %dma_wait3A] : memref<10240x128xf32, #tpu.memory_space<vmem_shared>> -> memref<128x128xf32, #tpu.memory_space<vmem_shared>>
      %dma_wait3A_61 = arith.constant 0 : i32
      %dma_wait3A_62 = tpu.memref_slice %arg7[%add3A_24, %dma_wait3A_61] : memref<10240x128xf32, #tpu.memory_space<vmem_shared>> -> memref<128x128xf32, #tpu.memory_space<vmem_shared>>
      tpu.wait_dma2 semaphore(%run_scoped3A : memref<!tpu.dma_semaphore, #tpu.memory_space<semaphore_mem>>) src(%arg6 : memref<128x128xf32, #tpu.memory_space<vmem>>) dst(%dma_wait3A_62 : memref<128x128xf32, #tpu.memory_space<vmem_shared>>)
      tpu.yield
    }) : () -> ()
    %barrier3A = arith.constant 0 : index
    tpu.barrier barrier_id(%barrier3A)
    %broadcast_in_dim3A_25 = arith.constant 1.000000e+00 : f32
    %broadcast_in_dim3A_26 = vector.broadcast %broadcast_in_dim3A_25 : f32 to vector<16xf32>
    %scan3A_27 = arith.constant 0 : i32
    %scan3A_28 = arith.constant 0 : i32
    %scan3A_29 = arith.constant 128 : i32
    %scan3A_30 = arith.addi %scan3A_28, %scan3A_29 : i32
    %scan3A_31 = arith.constant 1 : i32
    %scan3A_32 = scf.for %scan3A_57 = %scan3A_28 to %scan3A_30 step %scan3A_31 iter_args(%scan3A_58 = %scan3A_27) -> (i32)  : i32 {
      %swap3A = arith.index_cast %scan3A_57 : i32 to index
      %swap3A_59 = arith.constant 0 : index
      %swap3A_60 = tpu.vector_load %arg6[%swap3A, %swap3A_59] {strides = array<i32>} : memref<128x128xf32, #tpu.memory_space<vmem>>, vector<1x16xf32>,
      %swap3A_61 = vector.shape_cast %swap3A_60 : vector<1x16xf32> to vector<16xf32>
      %swap3A_62 = vector.shape_cast %broadcast_in_dim3A_26 : vector<16xf32> to vector<1x16xf32>
      tpu.vector_store %arg6[%swap3A, %swap3A_59], %swap3A_62 {strides = array<i32>} : memref<128x128xf32, #tpu.memory_space<vmem>>, vector<1x16xf32>,
      %swap3A_63 = arith.index_cast %scan3A_57 : i32 to index
      %swap3A_64 = arith.constant 16 : index
      %swap3A_65 = tpu.vector_load %arg6[%swap3A_63, %swap3A_64] {strides = array<i32>} : memref<128x128xf32, #tpu.memory_space<vmem>>, vector<1x16xf32>,
      %swap3A_66 = vector.shape_cast %swap3A_65 : vector<1x16xf32> to vector<16xf32>
      %swap3A_67 = vector.shape_cast %broadcast_in_dim3A_26 : vector<16xf32> to vector<1x16xf32>
      tpu.vector_store %arg6[%swap3A_63, %swap3A_64], %swap3A_67 {strides = array<i32>} : memref<128x128xf32, #tpu.memory_space<vmem>>, vector<1x16xf32>,
      %swap3A_68 = arith.index_cast %scan3A_57 : i32 to index
      %swap3A_69 = arith.constant 32 : index
      %swap3A_70 = tpu.vector_load %arg6[%swap3A_68, %swap3A_69] {strides = array<i32>} : memref<128x128xf32, #tpu.memory_space<vmem>>, vector<1x16xf32>,
      %swap3A_71 = vector.shape_cast %swap3A_70 : vector<1x16xf32> to vector<16xf32>
      %swap3A_72 = vector.shape_cast %broadcast_in_dim3A_26 : vector<16xf32> to vector<1x16xf32>
      tpu.vector_store %arg6[%swap3A_68, %swap3A_69], %swap3A_72 {strides = array<i32>} : memref<128x128xf32, #tpu.memory_space<vmem>>, vector<1x16xf32>,
      %swap3A_73 = arith.index_cast %scan3A_57 : i32 to index
      %swap3A_74 = arith.constant 48 : index
      %swap3A_75 = tpu.vector_load %arg6[%swap3A_73, %swap3A_74] {strides = array<i32>} : memref<128x128xf32, #tpu.memory_space<vmem>>, vector<1x16xf32>,
      %swap3A_76 = vector.shape_cast %swap3A_75 : vector<1x16xf32> to vector<16xf32>
      %swap3A_77 = vector.shape_cast %broadcast_in_dim3A_26 : vector<16xf32> to vector<1x16xf32>
      tpu.vector_store %arg6[%swap3A_73, %swap3A_74], %swap3A_77 {strides = array<i32>} : memref<128x128xf32, #tpu.memory_space<vmem>>, vector<1x16xf32>,
      %swap3A_78 = arith.index_cast %scan3A_57 : i32 to index
      %swap3A_79 = arith.constant 64 : index
      %swap3A_80 = tpu.vector_load %arg6[%swap3A_78, %swap3A_79] {strides = array<i32>} : memref<128x128xf32, #tpu.memory_space<vmem>>, vector<1x16xf32>,
      %swap3A_81 = vector.shape_cast %swap3A_80 : vector<1x16xf32> to vector<16xf32>
      %swap3A_82 = vector.shape_cast %broadcast_in_dim3A_26 : vector<16xf32> to vector<1x16xf32>
      tpu.vector_store %arg6[%swap3A_78, %swap3A_79], %swap3A_82 {strides = array<i32>} : memref<128x128xf32, #tpu.memory_space<vmem>>, vector<1x16xf32>,
      %swap3A_83 = arith.index_cast %scan3A_57 : i32 to index
      %swap3A_84 = arith.constant 80 : index
      %swap3A_85 = tpu.vector_load %arg6[%swap3A_83, %swap3A_84] {strides = array<i32>} : memref<128x128xf32, #tpu.memory_space<vmem>>, vector<1x16xf32>,
      %swap3A_86 = vector.shape_cast %swap3A_85 : vector<1x16xf32> to vector<16xf32>
      %swap3A_87 = vector.shape_cast %broadcast_in_dim3A_26 : vector<16xf32> to vector<1x16xf32>
      tpu.vector_store %arg6[%swap3A_83, %swap3A_84], %swap3A_87 {strides = array<i32>} : memref<128x128xf32, #tpu.memory_space<vmem>>, vector<1x16xf32>,
      %swap3A_88 = arith.index_cast %scan3A_57 : i32 to index
      %swap3A_89 = arith.constant 96 : index
      %swap3A_90 = tpu.vector_load %arg6[%swap3A_88, %swap3A_89] {strides = array<i32>} : memref<128x128xf32, #tpu.memory_space<vmem>>, vector<1x16xf32>,
      %swap3A_91 = vector.shape_cast %swap3A_90 : vector<1x16xf32> to vector<16xf32>
      %swap3A_92 = vector.shape_cast %broadcast_in_dim3A_26 : vector<16xf32> to vector<1x16xf32>
      tpu.vector_store %arg6[%swap3A_88, %swap3A_89], %swap3A_92 {strides = array<i32>} : memref<128x128xf32, #tpu.memory_space<vmem>>, vector<1x16xf32>,
      %swap3A_93 = arith.index_cast %scan3A_57 : i32 to index
      %swap3A_94 = arith.constant 112 : index
      %swap3A_95 = tpu.vector_load %arg6[%swap3A_93, %swap3A_94] {strides = array<i32>} : memref<128x128xf32, #tpu.memory_space<vmem>>, vector<1x16xf32>,
      %swap3A_96 = vector.shape_cast %swap3A_95 : vector<1x16xf32> to vector<16xf32>
      %swap3A_97 = vector.shape_cast %broadcast_in_dim3A_26 : vector<16xf32> to vector<1x16xf32>
      tpu.vector_store %arg6[%swap3A_93, %swap3A_94], %swap3A_97 {strides = array<i32>} : memref<128x128xf32, #tpu.memory_space<vmem>>, vector<1x16xf32>,
      %scan3A_98 = arith.constant 0 : i32
      scf.yield %scan3A_98 : i32
    }
    %scan3A_33 = arith.constant 128 : i32
    %mul3A_34 = arith.constant 80 : i32
    %mul3A_35 = arith.muli %arg0, %mul3A_34 : i32
    %mul3A_36 = arith.constant 77 : i32
    %mul3A_37 = arith.muli %arg0, %mul3A_36 : i32
    %add3A_38 = arith.constant 80 : i32
    %add3A_39 = arith.addi %add3A_38, %mul3A_37 : i32
    %scan3A_40 = arith.constant 0 : i32
    %scan3A_41 = arith.constant 0 : i32
    %scan3A_42 = arith.constant 10 : i32
    %scan3A_43 = arith.addi %scan3A_41, %scan3A_42 : i32
    %scan3A_44 = arith.constant 1 : i32
    %scan3A_45 = scf.for %scan3A_57 = %scan3A_41 to %scan3A_43 step %scan3A_44 iter_args(%scan3A_58 = %scan3A_40) -> (i32)  : i32 {
      %mul3A_59 = arith.constant 8 : i32
      %mul3A_60 = arith.muli %scan3A_57, %mul3A_59 : i32
      %add3A_61 = arith.addi %mul3A_35, %mul3A_60 : i32
      %add3A_62 = arith.constant 0 : i32
      %add3A_63 = arith.addi %add3A_61, %add3A_62 : i32
      %lt3A = arith.cmpi slt, %add3A_63, %add3A_39 : i32
      %convert_element_type3A_64 = arith.extui %lt3A : i1 to i32
      %cond3A_65 = arith.constant 0 : i32
      %cond3A_66 = arith.cmpi ne, %convert_element_type3A_64, %cond3A_65 : i32
      scf.if %cond3A_66 {
        %dma_start3A = arith.constant 0 : i32
        %dma_start3A_158 = tpu.memref_slice %arg5[%add3A_63, %dma_start3A] : memref<157x128xi32, #tpu.memory_space<vmem>> -> memref<1x128xi32, #tpu.memory_space<vmem>>
        %dma_start3A_159 = tpu.memref_squeeze %dma_start3A_158 : memref<1x128xi32, #tpu.memory_space<vmem>> -> memref<128xi32, #tpu.memory_space<vmem>>
        %dma_start3A_160 = arith.constant 0 : i32
        %dma_start3A_161 = arith.constant 0 : i32
        %dma_start3A_162 = tpu.memref_slice %arg7[%dma_start3A_160, %dma_start3A_161] : memref<10240x128xf32, #tpu.memory_space<vmem_shared>> -> memref<10240x128xf32, #tpu.memory_space<vmem_shared>>
        tpu.enqueue_indirect_dma source(%arg6 : memref<128x128xf32, #tpu.memory_space<vmem>>) target(%dma_start3A_162 : memref<10240x128xf32, #tpu.memory_space<vmem_shared>>) offsets(%dma_start3A_159 : memref<128xi32, #tpu.memory_space<vmem>>) semaphore(%arg8 : memref<!tpu.dma_semaphore, #tpu.memory_space<semaphore_mem>>) {add = true}
      } else {
      }
      %add3A_67 = arith.constant 1 : i32
      %add3A_68 = arith.addi %add3A_61, %add3A_67 : i32
      %lt3A_69 = arith.cmpi slt, %add3A_68, %add3A_39 : i32
      %convert_element_type3A_70 = arith.extui %lt3A_69 : i1 to i32
      %cond3A_71 = arith.constant 0 : i32
      %cond3A_72 = arith.cmpi ne, %convert_element_type3A_70, %cond3A_71 : i32
      scf.if %cond3A_72 {
        %dma_start3A = arith.constant 0 : i32
        %dma_start3A_158 = tpu.memref_slice %arg5[%add3A_68, %dma_start3A] : memref<157x128xi32, #tpu.memory_space<vmem>> -> memref<1x128xi32, #tpu.memory_space<vmem>>
        %dma_start3A_159 = tpu.memref_squeeze %dma_start3A_158 : memref<1x128xi32, #tpu.memory_space<vmem>> -> memref<128xi32, #tpu.memory_space<vmem>>
        %dma_start3A_160 = arith.constant 0 : i32
        %dma_start3A_161 = arith.constant 0 : i32
        %dma_start3A_162 = tpu.memref_slice %arg7[%dma_start3A_160, %dma_start3A_161] : memref<10240x128xf32, #tpu.memory_space<vmem_shared>> -> memref<10240x128xf32, #tpu.memory_space<vmem_shared>>
        tpu.enqueue_indirect_dma source(%arg6 : memref<128x128xf32, #tpu.memory_space<vmem>>) target(%dma_start3A_162 : memref<10240x128xf32, #tpu.memory_space<vmem_shared>>) offsets(%dma_start3A_159 : memref<128xi32, #tpu.memory_space<vmem>>) semaphore(%arg8 : memref<!tpu.dma_semaphore, #tpu.memory_space<semaphore_mem>>) {add = true}
      } else {
      }
      %add3A_73 = arith.constant 2 : i32
      %add3A_74 = arith.addi %add3A_61, %add3A_73 : i32
      %lt3A_75 = arith.cmpi slt, %add3A_74, %add3A_39 : i32
      %convert_element_type3A_76 = arith.extui %lt3A_75 : i1 to i32
      %cond3A_77 = arith.constant 0 : i32
      %cond3A_78 = arith.cmpi ne, %convert_element_type3A_76, %cond3A_77 : i32
      scf.if %cond3A_78 {
        %dma_start3A = arith.constant 0 : i32
        %dma_start3A_158 = tpu.memref_slice %arg5[%add3A_74, %dma_start3A] : memref<157x128xi32, #tpu.memory_space<vmem>> -> memref<1x128xi32, #tpu.memory_space<vmem>>
        %dma_start3A_159 = tpu.memref_squeeze %dma_start3A_158 : memref<1x128xi32, #tpu.memory_space<vmem>> -> memref<128xi32, #tpu.memory_space<vmem>>
        %dma_start3A_160 = arith.constant 0 : i32
        %dma_start3A_161 = arith.constant 0 : i32
        %dma_start3A_162 = tpu.memref_slice %arg7[%dma_start3A_160, %dma_start3A_161] : memref<10240x128xf32, #tpu.memory_space<vmem_shared>> -> memref<10240x128xf32, #tpu.memory_space<vmem_shared>>
        tpu.enqueue_indirect_dma source(%arg6 : memref<128x128xf32, #tpu.memory_space<vmem>>) target(%dma_start3A_162 : memref<10240x128xf32, #tpu.memory_space<vmem_shared>>) offsets(%dma_start3A_159 : memref<128xi32, #tpu.memory_space<vmem>>) semaphore(%arg8 : memref<!tpu.dma_semaphore, #tpu.memory_space<semaphore_mem>>) {add = true}
      } else {
      }
      %add3A_79 = arith.constant 3 : i32
      %add3A_80 = arith.addi %add3A_61, %add3A_79 : i32
      %lt3A_81 = arith.cmpi slt, %add3A_80, %add3A_39 : i32
      %convert_element_type3A_82 = arith.extui %lt3A_81 : i1 to i32
      %cond3A_83 = arith.constant 0 : i32
      %cond3A_84 = arith.cmpi ne, %convert_element_type3A_82, %cond3A_83 : i32
      scf.if %cond3A_84 {
        %dma_start3A = arith.constant 0 : i32
        %dma_start3A_158 = tpu.memref_slice %arg5[%add3A_80, %dma_start3A] : memref<157x128xi32, #tpu.memory_space<vmem>> -> memref<1x128xi32, #tpu.memory_space<vmem>>
        %dma_start3A_159 = tpu.memref_squeeze %dma_start3A_158 : memref<1x128xi32, #tpu.memory_space<vmem>> -> memref<128xi32, #tpu.memory_space<vmem>>
        %dma_start3A_160 = arith.constant 0 : i32
        %dma_start3A_161 = arith.constant 0 : i32
        %dma_start3A_162 = tpu.memref_slice %arg7[%dma_start3A_160, %dma_start3A_161] : memref<10240x128xf32, #tpu.memory_space<vmem_shared>> -> memref<10240x128xf32, #tpu.memory_space<vmem_shared>>
        tpu.enqueue_indirect_dma source(%arg6 : memref<128x128xf32, #tpu.memory_space<vmem>>) target(%dma_start3A_162 : memref<10240x128xf32, #tpu.memory_space<vmem_shared>>) offsets(%dma_start3A_159 : memref<128xi32, #tpu.memory_space<vmem>>) semaphore(%arg8 : memref<!tpu.dma_semaphore, #tpu.memory_space<semaphore_mem>>) {add = true}
      } else {
      }
      %add3A_85 = arith.constant 4 : i32
      %add3A_86 = arith.addi %add3A_61, %add3A_85 : i32
      %lt3A_87 = arith.cmpi slt, %add3A_86, %add3A_39 : i32
      %convert_element_type3A_88 = arith.extui %lt3A_87 : i1 to i32
      %cond3A_89 = arith.constant 0 : i32
      %cond3A_90 = arith.cmpi ne, %convert_element_type3A_88, %cond3A_89 : i32
      scf.if %cond3A_90 {
        %dma_start3A = arith.constant 0 : i32
        %dma_start3A_158 = tpu.memref_slice %arg5[%add3A_86, %dma_start3A] : memref<157x128xi32, #tpu.memory_space<vmem>> -> memref<1x128xi32, #tpu.memory_space<vmem>>
        %dma_start3A_159 = tpu.memref_squeeze %dma_start3A_158 : memref<1x128xi32, #tpu.memory_space<vmem>> -> memref<128xi32, #tpu.memory_space<vmem>>
        %dma_start3A_160 = arith.constant 0 : i32
        %dma_start3A_161 = arith.constant 0 : i32
        %dma_start3A_162 = tpu.memref_slice %arg7[%dma_start3A_160, %dma_start3A_161] : memref<10240x128xf32, #tpu.memory_space<vmem_shared>> -> memref<10240x128xf32, #tpu.memory_space<vmem_shared>>
        tpu.enqueue_indirect_dma source(%arg6 : memref<128x128xf32, #tpu.memory_space<vmem>>) target(%dma_start3A_162 : memref<10240x128xf32, #tpu.memory_space<vmem_shared>>) offsets(%dma_start3A_159 : memref<128xi32, #tpu.memory_space<vmem>>) semaphore(%arg8 : memref<!tpu.dma_semaphore, #tpu.memory_space<semaphore_mem>>) {add = true}
      } else {
      }
      %add3A_91 = arith.constant 5 : i32
      %add3A_92 = arith.addi %add3A_61, %add3A_91 : i32
      %lt3A_93 = arith.cmpi slt, %add3A_92, %add3A_39 : i32
      %convert_element_type3A_94 = arith.extui %lt3A_93 : i1 to i32
      %cond3A_95 = arith.constant 0 : i32
      %cond3A_96 = arith.cmpi ne, %convert_element_type3A_94, %cond3A_95 : i32
      scf.if %cond3A_96 {
        %dma_start3A = arith.constant 0 : i32
        %dma_start3A_158 = tpu.memref_slice %arg5[%add3A_92, %dma_start3A] : memref<157x128xi32, #tpu.memory_space<vmem>> -> memref<1x128xi32, #tpu.memory_space<vmem>>
        %dma_start3A_159 = tpu.memref_squeeze %dma_start3A_158 : memref<1x128xi32, #tpu.memory_space<vmem>> -> memref<128xi32, #tpu.memory_space<vmem>>
        %dma_start3A_160 = arith.constant 0 : i32
        %dma_start3A_161 = arith.constant 0 : i32
        %dma_start3A_162 = tpu.memref_slice %arg7[%dma_start3A_160, %dma_start3A_161] : memref<10240x128xf32, #tpu.memory_space<vmem_shared>> -> memref<10240x128xf32, #tpu.memory_space<vmem_shared>>
        tpu.enqueue_indirect_dma source(%arg6 : memref<128x128xf32, #tpu.memory_space<vmem>>) target(%dma_start3A_162 : memref<10240x128xf32, #tpu.memory_space<vmem_shared>>) offsets(%dma_start3A_159 : memref<128xi32, #tpu.memory_space<vmem>>) semaphore(%arg8 : memref<!tpu.dma_semaphore, #tpu.memory_space<semaphore_mem>>) {add = true}
      } else {
      }
      %add3A_97 = arith.constant 6 : i32
      %add3A_98 = arith.addi %add3A_61, %add3A_97 : i32
      %lt3A_99 = arith.cmpi slt, %add3A_98, %add3A_39 : i32
      %convert_element_type3A_100 = arith.extui %lt3A_99 : i1 to i32
      %cond3A_101 = arith.constant 0 : i32
      %cond3A_102 = arith.cmpi ne, %convert_element_type3A_100, %cond3A_101 : i32
      scf.if %cond3A_102 {
        %dma_start3A = arith.constant 0 : i32
        %dma_start3A_158 = tpu.memref_slice %arg5[%add3A_98, %dma_start3A] : memref<157x128xi32, #tpu.memory_space<vmem>> -> memref<1x128xi32, #tpu.memory_space<vmem>>
        %dma_start3A_159 = tpu.memref_squeeze %dma_start3A_158 : memref<1x128xi32, #tpu.memory_space<vmem>> -> memref<128xi32, #tpu.memory_space<vmem>>
        %dma_start3A_160 = arith.constant 0 : i32
        %dma_start3A_161 = arith.constant 0 : i32
        %dma_start3A_162 = tpu.memref_slice %arg7[%dma_start3A_160, %dma_start3A_161] : memref<10240x128xf32, #tpu.memory_space<vmem_shared>> -> memref<10240x128xf32, #tpu.memory_space<vmem_shared>>
        tpu.enqueue_indirect_dma source(%arg6 : memref<128x128xf32, #tpu.memory_space<vmem>>) target(%dma_start3A_162 : memref<10240x128xf32, #tpu.memory_space<vmem_shared>>) offsets(%dma_start3A_159 : memref<128xi32, #tpu.memory_space<vmem>>) semaphore(%arg8 : memref<!tpu.dma_semaphore, #tpu.memory_space<semaphore_mem>>) {add = true}
      } else {
      }
      %add3A_103 = arith.constant 7 : i32
      %add3A_104 = arith.addi %add3A_61, %add3A_103 : i32
      %lt3A_105 = arith.cmpi slt, %add3A_104, %add3A_39 : i32
      %convert_element_type3A_106 = arith.extui %lt3A_105 : i1 to i32
      %cond3A_107 = arith.constant 0 : i32
      %cond3A_108 = arith.cmpi ne, %convert_element_type3A_106, %cond3A_107 : i32
      scf.if %cond3A_108 {
        %dma_start3A = arith.constant 0 : i32
        %dma_start3A_158 = tpu.memref_slice %arg5[%add3A_104, %dma_start3A] : memref<157x128xi32, #tpu.memory_space<vmem>> -> memref<1x128xi32, #tpu.memory_space<vmem>>
        %dma_start3A_159 = tpu.memref_squeeze %dma_start3A_158 : memref<1x128xi32, #tpu.memory_space<vmem>> -> memref<128xi32, #tpu.memory_space<vmem>>
        %dma_start3A_160 = arith.constant 0 : i32
        %dma_start3A_161 = arith.constant 0 : i32
        %dma_start3A_162 = tpu.memref_slice %arg7[%dma_start3A_160, %dma_start3A_161] : memref<10240x128xf32, #tpu.memory_space<vmem_shared>> -> memref<10240x128xf32, #tpu.memory_space<vmem_shared>>
        tpu.enqueue_indirect_dma source(%arg6 : memref<128x128xf32, #tpu.memory_space<vmem>>) target(%dma_start3A_162 : memref<10240x128xf32, #tpu.memory_space<vmem_shared>>) offsets(%dma_start3A_159 : memref<128xi32, #tpu.memory_space<vmem>>) semaphore(%arg8 : memref<!tpu.dma_semaphore, #tpu.memory_space<semaphore_mem>>) {add = true}
      } else {
      }
      %add3A_109 = arith.constant 0 : i32
      %add3A_110 = arith.addi %add3A_61, %add3A_109 : i32
      %lt3A_111 = arith.cmpi slt, %add3A_110, %add3A_39 : i32
      %convert_element_type3A_112 = arith.extui %lt3A_111 : i1 to i32
      %cond3A_113 = arith.constant 0 : i32
      %cond3A_114 = arith.cmpi ne, %convert_element_type3A_112, %cond3A_113 : i32
      scf.if %cond3A_114 {
        %dma_wait3A = arith.constant 0 : i32
        %dma_wait3A_158 = tpu.memref_slice %arg5[%add3A_110, %dma_wait3A] : memref<157x128xi32, #tpu.memory_space<vmem>> -> memref<1x128xi32, #tpu.memory_space<vmem>>
        %dma_wait3A_159 = tpu.memref_squeeze %dma_wait3A_158 : memref<1x128xi32, #tpu.memory_space<vmem>> -> memref<128xi32, #tpu.memory_space<vmem>>
        %dma_wait3A_160 = arith.constant 0 : i32
        %dma_wait3A_161 = arith.constant 0 : i32
        %dma_wait3A_162 = tpu.memref_slice %arg7[%dma_wait3A_160, %dma_wait3A_161] : memref<10240x128xf32, #tpu.memory_space<vmem_shared>> -> memref<10240x128xf32, #tpu.memory_space<vmem_shared>>
        tpu.wait_indirect_dma semaphore(%arg8 : memref<!tpu.dma_semaphore, #tpu.memory_space<semaphore_mem>>) src(%arg6 : memref<128x128xf32, #tpu.memory_space<vmem>>) dst(%dma_wait3A_162 : memref<10240x128xf32, #tpu.memory_space<vmem_shared>>)
      } else {
      }
      %add3A_115 = arith.constant 1 : i32
      %add3A_116 = arith.addi %add3A_61, %add3A_115 : i32
      %lt3A_117 = arith.cmpi slt, %add3A_116, %add3A_39 : i32
      %convert_element_type3A_118 = arith.extui %lt3A_117 : i1 to i32
      %cond3A_119 = arith.constant 0 : i32
      %cond3A_120 = arith.cmpi ne, %convert_element_type3A_118, %cond3A_119 : i32
      scf.if %cond3A_120 {
        %dma_wait3A = arith.constant 0 : i32
        %dma_wait3A_158 = tpu.memref_slice %arg5[%add3A_116, %dma_wait3A] : memref<157x128xi32, #tpu.memory_space<vmem>> -> memref<1x128xi32, #tpu.memory_space<vmem>>
        %dma_wait3A_159 = tpu.memref_squeeze %dma_wait3A_158 : memref<1x128xi32, #tpu.memory_space<vmem>> -> memref<128xi32, #tpu.memory_space<vmem>>
        %dma_wait3A_160 = arith.constant 0 : i32
        %dma_wait3A_161 = arith.constant 0 : i32
        %dma_wait3A_162 = tpu.memref_slice %arg7[%dma_wait3A_160, %dma_wait3A_161] : memref<10240x128xf32, #tpu.memory_space<vmem_shared>> -> memref<10240x128xf32, #tpu.memory_space<vmem_shared>>
        tpu.wait_indirect_dma semaphore(%arg8 : memref<!tpu.dma_semaphore, #tpu.memory_space<semaphore_mem>>) src(%arg6 : memref<128x128xf32, #tpu.memory_space<vmem>>) dst(%dma_wait3A_162 : memref<10240x128xf32, #tpu.memory_space<vmem_shared>>)
      } else {
      }
      %add3A_121 = arith.constant 2 : i32
      %add3A_122 = arith.addi %add3A_61, %add3A_121 : i32
      %lt3A_123 = arith.cmpi slt, %add3A_122, %add3A_39 : i32
      %convert_element_type3A_124 = arith.extui %lt3A_123 : i1 to i32
      %cond3A_125 = arith.constant 0 : i32
      %cond3A_126 = arith.cmpi ne, %convert_element_type3A_124, %cond3A_125 : i32
      scf.if %cond3A_126 {
        %dma_wait3A = arith.constant 0 : i32
        %dma_wait3A_158 = tpu.memref_slice %arg5[%add3A_122, %dma_wait3A] : memref<157x128xi32, #tpu.memory_space<vmem>> -> memref<1x128xi32, #tpu.memory_space<vmem>>
        %dma_wait3A_159 = tpu.memref_squeeze %dma_wait3A_158 : memref<1x128xi32, #tpu.memory_space<vmem>> -> memref<128xi32, #tpu.memory_space<vmem>>
        %dma_wait3A_160 = arith.constant 0 : i32
        %dma_wait3A_161 = arith.constant 0 : i32
        %dma_wait3A_162 = tpu.memref_slice %arg7[%dma_wait3A_160, %dma_wait3A_161] : memref<10240x128xf32, #tpu.memory_space<vmem_shared>> -> memref<10240x128xf32, #tpu.memory_space<vmem_shared>>
        tpu.wait_indirect_dma semaphore(%arg8 : memref<!tpu.dma_semaphore, #tpu.memory_space<semaphore_mem>>) src(%arg6 : memref<128x128xf32, #tpu.memory_space<vmem>>) dst(%dma_wait3A_162 : memref<10240x128xf32, #tpu.memory_space<vmem_shared>>)
      } else {
      }
      %add3A_127 = arith.constant 3 : i32
      %add3A_128 = arith.addi %add3A_61, %add3A_127 : i32
      %lt3A_129 = arith.cmpi slt, %add3A_128, %add3A_39 : i32
      %convert_element_type3A_130 = arith.extui %lt3A_129 : i1 to i32
      %cond3A_131 = arith.constant 0 : i32
      %cond3A_132 = arith.cmpi ne, %convert_element_type3A_130, %cond3A_131 : i32
      scf.if %cond3A_132 {
        %dma_wait3A = arith.constant 0 : i32
        %dma_wait3A_158 = tpu.memref_slice %arg5[%add3A_128, %dma_wait3A] : memref<157x128xi32, #tpu.memory_space<vmem>> -> memref<1x128xi32, #tpu.memory_space<vmem>>
        %dma_wait3A_159 = tpu.memref_squeeze %dma_wait3A_158 : memref<1x128xi32, #tpu.memory_space<vmem>> -> memref<128xi32, #tpu.memory_space<vmem>>
        %dma_wait3A_160 = arith.constant 0 : i32
        %dma_wait3A_161 = arith.constant 0 : i32
        %dma_wait3A_162 = tpu.memref_slice %arg7[%dma_wait3A_160, %dma_wait3A_161] : memref<10240x128xf32, #tpu.memory_space<vmem_shared>> -> memref<10240x128xf32, #tpu.memory_space<vmem_shared>>
        tpu.wait_indirect_dma semaphore(%arg8 : memref<!tpu.dma_semaphore, #tpu.memory_space<semaphore_mem>>) src(%arg6 : memref<128x128xf32, #tpu.memory_space<vmem>>) dst(%dma_wait3A_162 : memref<10240x128xf32, #tpu.memory_space<vmem_shared>>)
      } else {
      }
      %add3A_133 = arith.constant 4 : i32
      %add3A_134 = arith.addi %add3A_61, %add3A_133 : i32
      %lt3A_135 = arith.cmpi slt, %add3A_134, %add3A_39 : i32
      %convert_element_type3A_136 = arith.extui %lt3A_135 : i1 to i32
      %cond3A_137 = arith.constant 0 : i32
      %cond3A_138 = arith.cmpi ne, %convert_element_type3A_136, %cond3A_137 : i32
      scf.if %cond3A_138 {
        %dma_wait3A = arith.constant 0 : i32
        %dma_wait3A_158 = tpu.memref_slice %arg5[%add3A_134, %dma_wait3A] : memref<157x128xi32, #tpu.memory_space<vmem>> -> memref<1x128xi32, #tpu.memory_space<vmem>>
        %dma_wait3A_159 = tpu.memref_squeeze %dma_wait3A_158 : memref<1x128xi32, #tpu.memory_space<vmem>> -> memref<128xi32, #tpu.memory_space<vmem>>
        %dma_wait3A_160 = arith.constant 0 : i32
        %dma_wait3A_161 = arith.constant 0 : i32
        %dma_wait3A_162 = tpu.memref_slice %arg7[%dma_wait3A_160, %dma_wait3A_161] : memref<10240x128xf32, #tpu.memory_space<vmem_shared>> -> memref<10240x128xf32, #tpu.memory_space<vmem_shared>>
        tpu.wait_indirect_dma semaphore(%arg8 : memref<!tpu.dma_semaphore, #tpu.memory_space<semaphore_mem>>) src(%arg6 : memref<128x128xf32, #tpu.memory_space<vmem>>) dst(%dma_wait3A_162 : memref<10240x128xf32, #tpu.memory_space<vmem_shared>>)
      } else {
      }
      %add3A_139 = arith.constant 5 : i32
      %add3A_140 = arith.addi %add3A_61, %add3A_139 : i32
      %lt3A_141 = arith.cmpi slt, %add3A_140, %add3A_39 : i32
      %convert_element_type3A_142 = arith.extui %lt3A_141 : i1 to i32
      %cond3A_143 = arith.constant 0 : i32
      %cond3A_144 = arith.cmpi ne, %convert_element_type3A_142, %cond3A_143 : i32
      scf.if %cond3A_144 {
        %dma_wait3A = arith.constant 0 : i32
        %dma_wait3A_158 = tpu.memref_slice %arg5[%add3A_140, %dma_wait3A] : memref<157x128xi32, #tpu.memory_space<vmem>> -> memref<1x128xi32, #tpu.memory_space<vmem>>
        %dma_wait3A_159 = tpu.memref_squeeze %dma_wait3A_158 : memref<1x128xi32, #tpu.memory_space<vmem>> -> memref<128xi32, #tpu.memory_space<vmem>>
        %dma_wait3A_160 = arith.constant 0 : i32
        %dma_wait3A_161 = arith.constant 0 : i32
        %dma_wait3A_162 = tpu.memref_slice %arg7[%dma_wait3A_160, %dma_wait3A_161] : memref<10240x128xf32, #tpu.memory_space<vmem_shared>> -> memref<10240x128xf32, #tpu.memory_space<vmem_shared>>
        tpu.wait_indirect_dma semaphore(%arg8 : memref<!tpu.dma_semaphore, #tpu.memory_space<semaphore_mem>>) src(%arg6 : memref<128x128xf32, #tpu.memory_space<vmem>>) dst(%dma_wait3A_162 : memref<10240x128xf32, #tpu.memory_space<vmem_shared>>)
      } else {
      }
      %add3A_145 = arith.constant 6 : i32
      %add3A_146 = arith.addi %add3A_61, %add3A_145 : i32
      %lt3A_147 = arith.cmpi slt, %add3A_146, %add3A_39 : i32
      %convert_element_type3A_148 = arith.extui %lt3A_147 : i1 to i32
      %cond3A_149 = arith.constant 0 : i32
      %cond3A_150 = arith.cmpi ne, %convert_element_type3A_148, %cond3A_149 : i32
      scf.if %cond3A_150 {
        %dma_wait3A = arith.constant 0 : i32
        %dma_wait3A_158 = tpu.memref_slice %arg5[%add3A_146, %dma_wait3A] : memref<157x128xi32, #tpu.memory_space<vmem>> -> memref<1x128xi32, #tpu.memory_space<vmem>>
        %dma_wait3A_159 = tpu.memref_squeeze %dma_wait3A_158 : memref<1x128xi32, #tpu.memory_space<vmem>> -> memref<128xi32, #tpu.memory_space<vmem>>
        %dma_wait3A_160 = arith.constant 0 : i32
        %dma_wait3A_161 = arith.constant 0 : i32
        %dma_wait3A_162 = tpu.memref_slice %arg7[%dma_wait3A_160, %dma_wait3A_161] : memref<10240x128xf32, #tpu.memory_space<vmem_shared>> -> memref<10240x128xf32, #tpu.memory_space<vmem_shared>>
        tpu.wait_indirect_dma semaphore(%arg8 : memref<!tpu.dma_semaphore, #tpu.memory_space<semaphore_mem>>) src(%arg6 : memref<128x128xf32, #tpu.memory_space<vmem>>) dst(%dma_wait3A_162 : memref<10240x128xf32, #tpu.memory_space<vmem_shared>>)
      } else {
      }
      %add3A_151 = arith.constant 7 : i32
      %add3A_152 = arith.addi %add3A_61, %add3A_151 : i32
      %lt3A_153 = arith.cmpi slt, %add3A_152, %add3A_39 : i32
      %convert_element_type3A_154 = arith.extui %lt3A_153 : i1 to i32
      %cond3A_155 = arith.constant 0 : i32
      %cond3A_156 = arith.cmpi ne, %convert_element_type3A_154, %cond3A_155 : i32
      scf.if %cond3A_156 {
        %dma_wait3A = arith.constant 0 : i32
        %dma_wait3A_158 = tpu.memref_slice %arg5[%add3A_152, %dma_wait3A] : memref<157x128xi32, #tpu.memory_space<vmem>> -> memref<1x128xi32, #tpu.memory_space<vmem>>
        %dma_wait3A_159 = tpu.memref_squeeze %dma_wait3A_158 : memref<1x128xi32, #tpu.memory_space<vmem>> -> memref<128xi32, #tpu.memory_space<vmem>>
        %dma_wait3A_160 = arith.constant 0 : i32
        %dma_wait3A_161 = arith.constant 0 : i32
        %dma_wait3A_162 = tpu.memref_slice %arg7[%dma_wait3A_160, %dma_wait3A_161] : memref<10240x128xf32, #tpu.memory_space<vmem_shared>> -> memref<10240x128xf32, #tpu.memory_space<vmem_shared>>
        tpu.wait_indirect_dma semaphore(%arg8 : memref<!tpu.dma_semaphore, #tpu.memory_space<semaphore_mem>>) src(%arg6 : memref<128x128xf32, #tpu.memory_space<vmem>>) dst(%dma_wait3A_162 : memref<10240x128xf32, #tpu.memory_space<vmem_shared>>)
      } else {
      }
      %scan3A_157 = arith.constant 0 : i32
      scf.yield %scan3A_157 : i32
    }
    %scan3A_46 = arith.constant 10 : i32
    %barrier3A_47 = arith.constant 0 : index
    tpu.barrier barrier_id(%barrier3A_47)
    %mul3A_48 = arith.constant 640 : i32
    %mul3A_49 = arith.muli %arg1, %mul3A_48 : i32
    %eq3A = arith.constant 0 : i32
    %eq3A_50 = arith.cmpi eq, %arg0, %eq3A : i32
    %convert_element_type3A = arith.extui %eq3A_50 : i1 to i32
    %cond3A = arith.constant 0 : i32
    %cond3A_51 = arith.cmpi ne, %convert_element_type3A, %cond3A : i32
    scf.if %cond3A_51 {
      "tpu.region"() ({
        %run_scoped3A = tpu.sem_alloc : memref<!tpu.dma_semaphore, #tpu.memory_space<semaphore_mem>>
        %dma_start3A = arith.constant 0 : i32
        %dma_start3A_57 = tpu.memref_slice %arg3[%mul3A_49, %dma_start3A] : memref<10240x128xf32, #tpu.memory_space<hbm>> -> memref<640x128xf32, #tpu.memory_space<hbm>>
        %dma_start3A_58 = arith.constant 0 : i32
        %dma_start3A_59 = tpu.memref_slice %arg7[%mul3A_49, %dma_start3A_58] : memref<10240x128xf32, #tpu.memory_space<vmem_shared>> -> memref<640x128xf32, #tpu.memory_space<vmem_shared>>
        tpu.enqueue_dma source(%dma_start3A_59 : memref<640x128xf32, #tpu.memory_space<vmem_shared>>) target(%dma_start3A_57 : memref<640x128xf32, #tpu.memory_space<hbm>>) target_semaphore(%run_scoped3A : memref<!tpu.dma_semaphore, #tpu.memory_space<semaphore_mem>>)
        %dma_wait3A = arith.constant 0 : i32
        %dma_wait3A_60 = tpu.memref_slice %arg3[%mul3A_49, %dma_wait3A] : memref<10240x128xf32, #tpu.memory_space<hbm>> -> memref<640x128xf32, #tpu.memory_space<hbm>>
        %dma_wait3A_61 = arith.constant 0 : i32
        %dma_wait3A_62 = tpu.memref_slice %arg7[%mul3A_49, %dma_wait3A_61] : memref<10240x128xf32, #tpu.memory_space<vmem_shared>> -> memref<640x128xf32, #tpu.memory_space<vmem_shared>>
        tpu.wait_dma2 semaphore(%run_scoped3A : memref<!tpu.dma_semaphore, #tpu.memory_space<semaphore_mem>>) src(%dma_wait3A_62 : memref<640x128xf32, #tpu.memory_space<vmem_shared>>) dst(%dma_wait3A_60 : memref<640x128xf32, #tpu.memory_space<hbm>>)
        tpu.yield
      }) : () -> ()
    } else {
    }
    %eq3A_52 = arith.constant 1 : i32
    %eq3A_53 = arith.cmpi eq, %arg0, %eq3A_52 : i32
    %convert_element_type3A_54 = arith.extui %eq3A_53 : i1 to i32
    %cond3A_55 = arith.constant 0 : i32
    %cond3A_56 = arith.cmpi ne, %convert_element_type3A_54, %cond3A_55 : i32
    scf.if %cond3A_56 {
      "tpu.region"() ({
        %run_scoped3A = tpu.sem_alloc : memref<!tpu.dma_semaphore, #tpu.memory_space<semaphore_mem>>
        %dma_start3A = arith.constant 0 : i32
        %dma_start3A_57 = tpu.memref_slice %arg4[%mul3A_49, %dma_start3A] : memref<10240x128xf32, #tpu.memory_space<hbm>> -> memref<640x128xf32, #tpu.memory_space<hbm>>
        %dma_start3A_58 = arith.constant 0 : i32
        %dma_start3A_59 = tpu.memref_slice %arg7[%mul3A_49, %dma_start3A_58] : memref<10240x128xf32, #tpu.memory_space<vmem_shared>> -> memref<640x128xf32, #tpu.memory_space<vmem_shared>>
        tpu.enqueue_dma source(%dma_start3A_59 : memref<640x128xf32, #tpu.memory_space<vmem_shared>>) target(%dma_start3A_57 : memref<640x128xf32, #tpu.memory_space<hbm>>) target_semaphore(%run_scoped3A : memref<!tpu.dma_semaphore, #tpu.memory_space<semaphore_mem>>)
        %dma_wait3A = arith.constant 0 : i32
        %dma_wait3A_60 = tpu.memref_slice %arg4[%mul3A_49, %dma_wait3A] : memref<10240x128xf32, #tpu.memory_space<hbm>> -> memref<640x128xf32, #tpu.memory_space<hbm>>
        %dma_wait3A_61 = arith.constant 0 : i32
        %dma_wait3A_62 = tpu.memref_slice %arg7[%mul3A_49, %dma_wait3A_61] : memref<10240x128xf32, #tpu.memory_space<vmem_shared>> -> memref<640x128xf32, #tpu.memory_space<vmem_shared>>
        tpu.wait_dma2 semaphore(%run_scoped3A : memref<!tpu.dma_semaphore, #tpu.memory_space<semaphore_mem>>) src(%dma_wait3A_62 : memref<640x128xf32, #tpu.memory_space<vmem_shared>>) dst(%dma_wait3A_60 : memref<640x128xf32, #tpu.memory_space<hbm>>)
        tpu.yield
      }) : () -> ()
    } else {
    }
    return
  }
}

module attributes {stable_mosaic.version = 14 : i64} {
  func.func @_tc_in_body(%arg0: i32, %arg1: memref<2000x128xf32, #tpu.memory_space<vmem>>, %arg2: memref<128x256xf32, #tpu.memory_space<vmem>>, %arg3: memref<2000x128xf32, #tpu.memory_space<vmem>>, %arg4: memref<2000x128xf32, #tpu.memory_space<vmem>>, %arg5: memref<2000x128xf32, #tpu.memory_space<vmem>>, %arg6: memref<2000x128xf32, #tpu.memory_space<vmem>>) attributes {dimension_semantics = [#tpu.dimension_semantics<arbitrary>], iteration_bounds = array<i64: 5>, scalar_prefetch = 0 : i64, scratch_operands = 0 : i64, tpu.core_type = #tpu.core_type<tc>, window_params = [{transform_indices = @transform_0, window_bounds = array<i64: 2000, 128>}, {pipeline_mode = #tpu.pipeline_mode<synchronous>, transform_indices = @transform_1, window_bounds = array<i64: 128, 256>}, {transform_indices = @transform_2, window_bounds = array<i64: 2000, 128>}, {transform_indices = @transform_3, window_bounds = array<i64: 2000, 128>}, {transform_indices = @transform_4, window_bounds = array<i64: 2000, 128>}, {transform_indices = @transform_5, window_bounds = array<i64: 2000, 128>}]} {
    %get3A = arith.constant 0 : index
    %get3A_0 = arith.constant 0 : index
    %get3A_1 = vector.load %arg3[%get3A, %get3A_0] : memref<2000x128xf32, #tpu.memory_space<vmem>>, vector<2000x1xf32>
    %get3A_2 = arith.constant 0 : index
    %get3A_3 = arith.constant 0 : index
    %get3A_4 = vector.load %arg4[%get3A_2, %get3A_3] : memref<2000x128xf32, #tpu.memory_space<vmem>>, vector<2000x1xf32>
    %add3A = arith.addf %get3A_1, %get3A_4 : vector<2000x1xf32>
    %add3A_5 = arith.constant 1.000000e+00 : f32
    %add3A_6 = vector.broadcast %add3A_5 : f32 to vector<2000x1xf32>
    %add3A_7 = arith.addf %add3A, %add3A_6 : vector<2000x1xf32>
    %rsqrt3A = math.rsqrt %add3A_7 : vector<2000x1xf32>
    %get3A_8 = arith.constant 0 : index
    %get3A_9 = arith.constant 0 : index
    %get3A_10 = vector.load %arg1[%get3A_8, %get3A_9] : memref<2000x128xf32, #tpu.memory_space<vmem>>, vector<2000x128xf32>
    %get3A_11 = arith.constant 0 : index
    %get3A_12 = arith.constant 0 : index
    %get3A_13 = vector.load %arg2[%get3A_11, %get3A_12] : memref<128x256xf32, #tpu.memory_space<vmem>>, vector<128x256xf32>
    %dot_general3A = arith.constant dense<0.000000e+00> : vector<2000x256xf32>
    %dot_general3A_14 = tpu.matmul %get3A_10, %get3A_13, %dot_general3A {dimension_numbers = #tpu.dot_dimension_numbers<[1], [0], [0], [1], [0, 0, 1, 1], [], []>, precision = #tpu.contract_precision<fp32>, transpose_lhs_hint = false} : vector<2000x128xf32>, vector<128x256xf32>, vector<2000x256xf32> -> vector<2000x256xf32>
    %slice3A = vector.extract_strided_slice %dot_general3A_14 {offsets = [0, 0], sizes = [2000, 128], strides = [1, 1]} : vector<2000x256xf32> to vector<2000x128xf32>
    %mul3A = vector.broadcast %rsqrt3A : vector<2000x1xf32> to vector<2000x128xf32>
    %mul3A_15 = arith.mulf %mul3A, %slice3A : vector<2000x128xf32>
    %swap3A = arith.constant 0 : index
    %swap3A_16 = arith.constant 0 : index
    %swap3A_17 = vector.load %arg5[%swap3A, %swap3A_16] : memref<2000x128xf32, #tpu.memory_space<vmem>>, vector<2000x128xf32>
    tpu.vector_store %arg5[%swap3A, %swap3A_16], %mul3A_15 {strides = array<i32>} : memref<2000x128xf32, #tpu.memory_space<vmem>>, vector<2000x128xf32>,
    %slice3A_18 = vector.extract_strided_slice %dot_general3A_14 {offsets = [0, 128], sizes = [2000, 128], strides = [1, 1]} : vector<2000x256xf32> to vector<2000x128xf32>
    %mul3A_19 = vector.broadcast %rsqrt3A : vector<2000x1xf32> to vector<2000x128xf32>
    %mul3A_20 = arith.mulf %mul3A_19, %slice3A_18 : vector<2000x128xf32>
    %swap3A_21 = arith.constant 0 : index
    %swap3A_22 = arith.constant 0 : index
    %swap3A_23 = vector.load %arg6[%swap3A_21, %swap3A_22] : memref<2000x128xf32, #tpu.memory_space<vmem>>, vector<2000x128xf32>
    tpu.vector_store %arg6[%swap3A_21, %swap3A_22], %mul3A_20 {strides = array<i32>} : memref<2000x128xf32, #tpu.memory_space<vmem>>, vector<2000x128xf32>,
    return
  }
  func.func @transform_0(%arg0: i32) -> (i32, i32) {
    %c0_i32 = arith.constant 0 : i32
    %c0_i32_0 = arith.constant 0 : i32
    return %arg0, %c0_i32 : i32, i32
  }
  func.func @transform_1(%arg0: i32) -> (i32, i32) {
    %c0_i32 = arith.constant 0 : i32
    %c0_i32_0 = arith.constant 0 : i32
    %c0_i32_1 = arith.constant 0 : i32
    return %c0_i32, %c0_i32_0 : i32, i32
  }
  func.func @transform_2(%arg0: i32) -> (i32, i32) {
    %c0_i32 = arith.constant 0 : i32
    %c0_i32_0 = arith.constant 0 : i32
    return %arg0, %c0_i32 : i32, i32
  }
  func.func @transform_3(%arg0: i32) -> (i32, i32) {
    %c0_i32 = arith.constant 0 : i32
    %c0_i32_0 = arith.constant 0 : i32
    return %arg0, %c0_i32 : i32, i32
  }
  func.func @transform_4(%arg0: i32) -> (i32, i32) {
    %c0_i32 = arith.constant 0 : i32
    %c0_i32_0 = arith.constant 0 : i32
    return %arg0, %c0_i32 : i32, i32
  }
  func.func @transform_5(%arg0: i32) -> (i32, i32) {
    %c0_i32 = arith.constant 0 : i32
    %c0_i32_0 = arith.constant 0 : i32
    return %arg0, %c0_i32 : i32, i32
  }
}

module attributes {stable_mosaic.version = 14 : i64} {
  func.func @_tc_mid_body(%arg0: i32, %arg1: memref<2000x128xf32, #tpu.memory_space<vmem>>, %arg2: memref<2000x128xf32, #tpu.memory_space<vmem>>, %arg3: memref<2000x128xf32, #tpu.memory_space<vmem>>, %arg4: memref<2000x128xf32, #tpu.memory_space<vmem>>, %arg5: memref<2000x128xf32, #tpu.memory_space<vmem>>, %arg6: memref<2000x128xf32, #tpu.memory_space<vmem>>, %arg7: memref<1x256xf32, #tpu.memory_space<vmem>>, %arg8: memref<256x256xf32, #tpu.memory_space<vmem>>, %arg9: memref<2000x128xf32, #tpu.memory_space<vmem>>, %arg10: memref<2000x128xf32, #tpu.memory_space<vmem>>) attributes {dimension_semantics = [#tpu.dimension_semantics<arbitrary>], iteration_bounds = array<i64: 5>, scalar_prefetch = 0 : i64, scratch_operands = 0 : i64, tpu.core_type = #tpu.core_type<tc>, window_params = [{transform_indices = @transform_0, window_bounds = array<i64: 2000, 128>}, {transform_indices = @transform_1, window_bounds = array<i64: 2000, 128>}, {transform_indices = @transform_2, window_bounds = array<i64: 2000, 128>}, {transform_indices = @transform_3, window_bounds = array<i64: 2000, 128>}, {transform_indices = @transform_4, window_bounds = array<i64: 2000, 128>}, {transform_indices = @transform_5, window_bounds = array<i64: 2000, 128>}, {pipeline_mode = #tpu.pipeline_mode<synchronous>, transform_indices = @transform_6, window_bounds = array<i64: 1, 256>}, {pipeline_mode = #tpu.pipeline_mode<synchronous>, transform_indices = @transform_7, window_bounds = array<i64: 256, 256>}, {transform_indices = @transform_8, window_bounds = array<i64: 2000, 128>}, {transform_indices = @transform_9, window_bounds = array<i64: 2000, 128>}]} {
    %get3A = arith.constant 0 : index
    %get3A_0 = arith.constant 0 : index
    %get3A_1 = vector.load %arg5[%get3A, %get3A_0] : memref<2000x128xf32, #tpu.memory_space<vmem>>, vector<2000x1xf32>
    %get3A_2 = arith.constant 0 : index
    %get3A_3 = arith.constant 0 : index
    %get3A_4 = vector.load %arg6[%get3A_2, %get3A_3] : memref<2000x128xf32, #tpu.memory_space<vmem>>, vector<2000x1xf32>
    %add3A = arith.addf %get3A_1, %get3A_4 : vector<2000x1xf32>
    %add3A_5 = arith.constant 1.000000e+00 : f32
    %add3A_6 = vector.broadcast %add3A_5 : f32 to vector<2000x1xf32>
    %add3A_7 = arith.addf %add3A, %add3A_6 : vector<2000x1xf32>
    %rsqrt3A = math.rsqrt %add3A_7 : vector<2000x1xf32>
    %get3A_8 = arith.constant 0 : index
    %get3A_9 = arith.constant 0 : index
    %get3A_10 = vector.load %arg1[%get3A_8, %get3A_9] : memref<2000x128xf32, #tpu.memory_space<vmem>>, vector<2000x128xf32>
    %get3A_11 = arith.constant 0 : index
    %get3A_12 = arith.constant 0 : index
    %get3A_13 = vector.load %arg3[%get3A_11, %get3A_12] : memref<2000x128xf32, #tpu.memory_space<vmem>>, vector<2000x128xf32>
    %add3A_14 = arith.addf %get3A_10, %get3A_13 : vector<2000x128xf32>
    %mul3A = vector.broadcast %rsqrt3A : vector<2000x1xf32> to vector<2000x128xf32>
    %mul3A_15 = arith.mulf %mul3A, %add3A_14 : vector<2000x128xf32>
    %get3A_16 = arith.constant 0 : index
    %get3A_17 = arith.constant 0 : index
    %get3A_18 = vector.load %arg7[%get3A_16, %get3A_17] : memref<1x256xf32, #tpu.memory_space<vmem>>, vector<1x128xf32>
    %add3A_19 = vector.broadcast %get3A_18 : vector<1x128xf32> to vector<2000x128xf32>
    %add3A_20 = arith.addf %mul3A_15, %add3A_19 : vector<2000x128xf32>
    %max3A = arith.constant 0.000000e+00 : f32
    %max3A_21 = vector.broadcast %max3A : f32 to vector<2000x128xf32>
    %max3A_22 = arith.maximumf %add3A_20, %max3A_21 : vector<2000x128xf32>
    %get3A_23 = arith.constant 0 : index
    %get3A_24 = arith.constant 0 : index
    %get3A_25 = vector.load %arg2[%get3A_23, %get3A_24] : memref<2000x128xf32, #tpu.memory_space<vmem>>, vector<2000x128xf32>
    %get3A_26 = arith.constant 0 : index
    %get3A_27 = arith.constant 0 : index
    %get3A_28 = vector.load %arg4[%get3A_26, %get3A_27] : memref<2000x128xf32, #tpu.memory_space<vmem>>, vector<2000x128xf32>
    %add3A_29 = arith.addf %get3A_25, %get3A_28 : vector<2000x128xf32>
    %mul3A_30 = vector.broadcast %rsqrt3A : vector<2000x1xf32> to vector<2000x128xf32>
    %mul3A_31 = arith.mulf %mul3A_30, %add3A_29 : vector<2000x128xf32>
    %get3A_32 = arith.constant 0 : index
    %get3A_33 = arith.constant 128 : index
    %get3A_34 = vector.load %arg7[%get3A_32, %get3A_33] : memref<1x256xf32, #tpu.memory_space<vmem>>, vector<1x128xf32>
    %add3A_35 = vector.broadcast %get3A_34 : vector<1x128xf32> to vector<2000x128xf32>
    %add3A_36 = arith.addf %mul3A_31, %add3A_35 : vector<2000x128xf32>
    %max3A_37 = arith.constant 0.000000e+00 : f32
    %max3A_38 = vector.broadcast %max3A_37 : f32 to vector<2000x128xf32>
    %max3A_39 = arith.maximumf %add3A_36, %max3A_38 : vector<2000x128xf32>
    %concatenate3A = tpu.concatenate %max3A_22, %max3A_39 in 1 : vector<2000x128xf32>, vector<2000x128xf32> -> vector<2000x256xf32>
    %get3A_40 = arith.constant 0 : index
    %get3A_41 = arith.constant 0 : index
    %get3A_42 = vector.load %arg8[%get3A_40, %get3A_41] : memref<256x256xf32, #tpu.memory_space<vmem>>, vector<256x256xf32>
    %dot_general3A = arith.constant dense<0.000000e+00> : vector<2000x256xf32>
    %dot_general3A_43 = tpu.matmul %concatenate3A, %get3A_42, %dot_general3A {dimension_numbers = #tpu.dot_dimension_numbers<[1], [0], [0], [1], [0, 0, 1, 1], [], []>, precision = #tpu.contract_precision<fp32>, transpose_lhs_hint = false} : vector<2000x256xf32>, vector<256x256xf32>, vector<2000x256xf32> -> vector<2000x256xf32>
    %slice3A = vector.extract_strided_slice %dot_general3A_43 {offsets = [0, 0], sizes = [2000, 128], strides = [1, 1]} : vector<2000x256xf32> to vector<2000x128xf32>
    %mul3A_44 = vector.broadcast %rsqrt3A : vector<2000x1xf32> to vector<2000x128xf32>
    %mul3A_45 = arith.mulf %mul3A_44, %slice3A : vector<2000x128xf32>
    %swap3A = arith.constant 0 : index
    %swap3A_46 = arith.constant 0 : index
    %swap3A_47 = vector.load %arg9[%swap3A, %swap3A_46] : memref<2000x128xf32, #tpu.memory_space<vmem>>, vector<2000x128xf32>
    tpu.vector_store %arg9[%swap3A, %swap3A_46], %mul3A_45 {strides = array<i32>} : memref<2000x128xf32, #tpu.memory_space<vmem>>, vector<2000x128xf32>,
    %slice3A_48 = vector.extract_strided_slice %dot_general3A_43 {offsets = [0, 128], sizes = [2000, 128], strides = [1, 1]} : vector<2000x256xf32> to vector<2000x128xf32>
    %mul3A_49 = vector.broadcast %rsqrt3A : vector<2000x1xf32> to vector<2000x128xf32>
    %mul3A_50 = arith.mulf %mul3A_49, %slice3A_48 : vector<2000x128xf32>
    %swap3A_51 = arith.constant 0 : index
    %swap3A_52 = arith.constant 0 : index
    %swap3A_53 = vector.load %arg10[%swap3A_51, %swap3A_52] : memref<2000x128xf32, #tpu.memory_space<vmem>>, vector<2000x128xf32>
    tpu.vector_store %arg10[%swap3A_51, %swap3A_52], %mul3A_50 {strides = array<i32>} : memref<2000x128xf32, #tpu.memory_space<vmem>>, vector<2000x128xf32>,
    return
  }
  func.func @transform_0(%arg0: i32) -> (i32, i32) {
    %c0_i32 = arith.constant 0 : i32
    %c0_i32_0 = arith.constant 0 : i32
    return %arg0, %c0_i32 : i32, i32
  }
  func.func @transform_1(%arg0: i32) -> (i32, i32) {
    %c0_i32 = arith.constant 0 : i32
    %c0_i32_0 = arith.constant 0 : i32
    return %arg0, %c0_i32 : i32, i32
  }
  func.func @transform_2(%arg0: i32) -> (i32, i32) {
    %c0_i32 = arith.constant 0 : i32
    %c0_i32_0 = arith.constant 0 : i32
    return %arg0, %c0_i32 : i32, i32
  }
  func.func @transform_3(%arg0: i32) -> (i32, i32) {
    %c0_i32 = arith.constant 0 : i32
    %c0_i32_0 = arith.constant 0 : i32
    return %arg0, %c0_i32 : i32, i32
  }
  func.func @transform_4(%arg0: i32) -> (i32, i32) {
    %c0_i32 = arith.constant 0 : i32
    %c0_i32_0 = arith.constant 0 : i32
    return %arg0, %c0_i32 : i32, i32
  }
  func.func @transform_5(%arg0: i32) -> (i32, i32) {
    %c0_i32 = arith.constant 0 : i32
    %c0_i32_0 = arith.constant 0 : i32
    return %arg0, %c0_i32 : i32, i32
  }
  func.func @transform_6(%arg0: i32) -> (i32, i32) {
    %c0_i32 = arith.constant 0 : i32
    %c0_i32_0 = arith.constant 0 : i32
    %c0_i32_1 = arith.constant 0 : i32
    return %c0_i32, %c0_i32_0 : i32, i32
  }
  func.func @transform_7(%arg0: i32) -> (i32, i32) {
    %c0_i32 = arith.constant 0 : i32
    %c0_i32_0 = arith.constant 0 : i32
    %c0_i32_1 = arith.constant 0 : i32
    return %c0_i32, %c0_i32_0 : i32, i32
  }
  func.func @transform_8(%arg0: i32) -> (i32, i32) {
    %c0_i32 = arith.constant 0 : i32
    %c0_i32_0 = arith.constant 0 : i32
    return %arg0, %c0_i32 : i32, i32
  }
  func.func @transform_9(%arg0: i32) -> (i32, i32) {
    %c0_i32 = arith.constant 0 : i32
    %c0_i32_0 = arith.constant 0 : i32
    return %arg0, %c0_i32 : i32, i32
  }
}

module attributes {stable_mosaic.version = 14 : i64} {
  func.func @_tc_out_body(%arg0: i32, %arg1: memref<2000x128xf32, #tpu.memory_space<vmem>>, %arg2: memref<2000x128xf32, #tpu.memory_space<vmem>>, %arg3: memref<2000x128xf32, #tpu.memory_space<vmem>>, %arg4: memref<2000x128xf32, #tpu.memory_space<vmem>>, %arg5: memref<2000x128xf32, #tpu.memory_space<vmem>>, %arg6: memref<2000x128xf32, #tpu.memory_space<vmem>>, %arg7: memref<1x256xf32, #tpu.memory_space<vmem>>, %arg8: memref<256x256xf32, #tpu.memory_space<vmem>>, %arg9: memref<1x256xf32, #tpu.memory_space<vmem>>, %arg10: memref<2000x256xf32, #tpu.memory_space<vmem>>) attributes {dimension_semantics = [#tpu.dimension_semantics<arbitrary>], iteration_bounds = array<i64: 5>, scalar_prefetch = 0 : i64, scratch_operands = 0 : i64, tpu.core_type = #tpu.core_type<tc>, window_params = [{transform_indices = @transform_0, window_bounds = array<i64: 2000, 128>}, {transform_indices = @transform_1, window_bounds = array<i64: 2000, 128>}, {transform_indices = @transform_2, window_bounds = array<i64: 2000, 128>}, {transform_indices = @transform_3, window_bounds = array<i64: 2000, 128>}, {transform_indices = @transform_4, window_bounds = array<i64: 2000, 128>}, {transform_indices = @transform_5, window_bounds = array<i64: 2000, 128>}, {pipeline_mode = #tpu.pipeline_mode<synchronous>, transform_indices = @transform_6, window_bounds = array<i64: 1, 256>}, {pipeline_mode = #tpu.pipeline_mode<synchronous>, transform_indices = @transform_7, window_bounds = array<i64: 256, 256>}, {pipeline_mode = #tpu.pipeline_mode<synchronous>, transform_indices = @transform_8, window_bounds = array<i64: 1, 256>}, {transform_indices = @transform_9, window_bounds = array<i64: 2000, 256>}]} {
    %get3A = arith.constant 0 : index
    %get3A_0 = arith.constant 0 : index
    %get3A_1 = vector.load %arg5[%get3A, %get3A_0] : memref<2000x128xf32, #tpu.memory_space<vmem>>, vector<2000x1xf32>
    %get3A_2 = arith.constant 0 : index
    %get3A_3 = arith.constant 0 : index
    %get3A_4 = vector.load %arg6[%get3A_2, %get3A_3] : memref<2000x128xf32, #tpu.memory_space<vmem>>, vector<2000x1xf32>
    %add3A = arith.addf %get3A_1, %get3A_4 : vector<2000x1xf32>
    %add3A_5 = arith.constant 1.000000e+00 : f32
    %add3A_6 = vector.broadcast %add3A_5 : f32 to vector<2000x1xf32>
    %add3A_7 = arith.addf %add3A, %add3A_6 : vector<2000x1xf32>
    %rsqrt3A = math.rsqrt %add3A_7 : vector<2000x1xf32>
    %get3A_8 = arith.constant 0 : index
    %get3A_9 = arith.constant 0 : index
    %get3A_10 = vector.load %arg1[%get3A_8, %get3A_9] : memref<2000x128xf32, #tpu.memory_space<vmem>>, vector<2000x128xf32>
    %get3A_11 = arith.constant 0 : index
    %get3A_12 = arith.constant 0 : index
    %get3A_13 = vector.load %arg3[%get3A_11, %get3A_12] : memref<2000x128xf32, #tpu.memory_space<vmem>>, vector<2000x128xf32>
    %add3A_14 = arith.addf %get3A_10, %get3A_13 : vector<2000x128xf32>
    %mul3A = vector.broadcast %rsqrt3A : vector<2000x1xf32> to vector<2000x128xf32>
    %mul3A_15 = arith.mulf %mul3A, %add3A_14 : vector<2000x128xf32>
    %get3A_16 = arith.constant 0 : index
    %get3A_17 = arith.constant 0 : index
    %get3A_18 = vector.load %arg7[%get3A_16, %get3A_17] : memref<1x256xf32, #tpu.memory_space<vmem>>, vector<1x128xf32>
    %add3A_19 = vector.broadcast %get3A_18 : vector<1x128xf32> to vector<2000x128xf32>
    %add3A_20 = arith.addf %mul3A_15, %add3A_19 : vector<2000x128xf32>
    %get3A_21 = arith.constant 0 : index
    %get3A_22 = arith.constant 0 : index
    %get3A_23 = vector.load %arg2[%get3A_21, %get3A_22] : memref<2000x128xf32, #tpu.memory_space<vmem>>, vector<2000x128xf32>
    %get3A_24 = arith.constant 0 : index
    %get3A_25 = arith.constant 0 : index
    %get3A_26 = vector.load %arg4[%get3A_24, %get3A_25] : memref<2000x128xf32, #tpu.memory_space<vmem>>, vector<2000x128xf32>
    %add3A_27 = arith.addf %get3A_23, %get3A_26 : vector<2000x128xf32>
    %mul3A_28 = vector.broadcast %rsqrt3A : vector<2000x1xf32> to vector<2000x128xf32>
    %mul3A_29 = arith.mulf %mul3A_28, %add3A_27 : vector<2000x128xf32>
    %get3A_30 = arith.constant 0 : index
    %get3A_31 = arith.constant 128 : index
    %get3A_32 = vector.load %arg7[%get3A_30, %get3A_31] : memref<1x256xf32, #tpu.memory_space<vmem>>, vector<1x128xf32>
    %add3A_33 = vector.broadcast %get3A_32 : vector<1x128xf32> to vector<2000x128xf32>
    %add3A_34 = arith.addf %mul3A_29, %add3A_33 : vector<2000x128xf32>
    %concatenate3A = tpu.concatenate %add3A_20, %add3A_34 in 1 : vector<2000x128xf32>, vector<2000x128xf32> -> vector<2000x256xf32>
    %get3A_35 = arith.constant 0 : index
    %get3A_36 = arith.constant 0 : index
    %get3A_37 = vector.load %arg8[%get3A_35, %get3A_36] : memref<256x256xf32, #tpu.memory_space<vmem>>, vector<256x256xf32>
    %dot_general3A = arith.constant dense<0.000000e+00> : vector<2000x256xf32>
    %dot_general3A_38 = tpu.matmul %concatenate3A, %get3A_37, %dot_general3A {dimension_numbers = #tpu.dot_dimension_numbers<[1], [0], [0], [1], [0, 0, 1, 1], [], []>, precision = #tpu.contract_precision<fp32>, transpose_lhs_hint = false} : vector<2000x256xf32>, vector<256x256xf32>, vector<2000x256xf32> -> vector<2000x256xf32>
    %get3A_39 = arith.constant 0 : index
    %get3A_40 = arith.constant 0 : index
    %get3A_41 = vector.load %arg9[%get3A_39, %get3A_40] : memref<1x256xf32, #tpu.memory_space<vmem>>, vector<1x256xf32>
    %add3A_42 = vector.broadcast %get3A_41 : vector<1x256xf32> to vector<2000x256xf32>
    %add3A_43 = arith.addf %dot_general3A_38, %add3A_42 : vector<2000x256xf32>
    %swap3A = arith.constant 0 : index
    %swap3A_44 = arith.constant 0 : index
    %swap3A_45 = vector.load %arg10[%swap3A, %swap3A_44] : memref<2000x256xf32, #tpu.memory_space<vmem>>, vector<2000x256xf32>
    tpu.vector_store %arg10[%swap3A, %swap3A_44], %add3A_43 {strides = array<i32>} : memref<2000x256xf32, #tpu.memory_space<vmem>>, vector<2000x256xf32>,
    return
  }
  func.func @transform_0(%arg0: i32) -> (i32, i32) {
    %c0_i32 = arith.constant 0 : i32
    %c0_i32_0 = arith.constant 0 : i32
    return %arg0, %c0_i32 : i32, i32
  }
  func.func @transform_1(%arg0: i32) -> (i32, i32) {
    %c0_i32 = arith.constant 0 : i32
    %c0_i32_0 = arith.constant 0 : i32
    return %arg0, %c0_i32 : i32, i32
  }
  func.func @transform_2(%arg0: i32) -> (i32, i32) {
    %c0_i32 = arith.constant 0 : i32
    %c0_i32_0 = arith.constant 0 : i32
    return %arg0, %c0_i32 : i32, i32
  }
  func.func @transform_3(%arg0: i32) -> (i32, i32) {
    %c0_i32 = arith.constant 0 : i32
    %c0_i32_0 = arith.constant 0 : i32
    return %arg0, %c0_i32 : i32, i32
  }
  func.func @transform_4(%arg0: i32) -> (i32, i32) {
    %c0_i32 = arith.constant 0 : i32
    %c0_i32_0 = arith.constant 0 : i32
    return %arg0, %c0_i32 : i32, i32
  }
  func.func @transform_5(%arg0: i32) -> (i32, i32) {
    %c0_i32 = arith.constant 0 : i32
    %c0_i32_0 = arith.constant 0 : i32
    return %arg0, %c0_i32 : i32, i32
  }
  func.func @transform_6(%arg0: i32) -> (i32, i32) {
    %c0_i32 = arith.constant 0 : i32
    %c0_i32_0 = arith.constant 0 : i32
    %c0_i32_1 = arith.constant 0 : i32
    return %c0_i32, %c0_i32_0 : i32, i32
  }
  func.func @transform_7(%arg0: i32) -> (i32, i32) {
    %c0_i32 = arith.constant 0 : i32
    %c0_i32_0 = arith.constant 0 : i32
    %c0_i32_1 = arith.constant 0 : i32
    return %c0_i32, %c0_i32_0 : i32, i32
  }
  func.func @transform_8(%arg0: i32) -> (i32, i32) {
    %c0_i32 = arith.constant 0 : i32
    %c0_i32_0 = arith.constant 0 : i32
    %c0_i32_1 = arith.constant 0 : i32
    return %c0_i32, %c0_i32_0 : i32, i32
  }
  func.func @transform_9(%arg0: i32) -> (i32, i32) {
    %c0_i32 = arith.constant 0 : i32
    %c0_i32_0 = arith.constant 0 : i32
    return %arg0, %c0_i32 : i32, i32
  }
}

</mosaic_0001>

<sc_bundles>
// kernel: kernel.10.cloned.1.call-start
scs
__scs_entry_jumppad:
0x0: {  	(pc) =	sbr.rel $0x88, $3  }
0x1: {  	(tag) =	ssettag $0x0;
	lr =	simm.s32 $0x1  }
0x2: {  	[smem:$0x3F97] =	sst lr;
	_ =	strace $0xD0000000  }
0x3: {  	_ = 	snop  }
0x4: {  	_ = 	snop  }
0x5: {  	_ = 	snop  }
0x6: {  	_ = 	snop  }
0x7: {  	_ = 	snop  }
__scs_overlays_trampoline_lowered:
0x8: {  	[smem:$0x3FA6] =	sst s0  }
0x9: {  	[smem:$0x3FA7] =	sst s1  }
0xa: {  	[smem:$0x3FA8] =	sst s2  }
0xb: {  	[smem:$0x3FA9] =	sst s3  }
0xc: {  	[smem:$0x3FAA] =	sst s4  }
0xd: {  	[smem:$0x3FAB] =	sst s5  }
0xe: {  	[smem:$0x3FAC] =	sst s6  }
0xf: {  	[smem:$0x3FAD] =	sst s7  }
0x10: {  	[smem:$0x3FAE] =	sst s8  }
0x11: {  	[smem:$0x3FAF] =	sst s9;
	s0 =	simm.s32 @!p0 $0x0  }
0x12: {  	s1 =	sld [smem:$0x3F95];
	s0 =	simm.s32 @p0 $0x1  }
0x13: {  	[smem:$0x3FB0] =	sst s0;
	s0 =	simm.s32 @!p1 $0x0  }
0x14: {  	s2 =	sld [smem:$0x3F94];
	s0 =	simm.s32 @p1 $0x1  }
0x15: {  	[smem:$0x3FB1] =	sst s0;
	s0 =	simm.s32 @!p2 $0x0  }
0x16: {  	s3 =	sld [smem:$0x3FDB];
	s0 =	simm.s32 @p2 $0x1  }
0x17: {  	s4 =	simm.s32 $0x1BF5;
	[smem:$0x3FB3] =	sst s0  }
0x18: {  	s0 =	sld [smem:$0x3F96];
	_ =	swait.ge [sflag:s4], $0x0  }
0x19: {  	s7 =	sld [smem:$0x3F97]  }
0x1a: {  	s8 =	sadd.s32 $0xFFFFE003, lr  }
0x1b: {  	s9 =	sadd.s32 $0xFFFFFEF7, lr;
	s5 =	simm.s32 $0xFFFFFFFF;
	p2 =	slt.u32 s8, $0xFFFFF086  }
0x1c: {  	p1 =	slt.u32 s9, $0xF7A;
	s5 =	simm.s32 @!p2 $0x0  }
0x1d: {  	s5 =	simm.s32 @p1 $0x1;
	p0 =	seq.s32 s7, s2  }
0x1e: {  	s7 =	smul.u32 @!p0 $0xF7A, s2;
	p2 =	seq.s32 @!p0 s5, $0x0  }
0x1f: {  	s9 =	smul.u32 $0xF7A, s1;
	s8 =	simm.s32 @!p0 $0x1BF5;
	p2 =	por !p2, p0  }
0x20: {  	[sflag:s8] =	ssyncset.s32 @!p0 $0xFFFFF086;
	s6 =	sadd.s32 @!p0 s3, s7;
	s7 =	simm.s32 @!p0 $0x108  }
0x21: {  	s3 =	sadd.s32 s3, s9;
	s6 =	sadd.s32 @!p0 $0x88, s6;
	s7 =	simm.s32 @p2 $0x1082  }
0x22: {  	[simem:s7], [sflag:s8] =	dma.local @!p0 [hbm:s6], $0xF7A  }
0x23: {  	s9 =	sor.u32 $0xD0000000, s2;
	s6 =	simm.s32 $0x108;
	_ =	swait.ge @!p0 [sflag:s8], $0x0  }
0x24: {  	s3 =	sadd.s32 $0x88, s3;
	s6 =	simm.s32 @!p1 $0x1082;
	[sflag:s4] =	ssyncset.s32 $0xFFFFF086  }
0x25: {  	[simem:s6], [sflag:s4] =	dma.local [hbm:s3], $0xF7A  }
0x26: {  	[smem:$0x3F97] =	sst s1;
	(tag) =	ssettag s2;
	_ =	strace s9  }
0x27: {  	s1 =	sld [smem:$0x3FA7]  }
0x28: {  	s2 =	sld [smem:$0x3FA8]  }
0x29: {  	s4 =	sld [smem:$0x3FAA]  }
0x2a: {  	p0 =	seq.s32 s5, $0x0;
	s5 =	sld [smem:$0x3FAB]  }
0x2b: {  	s6 =	sld [smem:$0x3FAC]  }
0x2c: {  	s7 =	sld [smem:$0x3FAD]  }
0x2d: {  	s3 =	simm.s32 $0x108;
	s8 =	sld [smem:$0x3FAE]  }
0x2e: {  	s3 =	simm.s32 @!p0 $0x1082;
	s9 =	sld [smem:$0x3FAF]  }
0x2f: {  	lr =	sadd.s32 s0, s3;
	s0 =	sld [smem:$0x3FA6]  }
0x30: {  	s3 =	sld [smem:$0x3FA9]  }
0x31: {  	[smem:$0x3FB2] =	sst s10  }
0x32: {  	s10 =	sld [smem:$0x3FB0];
	_ =	sdelay $0x3  }
0x33: {  	p0 =	seq.s32 s10, $0x1;
	s10 =	sld [smem:$0x3FB2];
	_ =	sdelay $0x3  }
0x34: {  	[smem:$0x3FB2] =	sst s10  }
0x35: {  	s10 =	sld [smem:$0x3FB1];
	_ =	sdelay $0x3  }
0x36: {  	p1 =	seq.s32 s10, $0x1;
	s10 =	sld [smem:$0x3FB2];
	_ =	sdelay $0x3  }
0x37: {  	[smem:$0x3FB2] =	sst s10  }
0x38: {  	s10 =	sld [smem:$0x3FB3]  }
0x39: {  	_ = 	snop;
	(pc) =	sbr.ind lr, $3  }
0x3a: {  	_ = 	snop  }
0x3b: {  	_ = 	snop  }
0x3c: {  	p2 =	seq.s32 s10, $0x1;
	s10 =	sld [smem:$0x3FB2]  }
0x3d: {  	_ =	shalt  }
0x3e: {  	_ =	shalt  }
0x3f: {  	_ =	shalt  }
0x40: {  	_ =	shalt  }
0x41: {  	_ =	shalt  }
0x42: {  	_ =	shalt  }
0x43: {  	_ =	shalt  }
0x44: {  	_ =	shalt  }
0x45: {  	_ =	shalt  }
0x46: {  	_ =	shalt  }
0x47: {  	_ =	shalt  }
0x48: {  	_ =	shalt  }
0x49: {  	_ =	shalt  }
0x4a: {  	_ =	shalt  }
0x4b: {  	_ =	shalt  }
0x4c: {  	_ =	shalt  }
0x4d: {  	_ =	shalt  }
0x4e: {  	_ =	shalt  }
0x4f: {  	_ =	shalt  }
0x50: {  	_ =	shalt  }
0x51: {  	_ =	shalt  }
0x52: {  	_ =	shalt  }
0x53: {  	_ =	shalt  }
0x54: {  	_ =	shalt  }
0x55: {  	_ =	shalt  }
0x56: {  	_ =	shalt  }
0x57: {  	_ =	shalt  }
0x58: {  	_ =	shalt  }
0x59: {  	_ =	shalt  }
0x5a: {  	_ =	shalt  }
0x5b: {  	_ =	shalt  }
0x5c: {  	_ =	shalt  }
0x5d: {  	_ =	shalt  }
0x5e: {  	_ =	shalt  }
0x5f: {  	_ =	shalt  }
0x60: {  	_ =	shalt  }
0x61: {  	_ =	shalt  }
0x62: {  	_ =	shalt  }
0x63: {  	_ =	shalt  }
0x64: {  	_ =	shalt  }
0x65: {  	_ =	shalt  }
0x66: {  	_ =	shalt  }
0x67: {  	_ =	shalt  }
0x68: {  	_ =	shalt  }
0x69: {  	_ =	shalt  }
0x6a: {  	_ =	shalt  }
0x6b: {  	_ =	shalt  }
0x6c: {  	_ =	shalt  }
0x6d: {  	_ =	shalt  }
0x6e: {  	_ =	shalt  }
0x6f: {  	_ =	shalt  }
0x70: {  	_ =	shalt  }
0x71: {  	_ =	shalt  }
0x72: {  	_ =	shalt  }
0x73: {  	_ =	shalt  }
0x74: {  	_ =	shalt  }
0x75: {  	_ =	shalt  }
0x76: {  	_ =	shalt  }
0x77: {  	_ =	shalt  }
0x78: {  	_ =	shalt  }
0x79: {  	_ =	shalt  }
0x7a: {  	_ =	shalt  }
0x7b: {  	_ =	shalt  }
0x7c: {  	_ =	shalt  }
0x7d: {  	_ =	shalt  }
0x7e: {  	_ =	shalt  }
0x7f: {  	_ =	shalt  }
0x80: {  	_ =	shalt  }
0x81: {  	_ =	shalt  }
0x82: {  	_ =	shalt  }
0x83: {  	_ =	shalt  }
0x84: {  	_ =	shalt  }
0x85: {  	_ =	shalt  }
0x86: {  	_ =	shalt  }
0x87: {  	_ =	shalt  }
.Lfunc_end0:
.L_simem_size_0:
called_computation_lowered:
.L_overlay_start_0:
0x88: {  	s2 =	sld [smem:$0x3FD9]  }
0x89: {  	s3 =	sld [smem:$0x3FFE];
	_ =	sdelay $0x1  }
0x8a: {  	s1 =	srdreg.scid  }
0x8b: {  	s0 =	sand.u32 $0x1, s1  }
0x8c: {  	s17 =	sshll.u32 s0, $0xA;
	s2 =	sadd.s32 s3, s2  }
0x8d: {  	s2 =	sadd.s32 s2, s17  }
0x8e: {  	[smem:$0x3FBE] =	sst s2  }
0x8f: {  	_ = 	snop  }
0x90: {  	s2 =	sld [smem:$0x3FD0];
	(tm) =	ssettm $0x1  }
0x91: {  	s18 =	sld [smem:$0x3FFB];
	_ =	sdelay $0x3  }
0x92: {  	_ =	strace s18  }
0x93: {  	s3 =	sld [smem:$0x3FFC];
	_ =	sdelay $0x3  }
0x94: {  	_ =	strace s3  }
0x95: {  	s3 =	sld [smem:$0x3FFD];
	_ =	sdelay $0x3  }
0x96: {  	_ =	strace s3  }
0x97: {  	_ =	strace $0x8FFFFFFF  }
0x98: {  	s19 =	sld [smem:$0x3FDB];
	_ =	sdelay $0x1  }
0x99: {  	s4 =	simm.s32 $_scs_section_size  }
0x9a: {  	s5 =	simm.s32 $_size__tile_overlayer_lowered;
	s6 =	simm.s32 $_tile_overlayer_lowered  }
0x9b: {  	s22 =	simm.s32 $0x1BFF;
	s21 =	sshll.u32 s6, $0x1;
	s3 =	sadd.s32 s4, s19  }
0x9c: {  	s7 =	simm.s32 $0x0;
	s20 =	sshll.u32 s5, $0x1;
	s5 =	sadd.s32 s21, s3  }
0x9d: {  	[timem:s7], [sflag:s22] =	dma.local [hbm:s5], s20  }
0x9e: {  	_ =	swait.ge [sflag:s22], s20  }
0x9f: {  	s4 =	ssub.s32 $0x0, s20;
	[sflag:s22] =	ssyncset.done $0x0  }
0xa0: {  	[sflag:s22] =	ssyncadd.s32 s4;
	_ =	sdelay $0x1  }
0xa1: {  	s23 =	simm.s32 $0x1B8B  }
0xa2: {  	_ =	swait.ge [sflag:s23], $0x1  }
0xa3: {  	[sflag:s23] =	ssyncset.done $0x0  }
0xa4: {  	s25 =	simm.s32 $0x1B8E;
	s24 =	sld [smem:$0x3FFE];
	[sflag:s23] =	ssyncadd.s32 $0xFFFFFFFF  }
0xa5: {  	s26 =	simm.s32 $execute0_lowered;
	[smem:$0x3FD2] =	sst s25  }
0xa6: {  	s5 =	sshll.u32 s26, $0x1;
	_ =	strace $0x80000046;
	[dreg:$0x1] =	wrdreg $0xFFFFFFFF  }
0xa7: {  	s28 =	simm.s32 $_size_execute0_lowered;
	s3 =	sadd.s32 s3, s5;
	[dreg:$0x0] =	wrdreg $0x0  }
0xa8: {  	s5 =	sshll.u32 s28, $0x1;
	[dreg:$0x2] =	wrdreg s3  }
0xa9: {  	[dreg:$0x3] =	wrdreg s5  }
0xaa: {  	[dreg:$0x4] =	wrdreg $0xC0  }
0xab: {  	_ =	task [dreg:s7], $0x5FFFF  }
0xac: {  	[dreg:$0x1] =	wrdreg $0xFFFFFFFF  }
0xad: {  	[dreg:$0x0] =	wrdreg $0x60  }
0xae: {  	[dreg:$0x2] =	wrdreg s2  }
0xaf: {  	[dreg:$0x3] =	wrdreg s24  }
0xb0: {  	[dreg:$0x4] =	wrdreg $0x90000  }
0xb1: {  	[dreg:$0x5] =	wrdreg $0x9  }
0xb2: {  	_ =	task.clear_ibuf [dreg:s7], $0x6FFFF;
	_ =	strace $0x90000046  }
0xb3: {  	s29 =	simm.s32 $0x9;
	_ =	strace $0x80000048  }
0xb4: {  	_ =	swait.ge [sflag:s29], $0x1  }
0xb5: {  	[sflag:s29] =	ssyncadd.s32 $0xFFFFFFFF  }
0xb6: {  	_ =	strace $0x90000048  }
0xb7: {  	_ =	sfence  }
0xb8: {  	s30 =	sld [smem:$0x0];
	_ =	sdelay $0x2  }
0xb9: {  	s31 =	sshll.u32 s1, $0xD;
	s1 =	sshrl.u32 s1, $0x2  }
0xba: {  	s3 =	sand.u32 $0x4000, s31;
	s1 =	sadd.s32 s1, s30  }
0xbb: {  	s0 =	sor.u32 s3, s0;
	s1 =	sshll.u32 s1, $0x11  }
0xbc: {  	s0 =	sor.u32 s1, s0  }
0xbd: {  	s0 =	sadd.s32 $0x8F2B, s0  }
0xbe: {  	[sflag:s0] =	ssyncadd.remote.s32 $0x1  }
0xbf: {  	_ =	sfence.sel $0xFFFF  }
0xc0: {  	[dreg:$0x0] =	wrdreg $0xFFFFFFFF;
	(pc) =	sbr.abs _section_cstart, $3  }
0xc1: {  	[dreg:$0x1] =	wrdreg $0xFFFFFFFF  }
0xc2: {  	_ =	task.clear_ibuf [dreg:s7], $0x2FFFF;
	_ =	strace $0x9FFFFFFF  }
0xc3: {  	(tm) =	ssettm $0x7FFFFFFF  }
tec
execute0_lowered:
.L_overlay_start_1:
0x0: {  	(tag) =	ssettag $0x1  }
0x1: {  	s5 =	rddreg [dreg:$0x0]  }
0x2: {  	s11 =	rddreg [dreg:$0x1]  }
0x3: {  	s2 =	rddreg [dreg:$0x2];
	s1 =	stileid.u32  }
0x4: {  	s0 =	rddreg [dreg:$0x3];
	s3 =	simm.s32 $0x0;
	s6 =	smul.u32 $0x50000, s1  }
0x5: {  	s4 =	srdreg.scid;
	s15 =	simm.s32 $0x2FA00;
	s8 =	smul.u32 $0xA00, s1  }
0x6: {  	s18 =	simm.s32 $0x1;
	s10 =	sand.u32 $0x1, s4;
	s14 =	smul.u32 $0x2800, s1  }
0x7: {  	s19 =	simm.s32 $0x0;
	[smem:$0x7FF] =	sst s3;
	s13 =	smul.u32 $0x4D, s10  }
0x8: {  	s7 =	ssub.s32 $0x2, s10;
	_ =	strace $0x80000047;
	s16 =	smul.u32 $0xA000, s10  }
0x9: {  	p0 =	seq.s32 s10, $0x1;
	s17 =	smul.u32 $0x50, s10;
	s29 =	sshrl.u32 s6, $0x2  }
0xa: {  	s30 =	sshrl.u32 s7, $0x1;
	s5 =	sadd.s32 s5, s8;
	s15 =	simm.s32 @!p0 $0x7A00  }
0xb: {  	s4 =	sadd.s32 s29, s2;
	s12 =	ssub.s32 s7, s30;
	s10 =	sadd.s32 $0x50, s13  }
0xc: {  	s31 =	sadd.s32 s15, s11;
	s13 =	sshrl.u32 s16, $0x2;
	s15 =	simm.s32 $0x2  }
0xd: {  	s16 =	simm.s32 $0x5000;
	s6 =	sadd.s32 $0x4000, s4;
	s7 =	sadd.s32 $0x8000, s4  }
0xe: {  	s8 =	sadd.s32 $0xC000, s4;
	s9 =	sadd.s32 $0x10000, s4;
	s11 =	smax.u32 s12, $0x1  }
0xf: {  	v0 =	vimm.f32 $0.0e+00;
	v1 =	vimm.f32 $1.000000000e+00;
	s12 =	sadd.s32 s31, s14;
	s14 =	sor.u32 $0x7, s17;
	s17 =	simm.s32 $0x80  }
.LBB2_1:
0x10: {  	[tilespmem:s3], [sflag:$0x2] =	stream.linear.gather [hbm4b:s5+s3], $0x4E80, $0x38;
	[tilespmem:$0x1D000] =	vst v63  }
0x11: {  	_ =	swait.ge [sflag:s15], $0x4E80  }
0x12: {  	[sflag:s15] =	ssyncset.done $0x0  }
0x13: {  	s20 =	simm.s32 $0x0;
	s21 =	simm.s32 $0x200;
	[sflag:s15] =	ssyncadd.s32 $0xFFFFB180  }
.LBB2_2:
0x14: {  	p0 =	sne.s32 s21, $0xFE00;
	[tilespmem:s20+$0x5070] =	vst v0  }
0x15: {  	[tilespmem:s20+$0x5000] =	vst v0  }
0x16: {  	[tilespmem:s20+$0x5010] =	vst v0  }
.Ltmp0:
0x17: {  	[tilespmem:s20+$0x5020] =	vst v0;
	(pc) =	sbr.rel @p0 .LBB2_2-.Ltmp0, $4  }
0x18: {  	[tilespmem:s20+$0x5030] =	vst v0  }
0x19: {  	[tilespmem:s20+$0x5040] =	vst v0  }
0x1a: {  	[tilespmem:s20+$0x5050] =	vst v0  }
0x1b: {  	[tilespmem:s20+$0x5060] =	vst v0;
	s20 =	sshra.s32 s21, $0x2;
	s21 =	sadd.s32 $0x200, s21  }
0x1c: {  	[tilespmem:s20+$0x5070] =	vst v0  }
0x1d: {  	[tilespmem:s20+$0x5000] =	vst v0  }
0x1e: {  	[tilespmem:s20+$0x5010] =	vst v0  }
0x1f: {  	[tilespmem:s20+$0x5020] =	vst v0  }
0x20: {  	[tilespmem:s20+$0x5030] =	vst v0  }
0x21: {  	[tilespmem:s20+$0x5040] =	vst v0  }
0x22: {  	[tilespmem:s20+$0x5050] =	vst v0  }
0x23: {  	[tilespmem:s20+$0x5060] =	vst v0  }
0x24: {  	[spmem:s4] =	stream.linear.scatter [tilespmem:s16], [sflag:$0x2], $0x4000, $0x38;
	[tilespmem:$0x1D000] =	vst v63  }
0x25: {  	_ =	swait.ge [sflag:s15], $0x4000  }
0x26: {  	[sflag:s15] =	ssyncset.done $0x0  }
0x27: {  	[sflag:s15] =	ssyncadd.s32 $0xFFFFC000  }
0x28: {  	[spmem:s6] =	stream.linear.scatter [tilespmem:s16], [sflag:$0x2], $0x4000, $0x38;
	[tilespmem:$0x1D000] =	vst v63  }
0x29: {  	_ =	swait.ge [sflag:s15], $0x4000  }
0x2a: {  	[sflag:s15] =	ssyncset.done $0x0  }
0x2b: {  	[sflag:s15] =	ssyncadd.s32 $0xFFFFC000  }
0x2c: {  	[spmem:s7] =	stream.linear.scatter [tilespmem:s16], [sflag:$0x2], $0x4000, $0x38;
	[tilespmem:$0x1D000] =	vst v63  }
0x2d: {  	_ =	swait.ge [sflag:s15], $0x4000  }
0x2e: {  	[sflag:s15] =	ssyncset.done $0x0  }
0x2f: {  	[sflag:s15] =	ssyncadd.s32 $0xFFFFC000  }
0x30: {  	[spmem:s8] =	stream.linear.scatter [tilespmem:s16], [sflag:$0x2], $0x4000, $0x38;
	[tilespmem:$0x1D000] =	vst v63  }
0x31: {  	_ =	swait.ge [sflag:s15], $0x4000  }
0x32: {  	[sflag:s15] =	ssyncset.done $0x0  }
0x33: {  	[sflag:s15] =	ssyncadd.s32 $0xFFFFC000  }
0x34: {  	[spmem:s9] =	stream.linear.scatter [tilespmem:s16], [sflag:$0x2], $0x4000, $0x38;
	[tilespmem:$0x1D000] =	vst v63  }
0x35: {  	_ =	swait.ge [sflag:s15], $0x4000  }
0x36: {  	[sflag:s15] =	ssyncset.done $0x0  }
0x37: {  	[sflag:s15] =	ssyncadd.s32 $0xFFFFC000  }
0x38: {  	s20 =	simm.s32 $0x0;
	s21 =	simm.s32 $0x200;
	[bflag:$0x0] =	sbarrier.arrive $0xFFFF  }
.LBB2_4:
0x39: {  	p0 =	sne.s32 s21, $0xFE00;
	[tilespmem:s20+$0x5070] =	vst v1  }
0x3a: {  	[tilespmem:s20+$0x5000] =	vst v1  }
0x3b: {  	[tilespmem:s20+$0x5010] =	vst v1  }
.Ltmp1:
0x3c: {  	[tilespmem:s20+$0x5020] =	vst v1;
	(pc) =	sbr.rel @p0 .LBB2_4-.Ltmp1, $4  }
0x3d: {  	[tilespmem:s20+$0x5030] =	vst v1  }
0x3e: {  	[tilespmem:s20+$0x5040] =	vst v1  }
0x3f: {  	[tilespmem:s20+$0x5050] =	vst v1  }
0x40: {  	[tilespmem:s20+$0x5060] =	vst v1;
	s20 =	sshra.s32 s21, $0x2;
	s21 =	sadd.s32 $0x200, s21  }
0x41: {  	[tilespmem:s20+$0x5070] =	vst v1  }
0x42: {  	[tilespmem:s20+$0x5000] =	vst v1  }
0x43: {  	[tilespmem:s20+$0x5010] =	vst v1  }
0x44: {  	[tilespmem:s20+$0x5020] =	vst v1  }
0x45: {  	[tilespmem:s20+$0x5030] =	vst v1  }
0x46: {  	[tilespmem:s20+$0x5040] =	vst v1  }
0x47: {  	[tilespmem:s20+$0x5050] =	vst v1  }
0x48: {  	[tilespmem:s20+$0x5060] =	vst v1;
	s29 =	sadd.s32 $0x0, s13  }
0x49: {  	[spmem:s2] =	stream.indirect.scatter.add.f32 [tilespmem:s16], [sflag:$0x1], $0x80, s29, s17, $0xb8;
	[tilespmem:$0x1D000] =	vst v63  }
0x4a: {  	s21 =	sadd.s32 $0x80, s29  }
0x4b: {  	[spmem:s2] =	stream.indirect.scatter.add.f32 [tilespmem:s16], [sflag:$0x1], $0x80, s21, s17, $0xb8;
	[tilespmem:$0x1D000] =	vst v63  }
0x4c: {  	s22 =	sadd.s32 $0xFFFFFFFE, s14;
	s23 =	sadd.s32 $0xFFFFFFFF, s14;
	s30 =	sadd.s32 $0x100, s29  }
0x4d: {  	[spmem:s2] =	stream.indirect.scatter.add.f32 [tilespmem:s16], [sflag:$0x1], $0x80, s30, s17, $0xb8;
	[tilespmem:$0x1D000] =	vst v63  }
0x4e: {  	p0 =	sge.u32 s14, s10;
	s31 =	sadd.s32 $0x180, s29;
	p1 =	sge.u32 s22, s10  }
0x4f: {  	[spmem:s2] =	stream.indirect.scatter.add.f32 [tilespmem:s16], [sflag:$0x1], $0x80, s31, s17, $0xb8;
	[tilespmem:$0x1D000] =	vst v63  }
0x50: {  	s20 =	sadd.s32 $0x200, s29;
	p2 =	sge.u32 s23, s10;
	s21 =	sadd.s32 @!p1 $0x0, s13  }
0x51: {  	[spmem:s2] =	stream.indirect.scatter.add.f32 [tilespmem:s16], [sflag:$0x1], $0x80, s20, s17, $0xb8;
	[tilespmem:$0x1D000] =	vst v63  }
0x52: {  	s22 =	simm.s32 @!p1 $0x5000;
	s20 =	sadd.s32 @!p1 $0x280, s21;
	s21 =	simm.s32 @!p1 $0x80  }
0x53: {  	[spmem:s2] =	stream.indirect.scatter.add.f32 @!p1 [tilespmem:s22], [sflag:$0x1], $0x80, s20, s21, $0xb8;
	[tilespmem:$0x1D000] =	vst v63  }
0x54: {  	s23 =	sadd.s32 @!p0 $0x0, s13;
	s21 =	sadd.s32 @!p2 $0x0, s13  }
0x55: {  	s20 =	simm.s32 @!p2 $0x80;
	s22 =	simm.s32 @!p2 $0x5000;
	s21 =	sadd.s32 @!p2 $0x300, s21  }
0x56: {  	[spmem:s2] =	stream.indirect.scatter.add.f32 @!p2 [tilespmem:s22], [sflag:$0x1], $0x80, s21, s20, $0xb8;
	[tilespmem:$0x1D000] =	vst v63  }
0x57: {  	s20 =	simm.s32 @!p0 $0x5000;
	s21 =	simm.s32 @!p0 $0x80;
	s22 =	sadd.s32 @!p0 $0x380, s23  }
0x58: {  	[spmem:s2] =	stream.indirect.scatter.add.f32 @!p0 [tilespmem:s20], [sflag:$0x1], $0x80, s22, s21, $0xb8;
	[tilespmem:$0x1D000] =	vst v63  }
0x59: {  	_ =	swait.ge [sflag:s18], $0x4000  }
0x5a: {  	[sflag:s18] =	ssyncset.done $0x0  }
0x5b: {  	[sflag:s18] =	ssyncadd.s32 $0xFFFFC000  }
0x5c: {  	_ =	swait.ge [sflag:s18], $0x4000  }
0x5d: {  	[sflag:s18] =	ssyncset.done $0x0  }
0x5e: {  	[sflag:s18] =	ssyncadd.s32 $0xFFFFC000  }
0x5f: {  	_ =	swait.ge [sflag:s18], $0x4000  }
0x60: {  	[sflag:s18] =	ssyncset.done $0x0  }
0x61: {  	[sflag:s18] =	ssyncadd.s32 $0xFFFFC000  }
0x62: {  	_ =	swait.ge [sflag:s18], $0x4000  }
0x63: {  	[sflag:s18] =	ssyncset.done $0x0  }
0x64: {  	[sflag:s18] =	ssyncadd.s32 $0xFFFFC000  }
0x65: {  	_ =	swait.ge [sflag:s18], $0x4000  }
0x66: {  	s24 =	simm.s32 @!p1 $0x1;
	s20 =	simm.s32 $0x1000;
	[sflag:s18] =	ssyncset.done $0x0  }
0x67: {  	s22 =	simm.s32 $0x2000;
	s21 =	sadd.s32 $0x8, s14;
	[sflag:s18] =	ssyncadd.s32 $0xFFFFC000  }
.LBB2_6:
0x68: {  	s25 =	sshra.s32 s20, $0x2  }
0x69: {  	_ =	swait.ge @!p1 [sflag:s24], $0x4000;
	s23 =	smov.u32 s22;
	s22 =	sadd.s32 $0x1000, s22  }
0x6a: {  	s26 =	simm.s32 @!p2 $0x1;
	s25 =	sadd.s32 s25, s13;
	[sflag:s24] =	ssyncset.done @!p1 $0x0  }
0x6b: {  	p3 =	sne.s32 s22, $0xA000;
	[sflag:s24] =	ssyncadd.s32 @!p1 $0xFFFFC000  }
0x6c: {  	_ =	swait.ge @!p2 [sflag:s26], $0x4000  }
0x6d: {  	s28 =	simm.s32 @!p0 $0x1;
	s24 =	sadd.s32 $0x80, s25;
	[sflag:s26] =	ssyncset.done @!p2 $0x0  }
0x6e: {  	[sflag:s26] =	ssyncadd.s32 @!p2 $0xFFFFC000  }
0x6f: {  	s26 =	sadd.s32 $0x100, s25;
	_ =	swait.ge @!p0 [sflag:s28], $0x4000  }
0x70: {  	[sflag:s28] =	ssyncset.done @!p0 $0x0  }
0x71: {  	s30 =	sadd.s32 $0xFFFFFFFE, s21;
	s29 =	sadd.s32 $0x180, s25;
	[sflag:s28] =	ssyncadd.s32 @!p0 $0xFFFFC000  }
0x72: {  	[spmem:s2] =	stream.indirect.scatter.add.f32 [tilespmem:s16], [sflag:$0x1], $0x80, s25, s17, $0xb8;
	[tilespmem:$0x1D000] =	vst v63  }
0x73: {  	p1 =	sge.u32 s30, s10;
	s25 =	sadd.s32 $0x200, s25  }
0x74: {  	[spmem:s2] =	stream.indirect.scatter.add.f32 [tilespmem:s16], [sflag:$0x1], $0x80, s24, s17, $0xb8;
	[tilespmem:$0x1D000] =	vst v63  }
0x75: {  	p0 =	sge.u32 s21, s10;
	s24 =	sshra.s32 @!p1 s20, $0x2  }
0x76: {  	[spmem:s2] =	stream.indirect.scatter.add.f32 [tilespmem:s16], [sflag:$0x1], $0x80, s26, s17, $0xb8;
	[tilespmem:$0x1D000] =	vst v63  }
0x77: {  	s28 =	sadd.s32 $0xFFFFFFFF, s21;
	s24 =	sadd.s32 @!p1 s24, s13;
	s26 =	simm.s32 @!p1 $0x5000  }
0x78: {  	[spmem:s2] =	stream.indirect.scatter.add.f32 [tilespmem:s16], [sflag:$0x1], $0x80, s29, s17, $0xb8;
	[tilespmem:$0x1D000] =	vst v63  }
0x79: {  	p2 =	sge.u32 s28, s10;
	s24 =	sadd.s32 @!p1 $0x280, s24;
	s29 =	simm.s32 @!p1 $0x80  }
0x7a: {  	[spmem:s2] =	stream.indirect.scatter.add.f32 [tilespmem:s16], [sflag:$0x1], $0x80, s25, s17, $0xb8;
	[tilespmem:$0x1D000] =	vst v63  }
0x7b: {  	s28 =	simm.s32 @!p2 $0x80;
	s30 =	simm.s32 @!p2 $0x5000;
	s25 =	sshra.s32 @!p2 s20, $0x2  }
0x7c: {  	[spmem:s2] =	stream.indirect.scatter.add.f32 @!p1 [tilespmem:s26], [sflag:$0x1], $0x80, s24, s29, $0xb8;
	[tilespmem:$0x1D000] =	vst v63  }
0x7d: {  	s20 =	sshra.s32 @!p0 s20, $0x2;
	s24 =	sadd.s32 @!p2 s25, s13;
	s25 =	simm.s32 @!p0 $0x5000  }
0x7e: {  	s20 =	sadd.s32 @!p0 s20, s13;
	s26 =	simm.s32 @!p0 $0x80;
	s24 =	sadd.s32 @!p2 $0x300, s24  }
0x7f: {  	[spmem:s2] =	stream.indirect.scatter.add.f32 @!p2 [tilespmem:s30], [sflag:$0x1], $0x80, s24, s28, $0xb8;
	[tilespmem:$0x1D000] =	vst v63  }
0x80: {  	s24 =	sadd.s32 @!p0 $0x380, s20;
	s20 =	smov.u32 s23  }
0x81: {  	[spmem:s2] =	stream.indirect.scatter.add.f32 @!p0 [tilespmem:s25], [sflag:$0x1], $0x80, s24, s26, $0xb8;
	[tilespmem:$0x1D000] =	vst v63  }
0x82: {  	_ =	swait.ge [sflag:s18], $0x4000  }
0x83: {  	[sflag:s18] =	ssyncset.done $0x0  }
0x84: {  	[sflag:s18] =	ssyncadd.s32 $0xFFFFC000  }
0x85: {  	_ =	swait.ge [sflag:s18], $0x4000  }
0x86: {  	[sflag:s18] =	ssyncset.done $0x0  }
0x87: {  	[sflag:s18] =	ssyncadd.s32 $0xFFFFC000  }
0x88: {  	_ =	swait.ge [sflag:s18], $0x4000  }
0x89: {  	[sflag:s18] =	ssyncset.done $0x0  }
0x8a: {  	[sflag:s18] =	ssyncadd.s32 $0xFFFFC000  }
0x8b: {  	_ =	swait.ge [sflag:s18], $0x4000  }
.Ltmp2:
0x8c: {  	[sflag:s18] =	ssyncset.done $0x0;
	(pc) =	sbr.rel @p3 .LBB2_6-.Ltmp2, $4  }
0x8d: {  	s24 =	simm.s32 @!p1 $0x1;
	[sflag:s18] =	ssyncadd.s32 $0xFFFFC000  }
0x8e: {  	_ =	swait.ge [sflag:s18], $0x4000  }
0x8f: {  	[sflag:s18] =	ssyncset.done $0x0  }
0x90: {  	s21 =	sadd.s32 $0x8, s21;
	[sflag:s18] =	ssyncadd.s32 $0xFFFFC000  }
0x91: {  	_ =	swait.ge @!p1 [sflag:s24], $0x4000  }
0x92: {  	[sflag:s24] =	ssyncset.done @!p1 $0x0  }
0x93: {  	s22 =	simm.s32 @!p2 $0x1;
	[sflag:s24] =	ssyncadd.s32 @!p1 $0xFFFFC000  }
0x94: {  	_ =	swait.ge @!p2 [sflag:s22], $0x4000  }
0x95: {  	[sflag:s22] =	ssyncset.done @!p2 $0x0  }
0x96: {  	s23 =	simm.s32 @!p0 $0x1;
	[sflag:s22] =	ssyncadd.s32 @!p2 $0xFFFFC000  }
0x97: {  	_ =	swait.ge @!p0 [sflag:s23], $0x4000  }
0x98: {  	s31 =	sshra.s32 s20, $0x2;
	[sflag:s23] =	ssyncset.done @!p0 $0x0  }
0x99: {  	s25 =	sadd.s32 $0xFFFFFFFE, s21;
	s22 =	sadd.s32 s31, s13;
	[sflag:s23] =	ssyncadd.s32 @!p0 $0xFFFFC000  }
0x9a: {  	[spmem:s2] =	stream.indirect.scatter.add.f32 [tilespmem:s16], [sflag:$0x1], $0x80, s22, s17, $0xb8;
	[tilespmem:$0x1D000] =	vst v63  }
0x9b: {  	s29 =	sadd.s32 $0xFFFFFFFF, s21;
	p1 =	sge.u32 s25, s10;
	s24 =	sadd.s32 $0x80, s22  }
0x9c: {  	[spmem:s2] =	stream.indirect.scatter.add.f32 [tilespmem:s16], [sflag:$0x1], $0x80, s24, s17, $0xb8;
	[tilespmem:$0x1D000] =	vst v63  }
0x9d: {  	p2 =	sge.u32 s29, s10;
	s26 =	sadd.s32 $0x100, s22;
	s24 =	sshra.s32 @!p1 s20, $0x2  }
0x9e: {  	[spmem:s2] =	stream.indirect.scatter.add.f32 [tilespmem:s16], [sflag:$0x1], $0x80, s26, s17, $0xb8;
	[tilespmem:$0x1D000] =	vst v63  }
0x9f: {  	s28 =	sadd.s32 $0x180, s22;
	p0 =	sge.u32 s21, s10;
	s23 =	sadd.s32 @!p1 s24, s13  }
0xa0: {  	[spmem:s2] =	stream.indirect.scatter.add.f32 [tilespmem:s16], [sflag:$0x1], $0x80, s28, s17, $0xb8;
	[tilespmem:$0x1D000] =	vst v63  }
0xa1: {  	s22 =	sadd.s32 $0x200, s22;
	s24 =	simm.s32 @!p1 $0x5000;
	s21 =	sadd.s32 @!p1 $0x280, s23  }
0xa2: {  	[spmem:s2] =	stream.indirect.scatter.add.f32 [tilespmem:s16], [sflag:$0x1], $0x80, s22, s17, $0xb8;
	[tilespmem:$0x1D000] =	vst v63  }
0xa3: {  	s23 =	sshra.s32 @!p2 s20, $0x2;
	s20 =	sshra.s32 @!p0 s20, $0x2;
	s22 =	simm.s32 @!p1 $0x80  }
0xa4: {  	[spmem:s2] =	stream.indirect.scatter.add.f32 @!p1 [tilespmem:s24], [sflag:$0x1], $0x80, s21, s22, $0xb8;
	[tilespmem:$0x1D000] =	vst v63  }
0xa5: {  	s20 =	sadd.s32 @!p0 s20, s13;
	s22 =	sadd.s32 @!p2 s23, s13  }
0xa6: {  	s21 =	simm.s32 @!p2 $0x80;
	s23 =	simm.s32 @!p2 $0x5000;
	s22 =	sadd.s32 @!p2 $0x300, s22  }
0xa7: {  	[spmem:s2] =	stream.indirect.scatter.add.f32 @!p2 [tilespmem:s23], [sflag:$0x1], $0x80, s22, s21, $0xb8;
	[tilespmem:$0x1D000] =	vst v63  }
0xa8: {  	s20 =	sadd.s32 @!p0 $0x380, s20;
	s21 =	simm.s32 @!p0 $0x5000;
	s22 =	simm.s32 @!p0 $0x80  }
0xa9: {  	[spmem:s2] =	stream.indirect.scatter.add.f32 @!p0 [tilespmem:s21], [sflag:$0x1], $0x80, s20, s22, $0xb8;
	[tilespmem:$0x1D000] =	vst v63  }
0xaa: {  	_ =	swait.ge [sflag:s18], $0x4000  }
0xab: {  	[sflag:s18] =	ssyncset.done $0x0  }
0xac: {  	[sflag:s18] =	ssyncadd.s32 $0xFFFFC000  }
0xad: {  	_ =	swait.ge [sflag:s18], $0x4000  }
0xae: {  	[sflag:s18] =	ssyncset.done $0x0  }
0xaf: {  	[sflag:s18] =	ssyncadd.s32 $0xFFFFC000  }
0xb0: {  	_ =	swait.ge [sflag:s18], $0x4000  }
0xb1: {  	[sflag:s18] =	ssyncset.done $0x0  }
0xb2: {  	[sflag:s18] =	ssyncadd.s32 $0xFFFFC000  }
0xb3: {  	_ =	swait.ge [sflag:s18], $0x4000  }
0xb4: {  	[sflag:s18] =	ssyncset.done $0x0  }
0xb5: {  	[sflag:s18] =	ssyncadd.s32 $0xFFFFC000  }
0xb6: {  	_ =	swait.ge [sflag:s18], $0x4000  }
0xb7: {  	[sflag:s18] =	ssyncset.done $0x0  }
0xb8: {  	s20 =	simm.s32 @!p1 $0x1;
	[sflag:s18] =	ssyncadd.s32 $0xFFFFC000  }
0xb9: {  	_ =	swait.ge @!p1 [sflag:s20], $0x4000  }
0xba: {  	[sflag:s20] =	ssyncset.done @!p1 $0x0  }
0xbb: {  	s21 =	simm.s32 @!p2 $0x1;
	[sflag:s20] =	ssyncadd.s32 @!p1 $0xFFFFC000  }
0xbc: {  	_ =	swait.ge @!p2 [sflag:s21], $0x4000  }
0xbd: {  	[sflag:s21] =	ssyncset.done @!p2 $0x0  }
0xbe: {  	s20 =	simm.s32 @!p0 $0x1;
	[sflag:s21] =	ssyncadd.s32 @!p2 $0xFFFFC000  }
0xbf: {  	_ =	swait.ge @!p0 [sflag:s20], $0x4000  }
0xc0: {  	s30 =	sshll.u32 s1, $0x6;
	s19 =	sadd.s32 $0x1, s19;
	[sflag:s20] =	ssyncset.done @!p0 $0x0  }
0xc1: {  	s31 =	sshrl.u32 s4, $0x3;
	[sflag:s20] =	ssyncadd.s32 @!p0 $0xFFFFC000;
	p0 =	sne.s32 s19, s11  }
.Ltmp3:
0xc2: {  	s20 =	sor.u32 $0x1C02, s30;
	[bflag:$0x0] =	sbarrier.arrive $0xFFFF;
	(pc) =	sbr.rel @p0 .LBB2_1-.Ltmp3, $4  }
0xc3: {  	[hbm:s12], [sflag:s20] =	dma.local [spmem:s31], $0x2800  }
0xc4: {  	_ =	swait.ge [sflag:s15], $0x2800  }
0xc5: {  	[sflag:s15] =	ssyncset.done $0x0  }
0xc6: {  	[sflag:s15] =	ssyncadd.s32 $0xFFFFD800  }
0xc7: {  	_ =	sfence.sel $0x180000  }
0xc8: {  	[bflag:$0x0] =	sbarrier.arrive $0xFFFF  }
0xc9: {  	p0 =	sne.s32 s1, $0x0;
	_ =	strace $0x90000047  }
0xca: {  	s0 =	sadd.s32 @!p0 $0x100000, s0;
	[bflag:$0x2] =	sbarrier.arrive $0xFFFF  }
0xcb: {  	[sflag:s0] =	ssyncadd.tile.s32 @!p0 $0x1;
	_ =	shalt  }
.Lfunc_end2:
_tile_overlayer_lowered:
.L_overlay_start_2:
0xcc: {  	(tag) =	ssettag $0x2  }
0xcd: {  	s0 =	rddreg [dreg:$0x0];
	s2 =	stileid.u32  }
0xce: {  	s1 =	rddreg [dreg:$0x1];
	p0 =	sne.s32 s2, $0x0  }
0xcf: {  	s3 =	rddreg [dreg:$0x2];
	[bflag:$0x3] =	sbarrier.arrive $0xFFFF;
	s2 =	simm.s32 @!p0 $0x1C02  }
0xd0: {  	[timem:s3], [sflag:s2] =	dma.local @!p0 [hbm:s0], s1  }
0xd1: {  	s0 =	simm.s32 @!p0 $0x2  }
0xd2: {  	_ =	swait.ge @!p0 [sflag:s0], s1  }
0xd3: {  	s1 =	ssub.s32 @!p0 $0x0, s1;
	[sflag:s0] =	ssyncset.done @!p0 $0x0  }
0xd4: {  	[sflag:s0] =	ssyncadd.s32 @!p0 s1  }
0xd5: {  	[bflag:$0x3] =	sbarrier.arrive $0xFFFF  }
0xd6: {  	_ =	shalt  }

// kernel: kernel.13.cloned.1.call-start
scs
__scs_entry_jumppad:
0x0: {  	(pc) =	sbr.rel $0x88, $3  }
0x1: {  	(tag) =	ssettag $0x0;
	lr =	simm.s32 $0x1  }
0x2: {  	[smem:$0x3F97] =	sst lr;
	_ =	strace $0xD0000000  }
0x3: {  	_ = 	snop  }
0x4: {  	_ = 	snop  }
0x5: {  	_ = 	snop  }
0x6: {  	_ = 	snop  }
0x7: {  	_ = 	snop  }
__scs_overlays_trampoline_lowered:
0x8: {  	[smem:$0x3FA6] =	sst s0  }
0x9: {  	[smem:$0x3FA7] =	sst s1  }
0xa: {  	[smem:$0x3FA8] =	sst s2  }
0xb: {  	[smem:$0x3FA9] =	sst s3  }
0xc: {  	[smem:$0x3FAA] =	sst s4  }
0xd: {  	[smem:$0x3FAB] =	sst s5  }
0xe: {  	[smem:$0x3FAC] =	sst s6  }
0xf: {  	[smem:$0x3FAD] =	sst s7  }
0x10: {  	[smem:$0x3FAE] =	sst s8  }
0x11: {  	[smem:$0x3FAF] =	sst s9;
	s0 =	simm.s32 @!p0 $0x0  }
0x12: {  	s1 =	sld [smem:$0x3F95];
	s0 =	simm.s32 @p0 $0x1  }
0x13: {  	[smem:$0x3FB0] =	sst s0;
	s0 =	simm.s32 @!p1 $0x0  }
0x14: {  	s2 =	sld [smem:$0x3F94];
	s0 =	simm.s32 @p1 $0x1  }
0x15: {  	[smem:$0x3FB1] =	sst s0;
	s0 =	simm.s32 @!p2 $0x0  }
0x16: {  	s3 =	sld [smem:$0x3FDB];
	s0 =	simm.s32 @p2 $0x1  }
0x17: {  	s4 =	simm.s32 $0x1BF5;
	[smem:$0x3FB3] =	sst s0  }
0x18: {  	s0 =	sld [smem:$0x3F96];
	_ =	swait.ge [sflag:s4], $0x0  }
0x19: {  	s7 =	sld [smem:$0x3F97]  }
0x1a: {  	s8 =	sadd.s32 $0xFFFFE003, lr  }
0x1b: {  	s9 =	sadd.s32 $0xFFFFFEF7, lr;
	s5 =	simm.s32 $0xFFFFFFFF;
	p2 =	slt.u32 s8, $0xFFFFF086  }
0x1c: {  	p1 =	slt.u32 s9, $0xF7A;
	s5 =	simm.s32 @!p2 $0x0  }
0x1d: {  	s5 =	simm.s32 @p1 $0x1;
	p0 =	seq.s32 s7, s2  }
0x1e: {  	s7 =	smul.u32 @!p0 $0xF7A, s2;
	p2 =	seq.s32 @!p0 s5, $0x0  }
0x1f: {  	s9 =	smul.u32 $0xF7A, s1;
	s8 =	simm.s32 @!p0 $0x1BF5;
	p2 =	por !p2, p0  }
0x20: {  	[sflag:s8] =	ssyncset.s32 @!p0 $0xFFFFF086;
	s6 =	sadd.s32 @!p0 s3, s7;
	s7 =	simm.s32 @!p0 $0x108  }
0x21: {  	s3 =	sadd.s32 s3, s9;
	s6 =	sadd.s32 @!p0 $0x88, s6;
	s7 =	simm.s32 @p2 $0x1082  }
0x22: {  	[simem:s7], [sflag:s8] =	dma.local @!p0 [hbm:s6], $0xF7A  }
0x23: {  	s9 =	sor.u32 $0xD0000000, s2;
	s6 =	simm.s32 $0x108;
	_ =	swait.ge @!p0 [sflag:s8], $0x0  }
0x24: {  	s3 =	sadd.s32 $0x88, s3;
	s6 =	simm.s32 @!p1 $0x1082;
	[sflag:s4] =	ssyncset.s32 $0xFFFFF086  }
0x25: {  	[simem:s6], [sflag:s4] =	dma.local [hbm:s3], $0xF7A  }
0x26: {  	[smem:$0x3F97] =	sst s1;
	(tag) =	ssettag s2;
	_ =	strace s9  }
0x27: {  	s1 =	sld [smem:$0x3FA7]  }
0x28: {  	s2 =	sld [smem:$0x3FA8]  }
0x29: {  	s4 =	sld [smem:$0x3FAA]  }
0x2a: {  	p0 =	seq.s32 s5, $0x0;
	s5 =	sld [smem:$0x3FAB]  }
0x2b: {  	s6 =	sld [smem:$0x3FAC]  }
0x2c: {  	s7 =	sld [smem:$0x3FAD]  }
0x2d: {  	s3 =	simm.s32 $0x108;
	s8 =	sld [smem:$0x3FAE]  }
0x2e: {  	s3 =	simm.s32 @!p0 $0x1082;
	s9 =	sld [smem:$0x3FAF]  }
0x2f: {  	lr =	sadd.s32 s0, s3;
	s0 =	sld [smem:$0x3FA6]  }
0x30: {  	s3 =	sld [smem:$0x3FA9]  }
0x31: {  	[smem:$0x3FB2] =	sst s10  }
0x32: {  	s10 =	sld [smem:$0x3FB0];
	_ =	sdelay $0x3  }
0x33: {  	p0 =	seq.s32 s10, $0x1;
	s10 =	sld [smem:$0x3FB2];
	_ =	sdelay $0x3  }
0x34: {  	[smem:$0x3FB2] =	sst s10  }
0x35: {  	s10 =	sld [smem:$0x3FB1];
	_ =	sdelay $0x3  }
0x36: {  	p1 =	seq.s32 s10, $0x1;
	s10 =	sld [smem:$0x3FB2];
	_ =	sdelay $0x3  }
0x37: {  	[smem:$0x3FB2] =	sst s10  }
0x38: {  	s10 =	sld [smem:$0x3FB3]  }
0x39: {  	_ = 	snop;
	(pc) =	sbr.ind lr, $3  }
0x3a: {  	_ = 	snop  }
0x3b: {  	_ = 	snop  }
0x3c: {  	p2 =	seq.s32 s10, $0x1;
	s10 =	sld [smem:$0x3FB2]  }
0x3d: {  	_ =	shalt  }
0x3e: {  	_ =	shalt  }
0x3f: {  	_ =	shalt  }
0x40: {  	_ =	shalt  }
0x41: {  	_ =	shalt  }
0x42: {  	_ =	shalt  }
0x43: {  	_ =	shalt  }
0x44: {  	_ =	shalt  }
0x45: {  	_ =	shalt  }
0x46: {  	_ =	shalt  }
0x47: {  	_ =	shalt  }
0x48: {  	_ =	shalt  }
0x49: {  	_ =	shalt  }
0x4a: {  	_ =	shalt  }
0x4b: {  	_ =	shalt  }
0x4c: {  	_ =	shalt  }
0x4d: {  	_ =	shalt  }
0x4e: {  	_ =	shalt  }
0x4f: {  	_ =	shalt  }
0x50: {  	_ =	shalt  }
0x51: {  	_ =	shalt  }
0x52: {  	_ =	shalt  }
0x53: {  	_ =	shalt  }
0x54: {  	_ =	shalt  }
0x55: {  	_ =	shalt  }
0x56: {  	_ =	shalt  }
0x57: {  	_ =	shalt  }
0x58: {  	_ =	shalt  }
0x59: {  	_ =	shalt  }
0x5a: {  	_ =	shalt  }
0x5b: {  	_ =	shalt  }
0x5c: {  	_ =	shalt  }
0x5d: {  	_ =	shalt  }
0x5e: {  	_ =	shalt  }
0x5f: {  	_ =	shalt  }
0x60: {  	_ =	shalt  }
0x61: {  	_ =	shalt  }
0x62: {  	_ =	shalt  }
0x63: {  	_ =	shalt  }
0x64: {  	_ =	shalt  }
0x65: {  	_ =	shalt  }
0x66: {  	_ =	shalt  }
0x67: {  	_ =	shalt  }
0x68: {  	_ =	shalt  }
0x69: {  	_ =	shalt  }
0x6a: {  	_ =	shalt  }
0x6b: {  	_ =	shalt  }
0x6c: {  	_ =	shalt  }
0x6d: {  	_ =	shalt  }
0x6e: {  	_ =	shalt  }
0x6f: {  	_ =	shalt  }
0x70: {  	_ =	shalt  }
0x71: {  	_ =	shalt  }
0x72: {  	_ =	shalt  }
0x73: {  	_ =	shalt  }
0x74: {  	_ =	shalt  }
0x75: {  	_ =	shalt  }
0x76: {  	_ =	shalt  }
0x77: {  	_ =	shalt  }
0x78: {  	_ =	shalt  }
0x79: {  	_ =	shalt  }
0x7a: {  	_ =	shalt  }
0x7b: {  	_ =	shalt  }
0x7c: {  	_ =	shalt  }
0x7d: {  	_ =	shalt  }
0x7e: {  	_ =	shalt  }
0x7f: {  	_ =	shalt  }
0x80: {  	_ =	shalt  }
0x81: {  	_ =	shalt  }
0x82: {  	_ =	shalt  }
0x83: {  	_ =	shalt  }
0x84: {  	_ =	shalt  }
0x85: {  	_ =	shalt  }
0x86: {  	_ =	shalt  }
0x87: {  	_ =	shalt  }
.Lfunc_end0:
.L_simem_size_0:
called_computation.1_lowered:
.L_overlay_start_0:
0x88: {  	s2 =	sld [smem:$0x3FD9]  }
0x89: {  	s3 =	sld [smem:$0x3FFE];
	_ =	sdelay $0x1  }
0x8a: {  	s1 =	srdreg.scid  }
0x8b: {  	s0 =	sand.u32 $0x1, s1  }
0x8c: {  	s17 =	sshll.u32 s0, $0xA;
	s2 =	sadd.s32 s3, s2  }
0x8d: {  	s2 =	sadd.s32 s2, s17  }
0x8e: {  	[smem:$0x3FBE] =	sst s2  }
0x8f: {  	_ = 	snop  }
0x90: {  	s2 =	sld [smem:$0x3FD0];
	(tm) =	ssettm $0x1  }
0x91: {  	s18 =	sld [smem:$0x3FFB];
	_ =	sdelay $0x3  }
0x92: {  	_ =	strace s18  }
0x93: {  	s3 =	sld [smem:$0x3FFC];
	_ =	sdelay $0x3  }
0x94: {  	_ =	strace s3  }
0x95: {  	s3 =	sld [smem:$0x3FFD];
	_ =	sdelay $0x3  }
0x96: {  	_ =	strace s3  }
0x97: {  	_ =	strace $0x8FFFFFFF  }
0x98: {  	s19 =	sld [smem:$0x3FDB];
	_ =	sdelay $0x1  }
0x99: {  	s4 =	simm.s32 $_scs_section_size  }
0x9a: {  	s5 =	simm.s32 $_size__tile_overlayer_lowered;
	s6 =	simm.s32 $_tile_overlayer_lowered  }
0x9b: {  	s22 =	simm.s32 $0x1BFF;
	s21 =	sshll.u32 s6, $0x1;
	s3 =	sadd.s32 s4, s19  }
0x9c: {  	s7 =	simm.s32 $0x0;
	s20 =	sshll.u32 s5, $0x1;
	s5 =	sadd.s32 s21, s3  }
0x9d: {  	[timem:s7], [sflag:s22] =	dma.local [hbm:s5], s20  }
0x9e: {  	_ =	swait.ge [sflag:s22], s20  }
0x9f: {  	s4 =	ssub.s32 $0x0, s20;
	[sflag:s22] =	ssyncset.done $0x0  }
0xa0: {  	[sflag:s22] =	ssyncadd.s32 s4;
	_ =	sdelay $0x1  }
0xa1: {  	s23 =	simm.s32 $0x1B8B  }
0xa2: {  	_ =	swait.ge [sflag:s23], $0x1  }
0xa3: {  	[sflag:s23] =	ssyncset.done $0x0  }
0xa4: {  	s25 =	simm.s32 $0x1B8E;
	s24 =	sld [smem:$0x3FFE];
	[sflag:s23] =	ssyncadd.s32 $0xFFFFFFFF  }
0xa5: {  	s26 =	simm.s32 $execute0_lowered;
	[smem:$0x3FD2] =	sst s25  }
0xa6: {  	s5 =	sshll.u32 s26, $0x1;
	_ =	strace $0x80000049;
	[dreg:$0x1] =	wrdreg $0xFFFFFFFF  }
0xa7: {  	s28 =	simm.s32 $_size_execute0_lowered;
	s3 =	sadd.s32 s3, s5;
	[dreg:$0x0] =	wrdreg $0x0  }
0xa8: {  	s5 =	sshll.u32 s28, $0x1;
	[dreg:$0x2] =	wrdreg s3  }
0xa9: {  	[dreg:$0x3] =	wrdreg s5  }
0xaa: {  	[dreg:$0x4] =	wrdreg $0xC0  }
0xab: {  	_ =	task [dreg:s7], $0x5FFFF  }
0xac: {  	[dreg:$0x1] =	wrdreg $0xFFFFFFFF  }
0xad: {  	[dreg:$0x0] =	wrdreg $0x60  }
0xae: {  	[dreg:$0x2] =	wrdreg s24  }
0xaf: {  	[dreg:$0x3] =	wrdreg s2  }
0xb0: {  	[dreg:$0x4] =	wrdreg $0x91000  }
0xb1: {  	[dreg:$0x5] =	wrdreg $0x9  }
0xb2: {  	_ =	task.clear_ibuf [dreg:s7], $0x6FFFF;
	_ =	strace $0x90000049  }
0xb3: {  	s29 =	simm.s32 $0x9;
	_ =	strace $0x8000004B  }
0xb4: {  	_ =	swait.ge [sflag:s29], $0x1  }
0xb5: {  	[sflag:s29] =	ssyncadd.s32 $0xFFFFFFFF  }
0xb6: {  	_ =	strace $0x9000004B  }
0xb7: {  	_ =	sfence  }
0xb8: {  	s30 =	sld [smem:$0x0];
	_ =	sdelay $0x2  }
0xb9: {  	s31 =	sshll.u32 s1, $0xD;
	s1 =	sshrl.u32 s1, $0x2  }
0xba: {  	s3 =	sand.u32 $0x4000, s31;
	s1 =	sadd.s32 s1, s30  }
0xbb: {  	s0 =	sor.u32 s3, s0;
	s1 =	sshll.u32 s1, $0x11  }
0xbc: {  	s0 =	sor.u32 s1, s0  }
0xbd: {  	s0 =	sadd.s32 $0x8F2B, s0  }
0xbe: {  	[sflag:s0] =	ssyncadd.remote.s32 $0x1  }
0xbf: {  	_ =	sfence.sel $0xFFFF  }
0xc0: {  	[dreg:$0x0] =	wrdreg $0xFFFFFFFF;
	(pc) =	sbr.abs _section_cstart, $3  }
0xc1: {  	[dreg:$0x1] =	wrdreg $0xFFFFFFFF  }
0xc2: {  	_ =	task.clear_ibuf [dreg:s7], $0x2FFFF;
	_ =	strace $0x9FFFFFFF  }
0xc3: {  	(tm) =	ssettm $0x7FFFFFFF  }
tec
execute0_lowered:
.L_overlay_start_1:
0x0: {  	(tag) =	ssettag $0x1  }
0x1: {  	s7 =	rddreg [dreg:$0x0]  }
0x2: {  	s1 =	rddreg [dreg:$0x1]  }
0x3: {  	s3 =	rddreg [dreg:$0x2]  }
0x4: {  	s0 =	rddreg [dreg:$0x3]  }
0x5: {  	s4 =	simm.s32 $0x0;
	s2 =	stileid.u32;
	s5 =	srdreg.scid  }
0x6: {  	s16 =	simm.s32 $0x2;
	s17 =	simm.s32 $0x5100;
	s18 =	simm.s32 $0x80  }
0x7: {  	s19 =	simm.s32 $0x5000;
	s20 =	simm.s32 $0x1;
	s21 =	simm.s32 $0x5080  }
0x8: {  	s24 =	simm.s32 $0x0;
	[smem:$0x7FF] =	sst s4;
	s8 =	smul.u32 $0xA00, s2  }
0x9: {  	s14 =	sand.u32 $0x1, s5;
	s9 =	smul.u32 $0x50000, s2;
	s5 =	sadd.s32 $0x61A00, s7  }
0xa: {  	s6 =	sadd.s32 $0x88C00, s7;
	s22 =	sshll.u32 s2, $0x6;
	_ =	strace $0x8000004A  }
0xb: {  	s10 =	ssub.s32 $0x2, s14;
	p0 =	seq.s32 s14, $0x1;
	s14 =	smul.u32 $0x2800, s2  }
.Ltmp0:
0xc: {  	s22 =	sor.u32 $0x1C02, s22;
	s11 =	sadd.s32 s8, s7;
	(pc) =	sbr.rel .LBB2_1-.Ltmp0, $4  }
0xd: {  	s31 =	sshrl.u32 s10, $0x1;
	s9 =	sshrl.u32 s9, $0x2;
	s7 =	sadd.s32 $0xAFE00, s7  }
0xe: {  	s15 =	ssub.s32 s10, s31;
	s8 =	sadd.s32 s9, s3;
	s9 =	sadd.s32 $0x57A00, s11  }
0xf: {  	s10 =	sadd.s32 $0x4000, s8;
	s11 =	sadd.s32 $0x8000, s8;
	s12 =	sadd.s32 $0xC000, s8  }
0x10: {  	v0 =	vimm.f32 $0.0e+00;
	s13 =	sadd.s32 $0x10000, s8;
	s15 =	smax.u32 s15, $0x1;
	s23 =	sshrl.u32 s8, $0x3  }
.LBB2_6:
0x11: {  	[tilespmem:$0x50F0] =	vst v1  }
0x12: {  	[tilespmem:s17], [sflag:$0x1] =	stream.indirect.gather [hbm4b:s5+s18], $0x80, s19, s18, $0xb8;
	[tilespmem:$0x1D100] =	vst v63  }
0x13: {  	_ =	swait.ge [sflag:s20], $0x4000  }
0x14: {  	[sflag:s20] =	ssyncset.done $0x0  }
0x15: {  	[sflag:s20] =	ssyncadd.s32 $0xFFFFC000  }
0x16: {  	[spmem:s3] =	stream.indirect.scatter.add.f32 [tilespmem:s17], [sflag:$0x2], $0x80, s21, s18, $0xb8;
	[tilespmem:$0x1D100] =	vst v63  }
0x17: {  	_ =	swait.ge [sflag:s16], $0x4000  }
0x18: {  	[sflag:s16] =	ssyncset.done $0x0  }
0x19: {  	s25 =	smov.u32 s1;
	[sflag:s16] =	ssyncadd.s32 $0xFFFFC000  }
.LBB2_10:
0x1a: {  	s24 =	sadd.s32 $0x1, s24  }
0x1b: {  	p1 =	sne.s32 s24, s15  }
.Ltmp1:
0x1c: {  	s25 =	sadd.s32 s25, s14;
	[bflag:$0x0] =	sbarrier.arrive $0xFFFF;
	(pc) =	sbr.rel @!p1 .LBB2_11-.Ltmp1, $4  }
0x1d: {  	[hbm:s25], [sflag:s22] =	dma.local [spmem:s23], $0x2800  }
0x1e: {  	_ =	swait.ge [sflag:s16], $0x2800  }
0x1f: {  	[sflag:s16] =	ssyncset.done $0x0  }
0x20: {  	[sflag:s16] =	ssyncadd.s32 $0xFFFFD800  }
.LBB2_1:
0x21: {  	[tilespmem:s4], [sflag:$0x2] =	stream.linear.gather [hbm4b:s9+s4], $0x4E80, $0x38;
	[tilespmem:$0x1D100] =	vst v63  }
0x22: {  	_ =	swait.ge [sflag:s16], $0x4E80  }
0x23: {  	[sflag:s16] =	ssyncset.done $0x0  }
0x24: {  	s25 =	simm.s32 $0x0;
	s26 =	simm.s32 $0x200;
	[sflag:s16] =	ssyncadd.s32 $0xFFFFB180  }
.LBB2_2:
0x25: {  	p1 =	sne.s32 s26, $0xFE00;
	[tilespmem:s25+$0x5170] =	vst v0  }
0x26: {  	[tilespmem:s25+$0x5100] =	vst v0  }
0x27: {  	[tilespmem:s25+$0x5110] =	vst v0  }
.Ltmp2:
0x28: {  	[tilespmem:s25+$0x5120] =	vst v0;
	(pc) =	sbr.rel @p1 .LBB2_2-.Ltmp2, $4  }
0x29: {  	[tilespmem:s25+$0x5130] =	vst v0  }
0x2a: {  	[tilespmem:s25+$0x5140] =	vst v0  }
0x2b: {  	[tilespmem:s25+$0x5150] =	vst v0  }
0x2c: {  	[tilespmem:s25+$0x5160] =	vst v0;
	s25 =	sshra.s32 s26, $0x2;
	s26 =	sadd.s32 $0x200, s26  }
0x2d: {  	[tilespmem:s25+$0x5170] =	vst v0  }
0x2e: {  	[tilespmem:s25+$0x5100] =	vst v0  }
0x2f: {  	[tilespmem:s25+$0x5110] =	vst v0  }
0x30: {  	[tilespmem:s25+$0x5120] =	vst v0  }
0x31: {  	[tilespmem:s25+$0x5130] =	vst v0  }
0x32: {  	[tilespmem:s25+$0x5140] =	vst v0  }
0x33: {  	[tilespmem:s25+$0x5150] =	vst v0  }
0x34: {  	[tilespmem:s25+$0x5160] =	vst v0  }
0x35: {  	[spmem:s8] =	stream.linear.scatter [tilespmem:s17], [sflag:$0x2], $0x4000, $0x38;
	[tilespmem:$0x1D100] =	vst v63  }
0x36: {  	_ =	swait.ge [sflag:s16], $0x4000  }
0x37: {  	[sflag:s16] =	ssyncset.done $0x0  }
0x38: {  	[sflag:s16] =	ssyncadd.s32 $0xFFFFC000  }
0x39: {  	[spmem:s10] =	stream.linear.scatter [tilespmem:s17], [sflag:$0x2], $0x4000, $0x38;
	[tilespmem:$0x1D100] =	vst v63  }
0x3a: {  	_ =	swait.ge [sflag:s16], $0x4000  }
0x3b: {  	[sflag:s16] =	ssyncset.done $0x0  }
0x3c: {  	[sflag:s16] =	ssyncadd.s32 $0xFFFFC000  }
0x3d: {  	[spmem:s11] =	stream.linear.scatter [tilespmem:s17], [sflag:$0x2], $0x4000, $0x38;
	[tilespmem:$0x1D100] =	vst v63  }
0x3e: {  	_ =	swait.ge [sflag:s16], $0x4000  }
0x3f: {  	[sflag:s16] =	ssyncset.done $0x0  }
0x40: {  	[sflag:s16] =	ssyncadd.s32 $0xFFFFC000  }
0x41: {  	[spmem:s12] =	stream.linear.scatter [tilespmem:s17], [sflag:$0x2], $0x4000, $0x38;
	[tilespmem:$0x1D100] =	vst v63  }
0x42: {  	_ =	swait.ge [sflag:s16], $0x4000  }
0x43: {  	[sflag:s16] =	ssyncset.done $0x0  }
0x44: {  	[sflag:s16] =	ssyncadd.s32 $0xFFFFC000  }
0x45: {  	[spmem:s13] =	stream.linear.scatter [tilespmem:s17], [sflag:$0x2], $0x4000, $0x38;
	[tilespmem:$0x1D100] =	vst v63  }
.Ltmp3:
0x46: {  	_ =	swait.ge [sflag:s16], $0x4000;
	(pc) =	sbr.rel @!p0 .LBB2_4-.Ltmp3, $4  }
0x47: {  	[sflag:s16] =	ssyncset.done $0x0  }
0x48: {  	[sflag:s16] =	ssyncadd.s32 $0xFFFFC000  }
0x49: {  	[bflag:$0x0] =	sbarrier.arrive $0xFFFF  }
0x4a: {  	s25 =	simm.s32 $0x0  }
0x4b: {  	v1 =	vld [tilespmem:s25+$0x0];
	_ =	sdelay $0x4  }
0x4c: {  	v2 =	vand.u32 $0x3FFF, v1  }
0x4d: {  	v1 =	vshrl.u32 v1, $0xE;
	[tilespmem:$0x5000] =	vst v2  }
0x4e: {  	[tilespmem:$0x5080] =	vst v1  }
0x4f: {  	v1 =	vld [tilespmem:s25+$0x10];
	_ =	sdelay $0x4  }
0x50: {  	v2 =	vand.u32 $0x3FFF, v1  }
0x51: {  	v1 =	vshrl.u32 v1, $0xE;
	[tilespmem:$0x5010] =	vst v2  }
0x52: {  	[tilespmem:$0x5090] =	vst v1  }
0x53: {  	v1 =	vld [tilespmem:s25+$0x20];
	_ =	sdelay $0x4  }
0x54: {  	v2 =	vand.u32 $0x3FFF, v1  }
0x55: {  	v1 =	vshrl.u32 v1, $0xE;
	[tilespmem:$0x5020] =	vst v2  }
0x56: {  	[tilespmem:$0x50A0] =	vst v1  }
0x57: {  	v1 =	vld [tilespmem:s25+$0x30];
	_ =	sdelay $0x4  }
0x58: {  	v2 =	vand.u32 $0x3FFF, v1  }
0x59: {  	v1 =	vshrl.u32 v1, $0xE;
	[tilespmem:$0x5030] =	vst v2  }
0x5a: {  	[tilespmem:$0x50B0] =	vst v1  }
0x5b: {  	v1 =	vld [tilespmem:s25+$0x40];
	_ =	sdelay $0x4  }
0x5c: {  	v2 =	vand.u32 $0x3FFF, v1  }
0x5d: {  	v1 =	vshrl.u32 v1, $0xE;
	[tilespmem:$0x5040] =	vst v2  }
0x5e: {  	[tilespmem:$0x50C0] =	vst v1  }
0x5f: {  	v1 =	vld [tilespmem:s25+$0x50];
	_ =	sdelay $0x4  }
0x60: {  	v2 =	vand.u32 $0x3FFF, v1  }
0x61: {  	v1 =	vshrl.u32 v1, $0xE;
	[tilespmem:$0x5050] =	vst v2  }
0x62: {  	[tilespmem:$0x50D0] =	vst v1  }
0x63: {  	v1 =	vld [tilespmem:s25+$0x60];
	_ =	sdelay $0x4  }
0x64: {  	v2 =	vand.u32 $0x3FFF, v1  }
0x65: {  	v1 =	vshrl.u32 v1, $0xE;
	[tilespmem:$0x5060] =	vst v2  }
0x66: {  	[tilespmem:$0x50E0] =	vst v1  }
0x67: {  	v1 =	vld [tilespmem:s25+$0x70];
	_ =	sdelay $0x4  }
0x68: {  	v2 =	vand.u32 $0x3FFF, v1  }
0x69: {  	s25 =	simm.s32 $0x200;
	v1 =	vshrl.u32 v1, $0xE;
	[tilespmem:$0x5070] =	vst v2  }
.LBB2_8:
0x6a: {  	p1 =	sne.s32 s25, $0x13800;
	[tilespmem:$0x50F0] =	vst v1;
	s26 =	smov.u32 s25;
	s25 =	sadd.s32 $0x200, s25  }
0x6b: {  	[tilespmem:s17], [sflag:$0x1] =	stream.indirect.gather [hbm4b:s6+s18], $0x80, s19, s18, $0xb8;
	[tilespmem:$0x1D100] =	vst v63  }
0x6c: {  	_ =	swait.ge [sflag:s20], $0x4000  }
0x6d: {  	[sflag:s20] =	ssyncset.done $0x0  }
0x6e: {  	[sflag:s20] =	ssyncadd.s32 $0xFFFFC000  }
0x6f: {  	[spmem:s3] =	stream.indirect.scatter.add.f32 [tilespmem:s17], [sflag:$0x2], $0x80, s21, s18, $0xb8;
	[tilespmem:$0x1D100] =	vst v63  }
0x70: {  	_ =	swait.ge [sflag:s16], $0x4000  }
0x71: {  	[sflag:s16] =	ssyncset.done $0x0  }
0x72: {  	s26 =	sshra.s32 s26, $0x2;
	[sflag:s16] =	ssyncadd.s32 $0xFFFFC000  }
0x73: {  	v1 =	vld [tilespmem:s26+$0x0];
	_ =	sdelay $0x4  }
0x74: {  	v2 =	vand.u32 $0x3FFF, v1;
	v1 =	vshrl.u32 v1, $0xE  }
0x75: {  	[tilespmem:$0x5000] =	vst v2  }
0x76: {  	[tilespmem:$0x5080] =	vst v1  }
0x77: {  	v1 =	vld [tilespmem:s26+$0x10];
	_ =	sdelay $0x4  }
0x78: {  	v2 =	vand.u32 $0x3FFF, v1;
	v1 =	vshrl.u32 v1, $0xE  }
0x79: {  	[tilespmem:$0x5010] =	vst v2  }
0x7a: {  	[tilespmem:$0x5090] =	vst v1  }
0x7b: {  	v1 =	vld [tilespmem:s26+$0x20];
	_ =	sdelay $0x4  }
0x7c: {  	v2 =	vand.u32 $0x3FFF, v1;
	v1 =	vshrl.u32 v1, $0xE  }
0x7d: {  	[tilespmem:$0x5020] =	vst v2  }
0x7e: {  	[tilespmem:$0x50A0] =	vst v1  }
0x7f: {  	v1 =	vld [tilespmem:s26+$0x30];
	_ =	sdelay $0x4  }
0x80: {  	v2 =	vand.u32 $0x3FFF, v1;
	v1 =	vshrl.u32 v1, $0xE  }
0x81: {  	[tilespmem:$0x5030] =	vst v2  }
0x82: {  	[tilespmem:$0x50B0] =	vst v1  }
0x83: {  	v1 =	vld [tilespmem:s26+$0x40];
	_ =	sdelay $0x4  }
0x84: {  	v2 =	vand.u32 $0x3FFF, v1;
	v1 =	vshrl.u32 v1, $0xE  }
0x85: {  	[tilespmem:$0x5040] =	vst v2  }
0x86: {  	[tilespmem:$0x50C0] =	vst v1  }
0x87: {  	v1 =	vld [tilespmem:s26+$0x50];
	_ =	sdelay $0x4  }
0x88: {  	v2 =	vand.u32 $0x3FFF, v1;
	v1 =	vshrl.u32 v1, $0xE  }
0x89: {  	[tilespmem:$0x5050] =	vst v2  }
0x8a: {  	[tilespmem:$0x50D0] =	vst v1  }
0x8b: {  	v1 =	vld [tilespmem:s26+$0x60];
	_ =	sdelay $0x4  }
0x8c: {  	v2 =	vand.u32 $0x3FFF, v1;
	v1 =	vshrl.u32 v1, $0xE  }
0x8d: {  	[tilespmem:$0x5060] =	vst v2  }
0x8e: {  	[tilespmem:$0x50E0] =	vst v1  }
0x8f: {  	v1 =	vld [tilespmem:s26+$0x70];
	_ =	sdelay $0x1  }
.Ltmp4:
0x90: {  	(pc) =	sbr.rel @p1 .LBB2_8-.Ltmp4, $3  }
0x91: {  	_ =	sdelay $0x1  }
0x92: {  	v2 =	vand.u32 $0x3FFF, v1;
	v1 =	vshrl.u32 v1, $0xE  }
0x93: {  	[tilespmem:$0x5070] =	vst v2  }
0x94: {  	[tilespmem:$0x50F0] =	vst v1  }
0x95: {  	[tilespmem:s17], [sflag:$0x1] =	stream.indirect.gather [hbm4b:s6+s18], $0x80, s19, s18, $0xb8;
	[tilespmem:$0x1D100] =	vst v63  }
0x96: {  	_ =	swait.ge [sflag:s20], $0x4000  }
0x97: {  	[sflag:s20] =	ssyncset.done $0x0  }
.Ltmp5:
0x98: {  	[sflag:s20] =	ssyncadd.s32 $0xFFFFC000;
	(pc) =	sbr.rel .LBB2_10-.Ltmp5, $4  }
0x99: {  	[spmem:s3] =	stream.indirect.scatter.add.f32 [tilespmem:s17], [sflag:$0x2], $0x80, s21, s18, $0xb8;
	[tilespmem:$0x1D100] =	vst v63  }
0x9a: {  	_ =	swait.ge [sflag:s16], $0x4000  }
0x9b: {  	[sflag:s16] =	ssyncset.done $0x0  }
0x9c: {  	s25 =	smov.u32 s7;
	[sflag:s16] =	ssyncadd.s32 $0xFFFFC000  }
.LBB2_4:
0x9d: {  	v1 =	vld [tilespmem:s25+$0x0];
	_ =	sdelay $0x4  }
0x9e: {  	v2 =	vand.u32 $0x3FFF, v1  }
0x9f: {  	v1 =	vshrl.u32 v1, $0xE;
	[tilespmem:$0x5000] =	vst v2  }
0xa0: {  	[tilespmem:$0x5080] =	vst v1  }
0xa1: {  	v1 =	vld [tilespmem:s25+$0x10];
	_ =	sdelay $0x4  }
0xa2: {  	v2 =	vand.u32 $0x3FFF, v1  }
0xa3: {  	v1 =	vshrl.u32 v1, $0xE;
	[tilespmem:$0x5010] =	vst v2  }
0xa4: {  	[tilespmem:$0x5090] =	vst v1  }
0xa5: {  	v1 =	vld [tilespmem:s25+$0x20];
	_ =	sdelay $0x4  }
0xa6: {  	v2 =	vand.u32 $0x3FFF, v1  }
0xa7: {  	v1 =	vshrl.u32 v1, $0xE;
	[tilespmem:$0x5020] =	vst v2  }
0xa8: {  	[tilespmem:$0x50A0] =	vst v1  }
0xa9: {  	v1 =	vld [tilespmem:s25+$0x30];
	_ =	sdelay $0x4  }
0xaa: {  	v2 =	vand.u32 $0x3FFF, v1  }
0xab: {  	v1 =	vshrl.u32 v1, $0xE;
	[tilespmem:$0x5030] =	vst v2  }
0xac: {  	[tilespmem:$0x50B0] =	vst v1  }
0xad: {  	v1 =	vld [tilespmem:s25+$0x40];
	_ =	sdelay $0x4  }
0xae: {  	v2 =	vand.u32 $0x3FFF, v1  }
0xaf: {  	v1 =	vshrl.u32 v1, $0xE;
	[tilespmem:$0x5040] =	vst v2  }
0xb0: {  	[tilespmem:$0x50C0] =	vst v1  }
0xb1: {  	v1 =	vld [tilespmem:s25+$0x50];
	_ =	sdelay $0x4  }
0xb2: {  	v2 =	vand.u32 $0x3FFF, v1  }
0xb3: {  	v1 =	vshrl.u32 v1, $0xE;
	[tilespmem:$0x5050] =	vst v2  }
0xb4: {  	[tilespmem:$0x50D0] =	vst v1  }
0xb5: {  	v1 =	vld [tilespmem:s25+$0x60];
	_ =	sdelay $0x4  }
0xb6: {  	v2 =	vand.u32 $0x3FFF, v1  }
0xb7: {  	v1 =	vshrl.u32 v1, $0xE;
	[tilespmem:$0x5060] =	vst v2  }
0xb8: {  	[tilespmem:$0x50E0] =	vst v1  }
0xb9: {  	v1 =	vld [tilespmem:s25+$0x70];
	_ =	sdelay $0x4  }
0xba: {  	v2 =	vand.u32 $0x3FFF, v1  }
0xbb: {  	s25 =	simm.s32 $0x200;
	v1 =	vshrl.u32 v1, $0xE;
	[tilespmem:$0x5070] =	vst v2  }
.LBB2_5:
0xbc: {  	p1 =	seq.s32 s25, $0x13800;
	[tilespmem:$0x50F0] =	vst v1;
	s26 =	smov.u32 s25;
	s25 =	sadd.s32 $0x200, s25  }
0xbd: {  	[tilespmem:s17], [sflag:$0x1] =	stream.indirect.gather [hbm4b:s5+s18], $0x80, s19, s18, $0xb8;
	[tilespmem:$0x1D100] =	vst v63  }
0xbe: {  	_ =	swait.ge [sflag:s20], $0x4000  }
0xbf: {  	[sflag:s20] =	ssyncset.done $0x0  }
0xc0: {  	[sflag:s20] =	ssyncadd.s32 $0xFFFFC000  }
0xc1: {  	[spmem:s3] =	stream.indirect.scatter.add.f32 [tilespmem:s17], [sflag:$0x2], $0x80, s21, s18, $0xb8;
	[tilespmem:$0x1D100] =	vst v63  }
0xc2: {  	_ =	swait.ge [sflag:s16], $0x4000  }
0xc3: {  	[sflag:s16] =	ssyncset.done $0x0  }
0xc4: {  	s26 =	sshra.s32 s26, $0x2;
	[sflag:s16] =	ssyncadd.s32 $0xFFFFC000  }
0xc5: {  	v1 =	vld [tilespmem:s26+$0x0];
	_ =	sdelay $0x4  }
0xc6: {  	v2 =	vand.u32 $0x3FFF, v1;
	v1 =	vshrl.u32 v1, $0xE  }
0xc7: {  	[tilespmem:$0x5000] =	vst v2  }
0xc8: {  	[tilespmem:$0x5080] =	vst v1  }
0xc9: {  	v1 =	vld [tilespmem:s26+$0x10];
	_ =	sdelay $0x4  }
0xca: {  	v2 =	vand.u32 $0x3FFF, v1;
	v1 =	vshrl.u32 v1, $0xE  }
0xcb: {  	[tilespmem:$0x5010] =	vst v2  }
0xcc: {  	[tilespmem:$0x5090] =	vst v1  }
0xcd: {  	v1 =	vld [tilespmem:s26+$0x20];
	_ =	sdelay $0x4  }
0xce: {  	v2 =	vand.u32 $0x3FFF, v1;
	v1 =	vshrl.u32 v1, $0xE  }
0xcf: {  	[tilespmem:$0x5020] =	vst v2  }
0xd0: {  	[tilespmem:$0x50A0] =	vst v1  }
0xd1: {  	v1 =	vld [tilespmem:s26+$0x30];
	_ =	sdelay $0x4  }
0xd2: {  	v2 =	vand.u32 $0x3FFF, v1;
	v1 =	vshrl.u32 v1, $0xE  }
0xd3: {  	[tilespmem:$0x5030] =	vst v2  }
0xd4: {  	[tilespmem:$0x50B0] =	vst v1  }
0xd5: {  	v1 =	vld [tilespmem:s26+$0x40];
	_ =	sdelay $0x4  }
0xd6: {  	v2 =	vand.u32 $0x3FFF, v1;
	v1 =	vshrl.u32 v1, $0xE  }
0xd7: {  	[tilespmem:$0x5040] =	vst v2  }
0xd8: {  	[tilespmem:$0x50C0] =	vst v1  }
0xd9: {  	v1 =	vld [tilespmem:s26+$0x50];
	_ =	sdelay $0x4  }
0xda: {  	v2 =	vand.u32 $0x3FFF, v1;
	v1 =	vshrl.u32 v1, $0xE  }
0xdb: {  	[tilespmem:$0x5050] =	vst v2  }
0xdc: {  	[tilespmem:$0x50D0] =	vst v1  }
0xdd: {  	v1 =	vld [tilespmem:s26+$0x60];
	_ =	sdelay $0x4  }
0xde: {  	v2 =	vand.u32 $0x3FFF, v1;
	v1 =	vshrl.u32 v1, $0xE  }
0xdf: {  	[tilespmem:$0x5060] =	vst v2  }
0xe0: {  	[tilespmem:$0x50E0] =	vst v1  }
0xe1: {  	v1 =	vld [tilespmem:s26+$0x70];
	_ =	sdelay $0x1  }
.Ltmp6:
0xe2: {  	(pc) =	sbr.rel @!p1 .LBB2_5-.Ltmp6, $3  }
0xe3: {  	_ =	sdelay $0x1  }
0xe4: {  	v2 =	vand.u32 $0x3FFF, v1;
	v1 =	vshrl.u32 v1, $0xE  }
0xe5: {  	[tilespmem:$0x5070] =	vst v2  }
.Ltmp7:
0xe6: {  	_ = 	snop;
	(pc) =	sbr.rel .LBB2_6-.Ltmp7, $1  }
0xe7: {  	_ =	sdelay $0x3  }
.LBB2_11:
0xe8: {  	_ =	sfence.sel $0x180000  }
0xe9: {  	[bflag:$0x0] =	sbarrier.arrive $0xFFFF  }
0xea: {  	p0 =	sne.s32 s2, $0x0;
	_ =	strace $0x9000004A  }
0xeb: {  	s0 =	sadd.s32 @!p0 $0x100000, s0;
	[bflag:$0x2] =	sbarrier.arrive $0xFFFF  }
0xec: {  	[sflag:s0] =	ssyncadd.tile.s32 @!p0 $0x1;
	_ =	shalt  }
.Lfunc_end2:
_tile_overlayer_lowered:
.L_overlay_start_2:
0xed: {  	(tag) =	ssettag $0x2  }
0xee: {  	s0 =	rddreg [dreg:$0x0];
	s2 =	stileid.u32  }
0xef: {  	s1 =	rddreg [dreg:$0x1];
	p0 =	sne.s32 s2, $0x0  }
0xf0: {  	s3 =	rddreg [dreg:$0x2];
	[bflag:$0x3] =	sbarrier.arrive $0xFFFF;
	s2 =	simm.s32 @!p0 $0x1C02  }
0xf1: {  	[timem:s3], [sflag:s2] =	dma.local @!p0 [hbm:s0], s1  }
0xf2: {  	s0 =	simm.s32 @!p0 $0x2  }
0xf3: {  	_ =	swait.ge @!p0 [sflag:s0], s1  }
0xf4: {  	s1 =	ssub.s32 @!p0 $0x0, s1;
	[sflag:s0] =	ssyncset.done @!p0 $0x0  }
0xf5: {  	[sflag:s0] =	ssyncadd.s32 @!p0 s1  }
0xf6: {  	[bflag:$0x3] =	sbarrier.arrive $0xFFFF  }
0xf7: {  	_ =	shalt  }

// kernel: kernel.16.cloned.1.call-start
scs
__scs_entry_jumppad:
0x0: {  	(pc) =	sbr.rel $0x88, $3  }
0x1: {  	(tag) =	ssettag $0x0;
	lr =	simm.s32 $0x1  }
0x2: {  	[smem:$0x3F97] =	sst lr;
	_ =	strace $0xD0000000  }
0x3: {  	_ = 	snop  }
0x4: {  	_ = 	snop  }
0x5: {  	_ = 	snop  }
0x6: {  	_ = 	snop  }
0x7: {  	_ = 	snop  }
__scs_overlays_trampoline_lowered:
0x8: {  	[smem:$0x3FA6] =	sst s0  }
0x9: {  	[smem:$0x3FA7] =	sst s1  }
0xa: {  	[smem:$0x3FA8] =	sst s2  }
0xb: {  	[smem:$0x3FA9] =	sst s3  }
0xc: {  	[smem:$0x3FAA] =	sst s4  }
0xd: {  	[smem:$0x3FAB] =	sst s5  }
0xe: {  	[smem:$0x3FAC] =	sst s6  }
0xf: {  	[smem:$0x3FAD] =	sst s7  }
0x10: {  	[smem:$0x3FAE] =	sst s8  }
0x11: {  	[smem:$0x3FAF] =	sst s9;
	s0 =	simm.s32 @!p0 $0x0  }
0x12: {  	s1 =	sld [smem:$0x3F95];
	s0 =	simm.s32 @p0 $0x1  }
0x13: {  	[smem:$0x3FB0] =	sst s0;
	s0 =	simm.s32 @!p1 $0x0  }
0x14: {  	s2 =	sld [smem:$0x3F94];
	s0 =	simm.s32 @p1 $0x1  }
0x15: {  	[smem:$0x3FB1] =	sst s0;
	s0 =	simm.s32 @!p2 $0x0  }
0x16: {  	s3 =	sld [smem:$0x3FDB];
	s0 =	simm.s32 @p2 $0x1  }
0x17: {  	s4 =	simm.s32 $0x1BF5;
	[smem:$0x3FB3] =	sst s0  }
0x18: {  	s0 =	sld [smem:$0x3F96];
	_ =	swait.ge [sflag:s4], $0x0  }
0x19: {  	s7 =	sld [smem:$0x3F97]  }
0x1a: {  	s8 =	sadd.s32 $0xFFFFE003, lr  }
0x1b: {  	s9 =	sadd.s32 $0xFFFFFEF7, lr;
	s5 =	simm.s32 $0xFFFFFFFF;
	p2 =	slt.u32 s8, $0xFFFFF086  }
0x1c: {  	p1 =	slt.u32 s9, $0xF7A;
	s5 =	simm.s32 @!p2 $0x0  }
0x1d: {  	s5 =	simm.s32 @p1 $0x1;
	p0 =	seq.s32 s7, s2  }
0x1e: {  	s7 =	smul.u32 @!p0 $0xF7A, s2;
	p2 =	seq.s32 @!p0 s5, $0x0  }
0x1f: {  	s9 =	smul.u32 $0xF7A, s1;
	s8 =	simm.s32 @!p0 $0x1BF5;
	p2 =	por !p2, p0  }
0x20: {  	[sflag:s8] =	ssyncset.s32 @!p0 $0xFFFFF086;
	s6 =	sadd.s32 @!p0 s3, s7;
	s7 =	simm.s32 @!p0 $0x108  }
0x21: {  	s3 =	sadd.s32 s3, s9;
	s6 =	sadd.s32 @!p0 $0x88, s6;
	s7 =	simm.s32 @p2 $0x1082  }
0x22: {  	[simem:s7], [sflag:s8] =	dma.local @!p0 [hbm:s6], $0xF7A  }
0x23: {  	s9 =	sor.u32 $0xD0000000, s2;
	s6 =	simm.s32 $0x108;
	_ =	swait.ge @!p0 [sflag:s8], $0x0  }
0x24: {  	s3 =	sadd.s32 $0x88, s3;
	s6 =	simm.s32 @!p1 $0x1082;
	[sflag:s4] =	ssyncset.s32 $0xFFFFF086  }
0x25: {  	[simem:s6], [sflag:s4] =	dma.local [hbm:s3], $0xF7A  }
0x26: {  	[smem:$0x3F97] =	sst s1;
	(tag) =	ssettag s2;
	_ =	strace s9  }
0x27: {  	s1 =	sld [smem:$0x3FA7]  }
0x28: {  	s2 =	sld [smem:$0x3FA8]  }
0x29: {  	s4 =	sld [smem:$0x3FAA]  }
0x2a: {  	p0 =	seq.s32 s5, $0x0;
	s5 =	sld [smem:$0x3FAB]  }
0x2b: {  	s6 =	sld [smem:$0x3FAC]  }
0x2c: {  	s7 =	sld [smem:$0x3FAD]  }
0x2d: {  	s3 =	simm.s32 $0x108;
	s8 =	sld [smem:$0x3FAE]  }
0x2e: {  	s3 =	simm.s32 @!p0 $0x1082;
	s9 =	sld [smem:$0x3FAF]  }
0x2f: {  	lr =	sadd.s32 s0, s3;
	s0 =	sld [smem:$0x3FA6]  }
0x30: {  	s3 =	sld [smem:$0x3FA9]  }
0x31: {  	[smem:$0x3FB2] =	sst s10  }
0x32: {  	s10 =	sld [smem:$0x3FB0];
	_ =	sdelay $0x3  }
0x33: {  	p0 =	seq.s32 s10, $0x1;
	s10 =	sld [smem:$0x3FB2];
	_ =	sdelay $0x3  }
0x34: {  	[smem:$0x3FB2] =	sst s10  }
0x35: {  	s10 =	sld [smem:$0x3FB1];
	_ =	sdelay $0x3  }
0x36: {  	p1 =	seq.s32 s10, $0x1;
	s10 =	sld [smem:$0x3FB2];
	_ =	sdelay $0x3  }
0x37: {  	[smem:$0x3FB2] =	sst s10  }
0x38: {  	s10 =	sld [smem:$0x3FB3]  }
0x39: {  	_ = 	snop;
	(pc) =	sbr.ind lr, $3  }
0x3a: {  	_ = 	snop  }
0x3b: {  	_ = 	snop  }
0x3c: {  	p2 =	seq.s32 s10, $0x1;
	s10 =	sld [smem:$0x3FB2]  }
0x3d: {  	_ =	shalt  }
0x3e: {  	_ =	shalt  }
0x3f: {  	_ =	shalt  }
0x40: {  	_ =	shalt  }
0x41: {  	_ =	shalt  }
0x42: {  	_ =	shalt  }
0x43: {  	_ =	shalt  }
0x44: {  	_ =	shalt  }
0x45: {  	_ =	shalt  }
0x46: {  	_ =	shalt  }
0x47: {  	_ =	shalt  }
0x48: {  	_ =	shalt  }
0x49: {  	_ =	shalt  }
0x4a: {  	_ =	shalt  }
0x4b: {  	_ =	shalt  }
0x4c: {  	_ =	shalt  }
0x4d: {  	_ =	shalt  }
0x4e: {  	_ =	shalt  }
0x4f: {  	_ =	shalt  }
0x50: {  	_ =	shalt  }
0x51: {  	_ =	shalt  }
0x52: {  	_ =	shalt  }
0x53: {  	_ =	shalt  }
0x54: {  	_ =	shalt  }
0x55: {  	_ =	shalt  }
0x56: {  	_ =	shalt  }
0x57: {  	_ =	shalt  }
0x58: {  	_ =	shalt  }
0x59: {  	_ =	shalt  }
0x5a: {  	_ =	shalt  }
0x5b: {  	_ =	shalt  }
0x5c: {  	_ =	shalt  }
0x5d: {  	_ =	shalt  }
0x5e: {  	_ =	shalt  }
0x5f: {  	_ =	shalt  }
0x60: {  	_ =	shalt  }
0x61: {  	_ =	shalt  }
0x62: {  	_ =	shalt  }
0x63: {  	_ =	shalt  }
0x64: {  	_ =	shalt  }
0x65: {  	_ =	shalt  }
0x66: {  	_ =	shalt  }
0x67: {  	_ =	shalt  }
0x68: {  	_ =	shalt  }
0x69: {  	_ =	shalt  }
0x6a: {  	_ =	shalt  }
0x6b: {  	_ =	shalt  }
0x6c: {  	_ =	shalt  }
0x6d: {  	_ =	shalt  }
0x6e: {  	_ =	shalt  }
0x6f: {  	_ =	shalt  }
0x70: {  	_ =	shalt  }
0x71: {  	_ =	shalt  }
0x72: {  	_ =	shalt  }
0x73: {  	_ =	shalt  }
0x74: {  	_ =	shalt  }
0x75: {  	_ =	shalt  }
0x76: {  	_ =	shalt  }
0x77: {  	_ =	shalt  }
0x78: {  	_ =	shalt  }
0x79: {  	_ =	shalt  }
0x7a: {  	_ =	shalt  }
0x7b: {  	_ =	shalt  }
0x7c: {  	_ =	shalt  }
0x7d: {  	_ =	shalt  }
0x7e: {  	_ =	shalt  }
0x7f: {  	_ =	shalt  }
0x80: {  	_ =	shalt  }
0x81: {  	_ =	shalt  }
0x82: {  	_ =	shalt  }
0x83: {  	_ =	shalt  }
0x84: {  	_ =	shalt  }
0x85: {  	_ =	shalt  }
0x86: {  	_ =	shalt  }
0x87: {  	_ =	shalt  }
.Lfunc_end0:
.L_simem_size_0:
called_computation.2_lowered:
.L_overlay_start_0:
0x88: {  	s2 =	sld [smem:$0x3FD9]  }
0x89: {  	s3 =	sld [smem:$0x3FFE];
	_ =	sdelay $0x1  }
0x8a: {  	s1 =	srdreg.scid  }
0x8b: {  	s0 =	sand.u32 $0x1, s1  }
0x8c: {  	s17 =	sshll.u32 s0, $0xA;
	s2 =	sadd.s32 s3, s2  }
0x8d: {  	s2 =	sadd.s32 s2, s17  }
0x8e: {  	[smem:$0x3FBE] =	sst s2  }
0x8f: {  	_ = 	snop  }
0x90: {  	s2 =	sld [smem:$0x3FD0];
	(tm) =	ssettm $0x1  }
0x91: {  	s18 =	sld [smem:$0x3FFB];
	_ =	sdelay $0x3  }
0x92: {  	_ =	strace s18  }
0x93: {  	s3 =	sld [smem:$0x3FFC];
	_ =	sdelay $0x3  }
0x94: {  	_ =	strace s3  }
0x95: {  	s3 =	sld [smem:$0x3FFD];
	_ =	sdelay $0x3  }
0x96: {  	_ =	strace s3  }
0x97: {  	_ =	strace $0x8FFFFFFF  }
0x98: {  	s19 =	sld [smem:$0x3FDB];
	_ =	sdelay $0x1  }
0x99: {  	s4 =	simm.s32 $_scs_section_size  }
0x9a: {  	s5 =	simm.s32 $_size__tile_overlayer_lowered;
	s6 =	simm.s32 $_tile_overlayer_lowered  }
0x9b: {  	s22 =	simm.s32 $0x1BFF;
	s21 =	sshll.u32 s6, $0x1;
	s3 =	sadd.s32 s4, s19  }
0x9c: {  	s7 =	simm.s32 $0x0;
	s20 =	sshll.u32 s5, $0x1;
	s5 =	sadd.s32 s21, s3  }
0x9d: {  	[timem:s7], [sflag:s22] =	dma.local [hbm:s5], s20  }
0x9e: {  	_ =	swait.ge [sflag:s22], s20  }
0x9f: {  	s4 =	ssub.s32 $0x0, s20;
	[sflag:s22] =	ssyncset.done $0x0  }
0xa0: {  	[sflag:s22] =	ssyncadd.s32 s4;
	_ =	sdelay $0x1  }
0xa1: {  	s23 =	simm.s32 $0x1B8B  }
0xa2: {  	_ =	swait.ge [sflag:s23], $0x1  }
0xa3: {  	[sflag:s23] =	ssyncset.done $0x0  }
0xa4: {  	s25 =	simm.s32 $0x1B8E;
	s24 =	sld [smem:$0x3FFE];
	[sflag:s23] =	ssyncadd.s32 $0xFFFFFFFF  }
0xa5: {  	s26 =	simm.s32 $execute0_lowered;
	[smem:$0x3FD2] =	sst s25  }
0xa6: {  	s5 =	sshll.u32 s26, $0x1;
	_ =	strace $0x8000004C;
	[dreg:$0x1] =	wrdreg $0xFFFFFFFF  }
0xa7: {  	s28 =	simm.s32 $_size_execute0_lowered;
	s3 =	sadd.s32 s3, s5;
	[dreg:$0x0] =	wrdreg $0x0  }
0xa8: {  	s5 =	sshll.u32 s28, $0x1;
	[dreg:$0x2] =	wrdreg s3  }
0xa9: {  	[dreg:$0x3] =	wrdreg s5  }
0xaa: {  	[dreg:$0x4] =	wrdreg $0xC0  }
0xab: {  	_ =	task [dreg:s7], $0x5FFFF  }
0xac: {  	[dreg:$0x1] =	wrdreg $0xFFFFFFFF  }
0xad: {  	[dreg:$0x0] =	wrdreg $0x60  }
0xae: {  	[dreg:$0x2] =	wrdreg s24  }
0xaf: {  	[dreg:$0x3] =	wrdreg s2  }
0xb0: {  	[dreg:$0x4] =	wrdreg $0x91000  }
0xb1: {  	[dreg:$0x5] =	wrdreg $0x9  }
0xb2: {  	_ =	task.clear_ibuf [dreg:s7], $0x6FFFF;
	_ =	strace $0x9000004C  }
0xb3: {  	s29 =	simm.s32 $0x9;
	_ =	strace $0x8000004E  }
0xb4: {  	_ =	swait.ge [sflag:s29], $0x1  }
0xb5: {  	[sflag:s29] =	ssyncadd.s32 $0xFFFFFFFF  }
0xb6: {  	_ =	strace $0x9000004E  }
0xb7: {  	_ =	sfence  }
0xb8: {  	s30 =	sld [smem:$0x0];
	_ =	sdelay $0x2  }
0xb9: {  	s31 =	sshll.u32 s1, $0xD;
	s1 =	sshrl.u32 s1, $0x2  }
0xba: {  	s3 =	sand.u32 $0x4000, s31;
	s1 =	sadd.s32 s1, s30  }
0xbb: {  	s0 =	sor.u32 s3, s0;
	s1 =	sshll.u32 s1, $0x11  }
0xbc: {  	s0 =	sor.u32 s1, s0  }
0xbd: {  	s0 =	sadd.s32 $0x8F2B, s0  }
0xbe: {  	[sflag:s0] =	ssyncadd.remote.s32 $0x1  }
0xbf: {  	_ =	sfence.sel $0xFFFF  }
0xc0: {  	[dreg:$0x0] =	wrdreg $0xFFFFFFFF;
	(pc) =	sbr.abs _section_cstart, $3  }
0xc1: {  	[dreg:$0x1] =	wrdreg $0xFFFFFFFF  }
0xc2: {  	_ =	task.clear_ibuf [dreg:s7], $0x2FFFF;
	_ =	strace $0x9FFFFFFF  }
0xc3: {  	(tm) =	ssettm $0x7FFFFFFF  }
tec
execute0_lowered:
.L_overlay_start_1:
0x0: {  	(tag) =	ssettag $0x1  }
0x1: {  	s7 =	rddreg [dreg:$0x0]  }
0x2: {  	s1 =	rddreg [dreg:$0x1]  }
0x3: {  	s3 =	rddreg [dreg:$0x2]  }
0x4: {  	s0 =	rddreg [dreg:$0x3]  }
0x5: {  	s4 =	simm.s32 $0x0;
	s2 =	stileid.u32;
	s5 =	srdreg.scid  }
0x6: {  	s16 =	simm.s32 $0x2;
	s17 =	simm.s32 $0x5100;
	s18 =	simm.s32 $0x80  }
0x7: {  	s19 =	simm.s32 $0x5000;
	s20 =	simm.s32 $0x1;
	s21 =	simm.s32 $0x5080  }
0x8: {  	s24 =	simm.s32 $0x0;
	[smem:$0x7FF] =	sst s4;
	s8 =	smul.u32 $0xA00, s2  }
0x9: {  	s14 =	sand.u32 $0x1, s5;
	s9 =	smul.u32 $0x50000, s2;
	s5 =	sadd.s32 $0x61A00, s7  }
0xa: {  	s6 =	sadd.s32 $0x88C00, s7;
	s22 =	sshll.u32 s2, $0x6;
	_ =	strace $0x8000004D  }
0xb: {  	s10 =	ssub.s32 $0x2, s14;
	p0 =	seq.s32 s14, $0x1;
	s14 =	smul.u32 $0x2800, s2  }
.Ltmp0:
0xc: {  	s22 =	sor.u32 $0x1C02, s22;
	s11 =	sadd.s32 s8, s7;
	(pc) =	sbr.rel .LBB2_1-.Ltmp0, $4  }
0xd: {  	s31 =	sshrl.u32 s10, $0x1;
	s9 =	sshrl.u32 s9, $0x2;
	s7 =	sadd.s32 $0xAFE00, s7  }
0xe: {  	s15 =	ssub.s32 s10, s31;
	s8 =	sadd.s32 s9, s3;
	s9 =	sadd.s32 $0x57A00, s11  }
0xf: {  	s10 =	sadd.s32 $0x4000, s8;
	s11 =	sadd.s32 $0x8000, s8;
	s12 =	sadd.s32 $0xC000, s8  }
0x10: {  	v0 =	vimm.f32 $0.0e+00;
	s13 =	sadd.s32 $0x10000, s8;
	s15 =	smax.u32 s15, $0x1;
	s23 =	sshrl.u32 s8, $0x3  }
.LBB2_6:
0x11: {  	[tilespmem:$0x50F0] =	vst v1  }
0x12: {  	[tilespmem:s17], [sflag:$0x1] =	stream.indirect.gather [hbm4b:s5+s18], $0x80, s19, s18, $0xb8;
	[tilespmem:$0x1D100] =	vst v63  }
0x13: {  	_ =	swait.ge [sflag:s20], $0x4000  }
0x14: {  	[sflag:s20] =	ssyncset.done $0x0  }
0x15: {  	[sflag:s20] =	ssyncadd.s32 $0xFFFFC000  }
0x16: {  	[spmem:s3] =	stream.indirect.scatter.add.f32 [tilespmem:s17], [sflag:$0x2], $0x80, s21, s18, $0xb8;
	[tilespmem:$0x1D100] =	vst v63  }
0x17: {  	_ =	swait.ge [sflag:s16], $0x4000  }
0x18: {  	[sflag:s16] =	ssyncset.done $0x0  }
0x19: {  	s25 =	smov.u32 s1;
	[sflag:s16] =	ssyncadd.s32 $0xFFFFC000  }
.LBB2_10:
0x1a: {  	s24 =	sadd.s32 $0x1, s24  }
0x1b: {  	p1 =	sne.s32 s24, s15  }
.Ltmp1:
0x1c: {  	s25 =	sadd.s32 s25, s14;
	[bflag:$0x0] =	sbarrier.arrive $0xFFFF;
	(pc) =	sbr.rel @!p1 .LBB2_11-.Ltmp1, $4  }
0x1d: {  	[hbm:s25], [sflag:s22] =	dma.local [spmem:s23], $0x2800  }
0x1e: {  	_ =	swait.ge [sflag:s16], $0x2800  }
0x1f: {  	[sflag:s16] =	ssyncset.done $0x0  }
0x20: {  	[sflag:s16] =	ssyncadd.s32 $0xFFFFD800  }
.LBB2_1:
0x21: {  	[tilespmem:s4], [sflag:$0x2] =	stream.linear.gather [hbm4b:s9+s4], $0x4E80, $0x38;
	[tilespmem:$0x1D100] =	vst v63  }
0x22: {  	_ =	swait.ge [sflag:s16], $0x4E80  }
0x23: {  	[sflag:s16] =	ssyncset.done $0x0  }
0x24: {  	s25 =	simm.s32 $0x0;
	s26 =	simm.s32 $0x200;
	[sflag:s16] =	ssyncadd.s32 $0xFFFFB180  }
.LBB2_2:
0x25: {  	p1 =	sne.s32 s26, $0xFE00;
	[tilespmem:s25+$0x5170] =	vst v0  }
0x26: {  	[tilespmem:s25+$0x5100] =	vst v0  }
0x27: {  	[tilespmem:s25+$0x5110] =	vst v0  }
.Ltmp2:
0x28: {  	[tilespmem:s25+$0x5120] =	vst v0;
	(pc) =	sbr.rel @p1 .LBB2_2-.Ltmp2, $4  }
0x29: {  	[tilespmem:s25+$0x5130] =	vst v0  }
0x2a: {  	[tilespmem:s25+$0x5140] =	vst v0  }
0x2b: {  	[tilespmem:s25+$0x5150] =	vst v0  }
0x2c: {  	[tilespmem:s25+$0x5160] =	vst v0;
	s25 =	sshra.s32 s26, $0x2;
	s26 =	sadd.s32 $0x200, s26  }
0x2d: {  	[tilespmem:s25+$0x5170] =	vst v0  }
0x2e: {  	[tilespmem:s25+$0x5100] =	vst v0  }
0x2f: {  	[tilespmem:s25+$0x5110] =	vst v0  }
0x30: {  	[tilespmem:s25+$0x5120] =	vst v0  }
0x31: {  	[tilespmem:s25+$0x5130] =	vst v0  }
0x32: {  	[tilespmem:s25+$0x5140] =	vst v0  }
0x33: {  	[tilespmem:s25+$0x5150] =	vst v0  }
0x34: {  	[tilespmem:s25+$0x5160] =	vst v0  }
0x35: {  	[spmem:s8] =	stream.linear.scatter [tilespmem:s17], [sflag:$0x2], $0x4000, $0x38;
	[tilespmem:$0x1D100] =	vst v63  }
0x36: {  	_ =	swait.ge [sflag:s16], $0x4000  }
0x37: {  	[sflag:s16] =	ssyncset.done $0x0  }
0x38: {  	[sflag:s16] =	ssyncadd.s32 $0xFFFFC000  }
0x39: {  	[spmem:s10] =	stream.linear.scatter [tilespmem:s17], [sflag:$0x2], $0x4000, $0x38;
	[tilespmem:$0x1D100] =	vst v63  }
0x3a: {  	_ =	swait.ge [sflag:s16], $0x4000  }
0x3b: {  	[sflag:s16] =	ssyncset.done $0x0  }
0x3c: {  	[sflag:s16] =	ssyncadd.s32 $0xFFFFC000  }
0x3d: {  	[spmem:s11] =	stream.linear.scatter [tilespmem:s17], [sflag:$0x2], $0x4000, $0x38;
	[tilespmem:$0x1D100] =	vst v63  }
0x3e: {  	_ =	swait.ge [sflag:s16], $0x4000  }
0x3f: {  	[sflag:s16] =	ssyncset.done $0x0  }
0x40: {  	[sflag:s16] =	ssyncadd.s32 $0xFFFFC000  }
0x41: {  	[spmem:s12] =	stream.linear.scatter [tilespmem:s17], [sflag:$0x2], $0x4000, $0x38;
	[tilespmem:$0x1D100] =	vst v63  }
0x42: {  	_ =	swait.ge [sflag:s16], $0x4000  }
0x43: {  	[sflag:s16] =	ssyncset.done $0x0  }
0x44: {  	[sflag:s16] =	ssyncadd.s32 $0xFFFFC000  }
0x45: {  	[spmem:s13] =	stream.linear.scatter [tilespmem:s17], [sflag:$0x2], $0x4000, $0x38;
	[tilespmem:$0x1D100] =	vst v63  }
.Ltmp3:
0x46: {  	_ =	swait.ge [sflag:s16], $0x4000;
	(pc) =	sbr.rel @!p0 .LBB2_4-.Ltmp3, $4  }
0x47: {  	[sflag:s16] =	ssyncset.done $0x0  }
0x48: {  	[sflag:s16] =	ssyncadd.s32 $0xFFFFC000  }
0x49: {  	[bflag:$0x0] =	sbarrier.arrive $0xFFFF  }
0x4a: {  	s25 =	simm.s32 $0x0  }
0x4b: {  	v1 =	vld [tilespmem:s25+$0x0];
	_ =	sdelay $0x4  }
0x4c: {  	v2 =	vand.u32 $0x3FFF, v1  }
0x4d: {  	v1 =	vshrl.u32 v1, $0xE;
	[tilespmem:$0x5000] =	vst v2  }
0x4e: {  	[tilespmem:$0x5080] =	vst v1  }
0x4f: {  	v1 =	vld [tilespmem:s25+$0x10];
	_ =	sdelay $0x4  }
0x50: {  	v2 =	vand.u32 $0x3FFF, v1  }
0x51: {  	v1 =	vshrl.u32 v1, $0xE;
	[tilespmem:$0x5010] =	vst v2  }
0x52: {  	[tilespmem:$0x5090] =	vst v1  }
0x53: {  	v1 =	vld [tilespmem:s25+$0x20];
	_ =	sdelay $0x4  }
0x54: {  	v2 =	vand.u32 $0x3FFF, v1  }
0x55: {  	v1 =	vshrl.u32 v1, $0xE;
	[tilespmem:$0x5020] =	vst v2  }
0x56: {  	[tilespmem:$0x50A0] =	vst v1  }
0x57: {  	v1 =	vld [tilespmem:s25+$0x30];
	_ =	sdelay $0x4  }
0x58: {  	v2 =	vand.u32 $0x3FFF, v1  }
0x59: {  	v1 =	vshrl.u32 v1, $0xE;
	[tilespmem:$0x5030] =	vst v2  }
0x5a: {  	[tilespmem:$0x50B0] =	vst v1  }
0x5b: {  	v1 =	vld [tilespmem:s25+$0x40];
	_ =	sdelay $0x4  }
0x5c: {  	v2 =	vand.u32 $0x3FFF, v1  }
0x5d: {  	v1 =	vshrl.u32 v1, $0xE;
	[tilespmem:$0x5040] =	vst v2  }
0x5e: {  	[tilespmem:$0x50C0] =	vst v1  }
0x5f: {  	v1 =	vld [tilespmem:s25+$0x50];
	_ =	sdelay $0x4  }
0x60: {  	v2 =	vand.u32 $0x3FFF, v1  }
0x61: {  	v1 =	vshrl.u32 v1, $0xE;
	[tilespmem:$0x5050] =	vst v2  }
0x62: {  	[tilespmem:$0x50D0] =	vst v1  }
0x63: {  	v1 =	vld [tilespmem:s25+$0x60];
	_ =	sdelay $0x4  }
0x64: {  	v2 =	vand.u32 $0x3FFF, v1  }
0x65: {  	v1 =	vshrl.u32 v1, $0xE;
	[tilespmem:$0x5060] =	vst v2  }
0x66: {  	[tilespmem:$0x50E0] =	vst v1  }
0x67: {  	v1 =	vld [tilespmem:s25+$0x70];
	_ =	sdelay $0x4  }
0x68: {  	v2 =	vand.u32 $0x3FFF, v1  }
0x69: {  	s25 =	simm.s32 $0x200;
	v1 =	vshrl.u32 v1, $0xE;
	[tilespmem:$0x5070] =	vst v2  }
.LBB2_8:
0x6a: {  	p1 =	sne.s32 s25, $0x13800;
	[tilespmem:$0x50F0] =	vst v1;
	s26 =	smov.u32 s25;
	s25 =	sadd.s32 $0x200, s25  }
0x6b: {  	[tilespmem:s17], [sflag:$0x1] =	stream.indirect.gather [hbm4b:s6+s18], $0x80, s19, s18, $0xb8;
	[tilespmem:$0x1D100] =	vst v63  }
0x6c: {  	_ =	swait.ge [sflag:s20], $0x4000  }
0x6d: {  	[sflag:s20] =	ssyncset.done $0x0  }
0x6e: {  	[sflag:s20] =	ssyncadd.s32 $0xFFFFC000  }
0x6f: {  	[spmem:s3] =	stream.indirect.scatter.add.f32 [tilespmem:s17], [sflag:$0x2], $0x80, s21, s18, $0xb8;
	[tilespmem:$0x1D100] =	vst v63  }
0x70: {  	_ =	swait.ge [sflag:s16], $0x4000  }
0x71: {  	[sflag:s16] =	ssyncset.done $0x0  }
0x72: {  	s26 =	sshra.s32 s26, $0x2;
	[sflag:s16] =	ssyncadd.s32 $0xFFFFC000  }
0x73: {  	v1 =	vld [tilespmem:s26+$0x0];
	_ =	sdelay $0x4  }
0x74: {  	v2 =	vand.u32 $0x3FFF, v1;
	v1 =	vshrl.u32 v1, $0xE  }
0x75: {  	[tilespmem:$0x5000] =	vst v2  }
0x76: {  	[tilespmem:$0x5080] =	vst v1  }
0x77: {  	v1 =	vld [tilespmem:s26+$0x10];
	_ =	sdelay $0x4  }
0x78: {  	v2 =	vand.u32 $0x3FFF, v1;
	v1 =	vshrl.u32 v1, $0xE  }
0x79: {  	[tilespmem:$0x5010] =	vst v2  }
0x7a: {  	[tilespmem:$0x5090] =	vst v1  }
0x7b: {  	v1 =	vld [tilespmem:s26+$0x20];
	_ =	sdelay $0x4  }
0x7c: {  	v2 =	vand.u32 $0x3FFF, v1;
	v1 =	vshrl.u32 v1, $0xE  }
0x7d: {  	[tilespmem:$0x5020] =	vst v2  }
0x7e: {  	[tilespmem:$0x50A0] =	vst v1  }
0x7f: {  	v1 =	vld [tilespmem:s26+$0x30];
	_ =	sdelay $0x4  }
0x80: {  	v2 =	vand.u32 $0x3FFF, v1;
	v1 =	vshrl.u32 v1, $0xE  }
0x81: {  	[tilespmem:$0x5030] =	vst v2  }
0x82: {  	[tilespmem:$0x50B0] =	vst v1  }
0x83: {  	v1 =	vld [tilespmem:s26+$0x40];
	_ =	sdelay $0x4  }
0x84: {  	v2 =	vand.u32 $0x3FFF, v1;
	v1 =	vshrl.u32 v1, $0xE  }
0x85: {  	[tilespmem:$0x5040] =	vst v2  }
0x86: {  	[tilespmem:$0x50C0] =	vst v1  }
0x87: {  	v1 =	vld [tilespmem:s26+$0x50];
	_ =	sdelay $0x4  }
0x88: {  	v2 =	vand.u32 $0x3FFF, v1;
	v1 =	vshrl.u32 v1, $0xE  }
0x89: {  	[tilespmem:$0x5050] =	vst v2  }
0x8a: {  	[tilespmem:$0x50D0] =	vst v1  }
0x8b: {  	v1 =	vld [tilespmem:s26+$0x60];
	_ =	sdelay $0x4  }
0x8c: {  	v2 =	vand.u32 $0x3FFF, v1;
	v1 =	vshrl.u32 v1, $0xE  }
0x8d: {  	[tilespmem:$0x5060] =	vst v2  }
0x8e: {  	[tilespmem:$0x50E0] =	vst v1  }
0x8f: {  	v1 =	vld [tilespmem:s26+$0x70];
	_ =	sdelay $0x1  }
.Ltmp4:
0x90: {  	(pc) =	sbr.rel @p1 .LBB2_8-.Ltmp4, $3  }
0x91: {  	_ =	sdelay $0x1  }
0x92: {  	v2 =	vand.u32 $0x3FFF, v1;
	v1 =	vshrl.u32 v1, $0xE  }
0x93: {  	[tilespmem:$0x5070] =	vst v2  }
0x94: {  	[tilespmem:$0x50F0] =	vst v1  }
0x95: {  	[tilespmem:s17], [sflag:$0x1] =	stream.indirect.gather [hbm4b:s6+s18], $0x80, s19, s18, $0xb8;
	[tilespmem:$0x1D100] =	vst v63  }
0x96: {  	_ =	swait.ge [sflag:s20], $0x4000  }
0x97: {  	[sflag:s20] =	ssyncset.done $0x0  }
.Ltmp5:
0x98: {  	[sflag:s20] =	ssyncadd.s32 $0xFFFFC000;
	(pc) =	sbr.rel .LBB2_10-.Ltmp5, $4  }
0x99: {  	[spmem:s3] =	stream.indirect.scatter.add.f32 [tilespmem:s17], [sflag:$0x2], $0x80, s21, s18, $0xb8;
	[tilespmem:$0x1D100] =	vst v63  }
0x9a: {  	_ =	swait.ge [sflag:s16], $0x4000  }
0x9b: {  	[sflag:s16] =	ssyncset.done $0x0  }
0x9c: {  	s25 =	smov.u32 s7;
	[sflag:s16] =	ssyncadd.s32 $0xFFFFC000  }
.LBB2_4:
0x9d: {  	v1 =	vld [tilespmem:s25+$0x0];
	_ =	sdelay $0x4  }
0x9e: {  	v2 =	vand.u32 $0x3FFF, v1  }
0x9f: {  	v1 =	vshrl.u32 v1, $0xE;
	[tilespmem:$0x5000] =	vst v2  }
0xa0: {  	[tilespmem:$0x5080] =	vst v1  }
0xa1: {  	v1 =	vld [tilespmem:s25+$0x10];
	_ =	sdelay $0x4  }
0xa2: {  	v2 =	vand.u32 $0x3FFF, v1  }
0xa3: {  	v1 =	vshrl.u32 v1, $0xE;
	[tilespmem:$0x5010] =	vst v2  }
0xa4: {  	[tilespmem:$0x5090] =	vst v1  }
0xa5: {  	v1 =	vld [tilespmem:s25+$0x20];
	_ =	sdelay $0x4  }
0xa6: {  	v2 =	vand.u32 $0x3FFF, v1  }
0xa7: {  	v1 =	vshrl.u32 v1, $0xE;
	[tilespmem:$0x5020] =	vst v2  }
0xa8: {  	[tilespmem:$0x50A0] =	vst v1  }
0xa9: {  	v1 =	vld [tilespmem:s25+$0x30];
	_ =	sdelay $0x4  }
0xaa: {  	v2 =	vand.u32 $0x3FFF, v1  }
0xab: {  	v1 =	vshrl.u32 v1, $0xE;
	[tilespmem:$0x5030] =	vst v2  }
0xac: {  	[tilespmem:$0x50B0] =	vst v1  }
0xad: {  	v1 =	vld [tilespmem:s25+$0x40];
	_ =	sdelay $0x4  }
0xae: {  	v2 =	vand.u32 $0x3FFF, v1  }
0xaf: {  	v1 =	vshrl.u32 v1, $0xE;
	[tilespmem:$0x5040] =	vst v2  }
0xb0: {  	[tilespmem:$0x50C0] =	vst v1  }
0xb1: {  	v1 =	vld [tilespmem:s25+$0x50];
	_ =	sdelay $0x4  }
0xb2: {  	v2 =	vand.u32 $0x3FFF, v1  }
0xb3: {  	v1 =	vshrl.u32 v1, $0xE;
	[tilespmem:$0x5050] =	vst v2  }
0xb4: {  	[tilespmem:$0x50D0] =	vst v1  }
0xb5: {  	v1 =	vld [tilespmem:s25+$0x60];
	_ =	sdelay $0x4  }
0xb6: {  	v2 =	vand.u32 $0x3FFF, v1  }
0xb7: {  	v1 =	vshrl.u32 v1, $0xE;
	[tilespmem:$0x5060] =	vst v2  }
0xb8: {  	[tilespmem:$0x50E0] =	vst v1  }
0xb9: {  	v1 =	vld [tilespmem:s25+$0x70];
	_ =	sdelay $0x4  }
0xba: {  	v2 =	vand.u32 $0x3FFF, v1  }
0xbb: {  	s25 =	simm.s32 $0x200;
	v1 =	vshrl.u32 v1, $0xE;
	[tilespmem:$0x5070] =	vst v2  }
.LBB2_5:
0xbc: {  	p1 =	seq.s32 s25, $0x13800;
	[tilespmem:$0x50F0] =	vst v1;
	s26 =	smov.u32 s25;
	s25 =	sadd.s32 $0x200, s25  }
0xbd: {  	[tilespmem:s17], [sflag:$0x1] =	stream.indirect.gather [hbm4b:s5+s18], $0x80, s19, s18, $0xb8;
	[tilespmem:$0x1D100] =	vst v63  }
0xbe: {  	_ =	swait.ge [sflag:s20], $0x4000  }
0xbf: {  	[sflag:s20] =	ssyncset.done $0x0  }
0xc0: {  	[sflag:s20] =	ssyncadd.s32 $0xFFFFC000  }
0xc1: {  	[spmem:s3] =	stream.indirect.scatter.add.f32 [tilespmem:s17], [sflag:$0x2], $0x80, s21, s18, $0xb8;
	[tilespmem:$0x1D100] =	vst v63  }
0xc2: {  	_ =	swait.ge [sflag:s16], $0x4000  }
0xc3: {  	[sflag:s16] =	ssyncset.done $0x0  }
0xc4: {  	s26 =	sshra.s32 s26, $0x2;
	[sflag:s16] =	ssyncadd.s32 $0xFFFFC000  }
0xc5: {  	v1 =	vld [tilespmem:s26+$0x0];
	_ =	sdelay $0x4  }
0xc6: {  	v2 =	vand.u32 $0x3FFF, v1;
	v1 =	vshrl.u32 v1, $0xE  }
0xc7: {  	[tilespmem:$0x5000] =	vst v2  }
0xc8: {  	[tilespmem:$0x5080] =	vst v1  }
0xc9: {  	v1 =	vld [tilespmem:s26+$0x10];
	_ =	sdelay $0x4  }
0xca: {  	v2 =	vand.u32 $0x3FFF, v1;
	v1 =	vshrl.u32 v1, $0xE  }
0xcb: {  	[tilespmem:$0x5010] =	vst v2  }
0xcc: {  	[tilespmem:$0x5090] =	vst v1  }
0xcd: {  	v1 =	vld [tilespmem:s26+$0x20];
	_ =	sdelay $0x4  }
0xce: {  	v2 =	vand.u32 $0x3FFF, v1;
	v1 =	vshrl.u32 v1, $0xE  }
0xcf: {  	[tilespmem:$0x5020] =	vst v2  }
0xd0: {  	[tilespmem:$0x50A0] =	vst v1  }
0xd1: {  	v1 =	vld [tilespmem:s26+$0x30];
	_ =	sdelay $0x4  }
0xd2: {  	v2 =	vand.u32 $0x3FFF, v1;
	v1 =	vshrl.u32 v1, $0xE  }
0xd3: {  	[tilespmem:$0x5030] =	vst v2  }
0xd4: {  	[tilespmem:$0x50B0] =	vst v1  }
0xd5: {  	v1 =	vld [tilespmem:s26+$0x40];
	_ =	sdelay $0x4  }
0xd6: {  	v2 =	vand.u32 $0x3FFF, v1;
	v1 =	vshrl.u32 v1, $0xE  }
0xd7: {  	[tilespmem:$0x5040] =	vst v2  }
0xd8: {  	[tilespmem:$0x50C0] =	vst v1  }
0xd9: {  	v1 =	vld [tilespmem:s26+$0x50];
	_ =	sdelay $0x4  }
0xda: {  	v2 =	vand.u32 $0x3FFF, v1;
	v1 =	vshrl.u32 v1, $0xE  }
0xdb: {  	[tilespmem:$0x5050] =	vst v2  }
0xdc: {  	[tilespmem:$0x50D0] =	vst v1  }
0xdd: {  	v1 =	vld [tilespmem:s26+$0x60];
	_ =	sdelay $0x4  }
0xde: {  	v2 =	vand.u32 $0x3FFF, v1;
	v1 =	vshrl.u32 v1, $0xE  }
0xdf: {  	[tilespmem:$0x5060] =	vst v2  }
0xe0: {  	[tilespmem:$0x50E0] =	vst v1  }
0xe1: {  	v1 =	vld [tilespmem:s26+$0x70];
	_ =	sdelay $0x1  }
.Ltmp6:
0xe2: {  	(pc) =	sbr.rel @!p1 .LBB2_5-.Ltmp6, $3  }
0xe3: {  	_ =	sdelay $0x1  }
0xe4: {  	v2 =	vand.u32 $0x3FFF, v1;
	v1 =	vshrl.u32 v1, $0xE  }
0xe5: {  	[tilespmem:$0x5070] =	vst v2  }
.Ltmp7:
0xe6: {  	_ = 	snop;
	(pc) =	sbr.rel .LBB2_6-.Ltmp7, $1  }
0xe7: {  	_ =	sdelay $0x3  }
.LBB2_11:
0xe8: {  	_ =	sfence.sel $0x180000  }
0xe9: {  	[bflag:$0x0] =	sbarrier.arrive $0xFFFF  }
0xea: {  	p0 =	sne.s32 s2, $0x0;
	_ =	strace $0x9000004D  }
0xeb: {  	s0 =	sadd.s32 @!p0 $0x100000, s0;
	[bflag:$0x2] =	sbarrier.arrive $0xFFFF  }
0xec: {  	[sflag:s0] =	ssyncadd.tile.s32 @!p0 $0x1;
	_ =	shalt  }
.Lfunc_end2:
_tile_overlayer_lowered:
.L_overlay_start_2:
0xed: {  	(tag) =	ssettag $0x2  }
0xee: {  	s0 =	rddreg [dreg:$0x0];
	s2 =	stileid.u32  }
0xef: {  	s1 =	rddreg [dreg:$0x1];
	p0 =	sne.s32 s2, $0x0  }
0xf0: {  	s3 =	rddreg [dreg:$0x2];
	[bflag:$0x3] =	sbarrier.arrive $0xFFFF;
	s2 =	simm.s32 @!p0 $0x1C02  }
0xf1: {  	[timem:s3], [sflag:s2] =	dma.local @!p0 [hbm:s0], s1  }
0xf2: {  	s0 =	simm.s32 @!p0 $0x2  }
0xf3: {  	_ =	swait.ge @!p0 [sflag:s0], s1  }
0xf4: {  	s1 =	ssub.s32 @!p0 $0x0, s1;
	[sflag:s0] =	ssyncset.done @!p0 $0x0  }
0xf5: {  	[sflag:s0] =	ssyncadd.s32 @!p0 s1  }
0xf6: {  	[bflag:$0x3] =	sbarrier.arrive $0xFFFF  }
0xf7: {  	_ =	shalt  }

// kernel: kernel.19.cloned.1.call-start
scs
__scs_entry_jumppad:
0x0: {  	(pc) =	sbr.rel $0x88, $3  }
0x1: {  	(tag) =	ssettag $0x0;
	lr =	simm.s32 $0x1  }
0x2: {  	[smem:$0x3F97] =	sst lr;
	_ =	strace $0xD0000000  }
0x3: {  	_ = 	snop  }
0x4: {  	_ = 	snop  }
0x5: {  	_ = 	snop  }
0x6: {  	_ = 	snop  }
0x7: {  	_ = 	snop  }
__scs_overlays_trampoline_lowered:
0x8: {  	[smem:$0x3FA6] =	sst s0  }
0x9: {  	[smem:$0x3FA7] =	sst s1  }
0xa: {  	[smem:$0x3FA8] =	sst s2  }
0xb: {  	[smem:$0x3FA9] =	sst s3  }
0xc: {  	[smem:$0x3FAA] =	sst s4  }
0xd: {  	[smem:$0x3FAB] =	sst s5  }
0xe: {  	[smem:$0x3FAC] =	sst s6  }
0xf: {  	[smem:$0x3FAD] =	sst s7  }
0x10: {  	[smem:$0x3FAE] =	sst s8  }
0x11: {  	[smem:$0x3FAF] =	sst s9;
	s0 =	simm.s32 @!p0 $0x0  }
0x12: {  	s1 =	sld [smem:$0x3F95];
	s0 =	simm.s32 @p0 $0x1  }
0x13: {  	[smem:$0x3FB0] =	sst s0;
	s0 =	simm.s32 @!p1 $0x0  }
0x14: {  	s2 =	sld [smem:$0x3F94];
	s0 =	simm.s32 @p1 $0x1  }
0x15: {  	[smem:$0x3FB1] =	sst s0;
	s0 =	simm.s32 @!p2 $0x0  }
0x16: {  	s3 =	sld [smem:$0x3FDB];
	s0 =	simm.s32 @p2 $0x1  }
0x17: {  	s4 =	simm.s32 $0x1BF5;
	[smem:$0x3FB3] =	sst s0  }
0x18: {  	s0 =	sld [smem:$0x3F96];
	_ =	swait.ge [sflag:s4], $0x0  }
0x19: {  	s7 =	sld [smem:$0x3F97]  }
0x1a: {  	s8 =	sadd.s32 $0xFFFFE003, lr  }
0x1b: {  	s9 =	sadd.s32 $0xFFFFFEF7, lr;
	s5 =	simm.s32 $0xFFFFFFFF;
	p2 =	slt.u32 s8, $0xFFFFF086  }
0x1c: {  	p1 =	slt.u32 s9, $0xF7A;
	s5 =	simm.s32 @!p2 $0x0  }
0x1d: {  	s5 =	simm.s32 @p1 $0x1;
	p0 =	seq.s32 s7, s2  }
0x1e: {  	s7 =	smul.u32 @!p0 $0xF7A, s2;
	p2 =	seq.s32 @!p0 s5, $0x0  }
0x1f: {  	s9 =	smul.u32 $0xF7A, s1;
	s8 =	simm.s32 @!p0 $0x1BF5;
	p2 =	por !p2, p0  }
0x20: {  	[sflag:s8] =	ssyncset.s32 @!p0 $0xFFFFF086;
	s6 =	sadd.s32 @!p0 s3, s7;
	s7 =	simm.s32 @!p0 $0x108  }
0x21: {  	s3 =	sadd.s32 s3, s9;
	s6 =	sadd.s32 @!p0 $0x88, s6;
	s7 =	simm.s32 @p2 $0x1082  }
0x22: {  	[simem:s7], [sflag:s8] =	dma.local @!p0 [hbm:s6], $0xF7A  }
0x23: {  	s9 =	sor.u32 $0xD0000000, s2;
	s6 =	simm.s32 $0x108;
	_ =	swait.ge @!p0 [sflag:s8], $0x0  }
0x24: {  	s3 =	sadd.s32 $0x88, s3;
	s6 =	simm.s32 @!p1 $0x1082;
	[sflag:s4] =	ssyncset.s32 $0xFFFFF086  }
0x25: {  	[simem:s6], [sflag:s4] =	dma.local [hbm:s3], $0xF7A  }
0x26: {  	[smem:$0x3F97] =	sst s1;
	(tag) =	ssettag s2;
	_ =	strace s9  }
0x27: {  	s1 =	sld [smem:$0x3FA7]  }
0x28: {  	s2 =	sld [smem:$0x3FA8]  }
0x29: {  	s4 =	sld [smem:$0x3FAA]  }
0x2a: {  	p0 =	seq.s32 s5, $0x0;
	s5 =	sld [smem:$0x3FAB]  }
0x2b: {  	s6 =	sld [smem:$0x3FAC]  }
0x2c: {  	s7 =	sld [smem:$0x3FAD]  }
0x2d: {  	s3 =	simm.s32 $0x108;
	s8 =	sld [smem:$0x3FAE]  }
0x2e: {  	s3 =	simm.s32 @!p0 $0x1082;
	s9 =	sld [smem:$0x3FAF]  }
0x2f: {  	lr =	sadd.s32 s0, s3;
	s0 =	sld [smem:$0x3FA6]  }
0x30: {  	s3 =	sld [smem:$0x3FA9]  }
0x31: {  	[smem:$0x3FB2] =	sst s10  }
0x32: {  	s10 =	sld [smem:$0x3FB0];
	_ =	sdelay $0x3  }
0x33: {  	p0 =	seq.s32 s10, $0x1;
	s10 =	sld [smem:$0x3FB2];
	_ =	sdelay $0x3  }
0x34: {  	[smem:$0x3FB2] =	sst s10  }
0x35: {  	s10 =	sld [smem:$0x3FB1];
	_ =	sdelay $0x3  }
0x36: {  	p1 =	seq.s32 s10, $0x1;
	s10 =	sld [smem:$0x3FB2];
	_ =	sdelay $0x3  }
0x37: {  	[smem:$0x3FB2] =	sst s10  }
0x38: {  	s10 =	sld [smem:$0x3FB3]  }
0x39: {  	_ = 	snop;
	(pc) =	sbr.ind lr, $3  }
0x3a: {  	_ = 	snop  }
0x3b: {  	_ = 	snop  }
0x3c: {  	p2 =	seq.s32 s10, $0x1;
	s10 =	sld [smem:$0x3FB2]  }
0x3d: {  	_ =	shalt  }
0x3e: {  	_ =	shalt  }
0x3f: {  	_ =	shalt  }
0x40: {  	_ =	shalt  }
0x41: {  	_ =	shalt  }
0x42: {  	_ =	shalt  }
0x43: {  	_ =	shalt  }
0x44: {  	_ =	shalt  }
0x45: {  	_ =	shalt  }
0x46: {  	_ =	shalt  }
0x47: {  	_ =	shalt  }
0x48: {  	_ =	shalt  }
0x49: {  	_ =	shalt  }
0x4a: {  	_ =	shalt  }
0x4b: {  	_ =	shalt  }
0x4c: {  	_ =	shalt  }
0x4d: {  	_ =	shalt  }
0x4e: {  	_ =	shalt  }
0x4f: {  	_ =	shalt  }
0x50: {  	_ =	shalt  }
0x51: {  	_ =	shalt  }
0x52: {  	_ =	shalt  }
0x53: {  	_ =	shalt  }
0x54: {  	_ =	shalt  }
0x55: {  	_ =	shalt  }
0x56: {  	_ =	shalt  }
0x57: {  	_ =	shalt  }
0x58: {  	_ =	shalt  }
0x59: {  	_ =	shalt  }
0x5a: {  	_ =	shalt  }
0x5b: {  	_ =	shalt  }
0x5c: {  	_ =	shalt  }
0x5d: {  	_ =	shalt  }
0x5e: {  	_ =	shalt  }
0x5f: {  	_ =	shalt  }
0x60: {  	_ =	shalt  }
0x61: {  	_ =	shalt  }
0x62: {  	_ =	shalt  }
0x63: {  	_ =	shalt  }
0x64: {  	_ =	shalt  }
0x65: {  	_ =	shalt  }
0x66: {  	_ =	shalt  }
0x67: {  	_ =	shalt  }
0x68: {  	_ =	shalt  }
0x69: {  	_ =	shalt  }
0x6a: {  	_ =	shalt  }
0x6b: {  	_ =	shalt  }
0x6c: {  	_ =	shalt  }
0x6d: {  	_ =	shalt  }
0x6e: {  	_ =	shalt  }
0x6f: {  	_ =	shalt  }
0x70: {  	_ =	shalt  }
0x71: {  	_ =	shalt  }
0x72: {  	_ =	shalt  }
0x73: {  	_ =	shalt  }
0x74: {  	_ =	shalt  }
0x75: {  	_ =	shalt  }
0x76: {  	_ =	shalt  }
0x77: {  	_ =	shalt  }
0x78: {  	_ =	shalt  }
0x79: {  	_ =	shalt  }
0x7a: {  	_ =	shalt  }
0x7b: {  	_ =	shalt  }
0x7c: {  	_ =	shalt  }
0x7d: {  	_ =	shalt  }
0x7e: {  	_ =	shalt  }
0x7f: {  	_ =	shalt  }
0x80: {  	_ =	shalt  }
0x81: {  	_ =	shalt  }
0x82: {  	_ =	shalt  }
0x83: {  	_ =	shalt  }
0x84: {  	_ =	shalt  }
0x85: {  	_ =	shalt  }
0x86: {  	_ =	shalt  }
0x87: {  	_ =	shalt  }
.Lfunc_end0:
.L_simem_size_0:
called_computation.3_lowered:
.L_overlay_start_0:
0x88: {  	s2 =	sld [smem:$0x3FD9]  }
0x89: {  	s3 =	sld [smem:$0x3FFE];
	_ =	sdelay $0x1  }
0x8a: {  	s1 =	srdreg.scid  }
0x8b: {  	s0 =	sand.u32 $0x1, s1  }
0x8c: {  	s17 =	sshll.u32 s0, $0xA;
	s2 =	sadd.s32 s3, s2  }
0x8d: {  	s2 =	sadd.s32 s2, s17  }
0x8e: {  	[smem:$0x3FBE] =	sst s2  }
0x8f: {  	_ = 	snop  }
0x90: {  	s2 =	sld [smem:$0x3FD0];
	(tm) =	ssettm $0x1  }
0x91: {  	s18 =	sld [smem:$0x3FFB];
	_ =	sdelay $0x3  }
0x92: {  	_ =	strace s18  }
0x93: {  	s3 =	sld [smem:$0x3FFC];
	_ =	sdelay $0x3  }
0x94: {  	_ =	strace s3  }
0x95: {  	s3 =	sld [smem:$0x3FFD];
	_ =	sdelay $0x3  }
0x96: {  	_ =	strace s3  }
0x97: {  	_ =	strace $0x8FFFFFFF  }
0x98: {  	s19 =	sld [smem:$0x3FDB];
	_ =	sdelay $0x1  }
0x99: {  	s4 =	simm.s32 $_scs_section_size  }
0x9a: {  	s5 =	simm.s32 $_size__tile_overlayer_lowered;
	s6 =	simm.s32 $_tile_overlayer_lowered  }
0x9b: {  	s22 =	simm.s32 $0x1BFF;
	s21 =	sshll.u32 s6, $0x1;
	s3 =	sadd.s32 s4, s19  }
0x9c: {  	s7 =	simm.s32 $0x0;
	s20 =	sshll.u32 s5, $0x1;
	s5 =	sadd.s32 s21, s3  }
0x9d: {  	[timem:s7], [sflag:s22] =	dma.local [hbm:s5], s20  }
0x9e: {  	_ =	swait.ge [sflag:s22], s20  }
0x9f: {  	s4 =	ssub.s32 $0x0, s20;
	[sflag:s22] =	ssyncset.done $0x0  }
0xa0: {  	[sflag:s22] =	ssyncadd.s32 s4;
	_ =	sdelay $0x1  }
0xa1: {  	s23 =	simm.s32 $0x1B8B  }
0xa2: {  	_ =	swait.ge [sflag:s23], $0x1  }
0xa3: {  	[sflag:s23] =	ssyncset.done $0x0  }
0xa4: {  	s25 =	simm.s32 $0x1B8E;
	s24 =	sld [smem:$0x3FFE];
	[sflag:s23] =	ssyncadd.s32 $0xFFFFFFFF  }
0xa5: {  	s26 =	simm.s32 $execute0_lowered;
	[smem:$0x3FD2] =	sst s25  }
0xa6: {  	s5 =	sshll.u32 s26, $0x1;
	_ =	strace $0x8000004F;
	[dreg:$0x1] =	wrdreg $0xFFFFFFFF  }
0xa7: {  	s28 =	simm.s32 $_size_execute0_lowered;
	s3 =	sadd.s32 s3, s5;
	[dreg:$0x0] =	wrdreg $0x0  }
0xa8: {  	s5 =	sshll.u32 s28, $0x1;
	[dreg:$0x2] =	wrdreg s3  }
0xa9: {  	[dreg:$0x3] =	wrdreg s5  }
0xaa: {  	[dreg:$0x4] =	wrdreg $0xC0  }
0xab: {  	_ =	task [dreg:s7], $0x5FFFF  }
0xac: {  	[dreg:$0x1] =	wrdreg $0xFFFFFFFF  }
0xad: {  	[dreg:$0x0] =	wrdreg $0x60  }
0xae: {  	[dreg:$0x2] =	wrdreg s24  }
0xaf: {  	[dreg:$0x3] =	wrdreg s2  }
0xb0: {  	[dreg:$0x4] =	wrdreg $0x91000  }
0xb1: {  	[dreg:$0x5] =	wrdreg $0x9  }
0xb2: {  	_ =	task.clear_ibuf [dreg:s7], $0x6FFFF;
	_ =	strace $0x9000004F  }
0xb3: {  	s29 =	simm.s32 $0x9;
	_ =	strace $0x80000051  }
0xb4: {  	_ =	swait.ge [sflag:s29], $0x1  }
0xb5: {  	[sflag:s29] =	ssyncadd.s32 $0xFFFFFFFF  }
0xb6: {  	_ =	strace $0x90000051  }
0xb7: {  	_ =	sfence  }
0xb8: {  	s30 =	sld [smem:$0x0];
	_ =	sdelay $0x2  }
0xb9: {  	s31 =	sshll.u32 s1, $0xD;
	s1 =	sshrl.u32 s1, $0x2  }
0xba: {  	s3 =	sand.u32 $0x4000, s31;
	s1 =	sadd.s32 s1, s30  }
0xbb: {  	s0 =	sor.u32 s3, s0;
	s1 =	sshll.u32 s1, $0x11  }
0xbc: {  	s0 =	sor.u32 s1, s0  }
0xbd: {  	s0 =	sadd.s32 $0x8F2B, s0  }
0xbe: {  	[sflag:s0] =	ssyncadd.remote.s32 $0x1  }
0xbf: {  	_ =	sfence.sel $0xFFFF  }
0xc0: {  	[dreg:$0x0] =	wrdreg $0xFFFFFFFF;
	(pc) =	sbr.abs _section_cstart, $3  }
0xc1: {  	[dreg:$0x1] =	wrdreg $0xFFFFFFFF  }
0xc2: {  	_ =	task.clear_ibuf [dreg:s7], $0x2FFFF;
	_ =	strace $0x9FFFFFFF  }
0xc3: {  	(tm) =	ssettm $0x7FFFFFFF  }
tec
execute0_lowered:
.L_overlay_start_1:
0x0: {  	(tag) =	ssettag $0x1  }
0x1: {  	s7 =	rddreg [dreg:$0x0]  }
0x2: {  	s1 =	rddreg [dreg:$0x1]  }
0x3: {  	s3 =	rddreg [dreg:$0x2]  }
0x4: {  	s0 =	rddreg [dreg:$0x3]  }
0x5: {  	s4 =	simm.s32 $0x0;
	s2 =	stileid.u32;
	s5 =	srdreg.scid  }
0x6: {  	s16 =	simm.s32 $0x2;
	s17 =	simm.s32 $0x5100;
	s18 =	simm.s32 $0x80  }
0x7: {  	s19 =	simm.s32 $0x5000;
	s20 =	simm.s32 $0x1;
	s21 =	simm.s32 $0x5080  }
0x8: {  	s24 =	simm.s32 $0x0;
	[smem:$0x7FF] =	sst s4;
	s8 =	smul.u32 $0xA00, s2  }
0x9: {  	s14 =	sand.u32 $0x1, s5;
	s9 =	smul.u32 $0x50000, s2;
	s5 =	sadd.s32 $0x61A00, s7  }
0xa: {  	s6 =	sadd.s32 $0x88C00, s7;
	s22 =	sshll.u32 s2, $0x6;
	_ =	strace $0x80000050  }
0xb: {  	s10 =	ssub.s32 $0x2, s14;
	p0 =	seq.s32 s14, $0x1;
	s14 =	smul.u32 $0x2800, s2  }
.Ltmp0:
0xc: {  	s22 =	sor.u32 $0x1C02, s22;
	s11 =	sadd.s32 s8, s7;
	(pc) =	sbr.rel .LBB2_1-.Ltmp0, $4  }
0xd: {  	s31 =	sshrl.u32 s10, $0x1;
	s9 =	sshrl.u32 s9, $0x2;
	s7 =	sadd.s32 $0xAFE00, s7  }
0xe: {  	s15 =	ssub.s32 s10, s31;
	s8 =	sadd.s32 s9, s3;
	s9 =	sadd.s32 $0x57A00, s11  }
0xf: {  	s10 =	sadd.s32 $0x4000, s8;
	s11 =	sadd.s32 $0x8000, s8;
	s12 =	sadd.s32 $0xC000, s8  }
0x10: {  	v0 =	vimm.f32 $0.0e+00;
	s13 =	sadd.s32 $0x10000, s8;
	s15 =	smax.u32 s15, $0x1;
	s23 =	sshrl.u32 s8, $0x3  }
.LBB2_6:
0x11: {  	[tilespmem:$0x50F0] =	vst v1  }
0x12: {  	[tilespmem:s17], [sflag:$0x1] =	stream.indirect.gather [hbm4b:s5+s18], $0x80, s19, s18, $0xb8;
	[tilespmem:$0x1D100] =	vst v63  }
0x13: {  	_ =	swait.ge [sflag:s20], $0x4000  }
0x14: {  	[sflag:s20] =	ssyncset.done $0x0  }
0x15: {  	[sflag:s20] =	ssyncadd.s32 $0xFFFFC000  }
0x16: {  	[spmem:s3] =	stream.indirect.scatter.add.f32 [tilespmem:s17], [sflag:$0x2], $0x80, s21, s18, $0xb8;
	[tilespmem:$0x1D100] =	vst v63  }
0x17: {  	_ =	swait.ge [sflag:s16], $0x4000  }
0x18: {  	[sflag:s16] =	ssyncset.done $0x0  }
0x19: {  	s25 =	smov.u32 s1;
	[sflag:s16] =	ssyncadd.s32 $0xFFFFC000  }
.LBB2_10:
0x1a: {  	s24 =	sadd.s32 $0x1, s24  }
0x1b: {  	p1 =	sne.s32 s24, s15  }
.Ltmp1:
0x1c: {  	s25 =	sadd.s32 s25, s14;
	[bflag:$0x0] =	sbarrier.arrive $0xFFFF;
	(pc) =	sbr.rel @!p1 .LBB2_11-.Ltmp1, $4  }
0x1d: {  	[hbm:s25], [sflag:s22] =	dma.local [spmem:s23], $0x2800  }
0x1e: {  	_ =	swait.ge [sflag:s16], $0x2800  }
0x1f: {  	[sflag:s16] =	ssyncset.done $0x0  }
0x20: {  	[sflag:s16] =	ssyncadd.s32 $0xFFFFD800  }
.LBB2_1:
0x21: {  	[tilespmem:s4], [sflag:$0x2] =	stream.linear.gather [hbm4b:s9+s4], $0x4E80, $0x38;
	[tilespmem:$0x1D100] =	vst v63  }
0x22: {  	_ =	swait.ge [sflag:s16], $0x4E80  }
0x23: {  	[sflag:s16] =	ssyncset.done $0x0  }
0x24: {  	s25 =	simm.s32 $0x0;
	s26 =	simm.s32 $0x200;
	[sflag:s16] =	ssyncadd.s32 $0xFFFFB180  }
.LBB2_2:
0x25: {  	p1 =	sne.s32 s26, $0xFE00;
	[tilespmem:s25+$0x5170] =	vst v0  }
0x26: {  	[tilespmem:s25+$0x5100] =	vst v0  }
0x27: {  	[tilespmem:s25+$0x5110] =	vst v0  }
.Ltmp2:
0x28: {  	[tilespmem:s25+$0x5120] =	vst v0;
	(pc) =	sbr.rel @p1 .LBB2_2-.Ltmp2, $4  }
0x29: {  	[tilespmem:s25+$0x5130] =	vst v0  }
0x2a: {  	[tilespmem:s25+$0x5140] =	vst v0  }
0x2b: {  	[tilespmem:s25+$0x5150] =	vst v0  }
0x2c: {  	[tilespmem:s25+$0x5160] =	vst v0;
	s25 =	sshra.s32 s26, $0x2;
	s26 =	sadd.s32 $0x200, s26  }
0x2d: {  	[tilespmem:s25+$0x5170] =	vst v0  }
0x2e: {  	[tilespmem:s25+$0x5100] =	vst v0  }
0x2f: {  	[tilespmem:s25+$0x5110] =	vst v0  }
0x30: {  	[tilespmem:s25+$0x5120] =	vst v0  }
0x31: {  	[tilespmem:s25+$0x5130] =	vst v0  }
0x32: {  	[tilespmem:s25+$0x5140] =	vst v0  }
0x33: {  	[tilespmem:s25+$0x5150] =	vst v0  }
0x34: {  	[tilespmem:s25+$0x5160] =	vst v0  }
0x35: {  	[spmem:s8] =	stream.linear.scatter [tilespmem:s17], [sflag:$0x2], $0x4000, $0x38;
	[tilespmem:$0x1D100] =	vst v63  }
0x36: {  	_ =	swait.ge [sflag:s16], $0x4000  }
0x37: {  	[sflag:s16] =	ssyncset.done $0x0  }
0x38: {  	[sflag:s16] =	ssyncadd.s32 $0xFFFFC000  }
0x39: {  	[spmem:s10] =	stream.linear.scatter [tilespmem:s17], [sflag:$0x2], $0x4000, $0x38;
	[tilespmem:$0x1D100] =	vst v63  }
0x3a: {  	_ =	swait.ge [sflag:s16], $0x4000  }
0x3b: {  	[sflag:s16] =	ssyncset.done $0x0  }
0x3c: {  	[sflag:s16] =	ssyncadd.s32 $0xFFFFC000  }
0x3d: {  	[spmem:s11] =	stream.linear.scatter [tilespmem:s17], [sflag:$0x2], $0x4000, $0x38;
	[tilespmem:$0x1D100] =	vst v63  }
0x3e: {  	_ =	swait.ge [sflag:s16], $0x4000  }
0x3f: {  	[sflag:s16] =	ssyncset.done $0x0  }
0x40: {  	[sflag:s16] =	ssyncadd.s32 $0xFFFFC000  }
0x41: {  	[spmem:s12] =	stream.linear.scatter [tilespmem:s17], [sflag:$0x2], $0x4000, $0x38;
	[tilespmem:$0x1D100] =	vst v63  }
0x42: {  	_ =	swait.ge [sflag:s16], $0x4000  }
0x43: {  	[sflag:s16] =	ssyncset.done $0x0  }
0x44: {  	[sflag:s16] =	ssyncadd.s32 $0xFFFFC000  }
0x45: {  	[spmem:s13] =	stream.linear.scatter [tilespmem:s17], [sflag:$0x2], $0x4000, $0x38;
	[tilespmem:$0x1D100] =	vst v63  }
.Ltmp3:
0x46: {  	_ =	swait.ge [sflag:s16], $0x4000;
	(pc) =	sbr.rel @!p0 .LBB2_4-.Ltmp3, $4  }
0x47: {  	[sflag:s16] =	ssyncset.done $0x0  }
0x48: {  	[sflag:s16] =	ssyncadd.s32 $0xFFFFC000  }
0x49: {  	[bflag:$0x0] =	sbarrier.arrive $0xFFFF  }
0x4a: {  	s25 =	simm.s32 $0x0  }
0x4b: {  	v1 =	vld [tilespmem:s25+$0x0];
	_ =	sdelay $0x4  }
0x4c: {  	v2 =	vand.u32 $0x3FFF, v1  }
0x4d: {  	v1 =	vshrl.u32 v1, $0xE;
	[tilespmem:$0x5000] =	vst v2  }
0x4e: {  	[tilespmem:$0x5080] =	vst v1  }
0x4f: {  	v1 =	vld [tilespmem:s25+$0x10];
	_ =	sdelay $0x4  }
0x50: {  	v2 =	vand.u32 $0x3FFF, v1  }
0x51: {  	v1 =	vshrl.u32 v1, $0xE;
	[tilespmem:$0x5010] =	vst v2  }
0x52: {  	[tilespmem:$0x5090] =	vst v1  }
0x53: {  	v1 =	vld [tilespmem:s25+$0x20];
	_ =	sdelay $0x4  }
0x54: {  	v2 =	vand.u32 $0x3FFF, v1  }
0x55: {  	v1 =	vshrl.u32 v1, $0xE;
	[tilespmem:$0x5020] =	vst v2  }
0x56: {  	[tilespmem:$0x50A0] =	vst v1  }
0x57: {  	v1 =	vld [tilespmem:s25+$0x30];
	_ =	sdelay $0x4  }
0x58: {  	v2 =	vand.u32 $0x3FFF, v1  }
0x59: {  	v1 =	vshrl.u32 v1, $0xE;
	[tilespmem:$0x5030] =	vst v2  }
0x5a: {  	[tilespmem:$0x50B0] =	vst v1  }
0x5b: {  	v1 =	vld [tilespmem:s25+$0x40];
	_ =	sdelay $0x4  }
0x5c: {  	v2 =	vand.u32 $0x3FFF, v1  }
0x5d: {  	v1 =	vshrl.u32 v1, $0xE;
	[tilespmem:$0x5040] =	vst v2  }
0x5e: {  	[tilespmem:$0x50C0] =	vst v1  }
0x5f: {  	v1 =	vld [tilespmem:s25+$0x50];
	_ =	sdelay $0x4  }
0x60: {  	v2 =	vand.u32 $0x3FFF, v1  }
0x61: {  	v1 =	vshrl.u32 v1, $0xE;
	[tilespmem:$0x5050] =	vst v2  }
0x62: {  	[tilespmem:$0x50D0] =	vst v1  }
0x63: {  	v1 =	vld [tilespmem:s25+$0x60];
	_ =	sdelay $0x4  }
0x64: {  	v2 =	vand.u32 $0x3FFF, v1  }
0x65: {  	v1 =	vshrl.u32 v1, $0xE;
	[tilespmem:$0x5060] =	vst v2  }
0x66: {  	[tilespmem:$0x50E0] =	vst v1  }
0x67: {  	v1 =	vld [tilespmem:s25+$0x70];
	_ =	sdelay $0x4  }
0x68: {  	v2 =	vand.u32 $0x3FFF, v1  }
0x69: {  	s25 =	simm.s32 $0x200;
	v1 =	vshrl.u32 v1, $0xE;
	[tilespmem:$0x5070] =	vst v2  }
.LBB2_8:
0x6a: {  	p1 =	sne.s32 s25, $0x13800;
	[tilespmem:$0x50F0] =	vst v1;
	s26 =	smov.u32 s25;
	s25 =	sadd.s32 $0x200, s25  }
0x6b: {  	[tilespmem:s17], [sflag:$0x1] =	stream.indirect.gather [hbm4b:s6+s18], $0x80, s19, s18, $0xb8;
	[tilespmem:$0x1D100] =	vst v63  }
0x6c: {  	_ =	swait.ge [sflag:s20], $0x4000  }
0x6d: {  	[sflag:s20] =	ssyncset.done $0x0  }
0x6e: {  	[sflag:s20] =	ssyncadd.s32 $0xFFFFC000  }
0x6f: {  	[spmem:s3] =	stream.indirect.scatter.add.f32 [tilespmem:s17], [sflag:$0x2], $0x80, s21, s18, $0xb8;
	[tilespmem:$0x1D100] =	vst v63  }
0x70: {  	_ =	swait.ge [sflag:s16], $0x4000  }
0x71: {  	[sflag:s16] =	ssyncset.done $0x0  }
0x72: {  	s26 =	sshra.s32 s26, $0x2;
	[sflag:s16] =	ssyncadd.s32 $0xFFFFC000  }
0x73: {  	v1 =	vld [tilespmem:s26+$0x0];
	_ =	sdelay $0x4  }
0x74: {  	v2 =	vand.u32 $0x3FFF, v1;
	v1 =	vshrl.u32 v1, $0xE  }
0x75: {  	[tilespmem:$0x5000] =	vst v2  }
0x76: {  	[tilespmem:$0x5080] =	vst v1  }
0x77: {  	v1 =	vld [tilespmem:s26+$0x10];
	_ =	sdelay $0x4  }
0x78: {  	v2 =	vand.u32 $0x3FFF, v1;
	v1 =	vshrl.u32 v1, $0xE  }
0x79: {  	[tilespmem:$0x5010] =	vst v2  }
0x7a: {  	[tilespmem:$0x5090] =	vst v1  }
0x7b: {  	v1 =	vld [tilespmem:s26+$0x20];
	_ =	sdelay $0x4  }
0x7c: {  	v2 =	vand.u32 $0x3FFF, v1;
	v1 =	vshrl.u32 v1, $0xE  }
0x7d: {  	[tilespmem:$0x5020] =	vst v2  }
0x7e: {  	[tilespmem:$0x50A0] =	vst v1  }
0x7f: {  	v1 =	vld [tilespmem:s26+$0x30];
	_ =	sdelay $0x4  }
0x80: {  	v2 =	vand.u32 $0x3FFF, v1;
	v1 =	vshrl.u32 v1, $0xE  }
0x81: {  	[tilespmem:$0x5030] =	vst v2  }
0x82: {  	[tilespmem:$0x50B0] =	vst v1  }
0x83: {  	v1 =	vld [tilespmem:s26+$0x40];
	_ =	sdelay $0x4  }
0x84: {  	v2 =	vand.u32 $0x3FFF, v1;
	v1 =	vshrl.u32 v1, $0xE  }
0x85: {  	[tilespmem:$0x5040] =	vst v2  }
0x86: {  	[tilespmem:$0x50C0] =	vst v1  }
0x87: {  	v1 =	vld [tilespmem:s26+$0x50];
	_ =	sdelay $0x4  }
0x88: {  	v2 =	vand.u32 $0x3FFF, v1;
	v1 =	vshrl.u32 v1, $0xE  }
0x89: {  	[tilespmem:$0x5050] =	vst v2  }
0x8a: {  	[tilespmem:$0x50D0] =	vst v1  }
0x8b: {  	v1 =	vld [tilespmem:s26+$0x60];
	_ =	sdelay $0x4  }
0x8c: {  	v2 =	vand.u32 $0x3FFF, v1;
	v1 =	vshrl.u32 v1, $0xE  }
0x8d: {  	[tilespmem:$0x5060] =	vst v2  }
0x8e: {  	[tilespmem:$0x50E0] =	vst v1  }
0x8f: {  	v1 =	vld [tilespmem:s26+$0x70];
	_ =	sdelay $0x1  }
.Ltmp4:
0x90: {  	(pc) =	sbr.rel @p1 .LBB2_8-.Ltmp4, $3  }
0x91: {  	_ =	sdelay $0x1  }
0x92: {  	v2 =	vand.u32 $0x3FFF, v1;
	v1 =	vshrl.u32 v1, $0xE  }
0x93: {  	[tilespmem:$0x5070] =	vst v2  }
0x94: {  	[tilespmem:$0x50F0] =	vst v1  }
0x95: {  	[tilespmem:s17], [sflag:$0x1] =	stream.indirect.gather [hbm4b:s6+s18], $0x80, s19, s18, $0xb8;
	[tilespmem:$0x1D100] =	vst v63  }
0x96: {  	_ =	swait.ge [sflag:s20], $0x4000  }
0x97: {  	[sflag:s20] =	ssyncset.done $0x0  }
.Ltmp5:
0x98: {  	[sflag:s20] =	ssyncadd.s32 $0xFFFFC000;
	(pc) =	sbr.rel .LBB2_10-.Ltmp5, $4  }
0x99: {  	[spmem:s3] =	stream.indirect.scatter.add.f32 [tilespmem:s17], [sflag:$0x2], $0x80, s21, s18, $0xb8;
	[tilespmem:$0x1D100] =	vst v63  }
0x9a: {  	_ =	swait.ge [sflag:s16], $0x4000  }
0x9b: {  	[sflag:s16] =	ssyncset.done $0x0  }
0x9c: {  	s25 =	smov.u32 s7;
	[sflag:s16] =	ssyncadd.s32 $0xFFFFC000  }
.LBB2_4:
0x9d: {  	v1 =	vld [tilespmem:s25+$0x0];
	_ =	sdelay $0x4  }
0x9e: {  	v2 =	vand.u32 $0x3FFF, v1  }
0x9f: {  	v1 =	vshrl.u32 v1, $0xE;
	[tilespmem:$0x5000] =	vst v2  }
0xa0: {  	[tilespmem:$0x5080] =	vst v1  }
0xa1: {  	v1 =	vld [tilespmem:s25+$0x10];
	_ =	sdelay $0x4  }
0xa2: {  	v2 =	vand.u32 $0x3FFF, v1  }
0xa3: {  	v1 =	vshrl.u32 v1, $0xE;
	[tilespmem:$0x5010] =	vst v2  }
0xa4: {  	[tilespmem:$0x5090] =	vst v1  }
0xa5: {  	v1 =	vld [tilespmem:s25+$0x20];
	_ =	sdelay $0x4  }
0xa6: {  	v2 =	vand.u32 $0x3FFF, v1  }
0xa7: {  	v1 =	vshrl.u32 v1, $0xE;
	[tilespmem:$0x5020] =	vst v2  }
0xa8: {  	[tilespmem:$0x50A0] =	vst v1  }
0xa9: {  	v1 =	vld [tilespmem:s25+$0x30];
	_ =	sdelay $0x4  }
0xaa: {  	v2 =	vand.u32 $0x3FFF, v1  }
0xab: {  	v1 =	vshrl.u32 v1, $0xE;
	[tilespmem:$0x5030] =	vst v2  }
0xac: {  	[tilespmem:$0x50B0] =	vst v1  }
0xad: {  	v1 =	vld [tilespmem:s25+$0x40];
	_ =	sdelay $0x4  }
0xae: {  	v2 =	vand.u32 $0x3FFF, v1  }
0xaf: {  	v1 =	vshrl.u32 v1, $0xE;
	[tilespmem:$0x5040] =	vst v2  }
0xb0: {  	[tilespmem:$0x50C0] =	vst v1  }
0xb1: {  	v1 =	vld [tilespmem:s25+$0x50];
	_ =	sdelay $0x4  }
0xb2: {  	v2 =	vand.u32 $0x3FFF, v1  }
0xb3: {  	v1 =	vshrl.u32 v1, $0xE;
	[tilespmem:$0x5050] =	vst v2  }
0xb4: {  	[tilespmem:$0x50D0] =	vst v1  }
0xb5: {  	v1 =	vld [tilespmem:s25+$0x60];
	_ =	sdelay $0x4  }
0xb6: {  	v2 =	vand.u32 $0x3FFF, v1  }
0xb7: {  	v1 =	vshrl.u32 v1, $0xE;
	[tilespmem:$0x5060] =	vst v2  }
0xb8: {  	[tilespmem:$0x50E0] =	vst v1  }
0xb9: {  	v1 =	vld [tilespmem:s25+$0x70];
	_ =	sdelay $0x4  }
0xba: {  	v2 =	vand.u32 $0x3FFF, v1  }
0xbb: {  	s25 =	simm.s32 $0x200;
	v1 =	vshrl.u32 v1, $0xE;
	[tilespmem:$0x5070] =	vst v2  }
.LBB2_5:
0xbc: {  	p1 =	seq.s32 s25, $0x13800;
	[tilespmem:$0x50F0] =	vst v1;
	s26 =	smov.u32 s25;
	s25 =	sadd.s32 $0x200, s25  }
0xbd: {  	[tilespmem:s17], [sflag:$0x1] =	stream.indirect.gather [hbm4b:s5+s18], $0x80, s19, s18, $0xb8;
	[tilespmem:$0x1D100] =	vst v63  }
0xbe: {  	_ =	swait.ge [sflag:s20], $0x4000  }
0xbf: {  	[sflag:s20] =	ssyncset.done $0x0  }
0xc0: {  	[sflag:s20] =	ssyncadd.s32 $0xFFFFC000  }
0xc1: {  	[spmem:s3] =	stream.indirect.scatter.add.f32 [tilespmem:s17], [sflag:$0x2], $0x80, s21, s18, $0xb8;
	[tilespmem:$0x1D100] =	vst v63  }
0xc2: {  	_ =	swait.ge [sflag:s16], $0x4000  }
0xc3: {  	[sflag:s16] =	ssyncset.done $0x0  }
0xc4: {  	s26 =	sshra.s32 s26, $0x2;
	[sflag:s16] =	ssyncadd.s32 $0xFFFFC000  }
0xc5: {  	v1 =	vld [tilespmem:s26+$0x0];
	_ =	sdelay $0x4  }
0xc6: {  	v2 =	vand.u32 $0x3FFF, v1;
	v1 =	vshrl.u32 v1, $0xE  }
0xc7: {  	[tilespmem:$0x5000] =	vst v2  }
0xc8: {  	[tilespmem:$0x5080] =	vst v1  }
0xc9: {  	v1 =	vld [tilespmem:s26+$0x10];
	_ =	sdelay $0x4  }
0xca: {  	v2 =	vand.u32 $0x3FFF, v1;
	v1 =	vshrl.u32 v1, $0xE  }
0xcb: {  	[tilespmem:$0x5010] =	vst v2  }
0xcc: {  	[tilespmem:$0x5090] =	vst v1  }
0xcd: {  	v1 =	vld [tilespmem:s26+$0x20];
	_ =	sdelay $0x4  }
0xce: {  	v2 =	vand.u32 $0x3FFF, v1;
	v1 =	vshrl.u32 v1, $0xE  }
0xcf: {  	[tilespmem:$0x5020] =	vst v2  }
0xd0: {  	[tilespmem:$0x50A0] =	vst v1  }
0xd1: {  	v1 =	vld [tilespmem:s26+$0x30];
	_ =	sdelay $0x4  }
0xd2: {  	v2 =	vand.u32 $0x3FFF, v1;
	v1 =	vshrl.u32 v1, $0xE  }
0xd3: {  	[tilespmem:$0x5030] =	vst v2  }
0xd4: {  	[tilespmem:$0x50B0] =	vst v1  }
0xd5: {  	v1 =	vld [tilespmem:s26+$0x40];
	_ =	sdelay $0x4  }
0xd6: {  	v2 =	vand.u32 $0x3FFF, v1;
	v1 =	vshrl.u32 v1, $0xE  }
0xd7: {  	[tilespmem:$0x5040] =	vst v2  }
0xd8: {  	[tilespmem:$0x50C0] =	vst v1  }
0xd9: {  	v1 =	vld [tilespmem:s26+$0x50];
	_ =	sdelay $0x4  }
0xda: {  	v2 =	vand.u32 $0x3FFF, v1;
	v1 =	vshrl.u32 v1, $0xE  }
0xdb: {  	[tilespmem:$0x5050] =	vst v2  }
0xdc: {  	[tilespmem:$0x50D0] =	vst v1  }
0xdd: {  	v1 =	vld [tilespmem:s26+$0x60];
	_ =	sdelay $0x4  }
0xde: {  	v2 =	vand.u32 $0x3FFF, v1;
	v1 =	vshrl.u32 v1, $0xE  }
0xdf: {  	[tilespmem:$0x5060] =	vst v2  }
0xe0: {  	[tilespmem:$0x50E0] =	vst v1  }
0xe1: {  	v1 =	vld [tilespmem:s26+$0x70];
	_ =	sdelay $0x1  }
.Ltmp6:
0xe2: {  	(pc) =	sbr.rel @!p1 .LBB2_5-.Ltmp6, $3  }
0xe3: {  	_ =	sdelay $0x1  }
0xe4: {  	v2 =	vand.u32 $0x3FFF, v1;
	v1 =	vshrl.u32 v1, $0xE  }
0xe5: {  	[tilespmem:$0x5070] =	vst v2  }
.Ltmp7:
0xe6: {  	_ = 	snop;
	(pc) =	sbr.rel .LBB2_6-.Ltmp7, $1  }
0xe7: {  	_ =	sdelay $0x3  }
.LBB2_11:
0xe8: {  	_ =	sfence.sel $0x180000  }
0xe9: {  	[bflag:$0x0] =	sbarrier.arrive $0xFFFF  }
0xea: {  	p0 =	sne.s32 s2, $0x0;
	_ =	strace $0x90000050  }
0xeb: {  	s0 =	sadd.s32 @!p0 $0x100000, s0;
	[bflag:$0x2] =	sbarrier.arrive $0xFFFF  }
0xec: {  	[sflag:s0] =	ssyncadd.tile.s32 @!p0 $0x1;
	_ =	shalt  }
.Lfunc_end2:
_tile_overlayer_lowered:
.L_overlay_start_2:
0xed: {  	(tag) =	ssettag $0x2  }
0xee: {  	s0 =	rddreg [dreg:$0x0];
	s2 =	stileid.u32  }
0xef: {  	s1 =	rddreg [dreg:$0x1];
	p0 =	sne.s32 s2, $0x0  }
0xf0: {  	s3 =	rddreg [dreg:$0x2];
	[bflag:$0x3] =	sbarrier.arrive $0xFFFF;
	s2 =	simm.s32 @!p0 $0x1C02  }
0xf1: {  	[timem:s3], [sflag:s2] =	dma.local @!p0 [hbm:s0], s1  }
0xf2: {  	s0 =	simm.s32 @!p0 $0x2  }
0xf3: {  	_ =	swait.ge @!p0 [sflag:s0], s1  }
0xf4: {  	s1 =	ssub.s32 @!p0 $0x0, s1;
	[sflag:s0] =	ssyncset.done @!p0 $0x0  }
0xf5: {  	[sflag:s0] =	ssyncadd.s32 @!p0 s1  }
0xf6: {  	[bflag:$0x3] =	sbarrier.arrive $0xFFFF  }
0xf7: {  	_ =	shalt  }

</sc_bundles>
